<compile_context>
chip_gen: v7x
topology: tpu7x:2x2x1
jax: 0.10.2.dev20260603
libtpu: 0.0.44.dev20260713+nightly
codegen_flags: <defaults>
</compile_context>

<pallas_src>
import functools

import jax
import jax.numpy as jnp
from jax import lax
from jax.experimental import pallas as pl
from jax.experimental.pallas import tpu as pltpu
from jax.experimental.pallas import tpu_sc as plsc


def _fused_table_body(e_ref, w_ref, b_ref, m_ref):
    m_ref[...] = (
        jnp.dot(e_ref[...], w_ref[...].T, preferred_element_type=jnp.float32)
        + b_ref[...]
    )


def _make_fused_table(V, H):
    return pl.pallas_call(
        _fused_table_body,
        out_shape=jax.ShapeDtypeStruct((V, V), jnp.float32),
    )


def _make_gather(V, D, Bb, S, ntok=None, CHUNK=64):
    info = plsc.get_sparse_core_info()
    L = info.num_lanes
    NW = info.num_cores * info.num_subcores
    B = Bb * S
    if ntok is None:
        ntok = B
    b_per_w = ntok // NW
    w_per_row = S // b_per_w
    n_chunks = b_per_w // CHUNK
    N_COMPUTE = (n_chunks - 1) // 3 if ntok == B else 0
    n_stream = n_chunks - N_COMPUTE
    n_pre = n_stream - 2 * N_COMPUTE
    n_groups = CHUNK // L
    KV = D // L
    assert n_pre >= 1
    mesh = plsc.VectorSubcoreMesh(core_axis_name="c", subcore_axis_name="s")

    @functools.partial(
        pl.kernel,
        mesh=mesh,
        compiler_params=pltpu.CompilerParams(
            needs_layout_passes=False, use_tc_tiling_on_sc=True
        ),
        out_type=jax.ShapeDtypeStruct((B, D), jnp.float32),
        scratch_types=[
            pltpu.VMEM((1, b_per_w), jnp.int32),
            pltpu.VMEM((V, D), jnp.float32),
            pltpu.VMEM((CHUNK, D), jnp.float32),
            pltpu.VMEM((CHUNK, D), jnp.float32),
            pltpu.VMEM((CHUNK, D), jnp.float32),
            pltpu.SemaphoreType.DMA,
            pltpu.SemaphoreType.DMA,
            pltpu.SemaphoreType.DMA,
        ],
    )
    def gather_kernel(
        table_hbm, idx_hbm, out_hbm,
        idx_v, table_v, sbuf0, sbuf1, cbuf,
        ssem0, ssem1, csem,
    ):
        wid = lax.axis_index("s") * info.num_cores + lax.axis_index("c")
        base = wid * b_per_w
        row = wid // w_per_row
        col0 = (wid % w_per_row) * b_per_w

        pltpu.sync_copy(idx_hbm.at[pl.ds(row, 1), pl.ds(col0, b_per_w)], idx_v)
        if N_COMPUTE:
            pltpu.sync_copy(table_hbm, table_v)

        sbuf = [sbuf0, sbuf1]
        ssem = [ssem0, ssem1]

        def gather(j, b):
            pltpu.async_copy(
                table_hbm.at[idx_v.at[0, pl.ds(j * CHUNK, CHUNK)]],
                sbuf[b], ssem[b],
            )

        def writeout(buf, j, sem):
            pltpu.async_copy(
                buf, out_hbm.at[pl.ds(base + j * CHUNK, CHUNK)], sem
            )

        def wait(buf, sem):
            pltpu.make_async_copy(
                buf, out_hbm.at[pl.ds(0, CHUNK)], sem
            ).wait()

        splats = [jnp.full((L,), i, jnp.int32) for i in range(L)]
        cols = [lax.iota(jnp.int32, L) + k * L for k in range(KV)]

        def fill(c):
            @plsc.parallel_loop(0, n_groups, step=1, unroll=2)
            def group(t):
                v_ids = idx_v[0, pl.ds(c * CHUNK + t * L, L)]
                for i in range(L):
                    id_b = v_ids.at[splats[i]].get(mode="promise_in_bounds")
                    vals = [
                        plsc.load_gather(table_v, [id_b, cols[k]])
                        for k in range(KV)
                    ]
                    for k in range(KV):
                        cbuf[t * L + i, pl.ds(k * L, L)] = vals[k]

        def step(j, b, issue_next):
            wait(sbuf[b], ssem[b])
            writeout(sbuf[b], j, ssem[b])
            wait(sbuf[b], ssem[b])
            if issue_next is not None:
                @pl.when(issue_next)
                def _():
                    gather(j + 2, b)

        gather(0, 0)
        if n_stream > 1:
            gather(1, 1)
        for j in range(n_pre):
            step(jnp.int32(j), j % 2, jnp.bool_(j + 2 < n_stream))

        def round_(r, _):
            jA = n_pre + 2 * r
            step(jA, n_pre % 2, jA + 2 < n_stream)
            step(jA + 1, (n_pre + 1) % 2, jA + 3 < n_stream)

            @pl.when(r > 0)
            def _():
                wait(cbuf, csem)
            c = n_stream + r
            fill(c)
            pltpu.async_copy(
                cbuf, out_hbm.at[pl.ds(base + c * CHUNK, CHUNK)], csem
            )
            return 0

        if N_COMPUTE:
            lax.fori_loop(0, N_COMPUTE, round_, 0)
            wait(cbuf, csem)

    return gather_kernel


def kernel(input_ids, attention_mask, embed_weight, lm_head_weight, lm_head_bias):
    V, H = embed_weight.shape
    Bb, S = input_ids.shape
    table = _make_fused_table(V, H)(
        embed_weight, lm_head_weight, lm_head_bias.reshape(1, V)
    )
    out = _make_gather(V, V, Bb, S)(table, input_ids)
    return out.reshape(Bb, S, V)

# --- scband reference (transcript-rebuilt; emitter-appended) ---
"""Pipeline reference for scband-dummy-lm-18159121727866 (READ-ONLY COPY).

The authoritative reference and input builder live on the scoring server;
editing this copy changes nothing except your own understanding.
"""

import jax, jax.numpy as jnp
import numpy as np

VOCAB_SIZE = 256
HIDDEN = 64
BATCH = 4
SEQ = 8192


def setup_inputs(seed: int = 0) -> dict:
    key = jax.random.key(seed)
    k1, k2, k3 = jax.random.split(key, 3)
    input_ids = jax.random.randint(k1, (BATCH, SEQ), 0, VOCAB_SIZE, dtype=jnp.int32)
    attention_mask = jnp.ones((BATCH, SEQ), dtype=jnp.int32)
    embed_weight = jax.random.normal(k2, (VOCAB_SIZE, HIDDEN), dtype=jnp.float32) * 0.02
    lm_head_weight = jax.random.normal(k3, (VOCAB_SIZE, HIDDEN), dtype=jnp.float32) * 0.02
    lm_head_bias = jnp.zeros((VOCAB_SIZE,), dtype=jnp.float32)
    return {
        "input_ids": input_ids,
        "attention_mask": attention_mask,
        "embed_weight": embed_weight,
        "lm_head_weight": lm_head_weight,
        "lm_head_bias": lm_head_bias,
    }


def reference(input_ids, attention_mask, embed_weight, lm_head_weight, lm_head_bias):
    # nn.Embedding: gather rows of the table
    h = jnp.take(embed_weight, input_ids, axis=0)  # [B, S, H]
    # nn.Linear: y = x @ W.T + b  (torch Linear weight is [out, in])
    logits = jnp.einsum("bsh,vh->bsv", h, lm_head_weight) + lm_head_bias
    # original returns SimpleNamespace(logits=...); we return the logits array
    return logits

if __name__ == "__main__":
    import jax
    _d = setup_inputs()
    print(jax.jit(kernel)(*tuple(_d.values())))

</pallas_src>

<mosaic_0001>
#map = affine_map<(d0, d1) -> (0, 0)>
module attributes {stable_mosaic.version = 14 : i64} {
  func.func @gather_kernel(%arg0: i32, %arg1: i32, %arg2: memref<256x256xf32, #tpu.memory_space<hbm>>, %arg3: memref<4x8192xi32, #tpu.memory_space<hbm>>, %arg4: memref<32768x256xf32, #tpu.memory_space<hbm>>, %arg5: memref<1x1024xi32, #tpu.memory_space<vmem>>, %arg6: memref<256x256xf32, #tpu.memory_space<vmem>>, %arg7: memref<64x256xf32, #tpu.memory_space<vmem>>, %arg8: memref<64x256xf32, #tpu.memory_space<vmem>>, %arg9: memref<64x256xf32, #tpu.memory_space<vmem>>, %arg10: memref<!tpu.dma_semaphore, #tpu.memory_space<semaphore_mem>>, %arg11: memref<!tpu.dma_semaphore, #tpu.memory_space<semaphore_mem>>, %arg12: memref<!tpu.dma_semaphore, #tpu.memory_space<semaphore_mem>>) attributes {dimension_semantics = [#tpu.dimension_semantics<core_parallel>, #tpu.dimension_semantics<subcore_parallel>], iteration_bounds = array<i64: 2, 16>, scalar_prefetch = 0 : i64, scratch_operands = 8 : i64, tpu.core_type = #tpu.core_type<sc_vector_subcore>, window_params = [{transform_indices = #map}, {transform_indices = #map}, {transform_indices = #map}]} {
    %mul3A = arith.constant 2 : i32
    %mul3A_0 = arith.muli %arg1, %mul3A : i32
    %add3A = arith.addi %mul3A_0, %arg0 : i32
    %mul3A_1 = arith.constant 1024 : i32
    %mul3A_2 = arith.muli %add3A, %mul3A_1 : i32
    %jit3A = arith.constant 8 : i32
    %div3A = arith.divsi %add3A, %jit3A : i32
    %sign3A = arith.constant 0 : i32
    %sign3A_3 = arith.cmpi sgt, %add3A, %sign3A : i32
    %sign3A_4 = arith.extui %sign3A_3 : i1 to i32
    %sign3A_5 = arith.constant 0 : i32
    %sign3A_6 = arith.cmpi slt, %add3A, %sign3A_5 : i32
    %sign3A_7 = arith.extui %sign3A_6 : i1 to i32
    %sign3A_8 = arith.subi %sign3A_4, %sign3A_7 : i32
    %sign3A_9 = arith.constant 0 : i32
    %sign3A_10 = arith.cmpi sgt, %jit3A, %sign3A_9 : i32
    %sign3A_11 = arith.extui %sign3A_10 : i1 to i32
    %sign3A_12 = arith.constant 0 : i32
    %sign3A_13 = arith.cmpi slt, %jit3A, %sign3A_12 : i32
    %sign3A_14 = arith.extui %sign3A_13 : i1 to i32
    %sign3A_15 = arith.subi %sign3A_11, %sign3A_14 : i32
    %ne3A = arith.cmpi ne, %sign3A_8, %sign3A_15 : i32
    %rem3A = arith.remsi %add3A, %jit3A : i32
    %ne3A_16 = arith.constant 0 : i32
    %ne3A_17 = arith.cmpi ne, %rem3A, %ne3A_16 : i32
    %and3A = arith.andi %ne3A, %ne3A_17 : i1
    %sub3A = arith.constant 1 : i32
    %sub3A_18 = arith.subi %div3A, %sub3A : i32
    %select_n3A = arith.select %and3A, %sub3A_18, %div3A : i32
    %jit3A_19 = arith.constant 8 : i32
    %eq3A = arith.constant 0 : i32
    %eq3A_20 = arith.cmpi eq, %jit3A_19, %eq3A : i32
    %jit3A_21 = arith.constant 1 : i32
    %select_n3A_22 = arith.select %eq3A_20, %jit3A_21, %jit3A_19 : i32
    %rem3A_23 = arith.remsi %add3A, %select_n3A_22 : i32
    %ne3A_24 = arith.constant 0 : i32
    %ne3A_25 = arith.cmpi ne, %rem3A_23, %ne3A_24 : i32
    %lt3A = arith.constant 0 : i32
    %lt3A_26 = arith.cmpi slt, %rem3A_23, %lt3A : i32
    %lt3A_27 = arith.constant 0 : i32
    %lt3A_28 = arith.cmpi slt, %select_n3A_22, %lt3A_27 : i32
    %ne3A_29 = arith.xori %lt3A_26, %lt3A_28 : i1
    %and3A_30 = arith.andi %ne3A_29, %ne3A_25 : i1
    %add3A_31 = arith.addi %rem3A_23, %select_n3A_22 : i32
    %select_n3A_32 = arith.select %and3A_30, %add3A_31, %rem3A_23 : i32
    %mul3A_33 = arith.constant 1024 : i32
    %mul3A_34 = arith.muli %select_n3A_32, %mul3A_33 : i32
    "tpu.region"() ({
      %run_scoped3A = tpu.sem_alloc : memref<!tpu.dma_semaphore, #tpu.memory_space<semaphore_mem>>
      %dma_start3A_184 = tpu.memref_slice %arg3[%select_n3A, %mul3A_34] : memref<4x8192xi32, #tpu.memory_space<hbm>> -> memref<1x1024xi32, #tpu.memory_space<hbm>>
      %dma_start3A_185 = tpu.memref_slice %arg3[%select_n3A, %mul3A_34] : memref<4x8192xi32, #tpu.memory_space<hbm>> -> memref<1x1024xi32, #tpu.memory_space<hbm>>
      tpu.enqueue_dma source(%dma_start3A_185 : memref<1x1024xi32, #tpu.memory_space<hbm>>) target(%arg5 : memref<1x1024xi32, #tpu.memory_space<vmem>>) target_semaphore(%run_scoped3A : memref<!tpu.dma_semaphore, #tpu.memory_space<semaphore_mem>>)
      %dma_wait3A_186 = tpu.memref_slice %arg3[%select_n3A, %mul3A_34] : memref<4x8192xi32, #tpu.memory_space<hbm>> -> memref<1x1024xi32, #tpu.memory_space<hbm>>
      %dma_wait3A_187 = tpu.memref_slice %arg3[%select_n3A, %mul3A_34] : memref<4x8192xi32, #tpu.memory_space<hbm>> -> memref<1x1024xi32, #tpu.memory_space<hbm>>
      tpu.wait_dma2 semaphore(%run_scoped3A : memref<!tpu.dma_semaphore, #tpu.memory_space<semaphore_mem>>) src(%dma_wait3A_187 : memref<1x1024xi32, #tpu.memory_space<hbm>>) dst(%arg5 : memref<1x1024xi32, #tpu.memory_space<vmem>>)
      tpu.yield
    }) : () -> ()
    "tpu.region"() ({
      %run_scoped3A = tpu.sem_alloc : memref<!tpu.dma_semaphore, #tpu.memory_space<semaphore_mem>>
      tpu.enqueue_dma source(%arg2 : memref<256x256xf32, #tpu.memory_space<hbm>>) target(%arg6 : memref<256x256xf32, #tpu.memory_space<vmem>>) target_semaphore(%run_scoped3A : memref<!tpu.dma_semaphore, #tpu.memory_space<semaphore_mem>>)
      tpu.wait_dma2 semaphore(%run_scoped3A : memref<!tpu.dma_semaphore, #tpu.memory_space<semaphore_mem>>) src(%arg2 : memref<256x256xf32, #tpu.memory_space<hbm>>) dst(%arg6 : memref<256x256xf32, #tpu.memory_space<vmem>>)
      tpu.yield
    }) : () -> ()
    %broadcast_in_dim3A = arith.constant 0 : i32
    %broadcast_in_dim3A_35 = vector.broadcast %broadcast_in_dim3A : i32 to vector<16xi32>
    %broadcast_in_dim3A_36 = arith.constant 1 : i32
    %broadcast_in_dim3A_37 = vector.broadcast %broadcast_in_dim3A_36 : i32 to vector<16xi32>
    %broadcast_in_dim3A_38 = arith.constant 2 : i32
    %broadcast_in_dim3A_39 = vector.broadcast %broadcast_in_dim3A_38 : i32 to vector<16xi32>
    %broadcast_in_dim3A_40 = arith.constant 3 : i32
    %broadcast_in_dim3A_41 = vector.broadcast %broadcast_in_dim3A_40 : i32 to vector<16xi32>
    %broadcast_in_dim3A_42 = arith.constant 4 : i32
    %broadcast_in_dim3A_43 = vector.broadcast %broadcast_in_dim3A_42 : i32 to vector<16xi32>
    %broadcast_in_dim3A_44 = arith.constant 5 : i32
    %broadcast_in_dim3A_45 = vector.broadcast %broadcast_in_dim3A_44 : i32 to vector<16xi32>
    %broadcast_in_dim3A_46 = arith.constant 6 : i32
    %broadcast_in_dim3A_47 = vector.broadcast %broadcast_in_dim3A_46 : i32 to vector<16xi32>
    %broadcast_in_dim3A_48 = arith.constant 7 : i32
    %broadcast_in_dim3A_49 = vector.broadcast %broadcast_in_dim3A_48 : i32 to vector<16xi32>
    %broadcast_in_dim3A_50 = arith.constant 8 : i32
    %broadcast_in_dim3A_51 = vector.broadcast %broadcast_in_dim3A_50 : i32 to vector<16xi32>
    %broadcast_in_dim3A_52 = arith.constant 9 : i32
    %broadcast_in_dim3A_53 = vector.broadcast %broadcast_in_dim3A_52 : i32 to vector<16xi32>
    %broadcast_in_dim3A_54 = arith.constant 10 : i32
    %broadcast_in_dim3A_55 = vector.broadcast %broadcast_in_dim3A_54 : i32 to vector<16xi32>
    %broadcast_in_dim3A_56 = arith.constant 11 : i32
    %broadcast_in_dim3A_57 = vector.broadcast %broadcast_in_dim3A_56 : i32 to vector<16xi32>
    %broadcast_in_dim3A_58 = arith.constant 12 : i32
    %broadcast_in_dim3A_59 = vector.broadcast %broadcast_in_dim3A_58 : i32 to vector<16xi32>
    %broadcast_in_dim3A_60 = arith.constant 13 : i32
    %broadcast_in_dim3A_61 = vector.broadcast %broadcast_in_dim3A_60 : i32 to vector<16xi32>
    %broadcast_in_dim3A_62 = arith.constant 14 : i32
    %broadcast_in_dim3A_63 = vector.broadcast %broadcast_in_dim3A_62 : i32 to vector<16xi32>
    %broadcast_in_dim3A_64 = arith.constant 15 : i32
    %broadcast_in_dim3A_65 = vector.broadcast %broadcast_in_dim3A_64 : i32 to vector<16xi32>
    %iota3A = tpu.iota {dimensions = array<i32: 0>} : vector<16xi32>
    %add3A_66 = arith.constant 0 : i32
    %add3A_67 = vector.broadcast %add3A_66 : i32 to vector<16xi32>
    %add3A_68 = arith.addi %iota3A, %add3A_67 : vector<16xi32>
    %iota3A_69 = tpu.iota {dimensions = array<i32: 0>} : vector<16xi32>
    %add3A_70 = arith.constant 16 : i32
    %add3A_71 = vector.broadcast %add3A_70 : i32 to vector<16xi32>
    %add3A_72 = arith.addi %iota3A_69, %add3A_71 : vector<16xi32>
    %iota3A_73 = tpu.iota {dimensions = array<i32: 0>} : vector<16xi32>
    %add3A_74 = arith.constant 32 : i32
    %add3A_75 = vector.broadcast %add3A_74 : i32 to vector<16xi32>
    %add3A_76 = arith.addi %iota3A_73, %add3A_75 : vector<16xi32>
    %iota3A_77 = tpu.iota {dimensions = array<i32: 0>} : vector<16xi32>
    %add3A_78 = arith.constant 48 : i32
    %add3A_79 = vector.broadcast %add3A_78 : i32 to vector<16xi32>
    %add3A_80 = arith.addi %iota3A_77, %add3A_79 : vector<16xi32>
    %iota3A_81 = tpu.iota {dimensions = array<i32: 0>} : vector<16xi32>
    %add3A_82 = arith.constant 64 : i32
    %add3A_83 = vector.broadcast %add3A_82 : i32 to vector<16xi32>
    %add3A_84 = arith.addi %iota3A_81, %add3A_83 : vector<16xi32>
    %iota3A_85 = tpu.iota {dimensions = array<i32: 0>} : vector<16xi32>
    %add3A_86 = arith.constant 80 : i32
    %add3A_87 = vector.broadcast %add3A_86 : i32 to vector<16xi32>
    %add3A_88 = arith.addi %iota3A_85, %add3A_87 : vector<16xi32>
    %iota3A_89 = tpu.iota {dimensions = array<i32: 0>} : vector<16xi32>
    %add3A_90 = arith.constant 96 : i32
    %add3A_91 = vector.broadcast %add3A_90 : i32 to vector<16xi32>
    %add3A_92 = arith.addi %iota3A_89, %add3A_91 : vector<16xi32>
    %iota3A_93 = tpu.iota {dimensions = array<i32: 0>} : vector<16xi32>
    %add3A_94 = arith.constant 112 : i32
    %add3A_95 = vector.broadcast %add3A_94 : i32 to vector<16xi32>
    %add3A_96 = arith.addi %iota3A_93, %add3A_95 : vector<16xi32>
    %iota3A_97 = tpu.iota {dimensions = array<i32: 0>} : vector<16xi32>
    %add3A_98 = arith.constant 128 : i32
    %add3A_99 = vector.broadcast %add3A_98 : i32 to vector<16xi32>
    %add3A_100 = arith.addi %iota3A_97, %add3A_99 : vector<16xi32>
    %iota3A_101 = tpu.iota {dimensions = array<i32: 0>} : vector<16xi32>
    %add3A_102 = arith.constant 144 : i32
    %add3A_103 = vector.broadcast %add3A_102 : i32 to vector<16xi32>
    %add3A_104 = arith.addi %iota3A_101, %add3A_103 : vector<16xi32>
    %iota3A_105 = tpu.iota {dimensions = array<i32: 0>} : vector<16xi32>
    %add3A_106 = arith.constant 160 : i32
    %add3A_107 = vector.broadcast %add3A_106 : i32 to vector<16xi32>
    %add3A_108 = arith.addi %iota3A_105, %add3A_107 : vector<16xi32>
    %iota3A_109 = tpu.iota {dimensions = array<i32: 0>} : vector<16xi32>
    %add3A_110 = arith.constant 176 : i32
    %add3A_111 = vector.broadcast %add3A_110 : i32 to vector<16xi32>
    %add3A_112 = arith.addi %iota3A_109, %add3A_111 : vector<16xi32>
    %iota3A_113 = tpu.iota {dimensions = array<i32: 0>} : vector<16xi32>
    %add3A_114 = arith.constant 192 : i32
    %add3A_115 = vector.broadcast %add3A_114 : i32 to vector<16xi32>
    %add3A_116 = arith.addi %iota3A_113, %add3A_115 : vector<16xi32>
    %iota3A_117 = tpu.iota {dimensions = array<i32: 0>} : vector<16xi32>
    %add3A_118 = arith.constant 208 : i32
    %add3A_119 = vector.broadcast %add3A_118 : i32 to vector<16xi32>
    %add3A_120 = arith.addi %iota3A_117, %add3A_119 : vector<16xi32>
    %iota3A_121 = tpu.iota {dimensions = array<i32: 0>} : vector<16xi32>
    %add3A_122 = arith.constant 224 : i32
    %add3A_123 = vector.broadcast %add3A_122 : i32 to vector<16xi32>
    %add3A_124 = arith.addi %iota3A_121, %add3A_123 : vector<16xi32>
    %iota3A_125 = tpu.iota {dimensions = array<i32: 0>} : vector<16xi32>
    %add3A_126 = arith.constant 240 : i32
    %add3A_127 = vector.broadcast %add3A_126 : i32 to vector<16xi32>
    %add3A_128 = arith.addi %iota3A_125, %add3A_127 : vector<16xi32>
    %dma_start3A = arith.constant 0 : i32
    %dma_start3A_129 = arith.constant 0 : i32
    %dma_start3A_130 = tpu.memref_slice %arg5[%dma_start3A, %dma_start3A_129] : memref<1x1024xi32, #tpu.memory_space<vmem>> -> memref<1x64xi32, #tpu.memory_space<vmem>>
    %dma_start3A_131 = tpu.memref_squeeze %dma_start3A_130 : memref<1x64xi32, #tpu.memory_space<vmem>> -> memref<64xi32, #tpu.memory_space<vmem>>
    %dma_start3A_132 = arith.constant 0 : i32
    %dma_start3A_133 = arith.constant 0 : i32
    %dma_start3A_134 = tpu.memref_slice %arg2[%dma_start3A_132, %dma_start3A_133] : memref<256x256xf32, #tpu.memory_space<hbm>> -> memref<256x256xf32, #tpu.memory_space<hbm>>
    tpu.enqueue_indirect_dma source(%dma_start3A_134 : memref<256x256xf32, #tpu.memory_space<hbm>>) target(%arg7 : memref<64x256xf32, #tpu.memory_space<vmem>>) offsets(%dma_start3A_131 : memref<64xi32, #tpu.memory_space<vmem>>) semaphore(%arg10 : memref<!tpu.dma_semaphore, #tpu.memory_space<semaphore_mem>>)
    %dma_start3A_135 = arith.constant 0 : i32
    %dma_start3A_136 = arith.constant 64 : i32
    %dma_start3A_137 = tpu.memref_slice %arg5[%dma_start3A_135, %dma_start3A_136] : memref<1x1024xi32, #tpu.memory_space<vmem>> -> memref<1x64xi32, #tpu.memory_space<vmem>>
    %dma_start3A_138 = tpu.memref_squeeze %dma_start3A_137 : memref<1x64xi32, #tpu.memory_space<vmem>> -> memref<64xi32, #tpu.memory_space<vmem>>
    %dma_start3A_139 = arith.constant 0 : i32
    %dma_start3A_140 = arith.constant 0 : i32
    %dma_start3A_141 = tpu.memref_slice %arg2[%dma_start3A_139, %dma_start3A_140] : memref<256x256xf32, #tpu.memory_space<hbm>> -> memref<256x256xf32, #tpu.memory_space<hbm>>
    tpu.enqueue_indirect_dma source(%dma_start3A_141 : memref<256x256xf32, #tpu.memory_space<hbm>>) target(%arg8 : memref<64x256xf32, #tpu.memory_space<vmem>>) offsets(%dma_start3A_138 : memref<64xi32, #tpu.memory_space<vmem>>) semaphore(%arg11 : memref<!tpu.dma_semaphore, #tpu.memory_space<semaphore_mem>>)
    %dma_wait3A = arith.constant 0 : i32
    %dma_wait3A_142 = arith.constant 0 : i32
    %dma_wait3A_143 = tpu.memref_slice %arg4[%dma_wait3A, %dma_wait3A_142] : memref<32768x256xf32, #tpu.memory_space<hbm>> -> memref<64x256xf32, #tpu.memory_space<hbm>>
    %dma_wait3A_144 = arith.constant 0 : i32
    %dma_wait3A_145 = arith.constant 0 : i32
    %dma_wait3A_146 = tpu.memref_slice %arg4[%dma_wait3A_144, %dma_wait3A_145] : memref<32768x256xf32, #tpu.memory_space<hbm>> -> memref<64x256xf32, #tpu.memory_space<hbm>>
    tpu.wait_dma2 semaphore(%arg10 : memref<!tpu.dma_semaphore, #tpu.memory_space<semaphore_mem>>) src(%arg7 : memref<64x256xf32, #tpu.memory_space<vmem>>) dst(%dma_wait3A_146 : memref<64x256xf32, #tpu.memory_space<hbm>>)
    %mul3A_147 = arith.constant 0 : i32
    %mul3A_148 = arith.constant 64 : i32
    %mul3A_149 = arith.muli %mul3A_147, %mul3A_148 : i32
    %add3A_150 = arith.addi %mul3A_2, %mul3A_149 : i32
    %dma_start3A_151 = arith.constant 0 : i32
    %dma_start3A_152 = tpu.memref_slice %arg4[%add3A_150, %dma_start3A_151] : memref<32768x256xf32, #tpu.memory_space<hbm>> -> memref<64x256xf32, #tpu.memory_space<hbm>>
    %dma_start3A_153 = arith.constant 0 : i32
    %dma_start3A_154 = tpu.memref_slice %arg4[%add3A_150, %dma_start3A_153] : memref<32768x256xf32, #tpu.memory_space<hbm>> -> memref<64x256xf32, #tpu.memory_space<hbm>>
    tpu.enqueue_dma source(%arg7 : memref<64x256xf32, #tpu.memory_space<vmem>>) target(%dma_start3A_154 : memref<64x256xf32, #tpu.memory_space<hbm>>) target_semaphore(%arg10 : memref<!tpu.dma_semaphore, #tpu.memory_space<semaphore_mem>>)
    %dma_wait3A_155 = arith.constant 0 : i32
    %dma_wait3A_156 = arith.constant 0 : i32
    %dma_wait3A_157 = tpu.memref_slice %arg4[%dma_wait3A_155, %dma_wait3A_156] : memref<32768x256xf32, #tpu.memory_space<hbm>> -> memref<64x256xf32, #tpu.memory_space<hbm>>
    %dma_wait3A_158 = arith.constant 0 : i32
    %dma_wait3A_159 = arith.constant 0 : i32
    %dma_wait3A_160 = tpu.memref_slice %arg4[%dma_wait3A_158, %dma_wait3A_159] : memref<32768x256xf32, #tpu.memory_space<hbm>> -> memref<64x256xf32, #tpu.memory_space<hbm>>
    tpu.wait_dma2 semaphore(%arg10 : memref<!tpu.dma_semaphore, #tpu.memory_space<semaphore_mem>>) src(%arg7 : memref<64x256xf32, #tpu.memory_space<vmem>>) dst(%dma_wait3A_160 : memref<64x256xf32, #tpu.memory_space<hbm>>)
    %cond3A = arith.constant 1 : i32
    %cond3A_161 = arith.constant 0 : i32
    %add3A_162 = arith.constant 2 : i32
    %add3A_163 = arith.addi %cond3A_161, %add3A_162 : i32
    %mul3A_164 = arith.constant 64 : i32
    %mul3A_165 = arith.muli %add3A_163, %mul3A_164 : i32
    %dma_start3A_166 = arith.constant 0 : i32
    %dma_start3A_167 = tpu.memref_slice %arg5[%dma_start3A_166, %mul3A_165] : memref<1x1024xi32, #tpu.memory_space<vmem>> -> memref<1x64xi32, #tpu.memory_space<vmem>>
    %dma_start3A_168 = tpu.memref_squeeze %dma_start3A_167 : memref<1x64xi32, #tpu.memory_space<vmem>> -> memref<64xi32, #tpu.memory_space<vmem>>
    %dma_start3A_169 = arith.constant 0 : i32
    %dma_start3A_170 = arith.constant 0 : i32
    %dma_start3A_171 = tpu.memref_slice %arg2[%dma_start3A_169, %dma_start3A_170] : memref<256x256xf32, #tpu.memory_space<hbm>> -> memref<256x256xf32, #tpu.memory_space<hbm>>
    tpu.enqueue_indirect_dma source(%dma_start3A_171 : memref<256x256xf32, #tpu.memory_space<hbm>>) target(%arg7 : memref<64x256xf32, #tpu.memory_space<vmem>>) offsets(%dma_start3A_168 : memref<64xi32, #tpu.memory_space<vmem>>) semaphore(%arg10 : memref<!tpu.dma_semaphore, #tpu.memory_space<semaphore_mem>>)
    %scan3A = arith.constant 0 : i32
    %scan3A_172 = arith.constant 0 : i32
    %scan3A_173 = arith.constant 5 : i32
    %scan3A_174 = arith.addi %scan3A_172, %scan3A_173 : i32
    %scan3A_175 = arith.constant 1 : i32
    %scan3A_176 = scf.for %scan3A_184 = %scan3A_172 to %scan3A_174 step %scan3A_175 iter_args(%scan3A_185 = %scan3A) -> (i32)  : i32 {
      %mul3A_186 = arith.constant 2 : i32
      %mul3A_187 = arith.muli %mul3A_186, %scan3A_184 : i32
      %add3A_188 = arith.constant 1 : i32
      %add3A_189 = arith.addi %add3A_188, %mul3A_187 : i32
      %add3A_190 = arith.constant 2 : i32
      %add3A_191 = arith.addi %add3A_189, %add3A_190 : i32
      %lt3A_192 = arith.constant 11 : i32
      %lt3A_193 = arith.cmpi slt, %add3A_191, %lt3A_192 : i32
      %dma_wait3A_194 = arith.constant 0 : i32
      %dma_wait3A_195 = arith.constant 0 : i32
      %dma_wait3A_196 = tpu.memref_slice %arg4[%dma_wait3A_194, %dma_wait3A_195] : memref<32768x256xf32, #tpu.memory_space<hbm>> -> memref<64x256xf32, #tpu.memory_space<hbm>>
      %dma_wait3A_197 = arith.constant 0 : i32
      %dma_wait3A_198 = arith.constant 0 : i32
      %dma_wait3A_199 = tpu.memref_slice %arg4[%dma_wait3A_197, %dma_wait3A_198] : memref<32768x256xf32, #tpu.memory_space<hbm>> -> memref<64x256xf32, #tpu.memory_space<hbm>>
      tpu.wait_dma2 semaphore(%arg11 : memref<!tpu.dma_semaphore, #tpu.memory_space<semaphore_mem>>) src(%arg8 : memref<64x256xf32, #tpu.memory_space<vmem>>) dst(%dma_wait3A_199 : memref<64x256xf32, #tpu.memory_space<hbm>>)
      %mul3A_200 = arith.constant 64 : i32
      %mul3A_201 = arith.muli %add3A_189, %mul3A_200 : i32
      %add3A_202 = arith.addi %mul3A_2, %mul3A_201 : i32
      %dma_start3A_203 = arith.constant 0 : i32
      %dma_start3A_204 = tpu.memref_slice %arg4[%add3A_202, %dma_start3A_203] : memref<32768x256xf32, #tpu.memory_space<hbm>> -> memref<64x256xf32, #tpu.memory_space<hbm>>
      %dma_start3A_205 = arith.constant 0 : i32
      %dma_start3A_206 = tpu.memref_slice %arg4[%add3A_202, %dma_start3A_205] : memref<32768x256xf32, #tpu.memory_space<hbm>> -> memref<64x256xf32, #tpu.memory_space<hbm>>
      tpu.enqueue_dma source(%arg8 : memref<64x256xf32, #tpu.memory_space<vmem>>) target(%dma_start3A_206 : memref<64x256xf32, #tpu.memory_space<hbm>>) target_semaphore(%arg11 : memref<!tpu.dma_semaphore, #tpu.memory_space<semaphore_mem>>)
      %dma_wait3A_207 = arith.constant 0 : i32
      %dma_wait3A_208 = arith.constant 0 : i32
      %dma_wait3A_209 = tpu.memref_slice %arg4[%dma_wait3A_207, %dma_wait3A_208] : memref<32768x256xf32, #tpu.memory_space<hbm>> -> memref<64x256xf32, #tpu.memory_space<hbm>>
      %dma_wait3A_210 = arith.constant 0 : i32
      %dma_wait3A_211 = arith.constant 0 : i32
      %dma_wait3A_212 = tpu.memref_slice %arg4[%dma_wait3A_210, %dma_wait3A_211] : memref<32768x256xf32, #tpu.memory_space<hbm>> -> memref<64x256xf32, #tpu.memory_space<hbm>>
      tpu.wait_dma2 semaphore(%arg11 : memref<!tpu.dma_semaphore, #tpu.memory_space<semaphore_mem>>) src(%arg8 : memref<64x256xf32, #tpu.memory_space<vmem>>) dst(%dma_wait3A_212 : memref<64x256xf32, #tpu.memory_space<hbm>>)
      %convert_element_type3A = arith.extui %lt3A_193 : i1 to i32
      %cond3A_213 = arith.constant 0 : i32
      %cond3A_214 = arith.cmpi ne, %convert_element_type3A, %cond3A_213 : i32
      scf.if %cond3A_214 {
        %add3A_259 = arith.constant 2 : i32
        %add3A_260 = arith.addi %add3A_189, %add3A_259 : i32
        %mul3A_261 = arith.constant 64 : i32
        %mul3A_262 = arith.muli %add3A_260, %mul3A_261 : i32
        %dma_start3A_263 = arith.constant 0 : i32
        %dma_start3A_264 = tpu.memref_slice %arg5[%dma_start3A_263, %mul3A_262] : memref<1x1024xi32, #tpu.memory_space<vmem>> -> memref<1x64xi32, #tpu.memory_space<vmem>>
        %dma_start3A_265 = tpu.memref_squeeze %dma_start3A_264 : memref<1x64xi32, #tpu.memory_space<vmem>> -> memref<64xi32, #tpu.memory_space<vmem>>
        %dma_start3A_266 = arith.constant 0 : i32
        %dma_start3A_267 = arith.constant 0 : i32
        %dma_start3A_268 = tpu.memref_slice %arg2[%dma_start3A_266, %dma_start3A_267] : memref<256x256xf32, #tpu.memory_space<hbm>> -> memref<256x256xf32, #tpu.memory_space<hbm>>
        tpu.enqueue_indirect_dma source(%dma_start3A_268 : memref<256x256xf32, #tpu.memory_space<hbm>>) target(%arg8 : memref<64x256xf32, #tpu.memory_space<vmem>>) offsets(%dma_start3A_265 : memref<64xi32, #tpu.memory_space<vmem>>) semaphore(%arg11 : memref<!tpu.dma_semaphore, #tpu.memory_space<semaphore_mem>>)
      } else {
      }
      %add3A_215 = arith.constant 1 : i32
      %add3A_216 = arith.addi %add3A_189, %add3A_215 : i32
      %add3A_217 = arith.constant 3 : i32
      %add3A_218 = arith.addi %add3A_189, %add3A_217 : i32
      %lt3A_219 = arith.constant 11 : i32
      %lt3A_220 = arith.cmpi slt, %add3A_218, %lt3A_219 : i32
      %dma_wait3A_221 = arith.constant 0 : i32
      %dma_wait3A_222 = arith.constant 0 : i32
      %dma_wait3A_223 = tpu.memref_slice %arg4[%dma_wait3A_221, %dma_wait3A_222] : memref<32768x256xf32, #tpu.memory_space<hbm>> -> memref<64x256xf32, #tpu.memory_space<hbm>>
      %dma_wait3A_224 = arith.constant 0 : i32
      %dma_wait3A_225 = arith.constant 0 : i32
      %dma_wait3A_226 = tpu.memref_slice %arg4[%dma_wait3A_224, %dma_wait3A_225] : memref<32768x256xf32, #tpu.memory_space<hbm>> -> memref<64x256xf32, #tpu.memory_space<hbm>>
      tpu.wait_dma2 semaphore(%arg10 : memref<!tpu.dma_semaphore, #tpu.memory_space<semaphore_mem>>) src(%arg7 : memref<64x256xf32, #tpu.memory_space<vmem>>) dst(%dma_wait3A_226 : memref<64x256xf32, #tpu.memory_space<hbm>>)
      %mul3A_227 = arith.constant 64 : i32
      %mul3A_228 = arith.muli %add3A_216, %mul3A_227 : i32
      %add3A_229 = arith.addi %mul3A_2, %mul3A_228 : i32
      %dma_start3A_230 = arith.constant 0 : i32
      %dma_start3A_231 = tpu.memref_slice %arg4[%add3A_229, %dma_start3A_230] : memref<32768x256xf32, #tpu.memory_space<hbm>> -> memref<64x256xf32, #tpu.memory_space<hbm>>
      %dma_start3A_232 = arith.constant 0 : i32
      %dma_start3A_233 = tpu.memref_slice %arg4[%add3A_229, %dma_start3A_232] : memref<32768x256xf32, #tpu.memory_space<hbm>> -> memref<64x256xf32, #tpu.memory_space<hbm>>
      tpu.enqueue_dma source(%arg7 : memref<64x256xf32, #tpu.memory_space<vmem>>) target(%dma_start3A_233 : memref<64x256xf32, #tpu.memory_space<hbm>>) target_semaphore(%arg10 : memref<!tpu.dma_semaphore, #tpu.memory_space<semaphore_mem>>)
      %dma_wait3A_234 = arith.constant 0 : i32
      %dma_wait3A_235 = arith.constant 0 : i32
      %dma_wait3A_236 = tpu.memref_slice %arg4[%dma_wait3A_234, %dma_wait3A_235] : memref<32768x256xf32, #tpu.memory_space<hbm>> -> memref<64x256xf32, #tpu.memory_space<hbm>>
      %dma_wait3A_237 = arith.constant 0 : i32
      %dma_wait3A_238 = arith.constant 0 : i32
      %dma_wait3A_239 = tpu.memref_slice %arg4[%dma_wait3A_237, %dma_wait3A_238] : memref<32768x256xf32, #tpu.memory_space<hbm>> -> memref<64x256xf32, #tpu.memory_space<hbm>>
      tpu.wait_dma2 semaphore(%arg10 : memref<!tpu.dma_semaphore, #tpu.memory_space<semaphore_mem>>) src(%arg7 : memref<64x256xf32, #tpu.memory_space<vmem>>) dst(%dma_wait3A_239 : memref<64x256xf32, #tpu.memory_space<hbm>>)
      %convert_element_type3A_240 = arith.extui %lt3A_220 : i1 to i32
      %cond3A_241 = arith.constant 0 : i32
      %cond3A_242 = arith.cmpi ne, %convert_element_type3A_240, %cond3A_241 : i32
      scf.if %cond3A_242 {
        %add3A_259 = arith.constant 2 : i32
        %add3A_260 = arith.addi %add3A_216, %add3A_259 : i32
        %mul3A_261 = arith.constant 64 : i32
        %mul3A_262 = arith.muli %add3A_260, %mul3A_261 : i32
        %dma_start3A_263 = arith.constant 0 : i32
        %dma_start3A_264 = tpu.memref_slice %arg5[%dma_start3A_263, %mul3A_262] : memref<1x1024xi32, #tpu.memory_space<vmem>> -> memref<1x64xi32, #tpu.memory_space<vmem>>
        %dma_start3A_265 = tpu.memref_squeeze %dma_start3A_264 : memref<1x64xi32, #tpu.memory_space<vmem>> -> memref<64xi32, #tpu.memory_space<vmem>>
        %dma_start3A_266 = arith.constant 0 : i32
        %dma_start3A_267 = arith.constant 0 : i32
        %dma_start3A_268 = tpu.memref_slice %arg2[%dma_start3A_266, %dma_start3A_267] : memref<256x256xf32, #tpu.memory_space<hbm>> -> memref<256x256xf32, #tpu.memory_space<hbm>>
        tpu.enqueue_indirect_dma source(%dma_start3A_268 : memref<256x256xf32, #tpu.memory_space<hbm>>) target(%arg7 : memref<64x256xf32, #tpu.memory_space<vmem>>) offsets(%dma_start3A_265 : memref<64xi32, #tpu.memory_space<vmem>>) semaphore(%arg10 : memref<!tpu.dma_semaphore, #tpu.memory_space<semaphore_mem>>)
      } else {
      }
      %gt3A = arith.constant 0 : i32
      %gt3A_243 = arith.cmpi sgt, %scan3A_184, %gt3A : i32
      %convert_element_type3A_244 = arith.extui %gt3A_243 : i1 to i32
      %cond3A_245 = arith.constant 0 : i32
      %cond3A_246 = arith.cmpi ne, %convert_element_type3A_244, %cond3A_245 : i32
      scf.if %cond3A_246 {
        %dma_wait3A_259 = arith.constant 0 : i32
        %dma_wait3A_260 = arith.constant 0 : i32
        %dma_wait3A_261 = tpu.memref_slice %arg4[%dma_wait3A_259, %dma_wait3A_260] : memref<32768x256xf32, #tpu.memory_space<hbm>> -> memref<64x256xf32, #tpu.memory_space<hbm>>
        %dma_wait3A_262 = arith.constant 0 : i32
        %dma_wait3A_263 = arith.constant 0 : i32
        %dma_wait3A_264 = tpu.memref_slice %arg4[%dma_wait3A_262, %dma_wait3A_263] : memref<32768x256xf32, #tpu.memory_space<hbm>> -> memref<64x256xf32, #tpu.memory_space<hbm>>
        tpu.wait_dma2 semaphore(%arg12 : memref<!tpu.dma_semaphore, #tpu.memory_space<semaphore_mem>>) src(%arg9 : memref<64x256xf32, #tpu.memory_space<vmem>>) dst(%dma_wait3A_264 : memref<64x256xf32, #tpu.memory_space<hbm>>)
      } else {
      }
      %add3A_247 = arith.constant 11 : i32
      %add3A_248 = arith.addi %add3A_247, %scan3A_184 : i32
      %parallel_loop3A = arith.constant 0 : i32
      %parallel_loop3A_249 = arith.constant 4 : i32
      %parallel_loop3A_250 = arith.constant 1 : i32
      scf.for %parallel_loop3A_259 = %parallel_loop3A to %parallel_loop3A_249 step %parallel_loop3A_250  : i32 {
        %parallel_loop3A_260 = arith.constant 64 : i32
        %parallel_loop3A_261 = arith.muli %add3A_248, %parallel_loop3A_260 : i32
        %parallel_loop3A_262 = arith.constant 16 : i32
        %parallel_loop3A_263 = arith.muli %parallel_loop3A_259, %parallel_loop3A_262 : i32
        %parallel_loop3A_264 = arith.addi %parallel_loop3A_261, %parallel_loop3A_263 : i32
        %parallel_loop3A_265 = arith.constant 0 : i32
        %parallel_loop3A_266 = arith.index_cast %parallel_loop3A_265 : i32 to index
        %parallel_loop3A_267 = arith.index_cast %parallel_loop3A_264 : i32 to index
        %parallel_loop3A_268 = tpu.vector_load %arg5[%parallel_loop3A_266, %parallel_loop3A_267] {strides = array<i32>} : memref<1x1024xi32, #tpu.memory_space<vmem>>, vector<16xi32>,
        %parallel_loop3A_269 = arith.constant 0 : i32
        %parallel_loop3A_270 = vector.broadcast %parallel_loop3A_269 : i32 to vector<16xi32>
        %parallel_loop3A_271 = arith.cmpi slt, %broadcast_in_dim3A_35, %parallel_loop3A_270 : vector<16xi32>
        %parallel_loop3A_272 = arith.constant 16 : i32
        %parallel_loop3A_273 = vector.broadcast %parallel_loop3A_272 : i32 to vector<16xi32>
        %parallel_loop3A_274 = arith.addi %broadcast_in_dim3A_35, %parallel_loop3A_273 : vector<16xi32>
        %parallel_loop3A_275 = arith.select %parallel_loop3A_271, %parallel_loop3A_274, %broadcast_in_dim3A_35 : vector<16xi1>, vector<16xi32>
        %parallel_loop3A_276 = vector.shape_cast %parallel_loop3A_275 : vector<16xi32> to vector<16x1xi32>
        %parallel_loop3A_277 = vector.shape_cast %parallel_loop3A_276 : vector<16x1xi32> to vector<16xi32>
        %parallel_loop3A_278 = tpu.dynamic_gather %parallel_loop3A_268[%parallel_loop3A_277] in [0] : vector<16xi32>, vector<16xi32> -> vector<16xi32>
        %parallel_loop3A_279 = tpu.vector_load_idx %arg6[%parallel_loop3A_278, %add3A_68] : memref<256x256xf32, #tpu.memory_space<vmem>>[vector<16xi32>, vector<16xi32>], vector<16xf32>,
        %parallel_loop3A_280 = tpu.vector_load_idx %arg6[%parallel_loop3A_278, %add3A_72] : memref<256x256xf32, #tpu.memory_space<vmem>>[vector<16xi32>, vector<16xi32>], vector<16xf32>,
        %parallel_loop3A_281 = tpu.vector_load_idx %arg6[%parallel_loop3A_278, %add3A_76] : memref<256x256xf32, #tpu.memory_space<vmem>>[vector<16xi32>, vector<16xi32>], vector<16xf32>,
        %parallel_loop3A_282 = tpu.vector_load_idx %arg6[%parallel_loop3A_278, %add3A_80] : memref<256x256xf32, #tpu.memory_space<vmem>>[vector<16xi32>, vector<16xi32>], vector<16xf32>,
        %parallel_loop3A_283 = tpu.vector_load_idx %arg6[%parallel_loop3A_278, %add3A_84] : memref<256x256xf32, #tpu.memory_space<vmem>>[vector<16xi32>, vector<16xi32>], vector<16xf32>,
        %parallel_loop3A_284 = tpu.vector_load_idx %arg6[%parallel_loop3A_278, %add3A_88] : memref<256x256xf32, #tpu.memory_space<vmem>>[vector<16xi32>, vector<16xi32>], vector<16xf32>,
        %parallel_loop3A_285 = tpu.vector_load_idx %arg6[%parallel_loop3A_278, %add3A_92] : memref<256x256xf32, #tpu.memory_space<vmem>>[vector<16xi32>, vector<16xi32>], vector<16xf32>,
        %parallel_loop3A_286 = tpu.vector_load_idx %arg6[%parallel_loop3A_278, %add3A_96] : memref<256x256xf32, #tpu.memory_space<vmem>>[vector<16xi32>, vector<16xi32>], vector<16xf32>,
        %parallel_loop3A_287 = tpu.vector_load_idx %arg6[%parallel_loop3A_278, %add3A_100] : memref<256x256xf32, #tpu.memory_space<vmem>>[vector<16xi32>, vector<16xi32>], vector<16xf32>,
        %parallel_loop3A_288 = tpu.vector_load_idx %arg6[%parallel_loop3A_278, %add3A_104] : memref<256x256xf32, #tpu.memory_space<vmem>>[vector<16xi32>, vector<16xi32>], vector<16xf32>,
        %parallel_loop3A_289 = tpu.vector_load_idx %arg6[%parallel_loop3A_278, %add3A_108] : memref<256x256xf32, #tpu.memory_space<vmem>>[vector<16xi32>, vector<16xi32>], vector<16xf32>,
        %parallel_loop3A_290 = tpu.vector_load_idx %arg6[%parallel_loop3A_278, %add3A_112] : memref<256x256xf32, #tpu.memory_space<vmem>>[vector<16xi32>, vector<16xi32>], vector<16xf32>,
        %parallel_loop3A_291 = tpu.vector_load_idx %arg6[%parallel_loop3A_278, %add3A_116] : memref<256x256xf32, #tpu.memory_space<vmem>>[vector<16xi32>, vector<16xi32>], vector<16xf32>,
        %parallel_loop3A_292 = tpu.vector_load_idx %arg6[%parallel_loop3A_278, %add3A_120] : memref<256x256xf32, #tpu.memory_space<vmem>>[vector<16xi32>, vector<16xi32>], vector<16xf32>,
        %parallel_loop3A_293 = tpu.vector_load_idx %arg6[%parallel_loop3A_278, %add3A_124] : memref<256x256xf32, #tpu.memory_space<vmem>>[vector<16xi32>, vector<16xi32>], vector<16xf32>,
        %parallel_loop3A_294 = tpu.vector_load_idx %arg6[%parallel_loop3A_278, %add3A_128] : memref<256x256xf32, #tpu.memory_space<vmem>>[vector<16xi32>, vector<16xi32>], vector<16xf32>,
        %parallel_loop3A_295 = arith.constant 16 : i32
        %parallel_loop3A_296 = arith.muli %parallel_loop3A_259, %parallel_loop3A_295 : i32
        %parallel_loop3A_297 = arith.constant 0 : i32
        %parallel_loop3A_298 = arith.addi %parallel_loop3A_296, %parallel_loop3A_297 : i32
        %parallel_loop3A_299 = arith.index_cast %parallel_loop3A_298 : i32 to index
        %parallel_loop3A_300 = arith.constant 0 : index
        %parallel_loop3A_301 = tpu.vector_load %arg9[%parallel_loop3A_299, %parallel_loop3A_300] {strides = array<i32>} : memref<64x256xf32, #tpu.memory_space<vmem>>, vector<16xf32>,
        tpu.vector_store %arg9[%parallel_loop3A_299, %parallel_loop3A_300], %parallel_loop3A_279 {strides = array<i32>} : memref<64x256xf32, #tpu.memory_space<vmem>>, vector<16xf32>,
        %parallel_loop3A_302 = arith.constant 16 : i32
        %parallel_loop3A_303 = arith.muli %parallel_loop3A_259, %parallel_loop3A_302 : i32
        %parallel_loop3A_304 = arith.constant 0 : i32
        %parallel_loop3A_305 = arith.addi %parallel_loop3A_303, %parallel_loop3A_304 : i32
        %parallel_loop3A_306 = arith.index_cast %parallel_loop3A_305 : i32 to index
        %parallel_loop3A_307 = arith.constant 16 : index
        %parallel_loop3A_308 = tpu.vector_load %arg9[%parallel_loop3A_306, %parallel_loop3A_307] {strides = array<i32>} : memref<64x256xf32, #tpu.memory_space<vmem>>, vector<16xf32>,
        tpu.vector_store %arg9[%parallel_loop3A_306, %parallel_loop3A_307], %parallel_loop3A_280 {strides = array<i32>} : memref<64x256xf32, #tpu.memory_space<vmem>>, vector<16xf32>,
        %parallel_loop3A_309 = arith.constant 16 : i32
        %parallel_loop3A_310 = arith.muli %parallel_loop3A_259, %parallel_loop3A_309 : i32
        %parallel_loop3A_311 = arith.constant 0 : i32
        %parallel_loop3A_312 = arith.addi %parallel_loop3A_310, %parallel_loop3A_311 : i32
        %parallel_loop3A_313 = arith.index_cast %parallel_loop3A_312 : i32 to index
        %parallel_loop3A_314 = arith.constant 32 : index
        %parallel_loop3A_315 = tpu.vector_load %arg9[%parallel_loop3A_313, %parallel_loop3A_314] {strides = array<i32>} : memref<64x256xf32, #tpu.memory_space<vmem>>, vector<16xf32>,
        tpu.vector_store %arg9[%parallel_loop3A_313, %parallel_loop3A_314], %parallel_loop3A_281 {strides = array<i32>} : memref<64x256xf32, #tpu.memory_space<vmem>>, vector<16xf32>,
        %parallel_loop3A_316 = arith.constant 16 : i32
        %parallel_loop3A_317 = arith.muli %parallel_loop3A_259, %parallel_loop3A_316 : i32
        %parallel_loop3A_318 = arith.constant 0 : i32
        %parallel_loop3A_319 = arith.addi %parallel_loop3A_317, %parallel_loop3A_318 : i32
        %parallel_loop3A_320 = arith.index_cast %parallel_loop3A_319 : i32 to index
        %parallel_loop3A_321 = arith.constant 48 : index
        %parallel_loop3A_322 = tpu.vector_load %arg9[%parallel_loop3A_320, %parallel_loop3A_321] {strides = array<i32>} : memref<64x256xf32, #tpu.memory_space<vmem>>, vector<16xf32>,
        tpu.vector_store %arg9[%parallel_loop3A_320, %parallel_loop3A_321], %parallel_loop3A_282 {strides = array<i32>} : memref<64x256xf32, #tpu.memory_space<vmem>>, vector<16xf32>,
        %parallel_loop3A_323 = arith.constant 16 : i32
        %parallel_loop3A_324 = arith.muli %parallel_loop3A_259, %parallel_loop3A_323 : i32
        %parallel_loop3A_325 = arith.constant 0 : i32
        %parallel_loop3A_326 = arith.addi %parallel_loop3A_324, %parallel_loop3A_325 : i32
        %parallel_loop3A_327 = arith.index_cast %parallel_loop3A_326 : i32 to index
        %parallel_loop3A_328 = arith.constant 64 : index
        %parallel_loop3A_329 = tpu.vector_load %arg9[%parallel_loop3A_327, %parallel_loop3A_328] {strides = array<i32>} : memref<64x256xf32, #tpu.memory_space<vmem>>, vector<16xf32>,
        tpu.vector_store %arg9[%parallel_loop3A_327, %parallel_loop3A_328], %parallel_loop3A_283 {strides = array<i32>} : memref<64x256xf32, #tpu.memory_space<vmem>>, vector<16xf32>,
        %parallel_loop3A_330 = arith.constant 16 : i32
        %parallel_loop3A_331 = arith.muli %parallel_loop3A_259, %parallel_loop3A_330 : i32
        %parallel_loop3A_332 = arith.constant 0 : i32
        %parallel_loop3A_333 = arith.addi %parallel_loop3A_331, %parallel_loop3A_332 : i32
        %parallel_loop3A_334 = arith.index_cast %parallel_loop3A_333 : i32 to index
        %parallel_loop3A_335 = arith.constant 80 : index
        %parallel_loop3A_336 = tpu.vector_load %arg9[%parallel_loop3A_334, %parallel_loop3A_335] {strides = array<i32>} : memref<64x256xf32, #tpu.memory_space<vmem>>, vector<16xf32>,
        tpu.vector_store %arg9[%parallel_loop3A_334, %parallel_loop3A_335], %parallel_loop3A_284 {strides = array<i32>} : memref<64x256xf32, #tpu.memory_space<vmem>>, vector<16xf32>,
        %parallel_loop3A_337 = arith.constant 16 : i32
        %parallel_loop3A_338 = arith.muli %parallel_loop3A_259, %parallel_loop3A_337 : i32
        %parallel_loop3A_339 = arith.constant 0 : i32
        %parallel_loop3A_340 = arith.addi %parallel_loop3A_338, %parallel_loop3A_339 : i32
        %parallel_loop3A_341 = arith.index_cast %parallel_loop3A_340 : i32 to index
        %parallel_loop3A_342 = arith.constant 96 : index
        %parallel_loop3A_343 = tpu.vector_load %arg9[%parallel_loop3A_341, %parallel_loop3A_342] {strides = array<i32>} : memref<64x256xf32, #tpu.memory_space<vmem>>, vector<16xf32>,
        tpu.vector_store %arg9[%parallel_loop3A_341, %parallel_loop3A_342], %parallel_loop3A_285 {strides = array<i32>} : memref<64x256xf32, #tpu.memory_space<vmem>>, vector<16xf32>,
        %parallel_loop3A_344 = arith.constant 16 : i32
        %parallel_loop3A_345 = arith.muli %parallel_loop3A_259, %parallel_loop3A_344 : i32
        %parallel_loop3A_346 = arith.constant 0 : i32
        %parallel_loop3A_347 = arith.addi %parallel_loop3A_345, %parallel_loop3A_346 : i32
        %parallel_loop3A_348 = arith.index_cast %parallel_loop3A_347 : i32 to index
        %parallel_loop3A_349 = arith.constant 112 : index
        %parallel_loop3A_350 = tpu.vector_load %arg9[%parallel_loop3A_348, %parallel_loop3A_349] {strides = array<i32>} : memref<64x256xf32, #tpu.memory_space<vmem>>, vector<16xf32>,
        tpu.vector_store %arg9[%parallel_loop3A_348, %parallel_loop3A_349], %parallel_loop3A_286 {strides = array<i32>} : memref<64x256xf32, #tpu.memory_space<vmem>>, vector<16xf32>,
        %parallel_loop3A_351 = arith.constant 16 : i32
        %parallel_loop3A_352 = arith.muli %parallel_loop3A_259, %parallel_loop3A_351 : i32
        %parallel_loop3A_353 = arith.constant 0 : i32
        %parallel_loop3A_354 = arith.addi %parallel_loop3A_352, %parallel_loop3A_353 : i32
        %parallel_loop3A_355 = arith.index_cast %parallel_loop3A_354 : i32 to index
        %parallel_loop3A_356 = arith.constant 128 : index
        %parallel_loop3A_357 = tpu.vector_load %arg9[%parallel_loop3A_355, %parallel_loop3A_356] {strides = array<i32>} : memref<64x256xf32, #tpu.memory_space<vmem>>, vector<16xf32>,
        tpu.vector_store %arg9[%parallel_loop3A_355, %parallel_loop3A_356], %parallel_loop3A_287 {strides = array<i32>} : memref<64x256xf32, #tpu.memory_space<vmem>>, vector<16xf32>,
        %parallel_loop3A_358 = arith.constant 16 : i32
        %parallel_loop3A_359 = arith.muli %parallel_loop3A_259, %parallel_loop3A_358 : i32
        %parallel_loop3A_360 = arith.constant 0 : i32
        %parallel_loop3A_361 = arith.addi %parallel_loop3A_359, %parallel_loop3A_360 : i32
        %parallel_loop3A_362 = arith.index_cast %parallel_loop3A_361 : i32 to index
        %parallel_loop3A_363 = arith.constant 144 : index
        %parallel_loop3A_364 = tpu.vector_load %arg9[%parallel_loop3A_362, %parallel_loop3A_363] {strides = array<i32>} : memref<64x256xf32, #tpu.memory_space<vmem>>, vector<16xf32>,
        tpu.vector_store %arg9[%parallel_loop3A_362, %parallel_loop3A_363], %parallel_loop3A_288 {strides = array<i32>} : memref<64x256xf32, #tpu.memory_space<vmem>>, vector<16xf32>,
        %parallel_loop3A_365 = arith.constant 16 : i32
        %parallel_loop3A_366 = arith.muli %parallel_loop3A_259, %parallel_loop3A_365 : i32
        %parallel_loop3A_367 = arith.constant 0 : i32
        %parallel_loop3A_368 = arith.addi %parallel_loop3A_366, %parallel_loop3A_367 : i32
        %parallel_loop3A_369 = arith.index_cast %parallel_loop3A_368 : i32 to index
        %parallel_loop3A_370 = arith.constant 160 : index
        %parallel_loop3A_371 = tpu.vector_load %arg9[%parallel_loop3A_369, %parallel_loop3A_370] {strides = array<i32>} : memref<64x256xf32, #tpu.memory_space<vmem>>, vector<16xf32>,
        tpu.vector_store %arg9[%parallel_loop3A_369, %parallel_loop3A_370], %parallel_loop3A_289 {strides = array<i32>} : memref<64x256xf32, #tpu.memory_space<vmem>>, vector<16xf32>,
        %parallel_loop3A_372 = arith.constant 16 : i32
        %parallel_loop3A_373 = arith.muli %parallel_loop3A_259, %parallel_loop3A_372 : i32
        %parallel_loop3A_374 = arith.constant 0 : i32
        %parallel_loop3A_375 = arith.addi %parallel_loop3A_373, %parallel_loop3A_374 : i32
        %parallel_loop3A_376 = arith.index_cast %parallel_loop3A_375 : i32 to index
        %parallel_loop3A_377 = arith.constant 176 : index
        %parallel_loop3A_378 = tpu.vector_load %arg9[%parallel_loop3A_376, %parallel_loop3A_377] {strides = array<i32>} : memref<64x256xf32, #tpu.memory_space<vmem>>, vector<16xf32>,
        tpu.vector_store %arg9[%parallel_loop3A_376, %parallel_loop3A_377], %parallel_loop3A_290 {strides = array<i32>} : memref<64x256xf32, #tpu.memory_space<vmem>>, vector<16xf32>,
        %parallel_loop3A_379 = arith.constant 16 : i32
        %parallel_loop3A_380 = arith.muli %parallel_loop3A_259, %parallel_loop3A_379 : i32
        %parallel_loop3A_381 = arith.constant 0 : i32
        %parallel_loop3A_382 = arith.addi %parallel_loop3A_380, %parallel_loop3A_381 : i32
        %parallel_loop3A_383 = arith.index_cast %parallel_loop3A_382 : i32 to index
        %parallel_loop3A_384 = arith.constant 192 : index
        %parallel_loop3A_385 = tpu.vector_load %arg9[%parallel_loop3A_383, %parallel_loop3A_384] {strides = array<i32>} : memref<64x256xf32, #tpu.memory_space<vmem>>, vector<16xf32>,
        tpu.vector_store %arg9[%parallel_loop3A_383, %parallel_loop3A_384], %parallel_loop3A_291 {strides = array<i32>} : memref<64x256xf32, #tpu.memory_space<vmem>>, vector<16xf32>,
        %parallel_loop3A_386 = arith.constant 16 : i32
        %parallel_loop3A_387 = arith.muli %parallel_loop3A_259, %parallel_loop3A_386 : i32
        %parallel_loop3A_388 = arith.constant 0 : i32
        %parallel_loop3A_389 = arith.addi %parallel_loop3A_387, %parallel_loop3A_388 : i32
        %parallel_loop3A_390 = arith.index_cast %parallel_loop3A_389 : i32 to index
        %parallel_loop3A_391 = arith.constant 208 : index
        %parallel_loop3A_392 = tpu.vector_load %arg9[%parallel_loop3A_390, %parallel_loop3A_391] {strides = array<i32>} : memref<64x256xf32, #tpu.memory_space<vmem>>, vector<16xf32>,
        tpu.vector_store %arg9[%parallel_loop3A_390, %parallel_loop3A_391], %parallel_loop3A_292 {strides = array<i32>} : memref<64x256xf32, #tpu.memory_space<vmem>>, vector<16xf32>,
        %parallel_loop3A_393 = arith.constant 16 : i32
        %parallel_loop3A_394 = arith.muli %parallel_loop3A_259, %parallel_loop3A_393 : i32
        %parallel_loop3A_395 = arith.constant 0 : i32
        %parallel_loop3A_396 = arith.addi %parallel_loop3A_394, %parallel_loop3A_395 : i32
        %parallel_loop3A_397 = arith.index_cast %parallel_loop3A_396 : i32 to index
        %parallel_loop3A_398 = arith.constant 224 : index
        %parallel_loop3A_399 = tpu.vector_load %arg9[%parallel_loop3A_397, %parallel_loop3A_398] {strides = array<i32>} : memref<64x256xf32, #tpu.memory_space<vmem>>, vector<16xf32>,
        tpu.vector_store %arg9[%parallel_loop3A_397, %parallel_loop3A_398], %parallel_loop3A_293 {strides = array<i32>} : memref<64x256xf32, #tpu.memory_space<vmem>>, vector<16xf32>,
        %parallel_loop3A_400 = arith.constant 16 : i32
        %parallel_loop3A_401 = arith.muli %parallel_loop3A_259, %parallel_loop3A_400 : i32
        %parallel_loop3A_402 = arith.constant 0 : i32
        %parallel_loop3A_403 = arith.addi %parallel_loop3A_401, %parallel_loop3A_402 : i32
        %parallel_loop3A_404 = arith.index_cast %parallel_loop3A_403 : i32 to index
        %parallel_loop3A_405 = arith.constant 240 : index
        %parallel_loop3A_406 = tpu.vector_load %arg9[%parallel_loop3A_404, %parallel_loop3A_405] {strides = array<i32>} : memref<64x256xf32, #tpu.memory_space<vmem>>, vector<16xf32>,
        tpu.vector_store %arg9[%parallel_loop3A_404, %parallel_loop3A_405], %parallel_loop3A_294 {strides = array<i32>} : memref<64x256xf32, #tpu.memory_space<vmem>>, vector<16xf32>,
        %parallel_loop3A_407 = arith.constant 0 : i32
        %parallel_loop3A_408 = vector.broadcast %parallel_loop3A_407 : i32 to vector<16xi32>
        %parallel_loop3A_409 = arith.cmpi slt, %broadcast_in_dim3A_37, %parallel_loop3A_408 : vector<16xi32>
        %parallel_loop3A_410 = arith.constant 16 : i32
        %parallel_loop3A_411 = vector.broadcast %parallel_loop3A_410 : i32 to vector<16xi32>
        %parallel_loop3A_412 = arith.addi %broadcast_in_dim3A_37, %parallel_loop3A_411 : vector<16xi32>
        %parallel_loop3A_413 = arith.select %parallel_loop3A_409, %parallel_loop3A_412, %broadcast_in_dim3A_37 : vector<16xi1>, vector<16xi32>
        %parallel_loop3A_414 = vector.shape_cast %parallel_loop3A_413 : vector<16xi32> to vector<16x1xi32>
        %parallel_loop3A_415 = vector.shape_cast %parallel_loop3A_414 : vector<16x1xi32> to vector<16xi32>
        %parallel_loop3A_416 = tpu.dynamic_gather %parallel_loop3A_268[%parallel_loop3A_415] in [0] : vector<16xi32>, vector<16xi32> -> vector<16xi32>
        %parallel_loop3A_417 = tpu.vector_load_idx %arg6[%parallel_loop3A_416, %add3A_68] : memref<256x256xf32, #tpu.memory_space<vmem>>[vector<16xi32>, vector<16xi32>], vector<16xf32>,
        %parallel_loop3A_418 = tpu.vector_load_idx %arg6[%parallel_loop3A_416, %add3A_72] : memref<256x256xf32, #tpu.memory_space<vmem>>[vector<16xi32>, vector<16xi32>], vector<16xf32>,
        %parallel_loop3A_419 = tpu.vector_load_idx %arg6[%parallel_loop3A_416, %add3A_76] : memref<256x256xf32, #tpu.memory_space<vmem>>[vector<16xi32>, vector<16xi32>], vector<16xf32>,
        %parallel_loop3A_420 = tpu.vector_load_idx %arg6[%parallel_loop3A_416, %add3A_80] : memref<256x256xf32, #tpu.memory_space<vmem>>[vector<16xi32>, vector<16xi32>], vector<16xf32>,
        %parallel_loop3A_421 = tpu.vector_load_idx %arg6[%parallel_loop3A_416, %add3A_84] : memref<256x256xf32, #tpu.memory_space<vmem>>[vector<16xi32>, vector<16xi32>], vector<16xf32>,
        %parallel_loop3A_422 = tpu.vector_load_idx %arg6[%parallel_loop3A_416, %add3A_88] : memref<256x256xf32, #tpu.memory_space<vmem>>[vector<16xi32>, vector<16xi32>], vector<16xf32>,
        %parallel_loop3A_423 = tpu.vector_load_idx %arg6[%parallel_loop3A_416, %add3A_92] : memref<256x256xf32, #tpu.memory_space<vmem>>[vector<16xi32>, vector<16xi32>], vector<16xf32>,
        %parallel_loop3A_424 = tpu.vector_load_idx %arg6[%parallel_loop3A_416, %add3A_96] : memref<256x256xf32, #tpu.memory_space<vmem>>[vector<16xi32>, vector<16xi32>], vector<16xf32>,
        %parallel_loop3A_425 = tpu.vector_load_idx %arg6[%parallel_loop3A_416, %add3A_100] : memref<256x256xf32, #tpu.memory_space<vmem>>[vector<16xi32>, vector<16xi32>], vector<16xf32>,
        %parallel_loop3A_426 = tpu.vector_load_idx %arg6[%parallel_loop3A_416, %add3A_104] : memref<256x256xf32, #tpu.memory_space<vmem>>[vector<16xi32>, vector<16xi32>], vector<16xf32>,
        %parallel_loop3A_427 = tpu.vector_load_idx %arg6[%parallel_loop3A_416, %add3A_108] : memref<256x256xf32, #tpu.memory_space<vmem>>[vector<16xi32>, vector<16xi32>], vector<16xf32>,
        %parallel_loop3A_428 = tpu.vector_load_idx %arg6[%parallel_loop3A_416, %add3A_112] : memref<256x256xf32, #tpu.memory_space<vmem>>[vector<16xi32>, vector<16xi32>], vector<16xf32>,
        %parallel_loop3A_429 = tpu.vector_load_idx %arg6[%parallel_loop3A_416, %add3A_116] : memref<256x256xf32, #tpu.memory_space<vmem>>[vector<16xi32>, vector<16xi32>], vector<16xf32>,
        %parallel_loop3A_430 = tpu.vector_load_idx %arg6[%parallel_loop3A_416, %add3A_120] : memref<256x256xf32, #tpu.memory_space<vmem>>[vector<16xi32>, vector<16xi32>], vector<16xf32>,
        %parallel_loop3A_431 = tpu.vector_load_idx %arg6[%parallel_loop3A_416, %add3A_124] : memref<256x256xf32, #tpu.memory_space<vmem>>[vector<16xi32>, vector<16xi32>], vector<16xf32>,
        %parallel_loop3A_432 = tpu.vector_load_idx %arg6[%parallel_loop3A_416, %add3A_128] : memref<256x256xf32, #tpu.memory_space<vmem>>[vector<16xi32>, vector<16xi32>], vector<16xf32>,
        %parallel_loop3A_433 = arith.constant 16 : i32
        %parallel_loop3A_434 = arith.muli %parallel_loop3A_259, %parallel_loop3A_433 : i32
        %parallel_loop3A_435 = arith.constant 1 : i32
        %parallel_loop3A_436 = arith.addi %parallel_loop3A_434, %parallel_loop3A_435 : i32
        %parallel_loop3A_437 = arith.index_cast %parallel_loop3A_436 : i32 to index
        %parallel_loop3A_438 = arith.constant 0 : index
        %parallel_loop3A_439 = tpu.vector_load %arg9[%parallel_loop3A_437, %parallel_loop3A_438] {strides = array<i32>} : memref<64x256xf32, #tpu.memory_space<vmem>>, vector<16xf32>,
        tpu.vector_store %arg9[%parallel_loop3A_437, %parallel_loop3A_438], %parallel_loop3A_417 {strides = array<i32>} : memref<64x256xf32, #tpu.memory_space<vmem>>, vector<16xf32>,
        %parallel_loop3A_440 = arith.constant 16 : i32
        %parallel_loop3A_441 = arith.muli %parallel_loop3A_259, %parallel_loop3A_440 : i32
        %parallel_loop3A_442 = arith.constant 1 : i32
        %parallel_loop3A_443 = arith.addi %parallel_loop3A_441, %parallel_loop3A_442 : i32
        %parallel_loop3A_444 = arith.index_cast %parallel_loop3A_443 : i32 to index
        %parallel_loop3A_445 = arith.constant 16 : index
        %parallel_loop3A_446 = tpu.vector_load %arg9[%parallel_loop3A_444, %parallel_loop3A_445] {strides = array<i32>} : memref<64x256xf32, #tpu.memory_space<vmem>>, vector<16xf32>,
        tpu.vector_store %arg9[%parallel_loop3A_444, %parallel_loop3A_445], %parallel_loop3A_418 {strides = array<i32>} : memref<64x256xf32, #tpu.memory_space<vmem>>, vector<16xf32>,
        %parallel_loop3A_447 = arith.constant 16 : i32
        %parallel_loop3A_448 = arith.muli %parallel_loop3A_259, %parallel_loop3A_447 : i32
        %parallel_loop3A_449 = arith.constant 1 : i32
        %parallel_loop3A_450 = arith.addi %parallel_loop3A_448, %parallel_loop3A_449 : i32
        %parallel_loop3A_451 = arith.index_cast %parallel_loop3A_450 : i32 to index
        %parallel_loop3A_452 = arith.constant 32 : index
        %parallel_loop3A_453 = tpu.vector_load %arg9[%parallel_loop3A_451, %parallel_loop3A_452] {strides = array<i32>} : memref<64x256xf32, #tpu.memory_space<vmem>>, vector<16xf32>,
        tpu.vector_store %arg9[%parallel_loop3A_451, %parallel_loop3A_452], %parallel_loop3A_419 {strides = array<i32>} : memref<64x256xf32, #tpu.memory_space<vmem>>, vector<16xf32>,
        %parallel_loop3A_454 = arith.constant 16 : i32
        %parallel_loop3A_455 = arith.muli %parallel_loop3A_259, %parallel_loop3A_454 : i32
        %parallel_loop3A_456 = arith.constant 1 : i32
        %parallel_loop3A_457 = arith.addi %parallel_loop3A_455, %parallel_loop3A_456 : i32
        %parallel_loop3A_458 = arith.index_cast %parallel_loop3A_457 : i32 to index
        %parallel_loop3A_459 = arith.constant 48 : index
        %parallel_loop3A_460 = tpu.vector_load %arg9[%parallel_loop3A_458, %parallel_loop3A_459] {strides = array<i32>} : memref<64x256xf32, #tpu.memory_space<vmem>>, vector<16xf32>,
        tpu.vector_store %arg9[%parallel_loop3A_458, %parallel_loop3A_459], %parallel_loop3A_420 {strides = array<i32>} : memref<64x256xf32, #tpu.memory_space<vmem>>, vector<16xf32>,
        %parallel_loop3A_461 = arith.constant 16 : i32
        %parallel_loop3A_462 = arith.muli %parallel_loop3A_259, %parallel_loop3A_461 : i32
        %parallel_loop3A_463 = arith.constant 1 : i32
        %parallel_loop3A_464 = arith.addi %parallel_loop3A_462, %parallel_loop3A_463 : i32
        %parallel_loop3A_465 = arith.index_cast %parallel_loop3A_464 : i32 to index
        %parallel_loop3A_466 = arith.constant 64 : index
        %parallel_loop3A_467 = tpu.vector_load %arg9[%parallel_loop3A_465, %parallel_loop3A_466] {strides = array<i32>} : memref<64x256xf32, #tpu.memory_space<vmem>>, vector<16xf32>,
        tpu.vector_store %arg9[%parallel_loop3A_465, %parallel_loop3A_466], %parallel_loop3A_421 {strides = array<i32>} : memref<64x256xf32, #tpu.memory_space<vmem>>, vector<16xf32>,
        %parallel_loop3A_468 = arith.constant 16 : i32
        %parallel_loop3A_469 = arith.muli %parallel_loop3A_259, %parallel_loop3A_468 : i32
        %parallel_loop3A_470 = arith.constant 1 : i32
        %parallel_loop3A_471 = arith.addi %parallel_loop3A_469, %parallel_loop3A_470 : i32
        %parallel_loop3A_472 = arith.index_cast %parallel_loop3A_471 : i32 to index
        %parallel_loop3A_473 = arith.constant 80 : index
        %parallel_loop3A_474 = tpu.vector_load %arg9[%parallel_loop3A_472, %parallel_loop3A_473] {strides = array<i32>} : memref<64x256xf32, #tpu.memory_space<vmem>>, vector<16xf32>,
        tpu.vector_store %arg9[%parallel_loop3A_472, %parallel_loop3A_473], %parallel_loop3A_422 {strides = array<i32>} : memref<64x256xf32, #tpu.memory_space<vmem>>, vector<16xf32>,
        %parallel_loop3A_475 = arith.constant 16 : i32
        %parallel_loop3A_476 = arith.muli %parallel_loop3A_259, %parallel_loop3A_475 : i32
        %parallel_loop3A_477 = arith.constant 1 : i32
        %parallel_loop3A_478 = arith.addi %parallel_loop3A_476, %parallel_loop3A_477 : i32
        %parallel_loop3A_479 = arith.index_cast %parallel_loop3A_478 : i32 to index
        %parallel_loop3A_480 = arith.constant 96 : index
        %parallel_loop3A_481 = tpu.vector_load %arg9[%parallel_loop3A_479, %parallel_loop3A_480] {strides = array<i32>} : memref<64x256xf32, #tpu.memory_space<vmem>>, vector<16xf32>,
        tpu.vector_store %arg9[%parallel_loop3A_479, %parallel_loop3A_480], %parallel_loop3A_423 {strides = array<i32>} : memref<64x256xf32, #tpu.memory_space<vmem>>, vector<16xf32>,
        %parallel_loop3A_482 = arith.constant 16 : i32
        %parallel_loop3A_483 = arith.muli %parallel_loop3A_259, %parallel_loop3A_482 : i32
        %parallel_loop3A_484 = arith.constant 1 : i32
        %parallel_loop3A_485 = arith.addi %parallel_loop3A_483, %parallel_loop3A_484 : i32
        %parallel_loop3A_486 = arith.index_cast %parallel_loop3A_485 : i32 to index
        %parallel_loop3A_487 = arith.constant 112 : index
        %parallel_loop3A_488 = tpu.vector_load %arg9[%parallel_loop3A_486, %parallel_loop3A_487] {strides = array<i32>} : memref<64x256xf32, #tpu.memory_space<vmem>>, vector<16xf32>,
        tpu.vector_store %arg9[%parallel_loop3A_486, %parallel_loop3A_487], %parallel_loop3A_424 {strides = array<i32>} : memref<64x256xf32, #tpu.memory_space<vmem>>, vector<16xf32>,
        %parallel_loop3A_489 = arith.constant 16 : i32
        %parallel_loop3A_490 = arith.muli %parallel_loop3A_259, %parallel_loop3A_489 : i32
        %parallel_loop3A_491 = arith.constant 1 : i32
        %parallel_loop3A_492 = arith.addi %parallel_loop3A_490, %parallel_loop3A_491 : i32
        %parallel_loop3A_493 = arith.index_cast %parallel_loop3A_492 : i32 to index
        %parallel_loop3A_494 = arith.constant 128 : index
        %parallel_loop3A_495 = tpu.vector_load %arg9[%parallel_loop3A_493, %parallel_loop3A_494] {strides = array<i32>} : memref<64x256xf32, #tpu.memory_space<vmem>>, vector<16xf32>,
        tpu.vector_store %arg9[%parallel_loop3A_493, %parallel_loop3A_494], %parallel_loop3A_425 {strides = array<i32>} : memref<64x256xf32, #tpu.memory_space<vmem>>, vector<16xf32>,
        %parallel_loop3A_496 = arith.constant 16 : i32
        %parallel_loop3A_497 = arith.muli %parallel_loop3A_259, %parallel_loop3A_496 : i32
        %parallel_loop3A_498 = arith.constant 1 : i32
        %parallel_loop3A_499 = arith.addi %parallel_loop3A_497, %parallel_loop3A_498 : i32
        %parallel_loop3A_500 = arith.index_cast %parallel_loop3A_499 : i32 to index
        %parallel_loop3A_501 = arith.constant 144 : index
        %parallel_loop3A_502 = tpu.vector_load %arg9[%parallel_loop3A_500, %parallel_loop3A_501] {strides = array<i32>} : memref<64x256xf32, #tpu.memory_space<vmem>>, vector<16xf32>,
        tpu.vector_store %arg9[%parallel_loop3A_500, %parallel_loop3A_501], %parallel_loop3A_426 {strides = array<i32>} : memref<64x256xf32, #tpu.memory_space<vmem>>, vector<16xf32>,
        %parallel_loop3A_503 = arith.constant 16 : i32
        %parallel_loop3A_504 = arith.muli %parallel_loop3A_259, %parallel_loop3A_503 : i32
        %parallel_loop3A_505 = arith.constant 1 : i32
        %parallel_loop3A_506 = arith.addi %parallel_loop3A_504, %parallel_loop3A_505 : i32
        %parallel_loop3A_507 = arith.index_cast %parallel_loop3A_506 : i32 to index
        %parallel_loop3A_508 = arith.constant 160 : index
        %parallel_loop3A_509 = tpu.vector_load %arg9[%parallel_loop3A_507, %parallel_loop3A_508] {strides = array<i32>} : memref<64x256xf32, #tpu.memory_space<vmem>>, vector<16xf32>,
        tpu.vector_store %arg9[%parallel_loop3A_507, %parallel_loop3A_508], %parallel_loop3A_427 {strides = array<i32>} : memref<64x256xf32, #tpu.memory_space<vmem>>, vector<16xf32>,
        %parallel_loop3A_510 = arith.constant 16 : i32
        %parallel_loop3A_511 = arith.muli %parallel_loop3A_259, %parallel_loop3A_510 : i32
        %parallel_loop3A_512 = arith.constant 1 : i32
        %parallel_loop3A_513 = arith.addi %parallel_loop3A_511, %parallel_loop3A_512 : i32
        %parallel_loop3A_514 = arith.index_cast %parallel_loop3A_513 : i32 to index
        %parallel_loop3A_515 = arith.constant 176 : index
        %parallel_loop3A_516 = tpu.vector_load %arg9[%parallel_loop3A_514, %parallel_loop3A_515] {strides = array<i32>} : memref<64x256xf32, #tpu.memory_space<vmem>>, vector<16xf32>,
        tpu.vector_store %arg9[%parallel_loop3A_514, %parallel_loop3A_515], %parallel_loop3A_428 {strides = array<i32>} : memref<64x256xf32, #tpu.memory_space<vmem>>, vector<16xf32>,
        %parallel_loop3A_517 = arith.constant 16 : i32
        %parallel_loop3A_518 = arith.muli %parallel_loop3A_259, %parallel_loop3A_517 : i32
        %parallel_loop3A_519 = arith.constant 1 : i32
        %parallel_loop3A_520 = arith.addi %parallel_loop3A_518, %parallel_loop3A_519 : i32
        %parallel_loop3A_521 = arith.index_cast %parallel_loop3A_520 : i32 to index
        %parallel_loop3A_522 = arith.constant 192 : index
        %parallel_loop3A_523 = tpu.vector_load %arg9[%parallel_loop3A_521, %parallel_loop3A_522] {strides = array<i32>} : memref<64x256xf32, #tpu.memory_space<vmem>>, vector<16xf32>,
        tpu.vector_store %arg9[%parallel_loop3A_521, %parallel_loop3A_522], %parallel_loop3A_429 {strides = array<i32>} : memref<64x256xf32, #tpu.memory_space<vmem>>, vector<16xf32>,
        %parallel_loop3A_524 = arith.constant 16 : i32
        %parallel_loop3A_525 = arith.muli %parallel_loop3A_259, %parallel_loop3A_524 : i32
        %parallel_loop3A_526 = arith.constant 1 : i32
        %parallel_loop3A_527 = arith.addi %parallel_loop3A_525, %parallel_loop3A_526 : i32
        %parallel_loop3A_528 = arith.index_cast %parallel_loop3A_527 : i32 to index
        %parallel_loop3A_529 = arith.constant 208 : index
        %parallel_loop3A_530 = tpu.vector_load %arg9[%parallel_loop3A_528, %parallel_loop3A_529] {strides = array<i32>} : memref<64x256xf32, #tpu.memory_space<vmem>>, vector<16xf32>,
        tpu.vector_store %arg9[%parallel_loop3A_528, %parallel_loop3A_529], %parallel_loop3A_430 {strides = array<i32>} : memref<64x256xf32, #tpu.memory_space<vmem>>, vector<16xf32>,
        %parallel_loop3A_531 = arith.constant 16 : i32
        %parallel_loop3A_532 = arith.muli %parallel_loop3A_259, %parallel_loop3A_531 : i32
        %parallel_loop3A_533 = arith.constant 1 : i32
        %parallel_loop3A_534 = arith.addi %parallel_loop3A_532, %parallel_loop3A_533 : i32
        %parallel_loop3A_535 = arith.index_cast %parallel_loop3A_534 : i32 to index
        %parallel_loop3A_536 = arith.constant 224 : index
        %parallel_loop3A_537 = tpu.vector_load %arg9[%parallel_loop3A_535, %parallel_loop3A_536] {strides = array<i32>} : memref<64x256xf32, #tpu.memory_space<vmem>>, vector<16xf32>,
        tpu.vector_store %arg9[%parallel_loop3A_535, %parallel_loop3A_536], %parallel_loop3A_431 {strides = array<i32>} : memref<64x256xf32, #tpu.memory_space<vmem>>, vector<16xf32>,
        %parallel_loop3A_538 = arith.constant 16 : i32
        %parallel_loop3A_539 = arith.muli %parallel_loop3A_259, %parallel_loop3A_538 : i32
        %parallel_loop3A_540 = arith.constant 1 : i32
        %parallel_loop3A_541 = arith.addi %parallel_loop3A_539, %parallel_loop3A_540 : i32
        %parallel_loop3A_542 = arith.index_cast %parallel_loop3A_541 : i32 to index
        %parallel_loop3A_543 = arith.constant 240 : index
        %parallel_loop3A_544 = tpu.vector_load %arg9[%parallel_loop3A_542, %parallel_loop3A_543] {strides = array<i32>} : memref<64x256xf32, #tpu.memory_space<vmem>>, vector<16xf32>,
        tpu.vector_store %arg9[%parallel_loop3A_542, %parallel_loop3A_543], %parallel_loop3A_432 {strides = array<i32>} : memref<64x256xf32, #tpu.memory_space<vmem>>, vector<16xf32>,
        %parallel_loop3A_545 = arith.constant 0 : i32
        %parallel_loop3A_546 = vector.broadcast %parallel_loop3A_545 : i32 to vector<16xi32>
        %parallel_loop3A_547 = arith.cmpi slt, %broadcast_in_dim3A_39, %parallel_loop3A_546 : vector<16xi32>
        %parallel_loop3A_548 = arith.constant 16 : i32
        %parallel_loop3A_549 = vector.broadcast %parallel_loop3A_548 : i32 to vector<16xi32>
        %parallel_loop3A_550 = arith.addi %broadcast_in_dim3A_39, %parallel_loop3A_549 : vector<16xi32>
        %parallel_loop3A_551 = arith.select %parallel_loop3A_547, %parallel_loop3A_550, %broadcast_in_dim3A_39 : vector<16xi1>, vector<16xi32>
        %parallel_loop3A_552 = vector.shape_cast %parallel_loop3A_551 : vector<16xi32> to vector<16x1xi32>
        %parallel_loop3A_553 = vector.shape_cast %parallel_loop3A_552 : vector<16x1xi32> to vector<16xi32>
        %parallel_loop3A_554 = tpu.dynamic_gather %parallel_loop3A_268[%parallel_loop3A_553] in [0] : vector<16xi32>, vector<16xi32> -> vector<16xi32>
        %parallel_loop3A_555 = tpu.vector_load_idx %arg6[%parallel_loop3A_554, %add3A_68] : memref<256x256xf32, #tpu.memory_space<vmem>>[vector<16xi32>, vector<16xi32>], vector<16xf32>,
        %parallel_loop3A_556 = tpu.vector_load_idx %arg6[%parallel_loop3A_554, %add3A_72] : memref<256x256xf32, #tpu.memory_space<vmem>>[vector<16xi32>, vector<16xi32>], vector<16xf32>,
        %parallel_loop3A_557 = tpu.vector_load_idx %arg6[%parallel_loop3A_554, %add3A_76] : memref<256x256xf32, #tpu.memory_space<vmem>>[vector<16xi32>, vector<16xi32>], vector<16xf32>,
        %parallel_loop3A_558 = tpu.vector_load_idx %arg6[%parallel_loop3A_554, %add3A_80] : memref<256x256xf32, #tpu.memory_space<vmem>>[vector<16xi32>, vector<16xi32>], vector<16xf32>,
        %parallel_loop3A_559 = tpu.vector_load_idx %arg6[%parallel_loop3A_554, %add3A_84] : memref<256x256xf32, #tpu.memory_space<vmem>>[vector<16xi32>, vector<16xi32>], vector<16xf32>,
        %parallel_loop3A_560 = tpu.vector_load_idx %arg6[%parallel_loop3A_554, %add3A_88] : memref<256x256xf32, #tpu.memory_space<vmem>>[vector<16xi32>, vector<16xi32>], vector<16xf32>,
        %parallel_loop3A_561 = tpu.vector_load_idx %arg6[%parallel_loop3A_554, %add3A_92] : memref<256x256xf32, #tpu.memory_space<vmem>>[vector<16xi32>, vector<16xi32>], vector<16xf32>,
        %parallel_loop3A_562 = tpu.vector_load_idx %arg6[%parallel_loop3A_554, %add3A_96] : memref<256x256xf32, #tpu.memory_space<vmem>>[vector<16xi32>, vector<16xi32>], vector<16xf32>,
        %parallel_loop3A_563 = tpu.vector_load_idx %arg6[%parallel_loop3A_554, %add3A_100] : memref<256x256xf32, #tpu.memory_space<vmem>>[vector<16xi32>, vector<16xi32>], vector<16xf32>,
        %parallel_loop3A_564 = tpu.vector_load_idx %arg6[%parallel_loop3A_554, %add3A_104] : memref<256x256xf32, #tpu.memory_space<vmem>>[vector<16xi32>, vector<16xi32>], vector<16xf32>,
        %parallel_loop3A_565 = tpu.vector_load_idx %arg6[%parallel_loop3A_554, %add3A_108] : memref<256x256xf32, #tpu.memory_space<vmem>>[vector<16xi32>, vector<16xi32>], vector<16xf32>,
        %parallel_loop3A_566 = tpu.vector_load_idx %arg6[%parallel_loop3A_554, %add3A_112] : memref<256x256xf32, #tpu.memory_space<vmem>>[vector<16xi32>, vector<16xi32>], vector<16xf32>,
        %parallel_loop3A_567 = tpu.vector_load_idx %arg6[%parallel_loop3A_554, %add3A_116] : memref<256x256xf32, #tpu.memory_space<vmem>>[vector<16xi32>, vector<16xi32>], vector<16xf32>,
        %parallel_loop3A_568 = tpu.vector_load_idx %arg6[%parallel_loop3A_554, %add3A_120] : memref<256x256xf32, #tpu.memory_space<vmem>>[vector<16xi32>, vector<16xi32>], vector<16xf32>,
        %parallel_loop3A_569 = tpu.vector_load_idx %arg6[%parallel_loop3A_554, %add3A_124] : memref<256x256xf32, #tpu.memory_space<vmem>>[vector<16xi32>, vector<16xi32>], vector<16xf32>,
        %parallel_loop3A_570 = tpu.vector_load_idx %arg6[%parallel_loop3A_554, %add3A_128] : memref<256x256xf32, #tpu.memory_space<vmem>>[vector<16xi32>, vector<16xi32>], vector<16xf32>,
        %parallel_loop3A_571 = arith.constant 16 : i32
        %parallel_loop3A_572 = arith.muli %parallel_loop3A_259, %parallel_loop3A_571 : i32
        %parallel_loop3A_573 = arith.constant 2 : i32
        %parallel_loop3A_574 = arith.addi %parallel_loop3A_572, %parallel_loop3A_573 : i32
        %parallel_loop3A_575 = arith.index_cast %parallel_loop3A_574 : i32 to index
        %parallel_loop3A_576 = arith.constant 0 : index
        %parallel_loop3A_577 = tpu.vector_load %arg9[%parallel_loop3A_575, %parallel_loop3A_576] {strides = array<i32>} : memref<64x256xf32, #tpu.memory_space<vmem>>, vector<16xf32>,
        tpu.vector_store %arg9[%parallel_loop3A_575, %parallel_loop3A_576], %parallel_loop3A_555 {strides = array<i32>} : memref<64x256xf32, #tpu.memory_space<vmem>>, vector<16xf32>,
        %parallel_loop3A_578 = arith.constant 16 : i32
        %parallel_loop3A_579 = arith.muli %parallel_loop3A_259, %parallel_loop3A_578 : i32
        %parallel_loop3A_580 = arith.constant 2 : i32
        %parallel_loop3A_581 = arith.addi %parallel_loop3A_579, %parallel_loop3A_580 : i32
        %parallel_loop3A_582 = arith.index_cast %parallel_loop3A_581 : i32 to index
        %parallel_loop3A_583 = arith.constant 16 : index
        %parallel_loop3A_584 = tpu.vector_load %arg9[%parallel_loop3A_582, %parallel_loop3A_583] {strides = array<i32>} : memref<64x256xf32, #tpu.memory_space<vmem>>, vector<16xf32>,
        tpu.vector_store %arg9[%parallel_loop3A_582, %parallel_loop3A_583], %parallel_loop3A_556 {strides = array<i32>} : memref<64x256xf32, #tpu.memory_space<vmem>>, vector<16xf32>,
        %parallel_loop3A_585 = arith.constant 16 : i32
        %parallel_loop3A_586 = arith.muli %parallel_loop3A_259, %parallel_loop3A_585 : i32
        %parallel_loop3A_587 = arith.constant 2 : i32
        %parallel_loop3A_588 = arith.addi %parallel_loop3A_586, %parallel_loop3A_587 : i32
        %parallel_loop3A_589 = arith.index_cast %parallel_loop3A_588 : i32 to index
        %parallel_loop3A_590 = arith.constant 32 : index
        %parallel_loop3A_591 = tpu.vector_load %arg9[%parallel_loop3A_589, %parallel_loop3A_590] {strides = array<i32>} : memref<64x256xf32, #tpu.memory_space<vmem>>, vector<16xf32>,
        tpu.vector_store %arg9[%parallel_loop3A_589, %parallel_loop3A_590], %parallel_loop3A_557 {strides = array<i32>} : memref<64x256xf32, #tpu.memory_space<vmem>>, vector<16xf32>,
        %parallel_loop3A_592 = arith.constant 16 : i32
        %parallel_loop3A_593 = arith.muli %parallel_loop3A_259, %parallel_loop3A_592 : i32
        %parallel_loop3A_594 = arith.constant 2 : i32
        %parallel_loop3A_595 = arith.addi %parallel_loop3A_593, %parallel_loop3A_594 : i32
        %parallel_loop3A_596 = arith.index_cast %parallel_loop3A_595 : i32 to index
        %parallel_loop3A_597 = arith.constant 48 : index
        %parallel_loop3A_598 = tpu.vector_load %arg9[%parallel_loop3A_596, %parallel_loop3A_597] {strides = array<i32>} : memref<64x256xf32, #tpu.memory_space<vmem>>, vector<16xf32>,
        tpu.vector_store %arg9[%parallel_loop3A_596, %parallel_loop3A_597], %parallel_loop3A_558 {strides = array<i32>} : memref<64x256xf32, #tpu.memory_space<vmem>>, vector<16xf32>,
        %parallel_loop3A_599 = arith.constant 16 : i32
        %parallel_loop3A_600 = arith.muli %parallel_loop3A_259, %parallel_loop3A_599 : i32
        %parallel_loop3A_601 = arith.constant 2 : i32
        %parallel_loop3A_602 = arith.addi %parallel_loop3A_600, %parallel_loop3A_601 : i32
        %parallel_loop3A_603 = arith.index_cast %parallel_loop3A_602 : i32 to index
        %parallel_loop3A_604 = arith.constant 64 : index
        %parallel_loop3A_605 = tpu.vector_load %arg9[%parallel_loop3A_603, %parallel_loop3A_604] {strides = array<i32>} : memref<64x256xf32, #tpu.memory_space<vmem>>, vector<16xf32>,
        tpu.vector_store %arg9[%parallel_loop3A_603, %parallel_loop3A_604], %parallel_loop3A_559 {strides = array<i32>} : memref<64x256xf32, #tpu.memory_space<vmem>>, vector<16xf32>,
        %parallel_loop3A_606 = arith.constant 16 : i32
        %parallel_loop3A_607 = arith.muli %parallel_loop3A_259, %parallel_loop3A_606 : i32
        %parallel_loop3A_608 = arith.constant 2 : i32
        %parallel_loop3A_609 = arith.addi %parallel_loop3A_607, %parallel_loop3A_608 : i32
        %parallel_loop3A_610 = arith.index_cast %parallel_loop3A_609 : i32 to index
        %parallel_loop3A_611 = arith.constant 80 : index
        %parallel_loop3A_612 = tpu.vector_load %arg9[%parallel_loop3A_610, %parallel_loop3A_611] {strides = array<i32>} : memref<64x256xf32, #tpu.memory_space<vmem>>, vector<16xf32>,
        tpu.vector_store %arg9[%parallel_loop3A_610, %parallel_loop3A_611], %parallel_loop3A_560 {strides = array<i32>} : memref<64x256xf32, #tpu.memory_space<vmem>>, vector<16xf32>,
        %parallel_loop3A_613 = arith.constant 16 : i32
        %parallel_loop3A_614 = arith.muli %parallel_loop3A_259, %parallel_loop3A_613 : i32
        %parallel_loop3A_615 = arith.constant 2 : i32
        %parallel_loop3A_616 = arith.addi %parallel_loop3A_614, %parallel_loop3A_615 : i32
        %parallel_loop3A_617 = arith.index_cast %parallel_loop3A_616 : i32 to index
        %parallel_loop3A_618 = arith.constant 96 : index
        %parallel_loop3A_619 = tpu.vector_load %arg9[%parallel_loop3A_617, %parallel_loop3A_618] {strides = array<i32>} : memref<64x256xf32, #tpu.memory_space<vmem>>, vector<16xf32>,
        tpu.vector_store %arg9[%parallel_loop3A_617, %parallel_loop3A_618], %parallel_loop3A_561 {strides = array<i32>} : memref<64x256xf32, #tpu.memory_space<vmem>>, vector<16xf32>,
        %parallel_loop3A_620 = arith.constant 16 : i32
        %parallel_loop3A_621 = arith.muli %parallel_loop3A_259, %parallel_loop3A_620 : i32
        %parallel_loop3A_622 = arith.constant 2 : i32
        %parallel_loop3A_623 = arith.addi %parallel_loop3A_621, %parallel_loop3A_622 : i32
        %parallel_loop3A_624 = arith.index_cast %parallel_loop3A_623 : i32 to index
        %parallel_loop3A_625 = arith.constant 112 : index
        %parallel_loop3A_626 = tpu.vector_load %arg9[%parallel_loop3A_624, %parallel_loop3A_625] {strides = array<i32>} : memref<64x256xf32, #tpu.memory_space<vmem>>, vector<16xf32>,
        tpu.vector_store %arg9[%parallel_loop3A_624, %parallel_loop3A_625], %parallel_loop3A_562 {strides = array<i32>} : memref<64x256xf32, #tpu.memory_space<vmem>>, vector<16xf32>,
        %parallel_loop3A_627 = arith.constant 16 : i32
        %parallel_loop3A_628 = arith.muli %parallel_loop3A_259, %parallel_loop3A_627 : i32
        %parallel_loop3A_629 = arith.constant 2 : i32
        %parallel_loop3A_630 = arith.addi %parallel_loop3A_628, %parallel_loop3A_629 : i32
        %parallel_loop3A_631 = arith.index_cast %parallel_loop3A_630 : i32 to index
        %parallel_loop3A_632 = arith.constant 128 : index
        %parallel_loop3A_633 = tpu.vector_load %arg9[%parallel_loop3A_631, %parallel_loop3A_632] {strides = array<i32>} : memref<64x256xf32, #tpu.memory_space<vmem>>, vector<16xf32>,
        tpu.vector_store %arg9[%parallel_loop3A_631, %parallel_loop3A_632], %parallel_loop3A_563 {strides = array<i32>} : memref<64x256xf32, #tpu.memory_space<vmem>>, vector<16xf32>,
        %parallel_loop3A_634 = arith.constant 16 : i32
        %parallel_loop3A_635 = arith.muli %parallel_loop3A_259, %parallel_loop3A_634 : i32
        %parallel_loop3A_636 = arith.constant 2 : i32
        %parallel_loop3A_637 = arith.addi %parallel_loop3A_635, %parallel_loop3A_636 : i32
        %parallel_loop3A_638 = arith.index_cast %parallel_loop3A_637 : i32 to index
        %parallel_loop3A_639 = arith.constant 144 : index
        %parallel_loop3A_640 = tpu.vector_load %arg9[%parallel_loop3A_638, %parallel_loop3A_639] {strides = array<i32>} : memref<64x256xf32, #tpu.memory_space<vmem>>, vector<16xf32>,
        tpu.vector_store %arg9[%parallel_loop3A_638, %parallel_loop3A_639], %parallel_loop3A_564 {strides = array<i32>} : memref<64x256xf32, #tpu.memory_space<vmem>>, vector<16xf32>,
        %parallel_loop3A_641 = arith.constant 16 : i32
        %parallel_loop3A_642 = arith.muli %parallel_loop3A_259, %parallel_loop3A_641 : i32
        %parallel_loop3A_643 = arith.constant 2 : i32
        %parallel_loop3A_644 = arith.addi %parallel_loop3A_642, %parallel_loop3A_643 : i32
        %parallel_loop3A_645 = arith.index_cast %parallel_loop3A_644 : i32 to index
        %parallel_loop3A_646 = arith.constant 160 : index
        %parallel_loop3A_647 = tpu.vector_load %arg9[%parallel_loop3A_645, %parallel_loop3A_646] {strides = array<i32>} : memref<64x256xf32, #tpu.memory_space<vmem>>, vector<16xf32>,
        tpu.vector_store %arg9[%parallel_loop3A_645, %parallel_loop3A_646], %parallel_loop3A_565 {strides = array<i32>} : memref<64x256xf32, #tpu.memory_space<vmem>>, vector<16xf32>,
        %parallel_loop3A_648 = arith.constant 16 : i32
        %parallel_loop3A_649 = arith.muli %parallel_loop3A_259, %parallel_loop3A_648 : i32
        %parallel_loop3A_650 = arith.constant 2 : i32
        %parallel_loop3A_651 = arith.addi %parallel_loop3A_649, %parallel_loop3A_650 : i32
        %parallel_loop3A_652 = arith.index_cast %parallel_loop3A_651 : i32 to index
        %parallel_loop3A_653 = arith.constant 176 : index
        %parallel_loop3A_654 = tpu.vector_load %arg9[%parallel_loop3A_652, %parallel_loop3A_653] {strides = array<i32>} : memref<64x256xf32, #tpu.memory_space<vmem>>, vector<16xf32>,
        tpu.vector_store %arg9[%parallel_loop3A_652, %parallel_loop3A_653], %parallel_loop3A_566 {strides = array<i32>} : memref<64x256xf32, #tpu.memory_space<vmem>>, vector<16xf32>,
        %parallel_loop3A_655 = arith.constant 16 : i32
        %parallel_loop3A_656 = arith.muli %parallel_loop3A_259, %parallel_loop3A_655 : i32
        %parallel_loop3A_657 = arith.constant 2 : i32
        %parallel_loop3A_658 = arith.addi %parallel_loop3A_656, %parallel_loop3A_657 : i32
        %parallel_loop3A_659 = arith.index_cast %parallel_loop3A_658 : i32 to index
        %parallel_loop3A_660 = arith.constant 192 : index
        %parallel_loop3A_661 = tpu.vector_load %arg9[%parallel_loop3A_659, %parallel_loop3A_660] {strides = array<i32>} : memref<64x256xf32, #tpu.memory_space<vmem>>, vector<16xf32>,
        tpu.vector_store %arg9[%parallel_loop3A_659, %parallel_loop3A_660], %parallel_loop3A_567 {strides = array<i32>} : memref<64x256xf32, #tpu.memory_space<vmem>>, vector<16xf32>,
        %parallel_loop3A_662 = arith.constant 16 : i32
        %parallel_loop3A_663 = arith.muli %parallel_loop3A_259, %parallel_loop3A_662 : i32
        %parallel_loop3A_664 = arith.constant 2 : i32
        %parallel_loop3A_665 = arith.addi %parallel_loop3A_663, %parallel_loop3A_664 : i32
        %parallel_loop3A_666 = arith.index_cast %parallel_loop3A_665 : i32 to index
        %parallel_loop3A_667 = arith.constant 208 : index
        %parallel_loop3A_668 = tpu.vector_load %arg9[%parallel_loop3A_666, %parallel_loop3A_667] {strides = array<i32>} : memref<64x256xf32, #tpu.memory_space<vmem>>, vector<16xf32>,
        tpu.vector_store %arg9[%parallel_loop3A_666, %parallel_loop3A_667], %parallel_loop3A_568 {strides = array<i32>} : memref<64x256xf32, #tpu.memory_space<vmem>>, vector<16xf32>,
        %parallel_loop3A_669 = arith.constant 16 : i32
        %parallel_loop3A_670 = arith.muli %parallel_loop3A_259, %parallel_loop3A_669 : i32
        %parallel_loop3A_671 = arith.constant 2 : i32
        %parallel_loop3A_672 = arith.addi %parallel_loop3A_670, %parallel_loop3A_671 : i32
        %parallel_loop3A_673 = arith.index_cast %parallel_loop3A_672 : i32 to index
        %parallel_loop3A_674 = arith.constant 224 : index
        %parallel_loop3A_675 = tpu.vector_load %arg9[%parallel_loop3A_673, %parallel_loop3A_674] {strides = array<i32>} : memref<64x256xf32, #tpu.memory_space<vmem>>, vector<16xf32>,
        tpu.vector_store %arg9[%parallel_loop3A_673, %parallel_loop3A_674], %parallel_loop3A_569 {strides = array<i32>} : memref<64x256xf32, #tpu.memory_space<vmem>>, vector<16xf32>,
        %parallel_loop3A_676 = arith.constant 16 : i32
        %parallel_loop3A_677 = arith.muli %parallel_loop3A_259, %parallel_loop3A_676 : i32
        %parallel_loop3A_678 = arith.constant 2 : i32
        %parallel_loop3A_679 = arith.addi %parallel_loop3A_677, %parallel_loop3A_678 : i32
        %parallel_loop3A_680 = arith.index_cast %parallel_loop3A_679 : i32 to index
        %parallel_loop3A_681 = arith.constant 240 : index
        %parallel_loop3A_682 = tpu.vector_load %arg9[%parallel_loop3A_680, %parallel_loop3A_681] {strides = array<i32>} : memref<64x256xf32, #tpu.memory_space<vmem>>, vector<16xf32>,
        tpu.vector_store %arg9[%parallel_loop3A_680, %parallel_loop3A_681], %parallel_loop3A_570 {strides = array<i32>} : memref<64x256xf32, #tpu.memory_space<vmem>>, vector<16xf32>,
        %parallel_loop3A_683 = arith.constant 0 : i32
        %parallel_loop3A_684 = vector.broadcast %parallel_loop3A_683 : i32 to vector<16xi32>
        %parallel_loop3A_685 = arith.cmpi slt, %broadcast_in_dim3A_41, %parallel_loop3A_684 : vector<16xi32>
        %parallel_loop3A_686 = arith.constant 16 : i32
        %parallel_loop3A_687 = vector.broadcast %parallel_loop3A_686 : i32 to vector<16xi32>
        %parallel_loop3A_688 = arith.addi %broadcast_in_dim3A_41, %parallel_loop3A_687 : vector<16xi32>
        %parallel_loop3A_689 = arith.select %parallel_loop3A_685, %parallel_loop3A_688, %broadcast_in_dim3A_41 : vector<16xi1>, vector<16xi32>
        %parallel_loop3A_690 = vector.shape_cast %parallel_loop3A_689 : vector<16xi32> to vector<16x1xi32>
        %parallel_loop3A_691 = vector.shape_cast %parallel_loop3A_690 : vector<16x1xi32> to vector<16xi32>
        %parallel_loop3A_692 = tpu.dynamic_gather %parallel_loop3A_268[%parallel_loop3A_691] in [0] : vector<16xi32>, vector<16xi32> -> vector<16xi32>
        %parallel_loop3A_693 = tpu.vector_load_idx %arg6[%parallel_loop3A_692, %add3A_68] : memref<256x256xf32, #tpu.memory_space<vmem>>[vector<16xi32>, vector<16xi32>], vector<16xf32>,
        %parallel_loop3A_694 = tpu.vector_load_idx %arg6[%parallel_loop3A_692, %add3A_72] : memref<256x256xf32, #tpu.memory_space<vmem>>[vector<16xi32>, vector<16xi32>], vector<16xf32>,
        %parallel_loop3A_695 = tpu.vector_load_idx %arg6[%parallel_loop3A_692, %add3A_76] : memref<256x256xf32, #tpu.memory_space<vmem>>[vector<16xi32>, vector<16xi32>], vector<16xf32>,
        %parallel_loop3A_696 = tpu.vector_load_idx %arg6[%parallel_loop3A_692, %add3A_80] : memref<256x256xf32, #tpu.memory_space<vmem>>[vector<16xi32>, vector<16xi32>], vector<16xf32>,
        %parallel_loop3A_697 = tpu.vector_load_idx %arg6[%parallel_loop3A_692, %add3A_84] : memref<256x256xf32, #tpu.memory_space<vmem>>[vector<16xi32>, vector<16xi32>], vector<16xf32>,
        %parallel_loop3A_698 = tpu.vector_load_idx %arg6[%parallel_loop3A_692, %add3A_88] : memref<256x256xf32, #tpu.memory_space<vmem>>[vector<16xi32>, vector<16xi32>], vector<16xf32>,
        %parallel_loop3A_699 = tpu.vector_load_idx %arg6[%parallel_loop3A_692, %add3A_92] : memref<256x256xf32, #tpu.memory_space<vmem>>[vector<16xi32>, vector<16xi32>], vector<16xf32>,
        %parallel_loop3A_700 = tpu.vector_load_idx %arg6[%parallel_loop3A_692, %add3A_96] : memref<256x256xf32, #tpu.memory_space<vmem>>[vector<16xi32>, vector<16xi32>], vector<16xf32>,
        %parallel_loop3A_701 = tpu.vector_load_idx %arg6[%parallel_loop3A_692, %add3A_100] : memref<256x256xf32, #tpu.memory_space<vmem>>[vector<16xi32>, vector<16xi32>], vector<16xf32>,
        %parallel_loop3A_702 = tpu.vector_load_idx %arg6[%parallel_loop3A_692, %add3A_104] : memref<256x256xf32, #tpu.memory_space<vmem>>[vector<16xi32>, vector<16xi32>], vector<16xf32>,
        %parallel_loop3A_703 = tpu.vector_load_idx %arg6[%parallel_loop3A_692, %add3A_108] : memref<256x256xf32, #tpu.memory_space<vmem>>[vector<16xi32>, vector<16xi32>], vector<16xf32>,
        %parallel_loop3A_704 = tpu.vector_load_idx %arg6[%parallel_loop3A_692, %add3A_112] : memref<256x256xf32, #tpu.memory_space<vmem>>[vector<16xi32>, vector<16xi32>], vector<16xf32>,
        %parallel_loop3A_705 = tpu.vector_load_idx %arg6[%parallel_loop3A_692, %add3A_116] : memref<256x256xf32, #tpu.memory_space<vmem>>[vector<16xi32>, vector<16xi32>], vector<16xf32>,
        %parallel_loop3A_706 = tpu.vector_load_idx %arg6[%parallel_loop3A_692, %add3A_120] : memref<256x256xf32, #tpu.memory_space<vmem>>[vector<16xi32>, vector<16xi32>], vector<16xf32>,
        %parallel_loop3A_707 = tpu.vector_load_idx %arg6[%parallel_loop3A_692, %add3A_124] : memref<256x256xf32, #tpu.memory_space<vmem>>[vector<16xi32>, vector<16xi32>], vector<16xf32>,
        %parallel_loop3A_708 = tpu.vector_load_idx %arg6[%parallel_loop3A_692, %add3A_128] : memref<256x256xf32, #tpu.memory_space<vmem>>[vector<16xi32>, vector<16xi32>], vector<16xf32>,
        %parallel_loop3A_709 = arith.constant 16 : i32
        %parallel_loop3A_710 = arith.muli %parallel_loop3A_259, %parallel_loop3A_709 : i32
        %parallel_loop3A_711 = arith.constant 3 : i32
        %parallel_loop3A_712 = arith.addi %parallel_loop3A_710, %parallel_loop3A_711 : i32
        %parallel_loop3A_713 = arith.index_cast %parallel_loop3A_712 : i32 to index
        %parallel_loop3A_714 = arith.constant 0 : index
        %parallel_loop3A_715 = tpu.vector_load %arg9[%parallel_loop3A_713, %parallel_loop3A_714] {strides = array<i32>} : memref<64x256xf32, #tpu.memory_space<vmem>>, vector<16xf32>,
        tpu.vector_store %arg9[%parallel_loop3A_713, %parallel_loop3A_714], %parallel_loop3A_693 {strides = array<i32>} : memref<64x256xf32, #tpu.memory_space<vmem>>, vector<16xf32>,
        %parallel_loop3A_716 = arith.constant 16 : i32
        %parallel_loop3A_717 = arith.muli %parallel_loop3A_259, %parallel_loop3A_716 : i32
        %parallel_loop3A_718 = arith.constant 3 : i32
        %parallel_loop3A_719 = arith.addi %parallel_loop3A_717, %parallel_loop3A_718 : i32
        %parallel_loop3A_720 = arith.index_cast %parallel_loop3A_719 : i32 to index
        %parallel_loop3A_721 = arith.constant 16 : index
        %parallel_loop3A_722 = tpu.vector_load %arg9[%parallel_loop3A_720, %parallel_loop3A_721] {strides = array<i32>} : memref<64x256xf32, #tpu.memory_space<vmem>>, vector<16xf32>,
        tpu.vector_store %arg9[%parallel_loop3A_720, %parallel_loop3A_721], %parallel_loop3A_694 {strides = array<i32>} : memref<64x256xf32, #tpu.memory_space<vmem>>, vector<16xf32>,
        %parallel_loop3A_723 = arith.constant 16 : i32
        %parallel_loop3A_724 = arith.muli %parallel_loop3A_259, %parallel_loop3A_723 : i32
        %parallel_loop3A_725 = arith.constant 3 : i32
        %parallel_loop3A_726 = arith.addi %parallel_loop3A_724, %parallel_loop3A_725 : i32
        %parallel_loop3A_727 = arith.index_cast %parallel_loop3A_726 : i32 to index
        %parallel_loop3A_728 = arith.constant 32 : index
        %parallel_loop3A_729 = tpu.vector_load %arg9[%parallel_loop3A_727, %parallel_loop3A_728] {strides = array<i32>} : memref<64x256xf32, #tpu.memory_space<vmem>>, vector<16xf32>,
        tpu.vector_store %arg9[%parallel_loop3A_727, %parallel_loop3A_728], %parallel_loop3A_695 {strides = array<i32>} : memref<64x256xf32, #tpu.memory_space<vmem>>, vector<16xf32>,
        %parallel_loop3A_730 = arith.constant 16 : i32
        %parallel_loop3A_731 = arith.muli %parallel_loop3A_259, %parallel_loop3A_730 : i32
        %parallel_loop3A_732 = arith.constant 3 : i32
        %parallel_loop3A_733 = arith.addi %parallel_loop3A_731, %parallel_loop3A_732 : i32
        %parallel_loop3A_734 = arith.index_cast %parallel_loop3A_733 : i32 to index
        %parallel_loop3A_735 = arith.constant 48 : index
        %parallel_loop3A_736 = tpu.vector_load %arg9[%parallel_loop3A_734, %parallel_loop3A_735] {strides = array<i32>} : memref<64x256xf32, #tpu.memory_space<vmem>>, vector<16xf32>,
        tpu.vector_store %arg9[%parallel_loop3A_734, %parallel_loop3A_735], %parallel_loop3A_696 {strides = array<i32>} : memref<64x256xf32, #tpu.memory_space<vmem>>, vector<16xf32>,
        %parallel_loop3A_737 = arith.constant 16 : i32
        %parallel_loop3A_738 = arith.muli %parallel_loop3A_259, %parallel_loop3A_737 : i32
        %parallel_loop3A_739 = arith.constant 3 : i32
        %parallel_loop3A_740 = arith.addi %parallel_loop3A_738, %parallel_loop3A_739 : i32
        %parallel_loop3A_741 = arith.index_cast %parallel_loop3A_740 : i32 to index
        %parallel_loop3A_742 = arith.constant 64 : index
        %parallel_loop3A_743 = tpu.vector_load %arg9[%parallel_loop3A_741, %parallel_loop3A_742] {strides = array<i32>} : memref<64x256xf32, #tpu.memory_space<vmem>>, vector<16xf32>,
        tpu.vector_store %arg9[%parallel_loop3A_741, %parallel_loop3A_742], %parallel_loop3A_697 {strides = array<i32>} : memref<64x256xf32, #tpu.memory_space<vmem>>, vector<16xf32>,
        %parallel_loop3A_744 = arith.constant 16 : i32
        %parallel_loop3A_745 = arith.muli %parallel_loop3A_259, %parallel_loop3A_744 : i32
        %parallel_loop3A_746 = arith.constant 3 : i32
        %parallel_loop3A_747 = arith.addi %parallel_loop3A_745, %parallel_loop3A_746 : i32
        %parallel_loop3A_748 = arith.index_cast %parallel_loop3A_747 : i32 to index
        %parallel_loop3A_749 = arith.constant 80 : index
        %parallel_loop3A_750 = tpu.vector_load %arg9[%parallel_loop3A_748, %parallel_loop3A_749] {strides = array<i32>} : memref<64x256xf32, #tpu.memory_space<vmem>>, vector<16xf32>,
        tpu.vector_store %arg9[%parallel_loop3A_748, %parallel_loop3A_749], %parallel_loop3A_698 {strides = array<i32>} : memref<64x256xf32, #tpu.memory_space<vmem>>, vector<16xf32>,
        %parallel_loop3A_751 = arith.constant 16 : i32
        %parallel_loop3A_752 = arith.muli %parallel_loop3A_259, %parallel_loop3A_751 : i32
        %parallel_loop3A_753 = arith.constant 3 : i32
        %parallel_loop3A_754 = arith.addi %parallel_loop3A_752, %parallel_loop3A_753 : i32
        %parallel_loop3A_755 = arith.index_cast %parallel_loop3A_754 : i32 to index
        %parallel_loop3A_756 = arith.constant 96 : index
        %parallel_loop3A_757 = tpu.vector_load %arg9[%parallel_loop3A_755, %parallel_loop3A_756] {strides = array<i32>} : memref<64x256xf32, #tpu.memory_space<vmem>>, vector<16xf32>,
        tpu.vector_store %arg9[%parallel_loop3A_755, %parallel_loop3A_756], %parallel_loop3A_699 {strides = array<i32>} : memref<64x256xf32, #tpu.memory_space<vmem>>, vector<16xf32>,
        %parallel_loop3A_758 = arith.constant 16 : i32
        %parallel_loop3A_759 = arith.muli %parallel_loop3A_259, %parallel_loop3A_758 : i32
        %parallel_loop3A_760 = arith.constant 3 : i32
        %parallel_loop3A_761 = arith.addi %parallel_loop3A_759, %parallel_loop3A_760 : i32
        %parallel_loop3A_762 = arith.index_cast %parallel_loop3A_761 : i32 to index
        %parallel_loop3A_763 = arith.constant 112 : index
        %parallel_loop3A_764 = tpu.vector_load %arg9[%parallel_loop3A_762, %parallel_loop3A_763] {strides = array<i32>} : memref<64x256xf32, #tpu.memory_space<vmem>>, vector<16xf32>,
        tpu.vector_store %arg9[%parallel_loop3A_762, %parallel_loop3A_763], %parallel_loop3A_700 {strides = array<i32>} : memref<64x256xf32, #tpu.memory_space<vmem>>, vector<16xf32>,
        %parallel_loop3A_765 = arith.constant 16 : i32
        %parallel_loop3A_766 = arith.muli %parallel_loop3A_259, %parallel_loop3A_765 : i32
        %parallel_loop3A_767 = arith.constant 3 : i32
        %parallel_loop3A_768 = arith.addi %parallel_loop3A_766, %parallel_loop3A_767 : i32
        %parallel_loop3A_769 = arith.index_cast %parallel_loop3A_768 : i32 to index
        %parallel_loop3A_770 = arith.constant 128 : index
        %parallel_loop3A_771 = tpu.vector_load %arg9[%parallel_loop3A_769, %parallel_loop3A_770] {strides = array<i32>} : memref<64x256xf32, #tpu.memory_space<vmem>>, vector<16xf32>,
        tpu.vector_store %arg9[%parallel_loop3A_769, %parallel_loop3A_770], %parallel_loop3A_701 {strides = array<i32>} : memref<64x256xf32, #tpu.memory_space<vmem>>, vector<16xf32>,
        %parallel_loop3A_772 = arith.constant 16 : i32
        %parallel_loop3A_773 = arith.muli %parallel_loop3A_259, %parallel_loop3A_772 : i32
        %parallel_loop3A_774 = arith.constant 3 : i32
        %parallel_loop3A_775 = arith.addi %parallel_loop3A_773, %parallel_loop3A_774 : i32
        %parallel_loop3A_776 = arith.index_cast %parallel_loop3A_775 : i32 to index
        %parallel_loop3A_777 = arith.constant 144 : index
        %parallel_loop3A_778 = tpu.vector_load %arg9[%parallel_loop3A_776, %parallel_loop3A_777] {strides = array<i32>} : memref<64x256xf32, #tpu.memory_space<vmem>>, vector<16xf32>,
        tpu.vector_store %arg9[%parallel_loop3A_776, %parallel_loop3A_777], %parallel_loop3A_702 {strides = array<i32>} : memref<64x256xf32, #tpu.memory_space<vmem>>, vector<16xf32>,
        %parallel_loop3A_779 = arith.constant 16 : i32
        %parallel_loop3A_780 = arith.muli %parallel_loop3A_259, %parallel_loop3A_779 : i32
        %parallel_loop3A_781 = arith.constant 3 : i32
        %parallel_loop3A_782 = arith.addi %parallel_loop3A_780, %parallel_loop3A_781 : i32
        %parallel_loop3A_783 = arith.index_cast %parallel_loop3A_782 : i32 to index
        %parallel_loop3A_784 = arith.constant 160 : index
        %parallel_loop3A_785 = tpu.vector_load %arg9[%parallel_loop3A_783, %parallel_loop3A_784] {strides = array<i32>} : memref<64x256xf32, #tpu.memory_space<vmem>>, vector<16xf32>,
        tpu.vector_store %arg9[%parallel_loop3A_783, %parallel_loop3A_784], %parallel_loop3A_703 {strides = array<i32>} : memref<64x256xf32, #tpu.memory_space<vmem>>, vector<16xf32>,
        %parallel_loop3A_786 = arith.constant 16 : i32
        %parallel_loop3A_787 = arith.muli %parallel_loop3A_259, %parallel_loop3A_786 : i32
        %parallel_loop3A_788 = arith.constant 3 : i32
        %parallel_loop3A_789 = arith.addi %parallel_loop3A_787, %parallel_loop3A_788 : i32
        %parallel_loop3A_790 = arith.index_cast %parallel_loop3A_789 : i32 to index
        %parallel_loop3A_791 = arith.constant 176 : index
        %parallel_loop3A_792 = tpu.vector_load %arg9[%parallel_loop3A_790, %parallel_loop3A_791] {strides = array<i32>} : memref<64x256xf32, #tpu.memory_space<vmem>>, vector<16xf32>,
        tpu.vector_store %arg9[%parallel_loop3A_790, %parallel_loop3A_791], %parallel_loop3A_704 {strides = array<i32>} : memref<64x256xf32, #tpu.memory_space<vmem>>, vector<16xf32>,
        %parallel_loop3A_793 = arith.constant 16 : i32
        %parallel_loop3A_794 = arith.muli %parallel_loop3A_259, %parallel_loop3A_793 : i32
        %parallel_loop3A_795 = arith.constant 3 : i32
        %parallel_loop3A_796 = arith.addi %parallel_loop3A_794, %parallel_loop3A_795 : i32
        %parallel_loop3A_797 = arith.index_cast %parallel_loop3A_796 : i32 to index
        %parallel_loop3A_798 = arith.constant 192 : index
        %parallel_loop3A_799 = tpu.vector_load %arg9[%parallel_loop3A_797, %parallel_loop3A_798] {strides = array<i32>} : memref<64x256xf32, #tpu.memory_space<vmem>>, vector<16xf32>,
        tpu.vector_store %arg9[%parallel_loop3A_797, %parallel_loop3A_798], %parallel_loop3A_705 {strides = array<i32>} : memref<64x256xf32, #tpu.memory_space<vmem>>, vector<16xf32>,
        %parallel_loop3A_800 = arith.constant 16 : i32
        %parallel_loop3A_801 = arith.muli %parallel_loop3A_259, %parallel_loop3A_800 : i32
        %parallel_loop3A_802 = arith.constant 3 : i32
        %parallel_loop3A_803 = arith.addi %parallel_loop3A_801, %parallel_loop3A_802 : i32
        %parallel_loop3A_804 = arith.index_cast %parallel_loop3A_803 : i32 to index
        %parallel_loop3A_805 = arith.constant 208 : index
        %parallel_loop3A_806 = tpu.vector_load %arg9[%parallel_loop3A_804, %parallel_loop3A_805] {strides = array<i32>} : memref<64x256xf32, #tpu.memory_space<vmem>>, vector<16xf32>,
        tpu.vector_store %arg9[%parallel_loop3A_804, %parallel_loop3A_805], %parallel_loop3A_706 {strides = array<i32>} : memref<64x256xf32, #tpu.memory_space<vmem>>, vector<16xf32>,
        %parallel_loop3A_807 = arith.constant 16 : i32
        %parallel_loop3A_808 = arith.muli %parallel_loop3A_259, %parallel_loop3A_807 : i32
        %parallel_loop3A_809 = arith.constant 3 : i32
        %parallel_loop3A_810 = arith.addi %parallel_loop3A_808, %parallel_loop3A_809 : i32
        %parallel_loop3A_811 = arith.index_cast %parallel_loop3A_810 : i32 to index
        %parallel_loop3A_812 = arith.constant 224 : index
        %parallel_loop3A_813 = tpu.vector_load %arg9[%parallel_loop3A_811, %parallel_loop3A_812] {strides = array<i32>} : memref<64x256xf32, #tpu.memory_space<vmem>>, vector<16xf32>,
        tpu.vector_store %arg9[%parallel_loop3A_811, %parallel_loop3A_812], %parallel_loop3A_707 {strides = array<i32>} : memref<64x256xf32, #tpu.memory_space<vmem>>, vector<16xf32>,
        %parallel_loop3A_814 = arith.constant 16 : i32
        %parallel_loop3A_815 = arith.muli %parallel_loop3A_259, %parallel_loop3A_814 : i32
        %parallel_loop3A_816 = arith.constant 3 : i32
        %parallel_loop3A_817 = arith.addi %parallel_loop3A_815, %parallel_loop3A_816 : i32
        %parallel_loop3A_818 = arith.index_cast %parallel_loop3A_817 : i32 to index
        %parallel_loop3A_819 = arith.constant 240 : index
        %parallel_loop3A_820 = tpu.vector_load %arg9[%parallel_loop3A_818, %parallel_loop3A_819] {strides = array<i32>} : memref<64x256xf32, #tpu.memory_space<vmem>>, vector<16xf32>,
        tpu.vector_store %arg9[%parallel_loop3A_818, %parallel_loop3A_819], %parallel_loop3A_708 {strides = array<i32>} : memref<64x256xf32, #tpu.memory_space<vmem>>, vector<16xf32>,
        %parallel_loop3A_821 = arith.constant 0 : i32
        %parallel_loop3A_822 = vector.broadcast %parallel_loop3A_821 : i32 to vector<16xi32>
        %parallel_loop3A_823 = arith.cmpi slt, %broadcast_in_dim3A_43, %parallel_loop3A_822 : vector<16xi32>
        %parallel_loop3A_824 = arith.constant 16 : i32
        %parallel_loop3A_825 = vector.broadcast %parallel_loop3A_824 : i32 to vector<16xi32>
        %parallel_loop3A_826 = arith.addi %broadcast_in_dim3A_43, %parallel_loop3A_825 : vector<16xi32>
        %parallel_loop3A_827 = arith.select %parallel_loop3A_823, %parallel_loop3A_826, %broadcast_in_dim3A_43 : vector<16xi1>, vector<16xi32>
        %parallel_loop3A_828 = vector.shape_cast %parallel_loop3A_827 : vector<16xi32> to vector<16x1xi32>
        %parallel_loop3A_829 = vector.shape_cast %parallel_loop3A_828 : vector<16x1xi32> to vector<16xi32>
        %parallel_loop3A_830 = tpu.dynamic_gather %parallel_loop3A_268[%parallel_loop3A_829] in [0] : vector<16xi32>, vector<16xi32> -> vector<16xi32>
        %parallel_loop3A_831 = tpu.vector_load_idx %arg6[%parallel_loop3A_830, %add3A_68] : memref<256x256xf32, #tpu.memory_space<vmem>>[vector<16xi32>, vector<16xi32>], vector<16xf32>,
        %parallel_loop3A_832 = tpu.vector_load_idx %arg6[%parallel_loop3A_830, %add3A_72] : memref<256x256xf32, #tpu.memory_space<vmem>>[vector<16xi32>, vector<16xi32>], vector<16xf32>,
        %parallel_loop3A_833 = tpu.vector_load_idx %arg6[%parallel_loop3A_830, %add3A_76] : memref<256x256xf32, #tpu.memory_space<vmem>>[vector<16xi32>, vector<16xi32>], vector<16xf32>,
        %parallel_loop3A_834 = tpu.vector_load_idx %arg6[%parallel_loop3A_830, %add3A_80] : memref<256x256xf32, #tpu.memory_space<vmem>>[vector<16xi32>, vector<16xi32>], vector<16xf32>,
        %parallel_loop3A_835 = tpu.vector_load_idx %arg6[%parallel_loop3A_830, %add3A_84] : memref<256x256xf32, #tpu.memory_space<vmem>>[vector<16xi32>, vector<16xi32>], vector<16xf32>,
        %parallel_loop3A_836 = tpu.vector_load_idx %arg6[%parallel_loop3A_830, %add3A_88] : memref<256x256xf32, #tpu.memory_space<vmem>>[vector<16xi32>, vector<16xi32>], vector<16xf32>,
        %parallel_loop3A_837 = tpu.vector_load_idx %arg6[%parallel_loop3A_830, %add3A_92] : memref<256x256xf32, #tpu.memory_space<vmem>>[vector<16xi32>, vector<16xi32>], vector<16xf32>,
        %parallel_loop3A_838 = tpu.vector_load_idx %arg6[%parallel_loop3A_830, %add3A_96] : memref<256x256xf32, #tpu.memory_space<vmem>>[vector<16xi32>, vector<16xi32>], vector<16xf32>,
        %parallel_loop3A_839 = tpu.vector_load_idx %arg6[%parallel_loop3A_830, %add3A_100] : memref<256x256xf32, #tpu.memory_space<vmem>>[vector<16xi32>, vector<16xi32>], vector<16xf32>,
        %parallel_loop3A_840 = tpu.vector_load_idx %arg6[%parallel_loop3A_830, %add3A_104] : memref<256x256xf32, #tpu.memory_space<vmem>>[vector<16xi32>, vector<16xi32>], vector<16xf32>,
        %parallel_loop3A_841 = tpu.vector_load_idx %arg6[%parallel_loop3A_830, %add3A_108] : memref<256x256xf32, #tpu.memory_space<vmem>>[vector<16xi32>, vector<16xi32>], vector<16xf32>,
        %parallel_loop3A_842 = tpu.vector_load_idx %arg6[%parallel_loop3A_830, %add3A_112] : memref<256x256xf32, #tpu.memory_space<vmem>>[vector<16xi32>, vector<16xi32>], vector<16xf32>,
        %parallel_loop3A_843 = tpu.vector_load_idx %arg6[%parallel_loop3A_830, %add3A_116] : memref<256x256xf32, #tpu.memory_space<vmem>>[vector<16xi32>, vector<16xi32>], vector<16xf32>,
        %parallel_loop3A_844 = tpu.vector_load_idx %arg6[%parallel_loop3A_830, %add3A_120] : memref<256x256xf32, #tpu.memory_space<vmem>>[vector<16xi32>, vector<16xi32>], vector<16xf32>,
        %parallel_loop3A_845 = tpu.vector_load_idx %arg6[%parallel_loop3A_830, %add3A_124] : memref<256x256xf32, #tpu.memory_space<vmem>>[vector<16xi32>, vector<16xi32>], vector<16xf32>,
        %parallel_loop3A_846 = tpu.vector_load_idx %arg6[%parallel_loop3A_830, %add3A_128] : memref<256x256xf32, #tpu.memory_space<vmem>>[vector<16xi32>, vector<16xi32>], vector<16xf32>,
        %parallel_loop3A_847 = arith.constant 16 : i32
        %parallel_loop3A_848 = arith.muli %parallel_loop3A_259, %parallel_loop3A_847 : i32
        %parallel_loop3A_849 = arith.constant 4 : i32
        %parallel_loop3A_850 = arith.addi %parallel_loop3A_848, %parallel_loop3A_849 : i32
        %parallel_loop3A_851 = arith.index_cast %parallel_loop3A_850 : i32 to index
        %parallel_loop3A_852 = arith.constant 0 : index
        %parallel_loop3A_853 = tpu.vector_load %arg9[%parallel_loop3A_851, %parallel_loop3A_852] {strides = array<i32>} : memref<64x256xf32, #tpu.memory_space<vmem>>, vector<16xf32>,
        tpu.vector_store %arg9[%parallel_loop3A_851, %parallel_loop3A_852], %parallel_loop3A_831 {strides = array<i32>} : memref<64x256xf32, #tpu.memory_space<vmem>>, vector<16xf32>,
        %parallel_loop3A_854 = arith.constant 16 : i32
        %parallel_loop3A_855 = arith.muli %parallel_loop3A_259, %parallel_loop3A_854 : i32
        %parallel_loop3A_856 = arith.constant 4 : i32
        %parallel_loop3A_857 = arith.addi %parallel_loop3A_855, %parallel_loop3A_856 : i32
        %parallel_loop3A_858 = arith.index_cast %parallel_loop3A_857 : i32 to index
        %parallel_loop3A_859 = arith.constant 16 : index
        %parallel_loop3A_860 = tpu.vector_load %arg9[%parallel_loop3A_858, %parallel_loop3A_859] {strides = array<i32>} : memref<64x256xf32, #tpu.memory_space<vmem>>, vector<16xf32>,
        tpu.vector_store %arg9[%parallel_loop3A_858, %parallel_loop3A_859], %parallel_loop3A_832 {strides = array<i32>} : memref<64x256xf32, #tpu.memory_space<vmem>>, vector<16xf32>,
        %parallel_loop3A_861 = arith.constant 16 : i32
        %parallel_loop3A_862 = arith.muli %parallel_loop3A_259, %parallel_loop3A_861 : i32
        %parallel_loop3A_863 = arith.constant 4 : i32
        %parallel_loop3A_864 = arith.addi %parallel_loop3A_862, %parallel_loop3A_863 : i32
        %parallel_loop3A_865 = arith.index_cast %parallel_loop3A_864 : i32 to index
        %parallel_loop3A_866 = arith.constant 32 : index
        %parallel_loop3A_867 = tpu.vector_load %arg9[%parallel_loop3A_865, %parallel_loop3A_866] {strides = array<i32>} : memref<64x256xf32, #tpu.memory_space<vmem>>, vector<16xf32>,
        tpu.vector_store %arg9[%parallel_loop3A_865, %parallel_loop3A_866], %parallel_loop3A_833 {strides = array<i32>} : memref<64x256xf32, #tpu.memory_space<vmem>>, vector<16xf32>,
        %parallel_loop3A_868 = arith.constant 16 : i32
        %parallel_loop3A_869 = arith.muli %parallel_loop3A_259, %parallel_loop3A_868 : i32
        %parallel_loop3A_870 = arith.constant 4 : i32
        %parallel_loop3A_871 = arith.addi %parallel_loop3A_869, %parallel_loop3A_870 : i32
        %parallel_loop3A_872 = arith.index_cast %parallel_loop3A_871 : i32 to index
        %parallel_loop3A_873 = arith.constant 48 : index
        %parallel_loop3A_874 = tpu.vector_load %arg9[%parallel_loop3A_872, %parallel_loop3A_873] {strides = array<i32>} : memref<64x256xf32, #tpu.memory_space<vmem>>, vector<16xf32>,
        tpu.vector_store %arg9[%parallel_loop3A_872, %parallel_loop3A_873], %parallel_loop3A_834 {strides = array<i32>} : memref<64x256xf32, #tpu.memory_space<vmem>>, vector<16xf32>,
        %parallel_loop3A_875 = arith.constant 16 : i32
        %parallel_loop3A_876 = arith.muli %parallel_loop3A_259, %parallel_loop3A_875 : i32
        %parallel_loop3A_877 = arith.constant 4 : i32
        %parallel_loop3A_878 = arith.addi %parallel_loop3A_876, %parallel_loop3A_877 : i32
        %parallel_loop3A_879 = arith.index_cast %parallel_loop3A_878 : i32 to index
        %parallel_loop3A_880 = arith.constant 64 : index
        %parallel_loop3A_881 = tpu.vector_load %arg9[%parallel_loop3A_879, %parallel_loop3A_880] {strides = array<i32>} : memref<64x256xf32, #tpu.memory_space<vmem>>, vector<16xf32>,
        tpu.vector_store %arg9[%parallel_loop3A_879, %parallel_loop3A_880], %parallel_loop3A_835 {strides = array<i32>} : memref<64x256xf32, #tpu.memory_space<vmem>>, vector<16xf32>,
        %parallel_loop3A_882 = arith.constant 16 : i32
        %parallel_loop3A_883 = arith.muli %parallel_loop3A_259, %parallel_loop3A_882 : i32
        %parallel_loop3A_884 = arith.constant 4 : i32
        %parallel_loop3A_885 = arith.addi %parallel_loop3A_883, %parallel_loop3A_884 : i32
        %parallel_loop3A_886 = arith.index_cast %parallel_loop3A_885 : i32 to index
        %parallel_loop3A_887 = arith.constant 80 : index
        %parallel_loop3A_888 = tpu.vector_load %arg9[%parallel_loop3A_886, %parallel_loop3A_887] {strides = array<i32>} : memref<64x256xf32, #tpu.memory_space<vmem>>, vector<16xf32>,
        tpu.vector_store %arg9[%parallel_loop3A_886, %parallel_loop3A_887], %parallel_loop3A_836 {strides = array<i32>} : memref<64x256xf32, #tpu.memory_space<vmem>>, vector<16xf32>,
        %parallel_loop3A_889 = arith.constant 16 : i32
        %parallel_loop3A_890 = arith.muli %parallel_loop3A_259, %parallel_loop3A_889 : i32
        %parallel_loop3A_891 = arith.constant 4 : i32
        %parallel_loop3A_892 = arith.addi %parallel_loop3A_890, %parallel_loop3A_891 : i32
        %parallel_loop3A_893 = arith.index_cast %parallel_loop3A_892 : i32 to index
        %parallel_loop3A_894 = arith.constant 96 : index
        %parallel_loop3A_895 = tpu.vector_load %arg9[%parallel_loop3A_893, %parallel_loop3A_894] {strides = array<i32>} : memref<64x256xf32, #tpu.memory_space<vmem>>, vector<16xf32>,
        tpu.vector_store %arg9[%parallel_loop3A_893, %parallel_loop3A_894], %parallel_loop3A_837 {strides = array<i32>} : memref<64x256xf32, #tpu.memory_space<vmem>>, vector<16xf32>,
        %parallel_loop3A_896 = arith.constant 16 : i32
        %parallel_loop3A_897 = arith.muli %parallel_loop3A_259, %parallel_loop3A_896 : i32
        %parallel_loop3A_898 = arith.constant 4 : i32
        %parallel_loop3A_899 = arith.addi %parallel_loop3A_897, %parallel_loop3A_898 : i32
        %parallel_loop3A_900 = arith.index_cast %parallel_loop3A_899 : i32 to index
        %parallel_loop3A_901 = arith.constant 112 : index
        %parallel_loop3A_902 = tpu.vector_load %arg9[%parallel_loop3A_900, %parallel_loop3A_901] {strides = array<i32>} : memref<64x256xf32, #tpu.memory_space<vmem>>, vector<16xf32>,
        tpu.vector_store %arg9[%parallel_loop3A_900, %parallel_loop3A_901], %parallel_loop3A_838 {strides = array<i32>} : memref<64x256xf32, #tpu.memory_space<vmem>>, vector<16xf32>,
        %parallel_loop3A_903 = arith.constant 16 : i32
        %parallel_loop3A_904 = arith.muli %parallel_loop3A_259, %parallel_loop3A_903 : i32
        %parallel_loop3A_905 = arith.constant 4 : i32
        %parallel_loop3A_906 = arith.addi %parallel_loop3A_904, %parallel_loop3A_905 : i32
        %parallel_loop3A_907 = arith.index_cast %parallel_loop3A_906 : i32 to index
        %parallel_loop3A_908 = arith.constant 128 : index
        %parallel_loop3A_909 = tpu.vector_load %arg9[%parallel_loop3A_907, %parallel_loop3A_908] {strides = array<i32>} : memref<64x256xf32, #tpu.memory_space<vmem>>, vector<16xf32>,
        tpu.vector_store %arg9[%parallel_loop3A_907, %parallel_loop3A_908], %parallel_loop3A_839 {strides = array<i32>} : memref<64x256xf32, #tpu.memory_space<vmem>>, vector<16xf32>,
        %parallel_loop3A_910 = arith.constant 16 : i32
        %parallel_loop3A_911 = arith.muli %parallel_loop3A_259, %parallel_loop3A_910 : i32
        %parallel_loop3A_912 = arith.constant 4 : i32
        %parallel_loop3A_913 = arith.addi %parallel_loop3A_911, %parallel_loop3A_912 : i32
        %parallel_loop3A_914 = arith.index_cast %parallel_loop3A_913 : i32 to index
        %parallel_loop3A_915 = arith.constant 144 : index
        %parallel_loop3A_916 = tpu.vector_load %arg9[%parallel_loop3A_914, %parallel_loop3A_915] {strides = array<i32>} : memref<64x256xf32, #tpu.memory_space<vmem>>, vector<16xf32>,
        tpu.vector_store %arg9[%parallel_loop3A_914, %parallel_loop3A_915], %parallel_loop3A_840 {strides = array<i32>} : memref<64x256xf32, #tpu.memory_space<vmem>>, vector<16xf32>,
        %parallel_loop3A_917 = arith.constant 16 : i32
        %parallel_loop3A_918 = arith.muli %parallel_loop3A_259, %parallel_loop3A_917 : i32
        %parallel_loop3A_919 = arith.constant 4 : i32
        %parallel_loop3A_920 = arith.addi %parallel_loop3A_918, %parallel_loop3A_919 : i32
        %parallel_loop3A_921 = arith.index_cast %parallel_loop3A_920 : i32 to index
        %parallel_loop3A_922 = arith.constant 160 : index
        %parallel_loop3A_923 = tpu.vector_load %arg9[%parallel_loop3A_921, %parallel_loop3A_922] {strides = array<i32>} : memref<64x256xf32, #tpu.memory_space<vmem>>, vector<16xf32>,
        tpu.vector_store %arg9[%parallel_loop3A_921, %parallel_loop3A_922], %parallel_loop3A_841 {strides = array<i32>} : memref<64x256xf32, #tpu.memory_space<vmem>>, vector<16xf32>,
        %parallel_loop3A_924 = arith.constant 16 : i32
        %parallel_loop3A_925 = arith.muli %parallel_loop3A_259, %parallel_loop3A_924 : i32
        %parallel_loop3A_926 = arith.constant 4 : i32
        %parallel_loop3A_927 = arith.addi %parallel_loop3A_925, %parallel_loop3A_926 : i32
        %parallel_loop3A_928 = arith.index_cast %parallel_loop3A_927 : i32 to index
        %parallel_loop3A_929 = arith.constant 176 : index
        %parallel_loop3A_930 = tpu.vector_load %arg9[%parallel_loop3A_928, %parallel_loop3A_929] {strides = array<i32>} : memref<64x256xf32, #tpu.memory_space<vmem>>, vector<16xf32>,
        tpu.vector_store %arg9[%parallel_loop3A_928, %parallel_loop3A_929], %parallel_loop3A_842 {strides = array<i32>} : memref<64x256xf32, #tpu.memory_space<vmem>>, vector<16xf32>,
        %parallel_loop3A_931 = arith.constant 16 : i32
        %parallel_loop3A_932 = arith.muli %parallel_loop3A_259, %parallel_loop3A_931 : i32
        %parallel_loop3A_933 = arith.constant 4 : i32
        %parallel_loop3A_934 = arith.addi %parallel_loop3A_932, %parallel_loop3A_933 : i32
        %parallel_loop3A_935 = arith.index_cast %parallel_loop3A_934 : i32 to index
        %parallel_loop3A_936 = arith.constant 192 : index
        %parallel_loop3A_937 = tpu.vector_load %arg9[%parallel_loop3A_935, %parallel_loop3A_936] {strides = array<i32>} : memref<64x256xf32, #tpu.memory_space<vmem>>, vector<16xf32>,
        tpu.vector_store %arg9[%parallel_loop3A_935, %parallel_loop3A_936], %parallel_loop3A_843 {strides = array<i32>} : memref<64x256xf32, #tpu.memory_space<vmem>>, vector<16xf32>,
        %parallel_loop3A_938 = arith.constant 16 : i32
        %parallel_loop3A_939 = arith.muli %parallel_loop3A_259, %parallel_loop3A_938 : i32
        %parallel_loop3A_940 = arith.constant 4 : i32
        %parallel_loop3A_941 = arith.addi %parallel_loop3A_939, %parallel_loop3A_940 : i32
        %parallel_loop3A_942 = arith.index_cast %parallel_loop3A_941 : i32 to index
        %parallel_loop3A_943 = arith.constant 208 : index
        %parallel_loop3A_944 = tpu.vector_load %arg9[%parallel_loop3A_942, %parallel_loop3A_943] {strides = array<i32>} : memref<64x256xf32, #tpu.memory_space<vmem>>, vector<16xf32>,
        tpu.vector_store %arg9[%parallel_loop3A_942, %parallel_loop3A_943], %parallel_loop3A_844 {strides = array<i32>} : memref<64x256xf32, #tpu.memory_space<vmem>>, vector<16xf32>,
        %parallel_loop3A_945 = arith.constant 16 : i32
        %parallel_loop3A_946 = arith.muli %parallel_loop3A_259, %parallel_loop3A_945 : i32
        %parallel_loop3A_947 = arith.constant 4 : i32
        %parallel_loop3A_948 = arith.addi %parallel_loop3A_946, %parallel_loop3A_947 : i32
        %parallel_loop3A_949 = arith.index_cast %parallel_loop3A_948 : i32 to index
        %parallel_loop3A_950 = arith.constant 224 : index
        %parallel_loop3A_951 = tpu.vector_load %arg9[%parallel_loop3A_949, %parallel_loop3A_950] {strides = array<i32>} : memref<64x256xf32, #tpu.memory_space<vmem>>, vector<16xf32>,
        tpu.vector_store %arg9[%parallel_loop3A_949, %parallel_loop3A_950], %parallel_loop3A_845 {strides = array<i32>} : memref<64x256xf32, #tpu.memory_space<vmem>>, vector<16xf32>,
        %parallel_loop3A_952 = arith.constant 16 : i32
        %parallel_loop3A_953 = arith.muli %parallel_loop3A_259, %parallel_loop3A_952 : i32
        %parallel_loop3A_954 = arith.constant 4 : i32
        %parallel_loop3A_955 = arith.addi %parallel_loop3A_953, %parallel_loop3A_954 : i32
        %parallel_loop3A_956 = arith.index_cast %parallel_loop3A_955 : i32 to index
        %parallel_loop3A_957 = arith.constant 240 : index
        %parallel_loop3A_958 = tpu.vector_load %arg9[%parallel_loop3A_956, %parallel_loop3A_957] {strides = array<i32>} : memref<64x256xf32, #tpu.memory_space<vmem>>, vector<16xf32>,
        tpu.vector_store %arg9[%parallel_loop3A_956, %parallel_loop3A_957], %parallel_loop3A_846 {strides = array<i32>} : memref<64x256xf32, #tpu.memory_space<vmem>>, vector<16xf32>,
        %parallel_loop3A_959 = arith.constant 0 : i32
        %parallel_loop3A_960 = vector.broadcast %parallel_loop3A_959 : i32 to vector<16xi32>
        %parallel_loop3A_961 = arith.cmpi slt, %broadcast_in_dim3A_45, %parallel_loop3A_960 : vector<16xi32>
        %parallel_loop3A_962 = arith.constant 16 : i32
        %parallel_loop3A_963 = vector.broadcast %parallel_loop3A_962 : i32 to vector<16xi32>
        %parallel_loop3A_964 = arith.addi %broadcast_in_dim3A_45, %parallel_loop3A_963 : vector<16xi32>
        %parallel_loop3A_965 = arith.select %parallel_loop3A_961, %parallel_loop3A_964, %broadcast_in_dim3A_45 : vector<16xi1>, vector<16xi32>
        %parallel_loop3A_966 = vector.shape_cast %parallel_loop3A_965 : vector<16xi32> to vector<16x1xi32>
        %parallel_loop3A_967 = vector.shape_cast %parallel_loop3A_966 : vector<16x1xi32> to vector<16xi32>
        %parallel_loop3A_968 = tpu.dynamic_gather %parallel_loop3A_268[%parallel_loop3A_967] in [0] : vector<16xi32>, vector<16xi32> -> vector<16xi32>
        %parallel_loop3A_969 = tpu.vector_load_idx %arg6[%parallel_loop3A_968, %add3A_68] : memref<256x256xf32, #tpu.memory_space<vmem>>[vector<16xi32>, vector<16xi32>], vector<16xf32>,
        %parallel_loop3A_970 = tpu.vector_load_idx %arg6[%parallel_loop3A_968, %add3A_72] : memref<256x256xf32, #tpu.memory_space<vmem>>[vector<16xi32>, vector<16xi32>], vector<16xf32>,
        %parallel_loop3A_971 = tpu.vector_load_idx %arg6[%parallel_loop3A_968, %add3A_76] : memref<256x256xf32, #tpu.memory_space<vmem>>[vector<16xi32>, vector<16xi32>], vector<16xf32>,
        %parallel_loop3A_972 = tpu.vector_load_idx %arg6[%parallel_loop3A_968, %add3A_80] : memref<256x256xf32, #tpu.memory_space<vmem>>[vector<16xi32>, vector<16xi32>], vector<16xf32>,
        %parallel_loop3A_973 = tpu.vector_load_idx %arg6[%parallel_loop3A_968, %add3A_84] : memref<256x256xf32, #tpu.memory_space<vmem>>[vector<16xi32>, vector<16xi32>], vector<16xf32>,
        %parallel_loop3A_974 = tpu.vector_load_idx %arg6[%parallel_loop3A_968, %add3A_88] : memref<256x256xf32, #tpu.memory_space<vmem>>[vector<16xi32>, vector<16xi32>], vector<16xf32>,
        %parallel_loop3A_975 = tpu.vector_load_idx %arg6[%parallel_loop3A_968, %add3A_92] : memref<256x256xf32, #tpu.memory_space<vmem>>[vector<16xi32>, vector<16xi32>], vector<16xf32>,
        %parallel_loop3A_976 = tpu.vector_load_idx %arg6[%parallel_loop3A_968, %add3A_96] : memref<256x256xf32, #tpu.memory_space<vmem>>[vector<16xi32>, vector<16xi32>], vector<16xf32>,
        %parallel_loop3A_977 = tpu.vector_load_idx %arg6[%parallel_loop3A_968, %add3A_100] : memref<256x256xf32, #tpu.memory_space<vmem>>[vector<16xi32>, vector<16xi32>], vector<16xf32>,
        %parallel_loop3A_978 = tpu.vector_load_idx %arg6[%parallel_loop3A_968, %add3A_104] : memref<256x256xf32, #tpu.memory_space<vmem>>[vector<16xi32>, vector<16xi32>], vector<16xf32>,
        %parallel_loop3A_979 = tpu.vector_load_idx %arg6[%parallel_loop3A_968, %add3A_108] : memref<256x256xf32, #tpu.memory_space<vmem>>[vector<16xi32>, vector<16xi32>], vector<16xf32>,
        %parallel_loop3A_980 = tpu.vector_load_idx %arg6[%parallel_loop3A_968, %add3A_112] : memref<256x256xf32, #tpu.memory_space<vmem>>[vector<16xi32>, vector<16xi32>], vector<16xf32>,
        %parallel_loop3A_981 = tpu.vector_load_idx %arg6[%parallel_loop3A_968, %add3A_116] : memref<256x256xf32, #tpu.memory_space<vmem>>[vector<16xi32>, vector<16xi32>], vector<16xf32>,
        %parallel_loop3A_982 = tpu.vector_load_idx %arg6[%parallel_loop3A_968, %add3A_120] : memref<256x256xf32, #tpu.memory_space<vmem>>[vector<16xi32>, vector<16xi32>], vector<16xf32>,
        %parallel_loop3A_983 = tpu.vector_load_idx %arg6[%parallel_loop3A_968, %add3A_124] : memref<256x256xf32, #tpu.memory_space<vmem>>[vector<16xi32>, vector<16xi32>], vector<16xf32>,
        %parallel_loop3A_984 = tpu.vector_load_idx %arg6[%parallel_loop3A_968, %add3A_128] : memref<256x256xf32, #tpu.memory_space<vmem>>[vector<16xi32>, vector<16xi32>], vector<16xf32>,
        %parallel_loop3A_985 = arith.constant 16 : i32
        %parallel_loop3A_986 = arith.muli %parallel_loop3A_259, %parallel_loop3A_985 : i32
        %parallel_loop3A_987 = arith.constant 5 : i32
        %parallel_loop3A_988 = arith.addi %parallel_loop3A_986, %parallel_loop3A_987 : i32
        %parallel_loop3A_989 = arith.index_cast %parallel_loop3A_988 : i32 to index
        %parallel_loop3A_990 = arith.constant 0 : index
        %parallel_loop3A_991 = tpu.vector_load %arg9[%parallel_loop3A_989, %parallel_loop3A_990] {strides = array<i32>} : memref<64x256xf32, #tpu.memory_space<vmem>>, vector<16xf32>,
        tpu.vector_store %arg9[%parallel_loop3A_989, %parallel_loop3A_990], %parallel_loop3A_969 {strides = array<i32>} : memref<64x256xf32, #tpu.memory_space<vmem>>, vector<16xf32>,
        %parallel_loop3A_992 = arith.constant 16 : i32
        %parallel_loop3A_993 = arith.muli %parallel_loop3A_259, %parallel_loop3A_992 : i32
        %parallel_loop3A_994 = arith.constant 5 : i32
        %parallel_loop3A_995 = arith.addi %parallel_loop3A_993, %parallel_loop3A_994 : i32
        %parallel_loop3A_996 = arith.index_cast %parallel_loop3A_995 : i32 to index
        %parallel_loop3A_997 = arith.constant 16 : index
        %parallel_loop3A_998 = tpu.vector_load %arg9[%parallel_loop3A_996, %parallel_loop3A_997] {strides = array<i32>} : memref<64x256xf32, #tpu.memory_space<vmem>>, vector<16xf32>,
        tpu.vector_store %arg9[%parallel_loop3A_996, %parallel_loop3A_997], %parallel_loop3A_970 {strides = array<i32>} : memref<64x256xf32, #tpu.memory_space<vmem>>, vector<16xf32>,
        %parallel_loop3A_999 = arith.constant 16 : i32
        %parallel_loop3A_1000 = arith.muli %parallel_loop3A_259, %parallel_loop3A_999 : i32
        %parallel_loop3A_1001 = arith.constant 5 : i32
        %parallel_loop3A_1002 = arith.addi %parallel_loop3A_1000, %parallel_loop3A_1001 : i32
        %parallel_loop3A_1003 = arith.index_cast %parallel_loop3A_1002 : i32 to index
        %parallel_loop3A_1004 = arith.constant 32 : index
        %parallel_loop3A_1005 = tpu.vector_load %arg9[%parallel_loop3A_1003, %parallel_loop3A_1004] {strides = array<i32>} : memref<64x256xf32, #tpu.memory_space<vmem>>, vector<16xf32>,
        tpu.vector_store %arg9[%parallel_loop3A_1003, %parallel_loop3A_1004], %parallel_loop3A_971 {strides = array<i32>} : memref<64x256xf32, #tpu.memory_space<vmem>>, vector<16xf32>,
        %parallel_loop3A_1006 = arith.constant 16 : i32
        %parallel_loop3A_1007 = arith.muli %parallel_loop3A_259, %parallel_loop3A_1006 : i32
        %parallel_loop3A_1008 = arith.constant 5 : i32
        %parallel_loop3A_1009 = arith.addi %parallel_loop3A_1007, %parallel_loop3A_1008 : i32
        %parallel_loop3A_1010 = arith.index_cast %parallel_loop3A_1009 : i32 to index
        %parallel_loop3A_1011 = arith.constant 48 : index
        %parallel_loop3A_1012 = tpu.vector_load %arg9[%parallel_loop3A_1010, %parallel_loop3A_1011] {strides = array<i32>} : memref<64x256xf32, #tpu.memory_space<vmem>>, vector<16xf32>,
        tpu.vector_store %arg9[%parallel_loop3A_1010, %parallel_loop3A_1011], %parallel_loop3A_972 {strides = array<i32>} : memref<64x256xf32, #tpu.memory_space<vmem>>, vector<16xf32>,
        %parallel_loop3A_1013 = arith.constant 16 : i32
        %parallel_loop3A_1014 = arith.muli %parallel_loop3A_259, %parallel_loop3A_1013 : i32
        %parallel_loop3A_1015 = arith.constant 5 : i32
        %parallel_loop3A_1016 = arith.addi %parallel_loop3A_1014, %parallel_loop3A_1015 : i32
        %parallel_loop3A_1017 = arith.index_cast %parallel_loop3A_1016 : i32 to index
        %parallel_loop3A_1018 = arith.constant 64 : index
        %parallel_loop3A_1019 = tpu.vector_load %arg9[%parallel_loop3A_1017, %parallel_loop3A_1018] {strides = array<i32>} : memref<64x256xf32, #tpu.memory_space<vmem>>, vector<16xf32>,
        tpu.vector_store %arg9[%parallel_loop3A_1017, %parallel_loop3A_1018], %parallel_loop3A_973 {strides = array<i32>} : memref<64x256xf32, #tpu.memory_space<vmem>>, vector<16xf32>,
        %parallel_loop3A_1020 = arith.constant 16 : i32
        %parallel_loop3A_1021 = arith.muli %parallel_loop3A_259, %parallel_loop3A_1020 : i32
        %parallel_loop3A_1022 = arith.constant 5 : i32
        %parallel_loop3A_1023 = arith.addi %parallel_loop3A_1021, %parallel_loop3A_1022 : i32
        %parallel_loop3A_1024 = arith.index_cast %parallel_loop3A_1023 : i32 to index
        %parallel_loop3A_1025 = arith.constant 80 : index
        %parallel_loop3A_1026 = tpu.vector_load %arg9[%parallel_loop3A_1024, %parallel_loop3A_1025] {strides = array<i32>} : memref<64x256xf32, #tpu.memory_space<vmem>>, vector<16xf32>,
        tpu.vector_store %arg9[%parallel_loop3A_1024, %parallel_loop3A_1025], %parallel_loop3A_974 {strides = array<i32>} : memref<64x256xf32, #tpu.memory_space<vmem>>, vector<16xf32>,
        %parallel_loop3A_1027 = arith.constant 16 : i32
        %parallel_loop3A_1028 = arith.muli %parallel_loop3A_259, %parallel_loop3A_1027 : i32
        %parallel_loop3A_1029 = arith.constant 5 : i32
        %parallel_loop3A_1030 = arith.addi %parallel_loop3A_1028, %parallel_loop3A_1029 : i32
        %parallel_loop3A_1031 = arith.index_cast %parallel_loop3A_1030 : i32 to index
        %parallel_loop3A_1032 = arith.constant 96 : index
        %parallel_loop3A_1033 = tpu.vector_load %arg9[%parallel_loop3A_1031, %parallel_loop3A_1032] {strides = array<i32>} : memref<64x256xf32, #tpu.memory_space<vmem>>, vector<16xf32>,
        tpu.vector_store %arg9[%parallel_loop3A_1031, %parallel_loop3A_1032], %parallel_loop3A_975 {strides = array<i32>} : memref<64x256xf32, #tpu.memory_space<vmem>>, vector<16xf32>,
        %parallel_loop3A_1034 = arith.constant 16 : i32
        %parallel_loop3A_1035 = arith.muli %parallel_loop3A_259, %parallel_loop3A_1034 : i32
        %parallel_loop3A_1036 = arith.constant 5 : i32
        %parallel_loop3A_1037 = arith.addi %parallel_loop3A_1035, %parallel_loop3A_1036 : i32
        %parallel_loop3A_1038 = arith.index_cast %parallel_loop3A_1037 : i32 to index
        %parallel_loop3A_1039 = arith.constant 112 : index
        %parallel_loop3A_1040 = tpu.vector_load %arg9[%parallel_loop3A_1038, %parallel_loop3A_1039] {strides = array<i32>} : memref<64x256xf32, #tpu.memory_space<vmem>>, vector<16xf32>,
        tpu.vector_store %arg9[%parallel_loop3A_1038, %parallel_loop3A_1039], %parallel_loop3A_976 {strides = array<i32>} : memref<64x256xf32, #tpu.memory_space<vmem>>, vector<16xf32>,
        %parallel_loop3A_1041 = arith.constant 16 : i32
        %parallel_loop3A_1042 = arith.muli %parallel_loop3A_259, %parallel_loop3A_1041 : i32
        %parallel_loop3A_1043 = arith.constant 5 : i32
        %parallel_loop3A_1044 = arith.addi %parallel_loop3A_1042, %parallel_loop3A_1043 : i32
        %parallel_loop3A_1045 = arith.index_cast %parallel_loop3A_1044 : i32 to index
        %parallel_loop3A_1046 = arith.constant 128 : index
        %parallel_loop3A_1047 = tpu.vector_load %arg9[%parallel_loop3A_1045, %parallel_loop3A_1046] {strides = array<i32>} : memref<64x256xf32, #tpu.memory_space<vmem>>, vector<16xf32>,
        tpu.vector_store %arg9[%parallel_loop3A_1045, %parallel_loop3A_1046], %parallel_loop3A_977 {strides = array<i32>} : memref<64x256xf32, #tpu.memory_space<vmem>>, vector<16xf32>,
        %parallel_loop3A_1048 = arith.constant 16 : i32
        %parallel_loop3A_1049 = arith.muli %parallel_loop3A_259, %parallel_loop3A_1048 : i32
        %parallel_loop3A_1050 = arith.constant 5 : i32
        %parallel_loop3A_1051 = arith.addi %parallel_loop3A_1049, %parallel_loop3A_1050 : i32
        %parallel_loop3A_1052 = arith.index_cast %parallel_loop3A_1051 : i32 to index
        %parallel_loop3A_1053 = arith.constant 144 : index
        %parallel_loop3A_1054 = tpu.vector_load %arg9[%parallel_loop3A_1052, %parallel_loop3A_1053] {strides = array<i32>} : memref<64x256xf32, #tpu.memory_space<vmem>>, vector<16xf32>,
        tpu.vector_store %arg9[%parallel_loop3A_1052, %parallel_loop3A_1053], %parallel_loop3A_978 {strides = array<i32>} : memref<64x256xf32, #tpu.memory_space<vmem>>, vector<16xf32>,
        %parallel_loop3A_1055 = arith.constant 16 : i32
        %parallel_loop3A_1056 = arith.muli %parallel_loop3A_259, %parallel_loop3A_1055 : i32
        %parallel_loop3A_1057 = arith.constant 5 : i32
        %parallel_loop3A_1058 = arith.addi %parallel_loop3A_1056, %parallel_loop3A_1057 : i32
        %parallel_loop3A_1059 = arith.index_cast %parallel_loop3A_1058 : i32 to index
        %parallel_loop3A_1060 = arith.constant 160 : index
        %parallel_loop3A_1061 = tpu.vector_load %arg9[%parallel_loop3A_1059, %parallel_loop3A_1060] {strides = array<i32>} : memref<64x256xf32, #tpu.memory_space<vmem>>, vector<16xf32>,
        tpu.vector_store %arg9[%parallel_loop3A_1059, %parallel_loop3A_1060], %parallel_loop3A_979 {strides = array<i32>} : memref<64x256xf32, #tpu.memory_space<vmem>>, vector<16xf32>,
        %parallel_loop3A_1062 = arith.constant 16 : i32
        %parallel_loop3A_1063 = arith.muli %parallel_loop3A_259, %parallel_loop3A_1062 : i32
        %parallel_loop3A_1064 = arith.constant 5 : i32
        %parallel_loop3A_1065 = arith.addi %parallel_loop3A_1063, %parallel_loop3A_1064 : i32
        %parallel_loop3A_1066 = arith.index_cast %parallel_loop3A_1065 : i32 to index
        %parallel_loop3A_1067 = arith.constant 176 : index
        %parallel_loop3A_1068 = tpu.vector_load %arg9[%parallel_loop3A_1066, %parallel_loop3A_1067] {strides = array<i32>} : memref<64x256xf32, #tpu.memory_space<vmem>>, vector<16xf32>,
        tpu.vector_store %arg9[%parallel_loop3A_1066, %parallel_loop3A_1067], %parallel_loop3A_980 {strides = array<i32>} : memref<64x256xf32, #tpu.memory_space<vmem>>, vector<16xf32>,
        %parallel_loop3A_1069 = arith.constant 16 : i32
        %parallel_loop3A_1070 = arith.muli %parallel_loop3A_259, %parallel_loop3A_1069 : i32
        %parallel_loop3A_1071 = arith.constant 5 : i32
        %parallel_loop3A_1072 = arith.addi %parallel_loop3A_1070, %parallel_loop3A_1071 : i32
        %parallel_loop3A_1073 = arith.index_cast %parallel_loop3A_1072 : i32 to index
        %parallel_loop3A_1074 = arith.constant 192 : index
        %parallel_loop3A_1075 = tpu.vector_load %arg9[%parallel_loop3A_1073, %parallel_loop3A_1074] {strides = array<i32>} : memref<64x256xf32, #tpu.memory_space<vmem>>, vector<16xf32>,
        tpu.vector_store %arg9[%parallel_loop3A_1073, %parallel_loop3A_1074], %parallel_loop3A_981 {strides = array<i32>} : memref<64x256xf32, #tpu.memory_space<vmem>>, vector<16xf32>,
        %parallel_loop3A_1076 = arith.constant 16 : i32
        %parallel_loop3A_1077 = arith.muli %parallel_loop3A_259, %parallel_loop3A_1076 : i32
        %parallel_loop3A_1078 = arith.constant 5 : i32
        %parallel_loop3A_1079 = arith.addi %parallel_loop3A_1077, %parallel_loop3A_1078 : i32
        %parallel_loop3A_1080 = arith.index_cast %parallel_loop3A_1079 : i32 to index
        %parallel_loop3A_1081 = arith.constant 208 : index
        %parallel_loop3A_1082 = tpu.vector_load %arg9[%parallel_loop3A_1080, %parallel_loop3A_1081] {strides = array<i32>} : memref<64x256xf32, #tpu.memory_space<vmem>>, vector<16xf32>,
        tpu.vector_store %arg9[%parallel_loop3A_1080, %parallel_loop3A_1081], %parallel_loop3A_982 {strides = array<i32>} : memref<64x256xf32, #tpu.memory_space<vmem>>, vector<16xf32>,
        %parallel_loop3A_1083 = arith.constant 16 : i32
        %parallel_loop3A_1084 = arith.muli %parallel_loop3A_259, %parallel_loop3A_1083 : i32
        %parallel_loop3A_1085 = arith.constant 5 : i32
        %parallel_loop3A_1086 = arith.addi %parallel_loop3A_1084, %parallel_loop3A_1085 : i32
        %parallel_loop3A_1087 = arith.index_cast %parallel_loop3A_1086 : i32 to index
        %parallel_loop3A_1088 = arith.constant 224 : index
        %parallel_loop3A_1089 = tpu.vector_load %arg9[%parallel_loop3A_1087, %parallel_loop3A_1088] {strides = array<i32>} : memref<64x256xf32, #tpu.memory_space<vmem>>, vector<16xf32>,
        tpu.vector_store %arg9[%parallel_loop3A_1087, %parallel_loop3A_1088], %parallel_loop3A_983 {strides = array<i32>} : memref<64x256xf32, #tpu.memory_space<vmem>>, vector<16xf32>,
        %parallel_loop3A_1090 = arith.constant 16 : i32
        %parallel_loop3A_1091 = arith.muli %parallel_loop3A_259, %parallel_loop3A_1090 : i32
        %parallel_loop3A_1092 = arith.constant 5 : i32
        %parallel_loop3A_1093 = arith.addi %parallel_loop3A_1091, %parallel_loop3A_1092 : i32
        %parallel_loop3A_1094 = arith.index_cast %parallel_loop3A_1093 : i32 to index
        %parallel_loop3A_1095 = arith.constant 240 : index
        %parallel_loop3A_1096 = tpu.vector_load %arg9[%parallel_loop3A_1094, %parallel_loop3A_1095] {strides = array<i32>} : memref<64x256xf32, #tpu.memory_space<vmem>>, vector<16xf32>,
        tpu.vector_store %arg9[%parallel_loop3A_1094, %parallel_loop3A_1095], %parallel_loop3A_984 {strides = array<i32>} : memref<64x256xf32, #tpu.memory_space<vmem>>, vector<16xf32>,
        %parallel_loop3A_1097 = arith.constant 0 : i32
        %parallel_loop3A_1098 = vector.broadcast %parallel_loop3A_1097 : i32 to vector<16xi32>
        %parallel_loop3A_1099 = arith.cmpi slt, %broadcast_in_dim3A_47, %parallel_loop3A_1098 : vector<16xi32>
        %parallel_loop3A_1100 = arith.constant 16 : i32
        %parallel_loop3A_1101 = vector.broadcast %parallel_loop3A_1100 : i32 to vector<16xi32>
        %parallel_loop3A_1102 = arith.addi %broadcast_in_dim3A_47, %parallel_loop3A_1101 : vector<16xi32>
        %parallel_loop3A_1103 = arith.select %parallel_loop3A_1099, %parallel_loop3A_1102, %broadcast_in_dim3A_47 : vector<16xi1>, vector<16xi32>
        %parallel_loop3A_1104 = vector.shape_cast %parallel_loop3A_1103 : vector<16xi32> to vector<16x1xi32>
        %parallel_loop3A_1105 = vector.shape_cast %parallel_loop3A_1104 : vector<16x1xi32> to vector<16xi32>
        %parallel_loop3A_1106 = tpu.dynamic_gather %parallel_loop3A_268[%parallel_loop3A_1105] in [0] : vector<16xi32>, vector<16xi32> -> vector<16xi32>
        %parallel_loop3A_1107 = tpu.vector_load_idx %arg6[%parallel_loop3A_1106, %add3A_68] : memref<256x256xf32, #tpu.memory_space<vmem>>[vector<16xi32>, vector<16xi32>], vector<16xf32>,
        %parallel_loop3A_1108 = tpu.vector_load_idx %arg6[%parallel_loop3A_1106, %add3A_72] : memref<256x256xf32, #tpu.memory_space<vmem>>[vector<16xi32>, vector<16xi32>], vector<16xf32>,
        %parallel_loop3A_1109 = tpu.vector_load_idx %arg6[%parallel_loop3A_1106, %add3A_76] : memref<256x256xf32, #tpu.memory_space<vmem>>[vector<16xi32>, vector<16xi32>], vector<16xf32>,
        %parallel_loop3A_1110 = tpu.vector_load_idx %arg6[%parallel_loop3A_1106, %add3A_80] : memref<256x256xf32, #tpu.memory_space<vmem>>[vector<16xi32>, vector<16xi32>], vector<16xf32>,
        %parallel_loop3A_1111 = tpu.vector_load_idx %arg6[%parallel_loop3A_1106, %add3A_84] : memref<256x256xf32, #tpu.memory_space<vmem>>[vector<16xi32>, vector<16xi32>], vector<16xf32>,
        %parallel_loop3A_1112 = tpu.vector_load_idx %arg6[%parallel_loop3A_1106, %add3A_88] : memref<256x256xf32, #tpu.memory_space<vmem>>[vector<16xi32>, vector<16xi32>], vector<16xf32>,
        %parallel_loop3A_1113 = tpu.vector_load_idx %arg6[%parallel_loop3A_1106, %add3A_92] : memref<256x256xf32, #tpu.memory_space<vmem>>[vector<16xi32>, vector<16xi32>], vector<16xf32>,
        %parallel_loop3A_1114 = tpu.vector_load_idx %arg6[%parallel_loop3A_1106, %add3A_96] : memref<256x256xf32, #tpu.memory_space<vmem>>[vector<16xi32>, vector<16xi32>], vector<16xf32>,
        %parallel_loop3A_1115 = tpu.vector_load_idx %arg6[%parallel_loop3A_1106, %add3A_100] : memref<256x256xf32, #tpu.memory_space<vmem>>[vector<16xi32>, vector<16xi32>], vector<16xf32>,
        %parallel_loop3A_1116 = tpu.vector_load_idx %arg6[%parallel_loop3A_1106, %add3A_104] : memref<256x256xf32, #tpu.memory_space<vmem>>[vector<16xi32>, vector<16xi32>], vector<16xf32>,
        %parallel_loop3A_1117 = tpu.vector_load_idx %arg6[%parallel_loop3A_1106, %add3A_108] : memref<256x256xf32, #tpu.memory_space<vmem>>[vector<16xi32>, vector<16xi32>], vector<16xf32>,
        %parallel_loop3A_1118 = tpu.vector_load_idx %arg6[%parallel_loop3A_1106, %add3A_112] : memref<256x256xf32, #tpu.memory_space<vmem>>[vector<16xi32>, vector<16xi32>], vector<16xf32>,
        %parallel_loop3A_1119 = tpu.vector_load_idx %arg6[%parallel_loop3A_1106, %add3A_116] : memref<256x256xf32, #tpu.memory_space<vmem>>[vector<16xi32>, vector<16xi32>], vector<16xf32>,
        %parallel_loop3A_1120 = tpu.vector_load_idx %arg6[%parallel_loop3A_1106, %add3A_120] : memref<256x256xf32, #tpu.memory_space<vmem>>[vector<16xi32>, vector<16xi32>], vector<16xf32>,
        %parallel_loop3A_1121 = tpu.vector_load_idx %arg6[%parallel_loop3A_1106, %add3A_124] : memref<256x256xf32, #tpu.memory_space<vmem>>[vector<16xi32>, vector<16xi32>], vector<16xf32>,
        %parallel_loop3A_1122 = tpu.vector_load_idx %arg6[%parallel_loop3A_1106, %add3A_128] : memref<256x256xf32, #tpu.memory_space<vmem>>[vector<16xi32>, vector<16xi32>], vector<16xf32>,
        %parallel_loop3A_1123 = arith.constant 16 : i32
        %parallel_loop3A_1124 = arith.muli %parallel_loop3A_259, %parallel_loop3A_1123 : i32
        %parallel_loop3A_1125 = arith.constant 6 : i32
        %parallel_loop3A_1126 = arith.addi %parallel_loop3A_1124, %parallel_loop3A_1125 : i32
        %parallel_loop3A_1127 = arith.index_cast %parallel_loop3A_1126 : i32 to index
        %parallel_loop3A_1128 = arith.constant 0 : index
        %parallel_loop3A_1129 = tpu.vector_load %arg9[%parallel_loop3A_1127, %parallel_loop3A_1128] {strides = array<i32>} : memref<64x256xf32, #tpu.memory_space<vmem>>, vector<16xf32>,
        tpu.vector_store %arg9[%parallel_loop3A_1127, %parallel_loop3A_1128], %parallel_loop3A_1107 {strides = array<i32>} : memref<64x256xf32, #tpu.memory_space<vmem>>, vector<16xf32>,
        %parallel_loop3A_1130 = arith.constant 16 : i32
        %parallel_loop3A_1131 = arith.muli %parallel_loop3A_259, %parallel_loop3A_1130 : i32
        %parallel_loop3A_1132 = arith.constant 6 : i32
        %parallel_loop3A_1133 = arith.addi %parallel_loop3A_1131, %parallel_loop3A_1132 : i32
        %parallel_loop3A_1134 = arith.index_cast %parallel_loop3A_1133 : i32 to index
        %parallel_loop3A_1135 = arith.constant 16 : index
        %parallel_loop3A_1136 = tpu.vector_load %arg9[%parallel_loop3A_1134, %parallel_loop3A_1135] {strides = array<i32>} : memref<64x256xf32, #tpu.memory_space<vmem>>, vector<16xf32>,
        tpu.vector_store %arg9[%parallel_loop3A_1134, %parallel_loop3A_1135], %parallel_loop3A_1108 {strides = array<i32>} : memref<64x256xf32, #tpu.memory_space<vmem>>, vector<16xf32>,
        %parallel_loop3A_1137 = arith.constant 16 : i32
        %parallel_loop3A_1138 = arith.muli %parallel_loop3A_259, %parallel_loop3A_1137 : i32
        %parallel_loop3A_1139 = arith.constant 6 : i32
        %parallel_loop3A_1140 = arith.addi %parallel_loop3A_1138, %parallel_loop3A_1139 : i32
        %parallel_loop3A_1141 = arith.index_cast %parallel_loop3A_1140 : i32 to index
        %parallel_loop3A_1142 = arith.constant 32 : index
        %parallel_loop3A_1143 = tpu.vector_load %arg9[%parallel_loop3A_1141, %parallel_loop3A_1142] {strides = array<i32>} : memref<64x256xf32, #tpu.memory_space<vmem>>, vector<16xf32>,
        tpu.vector_store %arg9[%parallel_loop3A_1141, %parallel_loop3A_1142], %parallel_loop3A_1109 {strides = array<i32>} : memref<64x256xf32, #tpu.memory_space<vmem>>, vector<16xf32>,
        %parallel_loop3A_1144 = arith.constant 16 : i32
        %parallel_loop3A_1145 = arith.muli %parallel_loop3A_259, %parallel_loop3A_1144 : i32
        %parallel_loop3A_1146 = arith.constant 6 : i32
        %parallel_loop3A_1147 = arith.addi %parallel_loop3A_1145, %parallel_loop3A_1146 : i32
        %parallel_loop3A_1148 = arith.index_cast %parallel_loop3A_1147 : i32 to index
        %parallel_loop3A_1149 = arith.constant 48 : index
        %parallel_loop3A_1150 = tpu.vector_load %arg9[%parallel_loop3A_1148, %parallel_loop3A_1149] {strides = array<i32>} : memref<64x256xf32, #tpu.memory_space<vmem>>, vector<16xf32>,
        tpu.vector_store %arg9[%parallel_loop3A_1148, %parallel_loop3A_1149], %parallel_loop3A_1110 {strides = array<i32>} : memref<64x256xf32, #tpu.memory_space<vmem>>, vector<16xf32>,
        %parallel_loop3A_1151 = arith.constant 16 : i32
        %parallel_loop3A_1152 = arith.muli %parallel_loop3A_259, %parallel_loop3A_1151 : i32
        %parallel_loop3A_1153 = arith.constant 6 : i32
        %parallel_loop3A_1154 = arith.addi %parallel_loop3A_1152, %parallel_loop3A_1153 : i32
        %parallel_loop3A_1155 = arith.index_cast %parallel_loop3A_1154 : i32 to index
        %parallel_loop3A_1156 = arith.constant 64 : index
        %parallel_loop3A_1157 = tpu.vector_load %arg9[%parallel_loop3A_1155, %parallel_loop3A_1156] {strides = array<i32>} : memref<64x256xf32, #tpu.memory_space<vmem>>, vector<16xf32>,
        tpu.vector_store %arg9[%parallel_loop3A_1155, %parallel_loop3A_1156], %parallel_loop3A_1111 {strides = array<i32>} : memref<64x256xf32, #tpu.memory_space<vmem>>, vector<16xf32>,
        %parallel_loop3A_1158 = arith.constant 16 : i32
        %parallel_loop3A_1159 = arith.muli %parallel_loop3A_259, %parallel_loop3A_1158 : i32
        %parallel_loop3A_1160 = arith.constant 6 : i32
        %parallel_loop3A_1161 = arith.addi %parallel_loop3A_1159, %parallel_loop3A_1160 : i32
        %parallel_loop3A_1162 = arith.index_cast %parallel_loop3A_1161 : i32 to index
        %parallel_loop3A_1163 = arith.constant 80 : index
        %parallel_loop3A_1164 = tpu.vector_load %arg9[%parallel_loop3A_1162, %parallel_loop3A_1163] {strides = array<i32>} : memref<64x256xf32, #tpu.memory_space<vmem>>, vector<16xf32>,
        tpu.vector_store %arg9[%parallel_loop3A_1162, %parallel_loop3A_1163], %parallel_loop3A_1112 {strides = array<i32>} : memref<64x256xf32, #tpu.memory_space<vmem>>, vector<16xf32>,
        %parallel_loop3A_1165 = arith.constant 16 : i32
        %parallel_loop3A_1166 = arith.muli %parallel_loop3A_259, %parallel_loop3A_1165 : i32
        %parallel_loop3A_1167 = arith.constant 6 : i32
        %parallel_loop3A_1168 = arith.addi %parallel_loop3A_1166, %parallel_loop3A_1167 : i32
        %parallel_loop3A_1169 = arith.index_cast %parallel_loop3A_1168 : i32 to index
        %parallel_loop3A_1170 = arith.constant 96 : index
        %parallel_loop3A_1171 = tpu.vector_load %arg9[%parallel_loop3A_1169, %parallel_loop3A_1170] {strides = array<i32>} : memref<64x256xf32, #tpu.memory_space<vmem>>, vector<16xf32>,
        tpu.vector_store %arg9[%parallel_loop3A_1169, %parallel_loop3A_1170], %parallel_loop3A_1113 {strides = array<i32>} : memref<64x256xf32, #tpu.memory_space<vmem>>, vector<16xf32>,
        %parallel_loop3A_1172 = arith.constant 16 : i32
        %parallel_loop3A_1173 = arith.muli %parallel_loop3A_259, %parallel_loop3A_1172 : i32
        %parallel_loop3A_1174 = arith.constant 6 : i32
        %parallel_loop3A_1175 = arith.addi %parallel_loop3A_1173, %parallel_loop3A_1174 : i32
        %parallel_loop3A_1176 = arith.index_cast %parallel_loop3A_1175 : i32 to index
        %parallel_loop3A_1177 = arith.constant 112 : index
        %parallel_loop3A_1178 = tpu.vector_load %arg9[%parallel_loop3A_1176, %parallel_loop3A_1177] {strides = array<i32>} : memref<64x256xf32, #tpu.memory_space<vmem>>, vector<16xf32>,
        tpu.vector_store %arg9[%parallel_loop3A_1176, %parallel_loop3A_1177], %parallel_loop3A_1114 {strides = array<i32>} : memref<64x256xf32, #tpu.memory_space<vmem>>, vector<16xf32>,
        %parallel_loop3A_1179 = arith.constant 16 : i32
        %parallel_loop3A_1180 = arith.muli %parallel_loop3A_259, %parallel_loop3A_1179 : i32
        %parallel_loop3A_1181 = arith.constant 6 : i32
        %parallel_loop3A_1182 = arith.addi %parallel_loop3A_1180, %parallel_loop3A_1181 : i32
        %parallel_loop3A_1183 = arith.index_cast %parallel_loop3A_1182 : i32 to index
        %parallel_loop3A_1184 = arith.constant 128 : index
        %parallel_loop3A_1185 = tpu.vector_load %arg9[%parallel_loop3A_1183, %parallel_loop3A_1184] {strides = array<i32>} : memref<64x256xf32, #tpu.memory_space<vmem>>, vector<16xf32>,
        tpu.vector_store %arg9[%parallel_loop3A_1183, %parallel_loop3A_1184], %parallel_loop3A_1115 {strides = array<i32>} : memref<64x256xf32, #tpu.memory_space<vmem>>, vector<16xf32>,
        %parallel_loop3A_1186 = arith.constant 16 : i32
        %parallel_loop3A_1187 = arith.muli %parallel_loop3A_259, %parallel_loop3A_1186 : i32
        %parallel_loop3A_1188 = arith.constant 6 : i32
        %parallel_loop3A_1189 = arith.addi %parallel_loop3A_1187, %parallel_loop3A_1188 : i32
        %parallel_loop3A_1190 = arith.index_cast %parallel_loop3A_1189 : i32 to index
        %parallel_loop3A_1191 = arith.constant 144 : index
        %parallel_loop3A_1192 = tpu.vector_load %arg9[%parallel_loop3A_1190, %parallel_loop3A_1191] {strides = array<i32>} : memref<64x256xf32, #tpu.memory_space<vmem>>, vector<16xf32>,
        tpu.vector_store %arg9[%parallel_loop3A_1190, %parallel_loop3A_1191], %parallel_loop3A_1116 {strides = array<i32>} : memref<64x256xf32, #tpu.memory_space<vmem>>, vector<16xf32>,
        %parallel_loop3A_1193 = arith.constant 16 : i32
        %parallel_loop3A_1194 = arith.muli %parallel_loop3A_259, %parallel_loop3A_1193 : i32
        %parallel_loop3A_1195 = arith.constant 6 : i32
        %parallel_loop3A_1196 = arith.addi %parallel_loop3A_1194, %parallel_loop3A_1195 : i32
        %parallel_loop3A_1197 = arith.index_cast %parallel_loop3A_1196 : i32 to index
        %parallel_loop3A_1198 = arith.constant 160 : index
        %parallel_loop3A_1199 = tpu.vector_load %arg9[%parallel_loop3A_1197, %parallel_loop3A_1198] {strides = array<i32>} : memref<64x256xf32, #tpu.memory_space<vmem>>, vector<16xf32>,
        tpu.vector_store %arg9[%parallel_loop3A_1197, %parallel_loop3A_1198], %parallel_loop3A_1117 {strides = array<i32>} : memref<64x256xf32, #tpu.memory_space<vmem>>, vector<16xf32>,
        %parallel_loop3A_1200 = arith.constant 16 : i32
        %parallel_loop3A_1201 = arith.muli %parallel_loop3A_259, %parallel_loop3A_1200 : i32
        %parallel_loop3A_1202 = arith.constant 6 : i32
        %parallel_loop3A_1203 = arith.addi %parallel_loop3A_1201, %parallel_loop3A_1202 : i32
        %parallel_loop3A_1204 = arith.index_cast %parallel_loop3A_1203 : i32 to index
        %parallel_loop3A_1205 = arith.constant 176 : index
        %parallel_loop3A_1206 = tpu.vector_load %arg9[%parallel_loop3A_1204, %parallel_loop3A_1205] {strides = array<i32>} : memref<64x256xf32, #tpu.memory_space<vmem>>, vector<16xf32>,
        tpu.vector_store %arg9[%parallel_loop3A_1204, %parallel_loop3A_1205], %parallel_loop3A_1118 {strides = array<i32>} : memref<64x256xf32, #tpu.memory_space<vmem>>, vector<16xf32>,
        %parallel_loop3A_1207 = arith.constant 16 : i32
        %parallel_loop3A_1208 = arith.muli %parallel_loop3A_259, %parallel_loop3A_1207 : i32
        %parallel_loop3A_1209 = arith.constant 6 : i32
        %parallel_loop3A_1210 = arith.addi %parallel_loop3A_1208, %parallel_loop3A_1209 : i32
        %parallel_loop3A_1211 = arith.index_cast %parallel_loop3A_1210 : i32 to index
        %parallel_loop3A_1212 = arith.constant 192 : index
        %parallel_loop3A_1213 = tpu.vector_load %arg9[%parallel_loop3A_1211, %parallel_loop3A_1212] {strides = array<i32>} : memref<64x256xf32, #tpu.memory_space<vmem>>, vector<16xf32>,
        tpu.vector_store %arg9[%parallel_loop3A_1211, %parallel_loop3A_1212], %parallel_loop3A_1119 {strides = array<i32>} : memref<64x256xf32, #tpu.memory_space<vmem>>, vector<16xf32>,
        %parallel_loop3A_1214 = arith.constant 16 : i32
        %parallel_loop3A_1215 = arith.muli %parallel_loop3A_259, %parallel_loop3A_1214 : i32
        %parallel_loop3A_1216 = arith.constant 6 : i32
        %parallel_loop3A_1217 = arith.addi %parallel_loop3A_1215, %parallel_loop3A_1216 : i32
        %parallel_loop3A_1218 = arith.index_cast %parallel_loop3A_1217 : i32 to index
        %parallel_loop3A_1219 = arith.constant 208 : index
        %parallel_loop3A_1220 = tpu.vector_load %arg9[%parallel_loop3A_1218, %parallel_loop3A_1219] {strides = array<i32>} : memref<64x256xf32, #tpu.memory_space<vmem>>, vector<16xf32>,
        tpu.vector_store %arg9[%parallel_loop3A_1218, %parallel_loop3A_1219], %parallel_loop3A_1120 {strides = array<i32>} : memref<64x256xf32, #tpu.memory_space<vmem>>, vector<16xf32>,
        %parallel_loop3A_1221 = arith.constant 16 : i32
        %parallel_loop3A_1222 = arith.muli %parallel_loop3A_259, %parallel_loop3A_1221 : i32
        %parallel_loop3A_1223 = arith.constant 6 : i32
        %parallel_loop3A_1224 = arith.addi %parallel_loop3A_1222, %parallel_loop3A_1223 : i32
        %parallel_loop3A_1225 = arith.index_cast %parallel_loop3A_1224 : i32 to index
        %parallel_loop3A_1226 = arith.constant 224 : index
        %parallel_loop3A_1227 = tpu.vector_load %arg9[%parallel_loop3A_1225, %parallel_loop3A_1226] {strides = array<i32>} : memref<64x256xf32, #tpu.memory_space<vmem>>, vector<16xf32>,
        tpu.vector_store %arg9[%parallel_loop3A_1225, %parallel_loop3A_1226], %parallel_loop3A_1121 {strides = array<i32>} : memref<64x256xf32, #tpu.memory_space<vmem>>, vector<16xf32>,
        %parallel_loop3A_1228 = arith.constant 16 : i32
        %parallel_loop3A_1229 = arith.muli %parallel_loop3A_259, %parallel_loop3A_1228 : i32
        %parallel_loop3A_1230 = arith.constant 6 : i32
        %parallel_loop3A_1231 = arith.addi %parallel_loop3A_1229, %parallel_loop3A_1230 : i32
        %parallel_loop3A_1232 = arith.index_cast %parallel_loop3A_1231 : i32 to index
        %parallel_loop3A_1233 = arith.constant 240 : index
        %parallel_loop3A_1234 = tpu.vector_load %arg9[%parallel_loop3A_1232, %parallel_loop3A_1233] {strides = array<i32>} : memref<64x256xf32, #tpu.memory_space<vmem>>, vector<16xf32>,
        tpu.vector_store %arg9[%parallel_loop3A_1232, %parallel_loop3A_1233], %parallel_loop3A_1122 {strides = array<i32>} : memref<64x256xf32, #tpu.memory_space<vmem>>, vector<16xf32>,
        %parallel_loop3A_1235 = arith.constant 0 : i32
        %parallel_loop3A_1236 = vector.broadcast %parallel_loop3A_1235 : i32 to vector<16xi32>
        %parallel_loop3A_1237 = arith.cmpi slt, %broadcast_in_dim3A_49, %parallel_loop3A_1236 : vector<16xi32>
        %parallel_loop3A_1238 = arith.constant 16 : i32
        %parallel_loop3A_1239 = vector.broadcast %parallel_loop3A_1238 : i32 to vector<16xi32>
        %parallel_loop3A_1240 = arith.addi %broadcast_in_dim3A_49, %parallel_loop3A_1239 : vector<16xi32>
        %parallel_loop3A_1241 = arith.select %parallel_loop3A_1237, %parallel_loop3A_1240, %broadcast_in_dim3A_49 : vector<16xi1>, vector<16xi32>
        %parallel_loop3A_1242 = vector.shape_cast %parallel_loop3A_1241 : vector<16xi32> to vector<16x1xi32>
        %parallel_loop3A_1243 = vector.shape_cast %parallel_loop3A_1242 : vector<16x1xi32> to vector<16xi32>
        %parallel_loop3A_1244 = tpu.dynamic_gather %parallel_loop3A_268[%parallel_loop3A_1243] in [0] : vector<16xi32>, vector<16xi32> -> vector<16xi32>
        %parallel_loop3A_1245 = tpu.vector_load_idx %arg6[%parallel_loop3A_1244, %add3A_68] : memref<256x256xf32, #tpu.memory_space<vmem>>[vector<16xi32>, vector<16xi32>], vector<16xf32>,
        %parallel_loop3A_1246 = tpu.vector_load_idx %arg6[%parallel_loop3A_1244, %add3A_72] : memref<256x256xf32, #tpu.memory_space<vmem>>[vector<16xi32>, vector<16xi32>], vector<16xf32>,
        %parallel_loop3A_1247 = tpu.vector_load_idx %arg6[%parallel_loop3A_1244, %add3A_76] : memref<256x256xf32, #tpu.memory_space<vmem>>[vector<16xi32>, vector<16xi32>], vector<16xf32>,
        %parallel_loop3A_1248 = tpu.vector_load_idx %arg6[%parallel_loop3A_1244, %add3A_80] : memref<256x256xf32, #tpu.memory_space<vmem>>[vector<16xi32>, vector<16xi32>], vector<16xf32>,
        %parallel_loop3A_1249 = tpu.vector_load_idx %arg6[%parallel_loop3A_1244, %add3A_84] : memref<256x256xf32, #tpu.memory_space<vmem>>[vector<16xi32>, vector<16xi32>], vector<16xf32>,
        %parallel_loop3A_1250 = tpu.vector_load_idx %arg6[%parallel_loop3A_1244, %add3A_88] : memref<256x256xf32, #tpu.memory_space<vmem>>[vector<16xi32>, vector<16xi32>], vector<16xf32>,
        %parallel_loop3A_1251 = tpu.vector_load_idx %arg6[%parallel_loop3A_1244, %add3A_92] : memref<256x256xf32, #tpu.memory_space<vmem>>[vector<16xi32>, vector<16xi32>], vector<16xf32>,
        %parallel_loop3A_1252 = tpu.vector_load_idx %arg6[%parallel_loop3A_1244, %add3A_96] : memref<256x256xf32, #tpu.memory_space<vmem>>[vector<16xi32>, vector<16xi32>], vector<16xf32>,
        %parallel_loop3A_1253 = tpu.vector_load_idx %arg6[%parallel_loop3A_1244, %add3A_100] : memref<256x256xf32, #tpu.memory_space<vmem>>[vector<16xi32>, vector<16xi32>], vector<16xf32>,
        %parallel_loop3A_1254 = tpu.vector_load_idx %arg6[%parallel_loop3A_1244, %add3A_104] : memref<256x256xf32, #tpu.memory_space<vmem>>[vector<16xi32>, vector<16xi32>], vector<16xf32>,
        %parallel_loop3A_1255 = tpu.vector_load_idx %arg6[%parallel_loop3A_1244, %add3A_108] : memref<256x256xf32, #tpu.memory_space<vmem>>[vector<16xi32>, vector<16xi32>], vector<16xf32>,
        %parallel_loop3A_1256 = tpu.vector_load_idx %arg6[%parallel_loop3A_1244, %add3A_112] : memref<256x256xf32, #tpu.memory_space<vmem>>[vector<16xi32>, vector<16xi32>], vector<16xf32>,
        %parallel_loop3A_1257 = tpu.vector_load_idx %arg6[%parallel_loop3A_1244, %add3A_116] : memref<256x256xf32, #tpu.memory_space<vmem>>[vector<16xi32>, vector<16xi32>], vector<16xf32>,
        %parallel_loop3A_1258 = tpu.vector_load_idx %arg6[%parallel_loop3A_1244, %add3A_120] : memref<256x256xf32, #tpu.memory_space<vmem>>[vector<16xi32>, vector<16xi32>], vector<16xf32>,
        %parallel_loop3A_1259 = tpu.vector_load_idx %arg6[%parallel_loop3A_1244, %add3A_124] : memref<256x256xf32, #tpu.memory_space<vmem>>[vector<16xi32>, vector<16xi32>], vector<16xf32>,
        %parallel_loop3A_1260 = tpu.vector_load_idx %arg6[%parallel_loop3A_1244, %add3A_128] : memref<256x256xf32, #tpu.memory_space<vmem>>[vector<16xi32>, vector<16xi32>], vector<16xf32>,
        %parallel_loop3A_1261 = arith.constant 16 : i32
        %parallel_loop3A_1262 = arith.muli %parallel_loop3A_259, %parallel_loop3A_1261 : i32
        %parallel_loop3A_1263 = arith.constant 7 : i32
        %parallel_loop3A_1264 = arith.addi %parallel_loop3A_1262, %parallel_loop3A_1263 : i32
        %parallel_loop3A_1265 = arith.index_cast %parallel_loop3A_1264 : i32 to index
        %parallel_loop3A_1266 = arith.constant 0 : index
        %parallel_loop3A_1267 = tpu.vector_load %arg9[%parallel_loop3A_1265, %parallel_loop3A_1266] {strides = array<i32>} : memref<64x256xf32, #tpu.memory_space<vmem>>, vector<16xf32>,
        tpu.vector_store %arg9[%parallel_loop3A_1265, %parallel_loop3A_1266], %parallel_loop3A_1245 {strides = array<i32>} : memref<64x256xf32, #tpu.memory_space<vmem>>, vector<16xf32>,
        %parallel_loop3A_1268 = arith.constant 16 : i32
        %parallel_loop3A_1269 = arith.muli %parallel_loop3A_259, %parallel_loop3A_1268 : i32
        %parallel_loop3A_1270 = arith.constant 7 : i32
        %parallel_loop3A_1271 = arith.addi %parallel_loop3A_1269, %parallel_loop3A_1270 : i32
        %parallel_loop3A_1272 = arith.index_cast %parallel_loop3A_1271 : i32 to index
        %parallel_loop3A_1273 = arith.constant 16 : index
        %parallel_loop3A_1274 = tpu.vector_load %arg9[%parallel_loop3A_1272, %parallel_loop3A_1273] {strides = array<i32>} : memref<64x256xf32, #tpu.memory_space<vmem>>, vector<16xf32>,
        tpu.vector_store %arg9[%parallel_loop3A_1272, %parallel_loop3A_1273], %parallel_loop3A_1246 {strides = array<i32>} : memref<64x256xf32, #tpu.memory_space<vmem>>, vector<16xf32>,
        %parallel_loop3A_1275 = arith.constant 16 : i32
        %parallel_loop3A_1276 = arith.muli %parallel_loop3A_259, %parallel_loop3A_1275 : i32
        %parallel_loop3A_1277 = arith.constant 7 : i32
        %parallel_loop3A_1278 = arith.addi %parallel_loop3A_1276, %parallel_loop3A_1277 : i32
        %parallel_loop3A_1279 = arith.index_cast %parallel_loop3A_1278 : i32 to index
        %parallel_loop3A_1280 = arith.constant 32 : index
        %parallel_loop3A_1281 = tpu.vector_load %arg9[%parallel_loop3A_1279, %parallel_loop3A_1280] {strides = array<i32>} : memref<64x256xf32, #tpu.memory_space<vmem>>, vector<16xf32>,
        tpu.vector_store %arg9[%parallel_loop3A_1279, %parallel_loop3A_1280], %parallel_loop3A_1247 {strides = array<i32>} : memref<64x256xf32, #tpu.memory_space<vmem>>, vector<16xf32>,
        %parallel_loop3A_1282 = arith.constant 16 : i32
        %parallel_loop3A_1283 = arith.muli %parallel_loop3A_259, %parallel_loop3A_1282 : i32
        %parallel_loop3A_1284 = arith.constant 7 : i32
        %parallel_loop3A_1285 = arith.addi %parallel_loop3A_1283, %parallel_loop3A_1284 : i32
        %parallel_loop3A_1286 = arith.index_cast %parallel_loop3A_1285 : i32 to index
        %parallel_loop3A_1287 = arith.constant 48 : index
        %parallel_loop3A_1288 = tpu.vector_load %arg9[%parallel_loop3A_1286, %parallel_loop3A_1287] {strides = array<i32>} : memref<64x256xf32, #tpu.memory_space<vmem>>, vector<16xf32>,
        tpu.vector_store %arg9[%parallel_loop3A_1286, %parallel_loop3A_1287], %parallel_loop3A_1248 {strides = array<i32>} : memref<64x256xf32, #tpu.memory_space<vmem>>, vector<16xf32>,
        %parallel_loop3A_1289 = arith.constant 16 : i32
        %parallel_loop3A_1290 = arith.muli %parallel_loop3A_259, %parallel_loop3A_1289 : i32
        %parallel_loop3A_1291 = arith.constant 7 : i32
        %parallel_loop3A_1292 = arith.addi %parallel_loop3A_1290, %parallel_loop3A_1291 : i32
        %parallel_loop3A_1293 = arith.index_cast %parallel_loop3A_1292 : i32 to index
        %parallel_loop3A_1294 = arith.constant 64 : index
        %parallel_loop3A_1295 = tpu.vector_load %arg9[%parallel_loop3A_1293, %parallel_loop3A_1294] {strides = array<i32>} : memref<64x256xf32, #tpu.memory_space<vmem>>, vector<16xf32>,
        tpu.vector_store %arg9[%parallel_loop3A_1293, %parallel_loop3A_1294], %parallel_loop3A_1249 {strides = array<i32>} : memref<64x256xf32, #tpu.memory_space<vmem>>, vector<16xf32>,
        %parallel_loop3A_1296 = arith.constant 16 : i32
        %parallel_loop3A_1297 = arith.muli %parallel_loop3A_259, %parallel_loop3A_1296 : i32
        %parallel_loop3A_1298 = arith.constant 7 : i32
        %parallel_loop3A_1299 = arith.addi %parallel_loop3A_1297, %parallel_loop3A_1298 : i32
        %parallel_loop3A_1300 = arith.index_cast %parallel_loop3A_1299 : i32 to index
        %parallel_loop3A_1301 = arith.constant 80 : index
        %parallel_loop3A_1302 = tpu.vector_load %arg9[%parallel_loop3A_1300, %parallel_loop3A_1301] {strides = array<i32>} : memref<64x256xf32, #tpu.memory_space<vmem>>, vector<16xf32>,
        tpu.vector_store %arg9[%parallel_loop3A_1300, %parallel_loop3A_1301], %parallel_loop3A_1250 {strides = array<i32>} : memref<64x256xf32, #tpu.memory_space<vmem>>, vector<16xf32>,
        %parallel_loop3A_1303 = arith.constant 16 : i32
        %parallel_loop3A_1304 = arith.muli %parallel_loop3A_259, %parallel_loop3A_1303 : i32
        %parallel_loop3A_1305 = arith.constant 7 : i32
        %parallel_loop3A_1306 = arith.addi %parallel_loop3A_1304, %parallel_loop3A_1305 : i32
        %parallel_loop3A_1307 = arith.index_cast %parallel_loop3A_1306 : i32 to index
        %parallel_loop3A_1308 = arith.constant 96 : index
        %parallel_loop3A_1309 = tpu.vector_load %arg9[%parallel_loop3A_1307, %parallel_loop3A_1308] {strides = array<i32>} : memref<64x256xf32, #tpu.memory_space<vmem>>, vector<16xf32>,
        tpu.vector_store %arg9[%parallel_loop3A_1307, %parallel_loop3A_1308], %parallel_loop3A_1251 {strides = array<i32>} : memref<64x256xf32, #tpu.memory_space<vmem>>, vector<16xf32>,
        %parallel_loop3A_1310 = arith.constant 16 : i32
        %parallel_loop3A_1311 = arith.muli %parallel_loop3A_259, %parallel_loop3A_1310 : i32
        %parallel_loop3A_1312 = arith.constant 7 : i32
        %parallel_loop3A_1313 = arith.addi %parallel_loop3A_1311, %parallel_loop3A_1312 : i32
        %parallel_loop3A_1314 = arith.index_cast %parallel_loop3A_1313 : i32 to index
        %parallel_loop3A_1315 = arith.constant 112 : index
        %parallel_loop3A_1316 = tpu.vector_load %arg9[%parallel_loop3A_1314, %parallel_loop3A_1315] {strides = array<i32>} : memref<64x256xf32, #tpu.memory_space<vmem>>, vector<16xf32>,
        tpu.vector_store %arg9[%parallel_loop3A_1314, %parallel_loop3A_1315], %parallel_loop3A_1252 {strides = array<i32>} : memref<64x256xf32, #tpu.memory_space<vmem>>, vector<16xf32>,
        %parallel_loop3A_1317 = arith.constant 16 : i32
        %parallel_loop3A_1318 = arith.muli %parallel_loop3A_259, %parallel_loop3A_1317 : i32
        %parallel_loop3A_1319 = arith.constant 7 : i32
        %parallel_loop3A_1320 = arith.addi %parallel_loop3A_1318, %parallel_loop3A_1319 : i32
        %parallel_loop3A_1321 = arith.index_cast %parallel_loop3A_1320 : i32 to index
        %parallel_loop3A_1322 = arith.constant 128 : index
        %parallel_loop3A_1323 = tpu.vector_load %arg9[%parallel_loop3A_1321, %parallel_loop3A_1322] {strides = array<i32>} : memref<64x256xf32, #tpu.memory_space<vmem>>, vector<16xf32>,
        tpu.vector_store %arg9[%parallel_loop3A_1321, %parallel_loop3A_1322], %parallel_loop3A_1253 {strides = array<i32>} : memref<64x256xf32, #tpu.memory_space<vmem>>, vector<16xf32>,
        %parallel_loop3A_1324 = arith.constant 16 : i32
        %parallel_loop3A_1325 = arith.muli %parallel_loop3A_259, %parallel_loop3A_1324 : i32
        %parallel_loop3A_1326 = arith.constant 7 : i32
        %parallel_loop3A_1327 = arith.addi %parallel_loop3A_1325, %parallel_loop3A_1326 : i32
        %parallel_loop3A_1328 = arith.index_cast %parallel_loop3A_1327 : i32 to index
        %parallel_loop3A_1329 = arith.constant 144 : index
        %parallel_loop3A_1330 = tpu.vector_load %arg9[%parallel_loop3A_1328, %parallel_loop3A_1329] {strides = array<i32>} : memref<64x256xf32, #tpu.memory_space<vmem>>, vector<16xf32>,
        tpu.vector_store %arg9[%parallel_loop3A_1328, %parallel_loop3A_1329], %parallel_loop3A_1254 {strides = array<i32>} : memref<64x256xf32, #tpu.memory_space<vmem>>, vector<16xf32>,
        %parallel_loop3A_1331 = arith.constant 16 : i32
        %parallel_loop3A_1332 = arith.muli %parallel_loop3A_259, %parallel_loop3A_1331 : i32
        %parallel_loop3A_1333 = arith.constant 7 : i32
        %parallel_loop3A_1334 = arith.addi %parallel_loop3A_1332, %parallel_loop3A_1333 : i32
        %parallel_loop3A_1335 = arith.index_cast %parallel_loop3A_1334 : i32 to index
        %parallel_loop3A_1336 = arith.constant 160 : index
        %parallel_loop3A_1337 = tpu.vector_load %arg9[%parallel_loop3A_1335, %parallel_loop3A_1336] {strides = array<i32>} : memref<64x256xf32, #tpu.memory_space<vmem>>, vector<16xf32>,
        tpu.vector_store %arg9[%parallel_loop3A_1335, %parallel_loop3A_1336], %parallel_loop3A_1255 {strides = array<i32>} : memref<64x256xf32, #tpu.memory_space<vmem>>, vector<16xf32>,
        %parallel_loop3A_1338 = arith.constant 16 : i32
        %parallel_loop3A_1339 = arith.muli %parallel_loop3A_259, %parallel_loop3A_1338 : i32
        %parallel_loop3A_1340 = arith.constant 7 : i32
        %parallel_loop3A_1341 = arith.addi %parallel_loop3A_1339, %parallel_loop3A_1340 : i32
        %parallel_loop3A_1342 = arith.index_cast %parallel_loop3A_1341 : i32 to index
        %parallel_loop3A_1343 = arith.constant 176 : index
        %parallel_loop3A_1344 = tpu.vector_load %arg9[%parallel_loop3A_1342, %parallel_loop3A_1343] {strides = array<i32>} : memref<64x256xf32, #tpu.memory_space<vmem>>, vector<16xf32>,
        tpu.vector_store %arg9[%parallel_loop3A_1342, %parallel_loop3A_1343], %parallel_loop3A_1256 {strides = array<i32>} : memref<64x256xf32, #tpu.memory_space<vmem>>, vector<16xf32>,
        %parallel_loop3A_1345 = arith.constant 16 : i32
        %parallel_loop3A_1346 = arith.muli %parallel_loop3A_259, %parallel_loop3A_1345 : i32
        %parallel_loop3A_1347 = arith.constant 7 : i32
        %parallel_loop3A_1348 = arith.addi %parallel_loop3A_1346, %parallel_loop3A_1347 : i32
        %parallel_loop3A_1349 = arith.index_cast %parallel_loop3A_1348 : i32 to index
        %parallel_loop3A_1350 = arith.constant 192 : index
        %parallel_loop3A_1351 = tpu.vector_load %arg9[%parallel_loop3A_1349, %parallel_loop3A_1350] {strides = array<i32>} : memref<64x256xf32, #tpu.memory_space<vmem>>, vector<16xf32>,
        tpu.vector_store %arg9[%parallel_loop3A_1349, %parallel_loop3A_1350], %parallel_loop3A_1257 {strides = array<i32>} : memref<64x256xf32, #tpu.memory_space<vmem>>, vector<16xf32>,
        %parallel_loop3A_1352 = arith.constant 16 : i32
        %parallel_loop3A_1353 = arith.muli %parallel_loop3A_259, %parallel_loop3A_1352 : i32
        %parallel_loop3A_1354 = arith.constant 7 : i32
        %parallel_loop3A_1355 = arith.addi %parallel_loop3A_1353, %parallel_loop3A_1354 : i32
        %parallel_loop3A_1356 = arith.index_cast %parallel_loop3A_1355 : i32 to index
        %parallel_loop3A_1357 = arith.constant 208 : index
        %parallel_loop3A_1358 = tpu.vector_load %arg9[%parallel_loop3A_1356, %parallel_loop3A_1357] {strides = array<i32>} : memref<64x256xf32, #tpu.memory_space<vmem>>, vector<16xf32>,
        tpu.vector_store %arg9[%parallel_loop3A_1356, %parallel_loop3A_1357], %parallel_loop3A_1258 {strides = array<i32>} : memref<64x256xf32, #tpu.memory_space<vmem>>, vector<16xf32>,
        %parallel_loop3A_1359 = arith.constant 16 : i32
        %parallel_loop3A_1360 = arith.muli %parallel_loop3A_259, %parallel_loop3A_1359 : i32
        %parallel_loop3A_1361 = arith.constant 7 : i32
        %parallel_loop3A_1362 = arith.addi %parallel_loop3A_1360, %parallel_loop3A_1361 : i32
        %parallel_loop3A_1363 = arith.index_cast %parallel_loop3A_1362 : i32 to index
        %parallel_loop3A_1364 = arith.constant 224 : index
        %parallel_loop3A_1365 = tpu.vector_load %arg9[%parallel_loop3A_1363, %parallel_loop3A_1364] {strides = array<i32>} : memref<64x256xf32, #tpu.memory_space<vmem>>, vector<16xf32>,
        tpu.vector_store %arg9[%parallel_loop3A_1363, %parallel_loop3A_1364], %parallel_loop3A_1259 {strides = array<i32>} : memref<64x256xf32, #tpu.memory_space<vmem>>, vector<16xf32>,
        %parallel_loop3A_1366 = arith.constant 16 : i32
        %parallel_loop3A_1367 = arith.muli %parallel_loop3A_259, %parallel_loop3A_1366 : i32
        %parallel_loop3A_1368 = arith.constant 7 : i32
        %parallel_loop3A_1369 = arith.addi %parallel_loop3A_1367, %parallel_loop3A_1368 : i32
        %parallel_loop3A_1370 = arith.index_cast %parallel_loop3A_1369 : i32 to index
        %parallel_loop3A_1371 = arith.constant 240 : index
        %parallel_loop3A_1372 = tpu.vector_load %arg9[%parallel_loop3A_1370, %parallel_loop3A_1371] {strides = array<i32>} : memref<64x256xf32, #tpu.memory_space<vmem>>, vector<16xf32>,
        tpu.vector_store %arg9[%parallel_loop3A_1370, %parallel_loop3A_1371], %parallel_loop3A_1260 {strides = array<i32>} : memref<64x256xf32, #tpu.memory_space<vmem>>, vector<16xf32>,
        %parallel_loop3A_1373 = arith.constant 0 : i32
        %parallel_loop3A_1374 = vector.broadcast %parallel_loop3A_1373 : i32 to vector<16xi32>
        %parallel_loop3A_1375 = arith.cmpi slt, %broadcast_in_dim3A_51, %parallel_loop3A_1374 : vector<16xi32>
        %parallel_loop3A_1376 = arith.constant 16 : i32
        %parallel_loop3A_1377 = vector.broadcast %parallel_loop3A_1376 : i32 to vector<16xi32>
        %parallel_loop3A_1378 = arith.addi %broadcast_in_dim3A_51, %parallel_loop3A_1377 : vector<16xi32>
        %parallel_loop3A_1379 = arith.select %parallel_loop3A_1375, %parallel_loop3A_1378, %broadcast_in_dim3A_51 : vector<16xi1>, vector<16xi32>
        %parallel_loop3A_1380 = vector.shape_cast %parallel_loop3A_1379 : vector<16xi32> to vector<16x1xi32>
        %parallel_loop3A_1381 = vector.shape_cast %parallel_loop3A_1380 : vector<16x1xi32> to vector<16xi32>
        %parallel_loop3A_1382 = tpu.dynamic_gather %parallel_loop3A_268[%parallel_loop3A_1381] in [0] : vector<16xi32>, vector<16xi32> -> vector<16xi32>
        %parallel_loop3A_1383 = tpu.vector_load_idx %arg6[%parallel_loop3A_1382, %add3A_68] : memref<256x256xf32, #tpu.memory_space<vmem>>[vector<16xi32>, vector<16xi32>], vector<16xf32>,
        %parallel_loop3A_1384 = tpu.vector_load_idx %arg6[%parallel_loop3A_1382, %add3A_72] : memref<256x256xf32, #tpu.memory_space<vmem>>[vector<16xi32>, vector<16xi32>], vector<16xf32>,
        %parallel_loop3A_1385 = tpu.vector_load_idx %arg6[%parallel_loop3A_1382, %add3A_76] : memref<256x256xf32, #tpu.memory_space<vmem>>[vector<16xi32>, vector<16xi32>], vector<16xf32>,
        %parallel_loop3A_1386 = tpu.vector_load_idx %arg6[%parallel_loop3A_1382, %add3A_80] : memref<256x256xf32, #tpu.memory_space<vmem>>[vector<16xi32>, vector<16xi32>], vector<16xf32>,
        %parallel_loop3A_1387 = tpu.vector_load_idx %arg6[%parallel_loop3A_1382, %add3A_84] : memref<256x256xf32, #tpu.memory_space<vmem>>[vector<16xi32>, vector<16xi32>], vector<16xf32>,
        %parallel_loop3A_1388 = tpu.vector_load_idx %arg6[%parallel_loop3A_1382, %add3A_88] : memref<256x256xf32, #tpu.memory_space<vmem>>[vector<16xi32>, vector<16xi32>], vector<16xf32>,
        %parallel_loop3A_1389 = tpu.vector_load_idx %arg6[%parallel_loop3A_1382, %add3A_92] : memref<256x256xf32, #tpu.memory_space<vmem>>[vector<16xi32>, vector<16xi32>], vector<16xf32>,
        %parallel_loop3A_1390 = tpu.vector_load_idx %arg6[%parallel_loop3A_1382, %add3A_96] : memref<256x256xf32, #tpu.memory_space<vmem>>[vector<16xi32>, vector<16xi32>], vector<16xf32>,
        %parallel_loop3A_1391 = tpu.vector_load_idx %arg6[%parallel_loop3A_1382, %add3A_100] : memref<256x256xf32, #tpu.memory_space<vmem>>[vector<16xi32>, vector<16xi32>], vector<16xf32>,
        %parallel_loop3A_1392 = tpu.vector_load_idx %arg6[%parallel_loop3A_1382, %add3A_104] : memref<256x256xf32, #tpu.memory_space<vmem>>[vector<16xi32>, vector<16xi32>], vector<16xf32>,
        %parallel_loop3A_1393 = tpu.vector_load_idx %arg6[%parallel_loop3A_1382, %add3A_108] : memref<256x256xf32, #tpu.memory_space<vmem>>[vector<16xi32>, vector<16xi32>], vector<16xf32>,
        %parallel_loop3A_1394 = tpu.vector_load_idx %arg6[%parallel_loop3A_1382, %add3A_112] : memref<256x256xf32, #tpu.memory_space<vmem>>[vector<16xi32>, vector<16xi32>], vector<16xf32>,
        %parallel_loop3A_1395 = tpu.vector_load_idx %arg6[%parallel_loop3A_1382, %add3A_116] : memref<256x256xf32, #tpu.memory_space<vmem>>[vector<16xi32>, vector<16xi32>], vector<16xf32>,
        %parallel_loop3A_1396 = tpu.vector_load_idx %arg6[%parallel_loop3A_1382, %add3A_120] : memref<256x256xf32, #tpu.memory_space<vmem>>[vector<16xi32>, vector<16xi32>], vector<16xf32>,
        %parallel_loop3A_1397 = tpu.vector_load_idx %arg6[%parallel_loop3A_1382, %add3A_124] : memref<256x256xf32, #tpu.memory_space<vmem>>[vector<16xi32>, vector<16xi32>], vector<16xf32>,
        %parallel_loop3A_1398 = tpu.vector_load_idx %arg6[%parallel_loop3A_1382, %add3A_128] : memref<256x256xf32, #tpu.memory_space<vmem>>[vector<16xi32>, vector<16xi32>], vector<16xf32>,
        %parallel_loop3A_1399 = arith.constant 16 : i32
        %parallel_loop3A_1400 = arith.muli %parallel_loop3A_259, %parallel_loop3A_1399 : i32
        %parallel_loop3A_1401 = arith.constant 8 : i32
        %parallel_loop3A_1402 = arith.addi %parallel_loop3A_1400, %parallel_loop3A_1401 : i32
        %parallel_loop3A_1403 = arith.index_cast %parallel_loop3A_1402 : i32 to index
        %parallel_loop3A_1404 = arith.constant 0 : index
        %parallel_loop3A_1405 = tpu.vector_load %arg9[%parallel_loop3A_1403, %parallel_loop3A_1404] {strides = array<i32>} : memref<64x256xf32, #tpu.memory_space<vmem>>, vector<16xf32>,
        tpu.vector_store %arg9[%parallel_loop3A_1403, %parallel_loop3A_1404], %parallel_loop3A_1383 {strides = array<i32>} : memref<64x256xf32, #tpu.memory_space<vmem>>, vector<16xf32>,
        %parallel_loop3A_1406 = arith.constant 16 : i32
        %parallel_loop3A_1407 = arith.muli %parallel_loop3A_259, %parallel_loop3A_1406 : i32
        %parallel_loop3A_1408 = arith.constant 8 : i32
        %parallel_loop3A_1409 = arith.addi %parallel_loop3A_1407, %parallel_loop3A_1408 : i32
        %parallel_loop3A_1410 = arith.index_cast %parallel_loop3A_1409 : i32 to index
        %parallel_loop3A_1411 = arith.constant 16 : index
        %parallel_loop3A_1412 = tpu.vector_load %arg9[%parallel_loop3A_1410, %parallel_loop3A_1411] {strides = array<i32>} : memref<64x256xf32, #tpu.memory_space<vmem>>, vector<16xf32>,
        tpu.vector_store %arg9[%parallel_loop3A_1410, %parallel_loop3A_1411], %parallel_loop3A_1384 {strides = array<i32>} : memref<64x256xf32, #tpu.memory_space<vmem>>, vector<16xf32>,
        %parallel_loop3A_1413 = arith.constant 16 : i32
        %parallel_loop3A_1414 = arith.muli %parallel_loop3A_259, %parallel_loop3A_1413 : i32
        %parallel_loop3A_1415 = arith.constant 8 : i32
        %parallel_loop3A_1416 = arith.addi %parallel_loop3A_1414, %parallel_loop3A_1415 : i32
        %parallel_loop3A_1417 = arith.index_cast %parallel_loop3A_1416 : i32 to index
        %parallel_loop3A_1418 = arith.constant 32 : index
        %parallel_loop3A_1419 = tpu.vector_load %arg9[%parallel_loop3A_1417, %parallel_loop3A_1418] {strides = array<i32>} : memref<64x256xf32, #tpu.memory_space<vmem>>, vector<16xf32>,
        tpu.vector_store %arg9[%parallel_loop3A_1417, %parallel_loop3A_1418], %parallel_loop3A_1385 {strides = array<i32>} : memref<64x256xf32, #tpu.memory_space<vmem>>, vector<16xf32>,
        %parallel_loop3A_1420 = arith.constant 16 : i32
        %parallel_loop3A_1421 = arith.muli %parallel_loop3A_259, %parallel_loop3A_1420 : i32
        %parallel_loop3A_1422 = arith.constant 8 : i32
        %parallel_loop3A_1423 = arith.addi %parallel_loop3A_1421, %parallel_loop3A_1422 : i32
        %parallel_loop3A_1424 = arith.index_cast %parallel_loop3A_1423 : i32 to index
        %parallel_loop3A_1425 = arith.constant 48 : index
        %parallel_loop3A_1426 = tpu.vector_load %arg9[%parallel_loop3A_1424, %parallel_loop3A_1425] {strides = array<i32>} : memref<64x256xf32, #tpu.memory_space<vmem>>, vector<16xf32>,
        tpu.vector_store %arg9[%parallel_loop3A_1424, %parallel_loop3A_1425], %parallel_loop3A_1386 {strides = array<i32>} : memref<64x256xf32, #tpu.memory_space<vmem>>, vector<16xf32>,
        %parallel_loop3A_1427 = arith.constant 16 : i32
        %parallel_loop3A_1428 = arith.muli %parallel_loop3A_259, %parallel_loop3A_1427 : i32
        %parallel_loop3A_1429 = arith.constant 8 : i32
        %parallel_loop3A_1430 = arith.addi %parallel_loop3A_1428, %parallel_loop3A_1429 : i32
        %parallel_loop3A_1431 = arith.index_cast %parallel_loop3A_1430 : i32 to index
        %parallel_loop3A_1432 = arith.constant 64 : index
        %parallel_loop3A_1433 = tpu.vector_load %arg9[%parallel_loop3A_1431, %parallel_loop3A_1432] {strides = array<i32>} : memref<64x256xf32, #tpu.memory_space<vmem>>, vector<16xf32>,
        tpu.vector_store %arg9[%parallel_loop3A_1431, %parallel_loop3A_1432], %parallel_loop3A_1387 {strides = array<i32>} : memref<64x256xf32, #tpu.memory_space<vmem>>, vector<16xf32>,
        %parallel_loop3A_1434 = arith.constant 16 : i32
        %parallel_loop3A_1435 = arith.muli %parallel_loop3A_259, %parallel_loop3A_1434 : i32
        %parallel_loop3A_1436 = arith.constant 8 : i32
        %parallel_loop3A_1437 = arith.addi %parallel_loop3A_1435, %parallel_loop3A_1436 : i32
        %parallel_loop3A_1438 = arith.index_cast %parallel_loop3A_1437 : i32 to index
        %parallel_loop3A_1439 = arith.constant 80 : index
        %parallel_loop3A_1440 = tpu.vector_load %arg9[%parallel_loop3A_1438, %parallel_loop3A_1439] {strides = array<i32>} : memref<64x256xf32, #tpu.memory_space<vmem>>, vector<16xf32>,
        tpu.vector_store %arg9[%parallel_loop3A_1438, %parallel_loop3A_1439], %parallel_loop3A_1388 {strides = array<i32>} : memref<64x256xf32, #tpu.memory_space<vmem>>, vector<16xf32>,
        %parallel_loop3A_1441 = arith.constant 16 : i32
        %parallel_loop3A_1442 = arith.muli %parallel_loop3A_259, %parallel_loop3A_1441 : i32
        %parallel_loop3A_1443 = arith.constant 8 : i32
        %parallel_loop3A_1444 = arith.addi %parallel_loop3A_1442, %parallel_loop3A_1443 : i32
        %parallel_loop3A_1445 = arith.index_cast %parallel_loop3A_1444 : i32 to index
        %parallel_loop3A_1446 = arith.constant 96 : index
        %parallel_loop3A_1447 = tpu.vector_load %arg9[%parallel_loop3A_1445, %parallel_loop3A_1446] {strides = array<i32>} : memref<64x256xf32, #tpu.memory_space<vmem>>, vector<16xf32>,
        tpu.vector_store %arg9[%parallel_loop3A_1445, %parallel_loop3A_1446], %parallel_loop3A_1389 {strides = array<i32>} : memref<64x256xf32, #tpu.memory_space<vmem>>, vector<16xf32>,
        %parallel_loop3A_1448 = arith.constant 16 : i32
        %parallel_loop3A_1449 = arith.muli %parallel_loop3A_259, %parallel_loop3A_1448 : i32
        %parallel_loop3A_1450 = arith.constant 8 : i32
        %parallel_loop3A_1451 = arith.addi %parallel_loop3A_1449, %parallel_loop3A_1450 : i32
        %parallel_loop3A_1452 = arith.index_cast %parallel_loop3A_1451 : i32 to index
        %parallel_loop3A_1453 = arith.constant 112 : index
        %parallel_loop3A_1454 = tpu.vector_load %arg9[%parallel_loop3A_1452, %parallel_loop3A_1453] {strides = array<i32>} : memref<64x256xf32, #tpu.memory_space<vmem>>, vector<16xf32>,
        tpu.vector_store %arg9[%parallel_loop3A_1452, %parallel_loop3A_1453], %parallel_loop3A_1390 {strides = array<i32>} : memref<64x256xf32, #tpu.memory_space<vmem>>, vector<16xf32>,
        %parallel_loop3A_1455 = arith.constant 16 : i32
        %parallel_loop3A_1456 = arith.muli %parallel_loop3A_259, %parallel_loop3A_1455 : i32
        %parallel_loop3A_1457 = arith.constant 8 : i32
        %parallel_loop3A_1458 = arith.addi %parallel_loop3A_1456, %parallel_loop3A_1457 : i32
        %parallel_loop3A_1459 = arith.index_cast %parallel_loop3A_1458 : i32 to index
        %parallel_loop3A_1460 = arith.constant 128 : index
        %parallel_loop3A_1461 = tpu.vector_load %arg9[%parallel_loop3A_1459, %parallel_loop3A_1460] {strides = array<i32>} : memref<64x256xf32, #tpu.memory_space<vmem>>, vector<16xf32>,
        tpu.vector_store %arg9[%parallel_loop3A_1459, %parallel_loop3A_1460], %parallel_loop3A_1391 {strides = array<i32>} : memref<64x256xf32, #tpu.memory_space<vmem>>, vector<16xf32>,
        %parallel_loop3A_1462 = arith.constant 16 : i32
        %parallel_loop3A_1463 = arith.muli %parallel_loop3A_259, %parallel_loop3A_1462 : i32
        %parallel_loop3A_1464 = arith.constant 8 : i32
        %parallel_loop3A_1465 = arith.addi %parallel_loop3A_1463, %parallel_loop3A_1464 : i32
        %parallel_loop3A_1466 = arith.index_cast %parallel_loop3A_1465 : i32 to index
        %parallel_loop3A_1467 = arith.constant 144 : index
        %parallel_loop3A_1468 = tpu.vector_load %arg9[%parallel_loop3A_1466, %parallel_loop3A_1467] {strides = array<i32>} : memref<64x256xf32, #tpu.memory_space<vmem>>, vector<16xf32>,
        tpu.vector_store %arg9[%parallel_loop3A_1466, %parallel_loop3A_1467], %parallel_loop3A_1392 {strides = array<i32>} : memref<64x256xf32, #tpu.memory_space<vmem>>, vector<16xf32>,
        %parallel_loop3A_1469 = arith.constant 16 : i32
        %parallel_loop3A_1470 = arith.muli %parallel_loop3A_259, %parallel_loop3A_1469 : i32
        %parallel_loop3A_1471 = arith.constant 8 : i32
        %parallel_loop3A_1472 = arith.addi %parallel_loop3A_1470, %parallel_loop3A_1471 : i32
        %parallel_loop3A_1473 = arith.index_cast %parallel_loop3A_1472 : i32 to index
        %parallel_loop3A_1474 = arith.constant 160 : index
        %parallel_loop3A_1475 = tpu.vector_load %arg9[%parallel_loop3A_1473, %parallel_loop3A_1474] {strides = array<i32>} : memref<64x256xf32, #tpu.memory_space<vmem>>, vector<16xf32>,
        tpu.vector_store %arg9[%parallel_loop3A_1473, %parallel_loop3A_1474], %parallel_loop3A_1393 {strides = array<i32>} : memref<64x256xf32, #tpu.memory_space<vmem>>, vector<16xf32>,
        %parallel_loop3A_1476 = arith.constant 16 : i32
        %parallel_loop3A_1477 = arith.muli %parallel_loop3A_259, %parallel_loop3A_1476 : i32
        %parallel_loop3A_1478 = arith.constant 8 : i32
        %parallel_loop3A_1479 = arith.addi %parallel_loop3A_1477, %parallel_loop3A_1478 : i32
        %parallel_loop3A_1480 = arith.index_cast %parallel_loop3A_1479 : i32 to index
        %parallel_loop3A_1481 = arith.constant 176 : index
        %parallel_loop3A_1482 = tpu.vector_load %arg9[%parallel_loop3A_1480, %parallel_loop3A_1481] {strides = array<i32>} : memref<64x256xf32, #tpu.memory_space<vmem>>, vector<16xf32>,
        tpu.vector_store %arg9[%parallel_loop3A_1480, %parallel_loop3A_1481], %parallel_loop3A_1394 {strides = array<i32>} : memref<64x256xf32, #tpu.memory_space<vmem>>, vector<16xf32>,
        %parallel_loop3A_1483 = arith.constant 16 : i32
        %parallel_loop3A_1484 = arith.muli %parallel_loop3A_259, %parallel_loop3A_1483 : i32
        %parallel_loop3A_1485 = arith.constant 8 : i32
        %parallel_loop3A_1486 = arith.addi %parallel_loop3A_1484, %parallel_loop3A_1485 : i32
        %parallel_loop3A_1487 = arith.index_cast %parallel_loop3A_1486 : i32 to index
        %parallel_loop3A_1488 = arith.constant 192 : index
        %parallel_loop3A_1489 = tpu.vector_load %arg9[%parallel_loop3A_1487, %parallel_loop3A_1488] {strides = array<i32>} : memref<64x256xf32, #tpu.memory_space<vmem>>, vector<16xf32>,
        tpu.vector_store %arg9[%parallel_loop3A_1487, %parallel_loop3A_1488], %parallel_loop3A_1395 {strides = array<i32>} : memref<64x256xf32, #tpu.memory_space<vmem>>, vector<16xf32>,
        %parallel_loop3A_1490 = arith.constant 16 : i32
        %parallel_loop3A_1491 = arith.muli %parallel_loop3A_259, %parallel_loop3A_1490 : i32
        %parallel_loop3A_1492 = arith.constant 8 : i32
        %parallel_loop3A_1493 = arith.addi %parallel_loop3A_1491, %parallel_loop3A_1492 : i32
        %parallel_loop3A_1494 = arith.index_cast %parallel_loop3A_1493 : i32 to index
        %parallel_loop3A_1495 = arith.constant 208 : index
        %parallel_loop3A_1496 = tpu.vector_load %arg9[%parallel_loop3A_1494, %parallel_loop3A_1495] {strides = array<i32>} : memref<64x256xf32, #tpu.memory_space<vmem>>, vector<16xf32>,
        tpu.vector_store %arg9[%parallel_loop3A_1494, %parallel_loop3A_1495], %parallel_loop3A_1396 {strides = array<i32>} : memref<64x256xf32, #tpu.memory_space<vmem>>, vector<16xf32>,
        %parallel_loop3A_1497 = arith.constant 16 : i32
        %parallel_loop3A_1498 = arith.muli %parallel_loop3A_259, %parallel_loop3A_1497 : i32
        %parallel_loop3A_1499 = arith.constant 8 : i32
        %parallel_loop3A_1500 = arith.addi %parallel_loop3A_1498, %parallel_loop3A_1499 : i32
        %parallel_loop3A_1501 = arith.index_cast %parallel_loop3A_1500 : i32 to index
        %parallel_loop3A_1502 = arith.constant 224 : index
        %parallel_loop3A_1503 = tpu.vector_load %arg9[%parallel_loop3A_1501, %parallel_loop3A_1502] {strides = array<i32>} : memref<64x256xf32, #tpu.memory_space<vmem>>, vector<16xf32>,
        tpu.vector_store %arg9[%parallel_loop3A_1501, %parallel_loop3A_1502], %parallel_loop3A_1397 {strides = array<i32>} : memref<64x256xf32, #tpu.memory_space<vmem>>, vector<16xf32>,
        %parallel_loop3A_1504 = arith.constant 16 : i32
        %parallel_loop3A_1505 = arith.muli %parallel_loop3A_259, %parallel_loop3A_1504 : i32
        %parallel_loop3A_1506 = arith.constant 8 : i32
        %parallel_loop3A_1507 = arith.addi %parallel_loop3A_1505, %parallel_loop3A_1506 : i32
        %parallel_loop3A_1508 = arith.index_cast %parallel_loop3A_1507 : i32 to index
        %parallel_loop3A_1509 = arith.constant 240 : index
        %parallel_loop3A_1510 = tpu.vector_load %arg9[%parallel_loop3A_1508, %parallel_loop3A_1509] {strides = array<i32>} : memref<64x256xf32, #tpu.memory_space<vmem>>, vector<16xf32>,
        tpu.vector_store %arg9[%parallel_loop3A_1508, %parallel_loop3A_1509], %parallel_loop3A_1398 {strides = array<i32>} : memref<64x256xf32, #tpu.memory_space<vmem>>, vector<16xf32>,
        %parallel_loop3A_1511 = arith.constant 0 : i32
        %parallel_loop3A_1512 = vector.broadcast %parallel_loop3A_1511 : i32 to vector<16xi32>
        %parallel_loop3A_1513 = arith.cmpi slt, %broadcast_in_dim3A_53, %parallel_loop3A_1512 : vector<16xi32>
        %parallel_loop3A_1514 = arith.constant 16 : i32
        %parallel_loop3A_1515 = vector.broadcast %parallel_loop3A_1514 : i32 to vector<16xi32>
        %parallel_loop3A_1516 = arith.addi %broadcast_in_dim3A_53, %parallel_loop3A_1515 : vector<16xi32>
        %parallel_loop3A_1517 = arith.select %parallel_loop3A_1513, %parallel_loop3A_1516, %broadcast_in_dim3A_53 : vector<16xi1>, vector<16xi32>
        %parallel_loop3A_1518 = vector.shape_cast %parallel_loop3A_1517 : vector<16xi32> to vector<16x1xi32>
        %parallel_loop3A_1519 = vector.shape_cast %parallel_loop3A_1518 : vector<16x1xi32> to vector<16xi32>
        %parallel_loop3A_1520 = tpu.dynamic_gather %parallel_loop3A_268[%parallel_loop3A_1519] in [0] : vector<16xi32>, vector<16xi32> -> vector<16xi32>
        %parallel_loop3A_1521 = tpu.vector_load_idx %arg6[%parallel_loop3A_1520, %add3A_68] : memref<256x256xf32, #tpu.memory_space<vmem>>[vector<16xi32>, vector<16xi32>], vector<16xf32>,
        %parallel_loop3A_1522 = tpu.vector_load_idx %arg6[%parallel_loop3A_1520, %add3A_72] : memref<256x256xf32, #tpu.memory_space<vmem>>[vector<16xi32>, vector<16xi32>], vector<16xf32>,
        %parallel_loop3A_1523 = tpu.vector_load_idx %arg6[%parallel_loop3A_1520, %add3A_76] : memref<256x256xf32, #tpu.memory_space<vmem>>[vector<16xi32>, vector<16xi32>], vector<16xf32>,
        %parallel_loop3A_1524 = tpu.vector_load_idx %arg6[%parallel_loop3A_1520, %add3A_80] : memref<256x256xf32, #tpu.memory_space<vmem>>[vector<16xi32>, vector<16xi32>], vector<16xf32>,
        %parallel_loop3A_1525 = tpu.vector_load_idx %arg6[%parallel_loop3A_1520, %add3A_84] : memref<256x256xf32, #tpu.memory_space<vmem>>[vector<16xi32>, vector<16xi32>], vector<16xf32>,
        %parallel_loop3A_1526 = tpu.vector_load_idx %arg6[%parallel_loop3A_1520, %add3A_88] : memref<256x256xf32, #tpu.memory_space<vmem>>[vector<16xi32>, vector<16xi32>], vector<16xf32>,
        %parallel_loop3A_1527 = tpu.vector_load_idx %arg6[%parallel_loop3A_1520, %add3A_92] : memref<256x256xf32, #tpu.memory_space<vmem>>[vector<16xi32>, vector<16xi32>], vector<16xf32>,
        %parallel_loop3A_1528 = tpu.vector_load_idx %arg6[%parallel_loop3A_1520, %add3A_96] : memref<256x256xf32, #tpu.memory_space<vmem>>[vector<16xi32>, vector<16xi32>], vector<16xf32>,
        %parallel_loop3A_1529 = tpu.vector_load_idx %arg6[%parallel_loop3A_1520, %add3A_100] : memref<256x256xf32, #tpu.memory_space<vmem>>[vector<16xi32>, vector<16xi32>], vector<16xf32>,
        %parallel_loop3A_1530 = tpu.vector_load_idx %arg6[%parallel_loop3A_1520, %add3A_104] : memref<256x256xf32, #tpu.memory_space<vmem>>[vector<16xi32>, vector<16xi32>], vector<16xf32>,
        %parallel_loop3A_1531 = tpu.vector_load_idx %arg6[%parallel_loop3A_1520, %add3A_108] : memref<256x256xf32, #tpu.memory_space<vmem>>[vector<16xi32>, vector<16xi32>], vector<16xf32>,
        %parallel_loop3A_1532 = tpu.vector_load_idx %arg6[%parallel_loop3A_1520, %add3A_112] : memref<256x256xf32, #tpu.memory_space<vmem>>[vector<16xi32>, vector<16xi32>], vector<16xf32>,
        %parallel_loop3A_1533 = tpu.vector_load_idx %arg6[%parallel_loop3A_1520, %add3A_116] : memref<256x256xf32, #tpu.memory_space<vmem>>[vector<16xi32>, vector<16xi32>], vector<16xf32>,
        %parallel_loop3A_1534 = tpu.vector_load_idx %arg6[%parallel_loop3A_1520, %add3A_120] : memref<256x256xf32, #tpu.memory_space<vmem>>[vector<16xi32>, vector<16xi32>], vector<16xf32>,
        %parallel_loop3A_1535 = tpu.vector_load_idx %arg6[%parallel_loop3A_1520, %add3A_124] : memref<256x256xf32, #tpu.memory_space<vmem>>[vector<16xi32>, vector<16xi32>], vector<16xf32>,
        %parallel_loop3A_1536 = tpu.vector_load_idx %arg6[%parallel_loop3A_1520, %add3A_128] : memref<256x256xf32, #tpu.memory_space<vmem>>[vector<16xi32>, vector<16xi32>], vector<16xf32>,
        %parallel_loop3A_1537 = arith.constant 16 : i32
        %parallel_loop3A_1538 = arith.muli %parallel_loop3A_259, %parallel_loop3A_1537 : i32
        %parallel_loop3A_1539 = arith.constant 9 : i32
        %parallel_loop3A_1540 = arith.addi %parallel_loop3A_1538, %parallel_loop3A_1539 : i32
        %parallel_loop3A_1541 = arith.index_cast %parallel_loop3A_1540 : i32 to index
        %parallel_loop3A_1542 = arith.constant 0 : index
        %parallel_loop3A_1543 = tpu.vector_load %arg9[%parallel_loop3A_1541, %parallel_loop3A_1542] {strides = array<i32>} : memref<64x256xf32, #tpu.memory_space<vmem>>, vector<16xf32>,
        tpu.vector_store %arg9[%parallel_loop3A_1541, %parallel_loop3A_1542], %parallel_loop3A_1521 {strides = array<i32>} : memref<64x256xf32, #tpu.memory_space<vmem>>, vector<16xf32>,
        %parallel_loop3A_1544 = arith.constant 16 : i32
        %parallel_loop3A_1545 = arith.muli %parallel_loop3A_259, %parallel_loop3A_1544 : i32
        %parallel_loop3A_1546 = arith.constant 9 : i32
        %parallel_loop3A_1547 = arith.addi %parallel_loop3A_1545, %parallel_loop3A_1546 : i32
        %parallel_loop3A_1548 = arith.index_cast %parallel_loop3A_1547 : i32 to index
        %parallel_loop3A_1549 = arith.constant 16 : index
        %parallel_loop3A_1550 = tpu.vector_load %arg9[%parallel_loop3A_1548, %parallel_loop3A_1549] {strides = array<i32>} : memref<64x256xf32, #tpu.memory_space<vmem>>, vector<16xf32>,
        tpu.vector_store %arg9[%parallel_loop3A_1548, %parallel_loop3A_1549], %parallel_loop3A_1522 {strides = array<i32>} : memref<64x256xf32, #tpu.memory_space<vmem>>, vector<16xf32>,
        %parallel_loop3A_1551 = arith.constant 16 : i32
        %parallel_loop3A_1552 = arith.muli %parallel_loop3A_259, %parallel_loop3A_1551 : i32
        %parallel_loop3A_1553 = arith.constant 9 : i32
        %parallel_loop3A_1554 = arith.addi %parallel_loop3A_1552, %parallel_loop3A_1553 : i32
        %parallel_loop3A_1555 = arith.index_cast %parallel_loop3A_1554 : i32 to index
        %parallel_loop3A_1556 = arith.constant 32 : index
        %parallel_loop3A_1557 = tpu.vector_load %arg9[%parallel_loop3A_1555, %parallel_loop3A_1556] {strides = array<i32>} : memref<64x256xf32, #tpu.memory_space<vmem>>, vector<16xf32>,
        tpu.vector_store %arg9[%parallel_loop3A_1555, %parallel_loop3A_1556], %parallel_loop3A_1523 {strides = array<i32>} : memref<64x256xf32, #tpu.memory_space<vmem>>, vector<16xf32>,
        %parallel_loop3A_1558 = arith.constant 16 : i32
        %parallel_loop3A_1559 = arith.muli %parallel_loop3A_259, %parallel_loop3A_1558 : i32
        %parallel_loop3A_1560 = arith.constant 9 : i32
        %parallel_loop3A_1561 = arith.addi %parallel_loop3A_1559, %parallel_loop3A_1560 : i32
        %parallel_loop3A_1562 = arith.index_cast %parallel_loop3A_1561 : i32 to index
        %parallel_loop3A_1563 = arith.constant 48 : index
        %parallel_loop3A_1564 = tpu.vector_load %arg9[%parallel_loop3A_1562, %parallel_loop3A_1563] {strides = array<i32>} : memref<64x256xf32, #tpu.memory_space<vmem>>, vector<16xf32>,
        tpu.vector_store %arg9[%parallel_loop3A_1562, %parallel_loop3A_1563], %parallel_loop3A_1524 {strides = array<i32>} : memref<64x256xf32, #tpu.memory_space<vmem>>, vector<16xf32>,
        %parallel_loop3A_1565 = arith.constant 16 : i32
        %parallel_loop3A_1566 = arith.muli %parallel_loop3A_259, %parallel_loop3A_1565 : i32
        %parallel_loop3A_1567 = arith.constant 9 : i32
        %parallel_loop3A_1568 = arith.addi %parallel_loop3A_1566, %parallel_loop3A_1567 : i32
        %parallel_loop3A_1569 = arith.index_cast %parallel_loop3A_1568 : i32 to index
        %parallel_loop3A_1570 = arith.constant 64 : index
        %parallel_loop3A_1571 = tpu.vector_load %arg9[%parallel_loop3A_1569, %parallel_loop3A_1570] {strides = array<i32>} : memref<64x256xf32, #tpu.memory_space<vmem>>, vector<16xf32>,
        tpu.vector_store %arg9[%parallel_loop3A_1569, %parallel_loop3A_1570], %parallel_loop3A_1525 {strides = array<i32>} : memref<64x256xf32, #tpu.memory_space<vmem>>, vector<16xf32>,
        %parallel_loop3A_1572 = arith.constant 16 : i32
        %parallel_loop3A_1573 = arith.muli %parallel_loop3A_259, %parallel_loop3A_1572 : i32
        %parallel_loop3A_1574 = arith.constant 9 : i32
        %parallel_loop3A_1575 = arith.addi %parallel_loop3A_1573, %parallel_loop3A_1574 : i32
        %parallel_loop3A_1576 = arith.index_cast %parallel_loop3A_1575 : i32 to index
        %parallel_loop3A_1577 = arith.constant 80 : index
        %parallel_loop3A_1578 = tpu.vector_load %arg9[%parallel_loop3A_1576, %parallel_loop3A_1577] {strides = array<i32>} : memref<64x256xf32, #tpu.memory_space<vmem>>, vector<16xf32>,
        tpu.vector_store %arg9[%parallel_loop3A_1576, %parallel_loop3A_1577], %parallel_loop3A_1526 {strides = array<i32>} : memref<64x256xf32, #tpu.memory_space<vmem>>, vector<16xf32>,
        %parallel_loop3A_1579 = arith.constant 16 : i32
        %parallel_loop3A_1580 = arith.muli %parallel_loop3A_259, %parallel_loop3A_1579 : i32
        %parallel_loop3A_1581 = arith.constant 9 : i32
        %parallel_loop3A_1582 = arith.addi %parallel_loop3A_1580, %parallel_loop3A_1581 : i32
        %parallel_loop3A_1583 = arith.index_cast %parallel_loop3A_1582 : i32 to index
        %parallel_loop3A_1584 = arith.constant 96 : index
        %parallel_loop3A_1585 = tpu.vector_load %arg9[%parallel_loop3A_1583, %parallel_loop3A_1584] {strides = array<i32>} : memref<64x256xf32, #tpu.memory_space<vmem>>, vector<16xf32>,
        tpu.vector_store %arg9[%parallel_loop3A_1583, %parallel_loop3A_1584], %parallel_loop3A_1527 {strides = array<i32>} : memref<64x256xf32, #tpu.memory_space<vmem>>, vector<16xf32>,
        %parallel_loop3A_1586 = arith.constant 16 : i32
        %parallel_loop3A_1587 = arith.muli %parallel_loop3A_259, %parallel_loop3A_1586 : i32
        %parallel_loop3A_1588 = arith.constant 9 : i32
        %parallel_loop3A_1589 = arith.addi %parallel_loop3A_1587, %parallel_loop3A_1588 : i32
        %parallel_loop3A_1590 = arith.index_cast %parallel_loop3A_1589 : i32 to index
        %parallel_loop3A_1591 = arith.constant 112 : index
        %parallel_loop3A_1592 = tpu.vector_load %arg9[%parallel_loop3A_1590, %parallel_loop3A_1591] {strides = array<i32>} : memref<64x256xf32, #tpu.memory_space<vmem>>, vector<16xf32>,
        tpu.vector_store %arg9[%parallel_loop3A_1590, %parallel_loop3A_1591], %parallel_loop3A_1528 {strides = array<i32>} : memref<64x256xf32, #tpu.memory_space<vmem>>, vector<16xf32>,
        %parallel_loop3A_1593 = arith.constant 16 : i32
        %parallel_loop3A_1594 = arith.muli %parallel_loop3A_259, %parallel_loop3A_1593 : i32
        %parallel_loop3A_1595 = arith.constant 9 : i32
        %parallel_loop3A_1596 = arith.addi %parallel_loop3A_1594, %parallel_loop3A_1595 : i32
        %parallel_loop3A_1597 = arith.index_cast %parallel_loop3A_1596 : i32 to index
        %parallel_loop3A_1598 = arith.constant 128 : index
        %parallel_loop3A_1599 = tpu.vector_load %arg9[%parallel_loop3A_1597, %parallel_loop3A_1598] {strides = array<i32>} : memref<64x256xf32, #tpu.memory_space<vmem>>, vector<16xf32>,
        tpu.vector_store %arg9[%parallel_loop3A_1597, %parallel_loop3A_1598], %parallel_loop3A_1529 {strides = array<i32>} : memref<64x256xf32, #tpu.memory_space<vmem>>, vector<16xf32>,
        %parallel_loop3A_1600 = arith.constant 16 : i32
        %parallel_loop3A_1601 = arith.muli %parallel_loop3A_259, %parallel_loop3A_1600 : i32
        %parallel_loop3A_1602 = arith.constant 9 : i32
        %parallel_loop3A_1603 = arith.addi %parallel_loop3A_1601, %parallel_loop3A_1602 : i32
        %parallel_loop3A_1604 = arith.index_cast %parallel_loop3A_1603 : i32 to index
        %parallel_loop3A_1605 = arith.constant 144 : index
        %parallel_loop3A_1606 = tpu.vector_load %arg9[%parallel_loop3A_1604, %parallel_loop3A_1605] {strides = array<i32>} : memref<64x256xf32, #tpu.memory_space<vmem>>, vector<16xf32>,
        tpu.vector_store %arg9[%parallel_loop3A_1604, %parallel_loop3A_1605], %parallel_loop3A_1530 {strides = array<i32>} : memref<64x256xf32, #tpu.memory_space<vmem>>, vector<16xf32>,
        %parallel_loop3A_1607 = arith.constant 16 : i32
        %parallel_loop3A_1608 = arith.muli %parallel_loop3A_259, %parallel_loop3A_1607 : i32
        %parallel_loop3A_1609 = arith.constant 9 : i32
        %parallel_loop3A_1610 = arith.addi %parallel_loop3A_1608, %parallel_loop3A_1609 : i32
        %parallel_loop3A_1611 = arith.index_cast %parallel_loop3A_1610 : i32 to index
        %parallel_loop3A_1612 = arith.constant 160 : index
        %parallel_loop3A_1613 = tpu.vector_load %arg9[%parallel_loop3A_1611, %parallel_loop3A_1612] {strides = array<i32>} : memref<64x256xf32, #tpu.memory_space<vmem>>, vector<16xf32>,
        tpu.vector_store %arg9[%parallel_loop3A_1611, %parallel_loop3A_1612], %parallel_loop3A_1531 {strides = array<i32>} : memref<64x256xf32, #tpu.memory_space<vmem>>, vector<16xf32>,
        %parallel_loop3A_1614 = arith.constant 16 : i32
        %parallel_loop3A_1615 = arith.muli %parallel_loop3A_259, %parallel_loop3A_1614 : i32
        %parallel_loop3A_1616 = arith.constant 9 : i32
        %parallel_loop3A_1617 = arith.addi %parallel_loop3A_1615, %parallel_loop3A_1616 : i32
        %parallel_loop3A_1618 = arith.index_cast %parallel_loop3A_1617 : i32 to index
        %parallel_loop3A_1619 = arith.constant 176 : index
        %parallel_loop3A_1620 = tpu.vector_load %arg9[%parallel_loop3A_1618, %parallel_loop3A_1619] {strides = array<i32>} : memref<64x256xf32, #tpu.memory_space<vmem>>, vector<16xf32>,
        tpu.vector_store %arg9[%parallel_loop3A_1618, %parallel_loop3A_1619], %parallel_loop3A_1532 {strides = array<i32>} : memref<64x256xf32, #tpu.memory_space<vmem>>, vector<16xf32>,
        %parallel_loop3A_1621 = arith.constant 16 : i32
        %parallel_loop3A_1622 = arith.muli %parallel_loop3A_259, %parallel_loop3A_1621 : i32
        %parallel_loop3A_1623 = arith.constant 9 : i32
        %parallel_loop3A_1624 = arith.addi %parallel_loop3A_1622, %parallel_loop3A_1623 : i32
        %parallel_loop3A_1625 = arith.index_cast %parallel_loop3A_1624 : i32 to index
        %parallel_loop3A_1626 = arith.constant 192 : index
        %parallel_loop3A_1627 = tpu.vector_load %arg9[%parallel_loop3A_1625, %parallel_loop3A_1626] {strides = array<i32>} : memref<64x256xf32, #tpu.memory_space<vmem>>, vector<16xf32>,
        tpu.vector_store %arg9[%parallel_loop3A_1625, %parallel_loop3A_1626], %parallel_loop3A_1533 {strides = array<i32>} : memref<64x256xf32, #tpu.memory_space<vmem>>, vector<16xf32>,
        %parallel_loop3A_1628 = arith.constant 16 : i32
        %parallel_loop3A_1629 = arith.muli %parallel_loop3A_259, %parallel_loop3A_1628 : i32
        %parallel_loop3A_1630 = arith.constant 9 : i32
        %parallel_loop3A_1631 = arith.addi %parallel_loop3A_1629, %parallel_loop3A_1630 : i32
        %parallel_loop3A_1632 = arith.index_cast %parallel_loop3A_1631 : i32 to index
        %parallel_loop3A_1633 = arith.constant 208 : index
        %parallel_loop3A_1634 = tpu.vector_load %arg9[%parallel_loop3A_1632, %parallel_loop3A_1633] {strides = array<i32>} : memref<64x256xf32, #tpu.memory_space<vmem>>, vector<16xf32>,
        tpu.vector_store %arg9[%parallel_loop3A_1632, %parallel_loop3A_1633], %parallel_loop3A_1534 {strides = array<i32>} : memref<64x256xf32, #tpu.memory_space<vmem>>, vector<16xf32>,
        %parallel_loop3A_1635 = arith.constant 16 : i32
        %parallel_loop3A_1636 = arith.muli %parallel_loop3A_259, %parallel_loop3A_1635 : i32
        %parallel_loop3A_1637 = arith.constant 9 : i32
        %parallel_loop3A_1638 = arith.addi %parallel_loop3A_1636, %parallel_loop3A_1637 : i32
        %parallel_loop3A_1639 = arith.index_cast %parallel_loop3A_1638 : i32 to index
        %parallel_loop3A_1640 = arith.constant 224 : index
        %parallel_loop3A_1641 = tpu.vector_load %arg9[%parallel_loop3A_1639, %parallel_loop3A_1640] {strides = array<i32>} : memref<64x256xf32, #tpu.memory_space<vmem>>, vector<16xf32>,
        tpu.vector_store %arg9[%parallel_loop3A_1639, %parallel_loop3A_1640], %parallel_loop3A_1535 {strides = array<i32>} : memref<64x256xf32, #tpu.memory_space<vmem>>, vector<16xf32>,
        %parallel_loop3A_1642 = arith.constant 16 : i32
        %parallel_loop3A_1643 = arith.muli %parallel_loop3A_259, %parallel_loop3A_1642 : i32
        %parallel_loop3A_1644 = arith.constant 9 : i32
        %parallel_loop3A_1645 = arith.addi %parallel_loop3A_1643, %parallel_loop3A_1644 : i32
        %parallel_loop3A_1646 = arith.index_cast %parallel_loop3A_1645 : i32 to index
        %parallel_loop3A_1647 = arith.constant 240 : index
        %parallel_loop3A_1648 = tpu.vector_load %arg9[%parallel_loop3A_1646, %parallel_loop3A_1647] {strides = array<i32>} : memref<64x256xf32, #tpu.memory_space<vmem>>, vector<16xf32>,
        tpu.vector_store %arg9[%parallel_loop3A_1646, %parallel_loop3A_1647], %parallel_loop3A_1536 {strides = array<i32>} : memref<64x256xf32, #tpu.memory_space<vmem>>, vector<16xf32>,
        %parallel_loop3A_1649 = arith.constant 0 : i32
        %parallel_loop3A_1650 = vector.broadcast %parallel_loop3A_1649 : i32 to vector<16xi32>
        %parallel_loop3A_1651 = arith.cmpi slt, %broadcast_in_dim3A_55, %parallel_loop3A_1650 : vector<16xi32>
        %parallel_loop3A_1652 = arith.constant 16 : i32
        %parallel_loop3A_1653 = vector.broadcast %parallel_loop3A_1652 : i32 to vector<16xi32>
        %parallel_loop3A_1654 = arith.addi %broadcast_in_dim3A_55, %parallel_loop3A_1653 : vector<16xi32>
        %parallel_loop3A_1655 = arith.select %parallel_loop3A_1651, %parallel_loop3A_1654, %broadcast_in_dim3A_55 : vector<16xi1>, vector<16xi32>
        %parallel_loop3A_1656 = vector.shape_cast %parallel_loop3A_1655 : vector<16xi32> to vector<16x1xi32>
        %parallel_loop3A_1657 = vector.shape_cast %parallel_loop3A_1656 : vector<16x1xi32> to vector<16xi32>
        %parallel_loop3A_1658 = tpu.dynamic_gather %parallel_loop3A_268[%parallel_loop3A_1657] in [0] : vector<16xi32>, vector<16xi32> -> vector<16xi32>
        %parallel_loop3A_1659 = tpu.vector_load_idx %arg6[%parallel_loop3A_1658, %add3A_68] : memref<256x256xf32, #tpu.memory_space<vmem>>[vector<16xi32>, vector<16xi32>], vector<16xf32>,
        %parallel_loop3A_1660 = tpu.vector_load_idx %arg6[%parallel_loop3A_1658, %add3A_72] : memref<256x256xf32, #tpu.memory_space<vmem>>[vector<16xi32>, vector<16xi32>], vector<16xf32>,
        %parallel_loop3A_1661 = tpu.vector_load_idx %arg6[%parallel_loop3A_1658, %add3A_76] : memref<256x256xf32, #tpu.memory_space<vmem>>[vector<16xi32>, vector<16xi32>], vector<16xf32>,
        %parallel_loop3A_1662 = tpu.vector_load_idx %arg6[%parallel_loop3A_1658, %add3A_80] : memref<256x256xf32, #tpu.memory_space<vmem>>[vector<16xi32>, vector<16xi32>], vector<16xf32>,
        %parallel_loop3A_1663 = tpu.vector_load_idx %arg6[%parallel_loop3A_1658, %add3A_84] : memref<256x256xf32, #tpu.memory_space<vmem>>[vector<16xi32>, vector<16xi32>], vector<16xf32>,
        %parallel_loop3A_1664 = tpu.vector_load_idx %arg6[%parallel_loop3A_1658, %add3A_88] : memref<256x256xf32, #tpu.memory_space<vmem>>[vector<16xi32>, vector<16xi32>], vector<16xf32>,
        %parallel_loop3A_1665 = tpu.vector_load_idx %arg6[%parallel_loop3A_1658, %add3A_92] : memref<256x256xf32, #tpu.memory_space<vmem>>[vector<16xi32>, vector<16xi32>], vector<16xf32>,
        %parallel_loop3A_1666 = tpu.vector_load_idx %arg6[%parallel_loop3A_1658, %add3A_96] : memref<256x256xf32, #tpu.memory_space<vmem>>[vector<16xi32>, vector<16xi32>], vector<16xf32>,
        %parallel_loop3A_1667 = tpu.vector_load_idx %arg6[%parallel_loop3A_1658, %add3A_100] : memref<256x256xf32, #tpu.memory_space<vmem>>[vector<16xi32>, vector<16xi32>], vector<16xf32>,
        %parallel_loop3A_1668 = tpu.vector_load_idx %arg6[%parallel_loop3A_1658, %add3A_104] : memref<256x256xf32, #tpu.memory_space<vmem>>[vector<16xi32>, vector<16xi32>], vector<16xf32>,
        %parallel_loop3A_1669 = tpu.vector_load_idx %arg6[%parallel_loop3A_1658, %add3A_108] : memref<256x256xf32, #tpu.memory_space<vmem>>[vector<16xi32>, vector<16xi32>], vector<16xf32>,
        %parallel_loop3A_1670 = tpu.vector_load_idx %arg6[%parallel_loop3A_1658, %add3A_112] : memref<256x256xf32, #tpu.memory_space<vmem>>[vector<16xi32>, vector<16xi32>], vector<16xf32>,
        %parallel_loop3A_1671 = tpu.vector_load_idx %arg6[%parallel_loop3A_1658, %add3A_116] : memref<256x256xf32, #tpu.memory_space<vmem>>[vector<16xi32>, vector<16xi32>], vector<16xf32>,
        %parallel_loop3A_1672 = tpu.vector_load_idx %arg6[%parallel_loop3A_1658, %add3A_120] : memref<256x256xf32, #tpu.memory_space<vmem>>[vector<16xi32>, vector<16xi32>], vector<16xf32>,
        %parallel_loop3A_1673 = tpu.vector_load_idx %arg6[%parallel_loop3A_1658, %add3A_124] : memref<256x256xf32, #tpu.memory_space<vmem>>[vector<16xi32>, vector<16xi32>], vector<16xf32>,
        %parallel_loop3A_1674 = tpu.vector_load_idx %arg6[%parallel_loop3A_1658, %add3A_128] : memref<256x256xf32, #tpu.memory_space<vmem>>[vector<16xi32>, vector<16xi32>], vector<16xf32>,
        %parallel_loop3A_1675 = arith.constant 16 : i32
        %parallel_loop3A_1676 = arith.muli %parallel_loop3A_259, %parallel_loop3A_1675 : i32
        %parallel_loop3A_1677 = arith.constant 10 : i32
        %parallel_loop3A_1678 = arith.addi %parallel_loop3A_1676, %parallel_loop3A_1677 : i32
        %parallel_loop3A_1679 = arith.index_cast %parallel_loop3A_1678 : i32 to index
        %parallel_loop3A_1680 = arith.constant 0 : index
        %parallel_loop3A_1681 = tpu.vector_load %arg9[%parallel_loop3A_1679, %parallel_loop3A_1680] {strides = array<i32>} : memref<64x256xf32, #tpu.memory_space<vmem>>, vector<16xf32>,
        tpu.vector_store %arg9[%parallel_loop3A_1679, %parallel_loop3A_1680], %parallel_loop3A_1659 {strides = array<i32>} : memref<64x256xf32, #tpu.memory_space<vmem>>, vector<16xf32>,
        %parallel_loop3A_1682 = arith.constant 16 : i32
        %parallel_loop3A_1683 = arith.muli %parallel_loop3A_259, %parallel_loop3A_1682 : i32
        %parallel_loop3A_1684 = arith.constant 10 : i32
        %parallel_loop3A_1685 = arith.addi %parallel_loop3A_1683, %parallel_loop3A_1684 : i32
        %parallel_loop3A_1686 = arith.index_cast %parallel_loop3A_1685 : i32 to index
        %parallel_loop3A_1687 = arith.constant 16 : index
        %parallel_loop3A_1688 = tpu.vector_load %arg9[%parallel_loop3A_1686, %parallel_loop3A_1687] {strides = array<i32>} : memref<64x256xf32, #tpu.memory_space<vmem>>, vector<16xf32>,
        tpu.vector_store %arg9[%parallel_loop3A_1686, %parallel_loop3A_1687], %parallel_loop3A_1660 {strides = array<i32>} : memref<64x256xf32, #tpu.memory_space<vmem>>, vector<16xf32>,
        %parallel_loop3A_1689 = arith.constant 16 : i32
        %parallel_loop3A_1690 = arith.muli %parallel_loop3A_259, %parallel_loop3A_1689 : i32
        %parallel_loop3A_1691 = arith.constant 10 : i32
        %parallel_loop3A_1692 = arith.addi %parallel_loop3A_1690, %parallel_loop3A_1691 : i32
        %parallel_loop3A_1693 = arith.index_cast %parallel_loop3A_1692 : i32 to index
        %parallel_loop3A_1694 = arith.constant 32 : index
        %parallel_loop3A_1695 = tpu.vector_load %arg9[%parallel_loop3A_1693, %parallel_loop3A_1694] {strides = array<i32>} : memref<64x256xf32, #tpu.memory_space<vmem>>, vector<16xf32>,
        tpu.vector_store %arg9[%parallel_loop3A_1693, %parallel_loop3A_1694], %parallel_loop3A_1661 {strides = array<i32>} : memref<64x256xf32, #tpu.memory_space<vmem>>, vector<16xf32>,
        %parallel_loop3A_1696 = arith.constant 16 : i32
        %parallel_loop3A_1697 = arith.muli %parallel_loop3A_259, %parallel_loop3A_1696 : i32
        %parallel_loop3A_1698 = arith.constant 10 : i32
        %parallel_loop3A_1699 = arith.addi %parallel_loop3A_1697, %parallel_loop3A_1698 : i32
        %parallel_loop3A_1700 = arith.index_cast %parallel_loop3A_1699 : i32 to index
        %parallel_loop3A_1701 = arith.constant 48 : index
        %parallel_loop3A_1702 = tpu.vector_load %arg9[%parallel_loop3A_1700, %parallel_loop3A_1701] {strides = array<i32>} : memref<64x256xf32, #tpu.memory_space<vmem>>, vector<16xf32>,
        tpu.vector_store %arg9[%parallel_loop3A_1700, %parallel_loop3A_1701], %parallel_loop3A_1662 {strides = array<i32>} : memref<64x256xf32, #tpu.memory_space<vmem>>, vector<16xf32>,
        %parallel_loop3A_1703 = arith.constant 16 : i32
        %parallel_loop3A_1704 = arith.muli %parallel_loop3A_259, %parallel_loop3A_1703 : i32
        %parallel_loop3A_1705 = arith.constant 10 : i32
        %parallel_loop3A_1706 = arith.addi %parallel_loop3A_1704, %parallel_loop3A_1705 : i32
        %parallel_loop3A_1707 = arith.index_cast %parallel_loop3A_1706 : i32 to index
        %parallel_loop3A_1708 = arith.constant 64 : index
        %parallel_loop3A_1709 = tpu.vector_load %arg9[%parallel_loop3A_1707, %parallel_loop3A_1708] {strides = array<i32>} : memref<64x256xf32, #tpu.memory_space<vmem>>, vector<16xf32>,
        tpu.vector_store %arg9[%parallel_loop3A_1707, %parallel_loop3A_1708], %parallel_loop3A_1663 {strides = array<i32>} : memref<64x256xf32, #tpu.memory_space<vmem>>, vector<16xf32>,
        %parallel_loop3A_1710 = arith.constant 16 : i32
        %parallel_loop3A_1711 = arith.muli %parallel_loop3A_259, %parallel_loop3A_1710 : i32
        %parallel_loop3A_1712 = arith.constant 10 : i32
        %parallel_loop3A_1713 = arith.addi %parallel_loop3A_1711, %parallel_loop3A_1712 : i32
        %parallel_loop3A_1714 = arith.index_cast %parallel_loop3A_1713 : i32 to index
        %parallel_loop3A_1715 = arith.constant 80 : index
        %parallel_loop3A_1716 = tpu.vector_load %arg9[%parallel_loop3A_1714, %parallel_loop3A_1715] {strides = array<i32>} : memref<64x256xf32, #tpu.memory_space<vmem>>, vector<16xf32>,
        tpu.vector_store %arg9[%parallel_loop3A_1714, %parallel_loop3A_1715], %parallel_loop3A_1664 {strides = array<i32>} : memref<64x256xf32, #tpu.memory_space<vmem>>, vector<16xf32>,
        %parallel_loop3A_1717 = arith.constant 16 : i32
        %parallel_loop3A_1718 = arith.muli %parallel_loop3A_259, %parallel_loop3A_1717 : i32
        %parallel_loop3A_1719 = arith.constant 10 : i32
        %parallel_loop3A_1720 = arith.addi %parallel_loop3A_1718, %parallel_loop3A_1719 : i32
        %parallel_loop3A_1721 = arith.index_cast %parallel_loop3A_1720 : i32 to index
        %parallel_loop3A_1722 = arith.constant 96 : index
        %parallel_loop3A_1723 = tpu.vector_load %arg9[%parallel_loop3A_1721, %parallel_loop3A_1722] {strides = array<i32>} : memref<64x256xf32, #tpu.memory_space<vmem>>, vector<16xf32>,
        tpu.vector_store %arg9[%parallel_loop3A_1721, %parallel_loop3A_1722], %parallel_loop3A_1665 {strides = array<i32>} : memref<64x256xf32, #tpu.memory_space<vmem>>, vector<16xf32>,
        %parallel_loop3A_1724 = arith.constant 16 : i32
        %parallel_loop3A_1725 = arith.muli %parallel_loop3A_259, %parallel_loop3A_1724 : i32
        %parallel_loop3A_1726 = arith.constant 10 : i32
        %parallel_loop3A_1727 = arith.addi %parallel_loop3A_1725, %parallel_loop3A_1726 : i32
        %parallel_loop3A_1728 = arith.index_cast %parallel_loop3A_1727 : i32 to index
        %parallel_loop3A_1729 = arith.constant 112 : index
        %parallel_loop3A_1730 = tpu.vector_load %arg9[%parallel_loop3A_1728, %parallel_loop3A_1729] {strides = array<i32>} : memref<64x256xf32, #tpu.memory_space<vmem>>, vector<16xf32>,
        tpu.vector_store %arg9[%parallel_loop3A_1728, %parallel_loop3A_1729], %parallel_loop3A_1666 {strides = array<i32>} : memref<64x256xf32, #tpu.memory_space<vmem>>, vector<16xf32>,
        %parallel_loop3A_1731 = arith.constant 16 : i32
        %parallel_loop3A_1732 = arith.muli %parallel_loop3A_259, %parallel_loop3A_1731 : i32
        %parallel_loop3A_1733 = arith.constant 10 : i32
        %parallel_loop3A_1734 = arith.addi %parallel_loop3A_1732, %parallel_loop3A_1733 : i32
        %parallel_loop3A_1735 = arith.index_cast %parallel_loop3A_1734 : i32 to index
        %parallel_loop3A_1736 = arith.constant 128 : index
        %parallel_loop3A_1737 = tpu.vector_load %arg9[%parallel_loop3A_1735, %parallel_loop3A_1736] {strides = array<i32>} : memref<64x256xf32, #tpu.memory_space<vmem>>, vector<16xf32>,
        tpu.vector_store %arg9[%parallel_loop3A_1735, %parallel_loop3A_1736], %parallel_loop3A_1667 {strides = array<i32>} : memref<64x256xf32, #tpu.memory_space<vmem>>, vector<16xf32>,
        %parallel_loop3A_1738 = arith.constant 16 : i32
        %parallel_loop3A_1739 = arith.muli %parallel_loop3A_259, %parallel_loop3A_1738 : i32
        %parallel_loop3A_1740 = arith.constant 10 : i32
        %parallel_loop3A_1741 = arith.addi %parallel_loop3A_1739, %parallel_loop3A_1740 : i32
        %parallel_loop3A_1742 = arith.index_cast %parallel_loop3A_1741 : i32 to index
        %parallel_loop3A_1743 = arith.constant 144 : index
        %parallel_loop3A_1744 = tpu.vector_load %arg9[%parallel_loop3A_1742, %parallel_loop3A_1743] {strides = array<i32>} : memref<64x256xf32, #tpu.memory_space<vmem>>, vector<16xf32>,
        tpu.vector_store %arg9[%parallel_loop3A_1742, %parallel_loop3A_1743], %parallel_loop3A_1668 {strides = array<i32>} : memref<64x256xf32, #tpu.memory_space<vmem>>, vector<16xf32>,
        %parallel_loop3A_1745 = arith.constant 16 : i32
        %parallel_loop3A_1746 = arith.muli %parallel_loop3A_259, %parallel_loop3A_1745 : i32
        %parallel_loop3A_1747 = arith.constant 10 : i32
        %parallel_loop3A_1748 = arith.addi %parallel_loop3A_1746, %parallel_loop3A_1747 : i32
        %parallel_loop3A_1749 = arith.index_cast %parallel_loop3A_1748 : i32 to index
        %parallel_loop3A_1750 = arith.constant 160 : index
        %parallel_loop3A_1751 = tpu.vector_load %arg9[%parallel_loop3A_1749, %parallel_loop3A_1750] {strides = array<i32>} : memref<64x256xf32, #tpu.memory_space<vmem>>, vector<16xf32>,
        tpu.vector_store %arg9[%parallel_loop3A_1749, %parallel_loop3A_1750], %parallel_loop3A_1669 {strides = array<i32>} : memref<64x256xf32, #tpu.memory_space<vmem>>, vector<16xf32>,
        %parallel_loop3A_1752 = arith.constant 16 : i32
        %parallel_loop3A_1753 = arith.muli %parallel_loop3A_259, %parallel_loop3A_1752 : i32
        %parallel_loop3A_1754 = arith.constant 10 : i32
        %parallel_loop3A_1755 = arith.addi %parallel_loop3A_1753, %parallel_loop3A_1754 : i32
        %parallel_loop3A_1756 = arith.index_cast %parallel_loop3A_1755 : i32 to index
        %parallel_loop3A_1757 = arith.constant 176 : index
        %parallel_loop3A_1758 = tpu.vector_load %arg9[%parallel_loop3A_1756, %parallel_loop3A_1757] {strides = array<i32>} : memref<64x256xf32, #tpu.memory_space<vmem>>, vector<16xf32>,
        tpu.vector_store %arg9[%parallel_loop3A_1756, %parallel_loop3A_1757], %parallel_loop3A_1670 {strides = array<i32>} : memref<64x256xf32, #tpu.memory_space<vmem>>, vector<16xf32>,
        %parallel_loop3A_1759 = arith.constant 16 : i32
        %parallel_loop3A_1760 = arith.muli %parallel_loop3A_259, %parallel_loop3A_1759 : i32
        %parallel_loop3A_1761 = arith.constant 10 : i32
        %parallel_loop3A_1762 = arith.addi %parallel_loop3A_1760, %parallel_loop3A_1761 : i32
        %parallel_loop3A_1763 = arith.index_cast %parallel_loop3A_1762 : i32 to index
        %parallel_loop3A_1764 = arith.constant 192 : index
        %parallel_loop3A_1765 = tpu.vector_load %arg9[%parallel_loop3A_1763, %parallel_loop3A_1764] {strides = array<i32>} : memref<64x256xf32, #tpu.memory_space<vmem>>, vector<16xf32>,
        tpu.vector_store %arg9[%parallel_loop3A_1763, %parallel_loop3A_1764], %parallel_loop3A_1671 {strides = array<i32>} : memref<64x256xf32, #tpu.memory_space<vmem>>, vector<16xf32>,
        %parallel_loop3A_1766 = arith.constant 16 : i32
        %parallel_loop3A_1767 = arith.muli %parallel_loop3A_259, %parallel_loop3A_1766 : i32
        %parallel_loop3A_1768 = arith.constant 10 : i32
        %parallel_loop3A_1769 = arith.addi %parallel_loop3A_1767, %parallel_loop3A_1768 : i32
        %parallel_loop3A_1770 = arith.index_cast %parallel_loop3A_1769 : i32 to index
        %parallel_loop3A_1771 = arith.constant 208 : index
        %parallel_loop3A_1772 = tpu.vector_load %arg9[%parallel_loop3A_1770, %parallel_loop3A_1771] {strides = array<i32>} : memref<64x256xf32, #tpu.memory_space<vmem>>, vector<16xf32>,
        tpu.vector_store %arg9[%parallel_loop3A_1770, %parallel_loop3A_1771], %parallel_loop3A_1672 {strides = array<i32>} : memref<64x256xf32, #tpu.memory_space<vmem>>, vector<16xf32>,
        %parallel_loop3A_1773 = arith.constant 16 : i32
        %parallel_loop3A_1774 = arith.muli %parallel_loop3A_259, %parallel_loop3A_1773 : i32
        %parallel_loop3A_1775 = arith.constant 10 : i32
        %parallel_loop3A_1776 = arith.addi %parallel_loop3A_1774, %parallel_loop3A_1775 : i32
        %parallel_loop3A_1777 = arith.index_cast %parallel_loop3A_1776 : i32 to index
        %parallel_loop3A_1778 = arith.constant 224 : index
        %parallel_loop3A_1779 = tpu.vector_load %arg9[%parallel_loop3A_1777, %parallel_loop3A_1778] {strides = array<i32>} : memref<64x256xf32, #tpu.memory_space<vmem>>, vector<16xf32>,
        tpu.vector_store %arg9[%parallel_loop3A_1777, %parallel_loop3A_1778], %parallel_loop3A_1673 {strides = array<i32>} : memref<64x256xf32, #tpu.memory_space<vmem>>, vector<16xf32>,
        %parallel_loop3A_1780 = arith.constant 16 : i32
        %parallel_loop3A_1781 = arith.muli %parallel_loop3A_259, %parallel_loop3A_1780 : i32
        %parallel_loop3A_1782 = arith.constant 10 : i32
        %parallel_loop3A_1783 = arith.addi %parallel_loop3A_1781, %parallel_loop3A_1782 : i32
        %parallel_loop3A_1784 = arith.index_cast %parallel_loop3A_1783 : i32 to index
        %parallel_loop3A_1785 = arith.constant 240 : index
        %parallel_loop3A_1786 = tpu.vector_load %arg9[%parallel_loop3A_1784, %parallel_loop3A_1785] {strides = array<i32>} : memref<64x256xf32, #tpu.memory_space<vmem>>, vector<16xf32>,
        tpu.vector_store %arg9[%parallel_loop3A_1784, %parallel_loop3A_1785], %parallel_loop3A_1674 {strides = array<i32>} : memref<64x256xf32, #tpu.memory_space<vmem>>, vector<16xf32>,
        %parallel_loop3A_1787 = arith.constant 0 : i32
        %parallel_loop3A_1788 = vector.broadcast %parallel_loop3A_1787 : i32 to vector<16xi32>
        %parallel_loop3A_1789 = arith.cmpi slt, %broadcast_in_dim3A_57, %parallel_loop3A_1788 : vector<16xi32>
        %parallel_loop3A_1790 = arith.constant 16 : i32
        %parallel_loop3A_1791 = vector.broadcast %parallel_loop3A_1790 : i32 to vector<16xi32>
        %parallel_loop3A_1792 = arith.addi %broadcast_in_dim3A_57, %parallel_loop3A_1791 : vector<16xi32>
        %parallel_loop3A_1793 = arith.select %parallel_loop3A_1789, %parallel_loop3A_1792, %broadcast_in_dim3A_57 : vector<16xi1>, vector<16xi32>
        %parallel_loop3A_1794 = vector.shape_cast %parallel_loop3A_1793 : vector<16xi32> to vector<16x1xi32>
        %parallel_loop3A_1795 = vector.shape_cast %parallel_loop3A_1794 : vector<16x1xi32> to vector<16xi32>
        %parallel_loop3A_1796 = tpu.dynamic_gather %parallel_loop3A_268[%parallel_loop3A_1795] in [0] : vector<16xi32>, vector<16xi32> -> vector<16xi32>
        %parallel_loop3A_1797 = tpu.vector_load_idx %arg6[%parallel_loop3A_1796, %add3A_68] : memref<256x256xf32, #tpu.memory_space<vmem>>[vector<16xi32>, vector<16xi32>], vector<16xf32>,
        %parallel_loop3A_1798 = tpu.vector_load_idx %arg6[%parallel_loop3A_1796, %add3A_72] : memref<256x256xf32, #tpu.memory_space<vmem>>[vector<16xi32>, vector<16xi32>], vector<16xf32>,
        %parallel_loop3A_1799 = tpu.vector_load_idx %arg6[%parallel_loop3A_1796, %add3A_76] : memref<256x256xf32, #tpu.memory_space<vmem>>[vector<16xi32>, vector<16xi32>], vector<16xf32>,
        %parallel_loop3A_1800 = tpu.vector_load_idx %arg6[%parallel_loop3A_1796, %add3A_80] : memref<256x256xf32, #tpu.memory_space<vmem>>[vector<16xi32>, vector<16xi32>], vector<16xf32>,
        %parallel_loop3A_1801 = tpu.vector_load_idx %arg6[%parallel_loop3A_1796, %add3A_84] : memref<256x256xf32, #tpu.memory_space<vmem>>[vector<16xi32>, vector<16xi32>], vector<16xf32>,
        %parallel_loop3A_1802 = tpu.vector_load_idx %arg6[%parallel_loop3A_1796, %add3A_88] : memref<256x256xf32, #tpu.memory_space<vmem>>[vector<16xi32>, vector<16xi32>], vector<16xf32>,
        %parallel_loop3A_1803 = tpu.vector_load_idx %arg6[%parallel_loop3A_1796, %add3A_92] : memref<256x256xf32, #tpu.memory_space<vmem>>[vector<16xi32>, vector<16xi32>], vector<16xf32>,
        %parallel_loop3A_1804 = tpu.vector_load_idx %arg6[%parallel_loop3A_1796, %add3A_96] : memref<256x256xf32, #tpu.memory_space<vmem>>[vector<16xi32>, vector<16xi32>], vector<16xf32>,
        %parallel_loop3A_1805 = tpu.vector_load_idx %arg6[%parallel_loop3A_1796, %add3A_100] : memref<256x256xf32, #tpu.memory_space<vmem>>[vector<16xi32>, vector<16xi32>], vector<16xf32>,
        %parallel_loop3A_1806 = tpu.vector_load_idx %arg6[%parallel_loop3A_1796, %add3A_104] : memref<256x256xf32, #tpu.memory_space<vmem>>[vector<16xi32>, vector<16xi32>], vector<16xf32>,
        %parallel_loop3A_1807 = tpu.vector_load_idx %arg6[%parallel_loop3A_1796, %add3A_108] : memref<256x256xf32, #tpu.memory_space<vmem>>[vector<16xi32>, vector<16xi32>], vector<16xf32>,
        %parallel_loop3A_1808 = tpu.vector_load_idx %arg6[%parallel_loop3A_1796, %add3A_112] : memref<256x256xf32, #tpu.memory_space<vmem>>[vector<16xi32>, vector<16xi32>], vector<16xf32>,
        %parallel_loop3A_1809 = tpu.vector_load_idx %arg6[%parallel_loop3A_1796, %add3A_116] : memref<256x256xf32, #tpu.memory_space<vmem>>[vector<16xi32>, vector<16xi32>], vector<16xf32>,
        %parallel_loop3A_1810 = tpu.vector_load_idx %arg6[%parallel_loop3A_1796, %add3A_120] : memref<256x256xf32, #tpu.memory_space<vmem>>[vector<16xi32>, vector<16xi32>], vector<16xf32>,
        %parallel_loop3A_1811 = tpu.vector_load_idx %arg6[%parallel_loop3A_1796, %add3A_124] : memref<256x256xf32, #tpu.memory_space<vmem>>[vector<16xi32>, vector<16xi32>], vector<16xf32>,
        %parallel_loop3A_1812 = tpu.vector_load_idx %arg6[%parallel_loop3A_1796, %add3A_128] : memref<256x256xf32, #tpu.memory_space<vmem>>[vector<16xi32>, vector<16xi32>], vector<16xf32>,
        %parallel_loop3A_1813 = arith.constant 16 : i32
        %parallel_loop3A_1814 = arith.muli %parallel_loop3A_259, %parallel_loop3A_1813 : i32
        %parallel_loop3A_1815 = arith.constant 11 : i32
        %parallel_loop3A_1816 = arith.addi %parallel_loop3A_1814, %parallel_loop3A_1815 : i32
        %parallel_loop3A_1817 = arith.index_cast %parallel_loop3A_1816 : i32 to index
        %parallel_loop3A_1818 = arith.constant 0 : index
        %parallel_loop3A_1819 = tpu.vector_load %arg9[%parallel_loop3A_1817, %parallel_loop3A_1818] {strides = array<i32>} : memref<64x256xf32, #tpu.memory_space<vmem>>, vector<16xf32>,
        tpu.vector_store %arg9[%parallel_loop3A_1817, %parallel_loop3A_1818], %parallel_loop3A_1797 {strides = array<i32>} : memref<64x256xf32, #tpu.memory_space<vmem>>, vector<16xf32>,
        %parallel_loop3A_1820 = arith.constant 16 : i32
        %parallel_loop3A_1821 = arith.muli %parallel_loop3A_259, %parallel_loop3A_1820 : i32
        %parallel_loop3A_1822 = arith.constant 11 : i32
        %parallel_loop3A_1823 = arith.addi %parallel_loop3A_1821, %parallel_loop3A_1822 : i32
        %parallel_loop3A_1824 = arith.index_cast %parallel_loop3A_1823 : i32 to index
        %parallel_loop3A_1825 = arith.constant 16 : index
        %parallel_loop3A_1826 = tpu.vector_load %arg9[%parallel_loop3A_1824, %parallel_loop3A_1825] {strides = array<i32>} : memref<64x256xf32, #tpu.memory_space<vmem>>, vector<16xf32>,
        tpu.vector_store %arg9[%parallel_loop3A_1824, %parallel_loop3A_1825], %parallel_loop3A_1798 {strides = array<i32>} : memref<64x256xf32, #tpu.memory_space<vmem>>, vector<16xf32>,
        %parallel_loop3A_1827 = arith.constant 16 : i32
        %parallel_loop3A_1828 = arith.muli %parallel_loop3A_259, %parallel_loop3A_1827 : i32
        %parallel_loop3A_1829 = arith.constant 11 : i32
        %parallel_loop3A_1830 = arith.addi %parallel_loop3A_1828, %parallel_loop3A_1829 : i32
        %parallel_loop3A_1831 = arith.index_cast %parallel_loop3A_1830 : i32 to index
        %parallel_loop3A_1832 = arith.constant 32 : index
        %parallel_loop3A_1833 = tpu.vector_load %arg9[%parallel_loop3A_1831, %parallel_loop3A_1832] {strides = array<i32>} : memref<64x256xf32, #tpu.memory_space<vmem>>, vector<16xf32>,
        tpu.vector_store %arg9[%parallel_loop3A_1831, %parallel_loop3A_1832], %parallel_loop3A_1799 {strides = array<i32>} : memref<64x256xf32, #tpu.memory_space<vmem>>, vector<16xf32>,
        %parallel_loop3A_1834 = arith.constant 16 : i32
        %parallel_loop3A_1835 = arith.muli %parallel_loop3A_259, %parallel_loop3A_1834 : i32
        %parallel_loop3A_1836 = arith.constant 11 : i32
        %parallel_loop3A_1837 = arith.addi %parallel_loop3A_1835, %parallel_loop3A_1836 : i32
        %parallel_loop3A_1838 = arith.index_cast %parallel_loop3A_1837 : i32 to index
        %parallel_loop3A_1839 = arith.constant 48 : index
        %parallel_loop3A_1840 = tpu.vector_load %arg9[%parallel_loop3A_1838, %parallel_loop3A_1839] {strides = array<i32>} : memref<64x256xf32, #tpu.memory_space<vmem>>, vector<16xf32>,
        tpu.vector_store %arg9[%parallel_loop3A_1838, %parallel_loop3A_1839], %parallel_loop3A_1800 {strides = array<i32>} : memref<64x256xf32, #tpu.memory_space<vmem>>, vector<16xf32>,
        %parallel_loop3A_1841 = arith.constant 16 : i32
        %parallel_loop3A_1842 = arith.muli %parallel_loop3A_259, %parallel_loop3A_1841 : i32
        %parallel_loop3A_1843 = arith.constant 11 : i32
        %parallel_loop3A_1844 = arith.addi %parallel_loop3A_1842, %parallel_loop3A_1843 : i32
        %parallel_loop3A_1845 = arith.index_cast %parallel_loop3A_1844 : i32 to index
        %parallel_loop3A_1846 = arith.constant 64 : index
        %parallel_loop3A_1847 = tpu.vector_load %arg9[%parallel_loop3A_1845, %parallel_loop3A_1846] {strides = array<i32>} : memref<64x256xf32, #tpu.memory_space<vmem>>, vector<16xf32>,
        tpu.vector_store %arg9[%parallel_loop3A_1845, %parallel_loop3A_1846], %parallel_loop3A_1801 {strides = array<i32>} : memref<64x256xf32, #tpu.memory_space<vmem>>, vector<16xf32>,
        %parallel_loop3A_1848 = arith.constant 16 : i32
        %parallel_loop3A_1849 = arith.muli %parallel_loop3A_259, %parallel_loop3A_1848 : i32
        %parallel_loop3A_1850 = arith.constant 11 : i32
        %parallel_loop3A_1851 = arith.addi %parallel_loop3A_1849, %parallel_loop3A_1850 : i32
        %parallel_loop3A_1852 = arith.index_cast %parallel_loop3A_1851 : i32 to index
        %parallel_loop3A_1853 = arith.constant 80 : index
        %parallel_loop3A_1854 = tpu.vector_load %arg9[%parallel_loop3A_1852, %parallel_loop3A_1853] {strides = array<i32>} : memref<64x256xf32, #tpu.memory_space<vmem>>, vector<16xf32>,
        tpu.vector_store %arg9[%parallel_loop3A_1852, %parallel_loop3A_1853], %parallel_loop3A_1802 {strides = array<i32>} : memref<64x256xf32, #tpu.memory_space<vmem>>, vector<16xf32>,
        %parallel_loop3A_1855 = arith.constant 16 : i32
        %parallel_loop3A_1856 = arith.muli %parallel_loop3A_259, %parallel_loop3A_1855 : i32
        %parallel_loop3A_1857 = arith.constant 11 : i32
        %parallel_loop3A_1858 = arith.addi %parallel_loop3A_1856, %parallel_loop3A_1857 : i32
        %parallel_loop3A_1859 = arith.index_cast %parallel_loop3A_1858 : i32 to index
        %parallel_loop3A_1860 = arith.constant 96 : index
        %parallel_loop3A_1861 = tpu.vector_load %arg9[%parallel_loop3A_1859, %parallel_loop3A_1860] {strides = array<i32>} : memref<64x256xf32, #tpu.memory_space<vmem>>, vector<16xf32>,
        tpu.vector_store %arg9[%parallel_loop3A_1859, %parallel_loop3A_1860], %parallel_loop3A_1803 {strides = array<i32>} : memref<64x256xf32, #tpu.memory_space<vmem>>, vector<16xf32>,
        %parallel_loop3A_1862 = arith.constant 16 : i32
        %parallel_loop3A_1863 = arith.muli %parallel_loop3A_259, %parallel_loop3A_1862 : i32
        %parallel_loop3A_1864 = arith.constant 11 : i32
        %parallel_loop3A_1865 = arith.addi %parallel_loop3A_1863, %parallel_loop3A_1864 : i32
        %parallel_loop3A_1866 = arith.index_cast %parallel_loop3A_1865 : i32 to index
        %parallel_loop3A_1867 = arith.constant 112 : index
        %parallel_loop3A_1868 = tpu.vector_load %arg9[%parallel_loop3A_1866, %parallel_loop3A_1867] {strides = array<i32>} : memref<64x256xf32, #tpu.memory_space<vmem>>, vector<16xf32>,
        tpu.vector_store %arg9[%parallel_loop3A_1866, %parallel_loop3A_1867], %parallel_loop3A_1804 {strides = array<i32>} : memref<64x256xf32, #tpu.memory_space<vmem>>, vector<16xf32>,
        %parallel_loop3A_1869 = arith.constant 16 : i32
        %parallel_loop3A_1870 = arith.muli %parallel_loop3A_259, %parallel_loop3A_1869 : i32
        %parallel_loop3A_1871 = arith.constant 11 : i32
        %parallel_loop3A_1872 = arith.addi %parallel_loop3A_1870, %parallel_loop3A_1871 : i32
        %parallel_loop3A_1873 = arith.index_cast %parallel_loop3A_1872 : i32 to index
        %parallel_loop3A_1874 = arith.constant 128 : index
        %parallel_loop3A_1875 = tpu.vector_load %arg9[%parallel_loop3A_1873, %parallel_loop3A_1874] {strides = array<i32>} : memref<64x256xf32, #tpu.memory_space<vmem>>, vector<16xf32>,
        tpu.vector_store %arg9[%parallel_loop3A_1873, %parallel_loop3A_1874], %parallel_loop3A_1805 {strides = array<i32>} : memref<64x256xf32, #tpu.memory_space<vmem>>, vector<16xf32>,
        %parallel_loop3A_1876 = arith.constant 16 : i32
        %parallel_loop3A_1877 = arith.muli %parallel_loop3A_259, %parallel_loop3A_1876 : i32
        %parallel_loop3A_1878 = arith.constant 11 : i32
        %parallel_loop3A_1879 = arith.addi %parallel_loop3A_1877, %parallel_loop3A_1878 : i32
        %parallel_loop3A_1880 = arith.index_cast %parallel_loop3A_1879 : i32 to index
        %parallel_loop3A_1881 = arith.constant 144 : index
        %parallel_loop3A_1882 = tpu.vector_load %arg9[%parallel_loop3A_1880, %parallel_loop3A_1881] {strides = array<i32>} : memref<64x256xf32, #tpu.memory_space<vmem>>, vector<16xf32>,
        tpu.vector_store %arg9[%parallel_loop3A_1880, %parallel_loop3A_1881], %parallel_loop3A_1806 {strides = array<i32>} : memref<64x256xf32, #tpu.memory_space<vmem>>, vector<16xf32>,
        %parallel_loop3A_1883 = arith.constant 16 : i32
        %parallel_loop3A_1884 = arith.muli %parallel_loop3A_259, %parallel_loop3A_1883 : i32
        %parallel_loop3A_1885 = arith.constant 11 : i32
        %parallel_loop3A_1886 = arith.addi %parallel_loop3A_1884, %parallel_loop3A_1885 : i32
        %parallel_loop3A_1887 = arith.index_cast %parallel_loop3A_1886 : i32 to index
        %parallel_loop3A_1888 = arith.constant 160 : index
        %parallel_loop3A_1889 = tpu.vector_load %arg9[%parallel_loop3A_1887, %parallel_loop3A_1888] {strides = array<i32>} : memref<64x256xf32, #tpu.memory_space<vmem>>, vector<16xf32>,
        tpu.vector_store %arg9[%parallel_loop3A_1887, %parallel_loop3A_1888], %parallel_loop3A_1807 {strides = array<i32>} : memref<64x256xf32, #tpu.memory_space<vmem>>, vector<16xf32>,
        %parallel_loop3A_1890 = arith.constant 16 : i32
        %parallel_loop3A_1891 = arith.muli %parallel_loop3A_259, %parallel_loop3A_1890 : i32
        %parallel_loop3A_1892 = arith.constant 11 : i32
        %parallel_loop3A_1893 = arith.addi %parallel_loop3A_1891, %parallel_loop3A_1892 : i32
        %parallel_loop3A_1894 = arith.index_cast %parallel_loop3A_1893 : i32 to index
        %parallel_loop3A_1895 = arith.constant 176 : index
        %parallel_loop3A_1896 = tpu.vector_load %arg9[%parallel_loop3A_1894, %parallel_loop3A_1895] {strides = array<i32>} : memref<64x256xf32, #tpu.memory_space<vmem>>, vector<16xf32>,
        tpu.vector_store %arg9[%parallel_loop3A_1894, %parallel_loop3A_1895], %parallel_loop3A_1808 {strides = array<i32>} : memref<64x256xf32, #tpu.memory_space<vmem>>, vector<16xf32>,
        %parallel_loop3A_1897 = arith.constant 16 : i32
        %parallel_loop3A_1898 = arith.muli %parallel_loop3A_259, %parallel_loop3A_1897 : i32
        %parallel_loop3A_1899 = arith.constant 11 : i32
        %parallel_loop3A_1900 = arith.addi %parallel_loop3A_1898, %parallel_loop3A_1899 : i32
        %parallel_loop3A_1901 = arith.index_cast %parallel_loop3A_1900 : i32 to index
        %parallel_loop3A_1902 = arith.constant 192 : index
        %parallel_loop3A_1903 = tpu.vector_load %arg9[%parallel_loop3A_1901, %parallel_loop3A_1902] {strides = array<i32>} : memref<64x256xf32, #tpu.memory_space<vmem>>, vector<16xf32>,
        tpu.vector_store %arg9[%parallel_loop3A_1901, %parallel_loop3A_1902], %parallel_loop3A_1809 {strides = array<i32>} : memref<64x256xf32, #tpu.memory_space<vmem>>, vector<16xf32>,
        %parallel_loop3A_1904 = arith.constant 16 : i32
        %parallel_loop3A_1905 = arith.muli %parallel_loop3A_259, %parallel_loop3A_1904 : i32
        %parallel_loop3A_1906 = arith.constant 11 : i32
        %parallel_loop3A_1907 = arith.addi %parallel_loop3A_1905, %parallel_loop3A_1906 : i32
        %parallel_loop3A_1908 = arith.index_cast %parallel_loop3A_1907 : i32 to index
        %parallel_loop3A_1909 = arith.constant 208 : index
        %parallel_loop3A_1910 = tpu.vector_load %arg9[%parallel_loop3A_1908, %parallel_loop3A_1909] {strides = array<i32>} : memref<64x256xf32, #tpu.memory_space<vmem>>, vector<16xf32>,
        tpu.vector_store %arg9[%parallel_loop3A_1908, %parallel_loop3A_1909], %parallel_loop3A_1810 {strides = array<i32>} : memref<64x256xf32, #tpu.memory_space<vmem>>, vector<16xf32>,
        %parallel_loop3A_1911 = arith.constant 16 : i32
        %parallel_loop3A_1912 = arith.muli %parallel_loop3A_259, %parallel_loop3A_1911 : i32
        %parallel_loop3A_1913 = arith.constant 11 : i32
        %parallel_loop3A_1914 = arith.addi %parallel_loop3A_1912, %parallel_loop3A_1913 : i32
        %parallel_loop3A_1915 = arith.index_cast %parallel_loop3A_1914 : i32 to index
        %parallel_loop3A_1916 = arith.constant 224 : index
        %parallel_loop3A_1917 = tpu.vector_load %arg9[%parallel_loop3A_1915, %parallel_loop3A_1916] {strides = array<i32>} : memref<64x256xf32, #tpu.memory_space<vmem>>, vector<16xf32>,
        tpu.vector_store %arg9[%parallel_loop3A_1915, %parallel_loop3A_1916], %parallel_loop3A_1811 {strides = array<i32>} : memref<64x256xf32, #tpu.memory_space<vmem>>, vector<16xf32>,
        %parallel_loop3A_1918 = arith.constant 16 : i32
        %parallel_loop3A_1919 = arith.muli %parallel_loop3A_259, %parallel_loop3A_1918 : i32
        %parallel_loop3A_1920 = arith.constant 11 : i32
        %parallel_loop3A_1921 = arith.addi %parallel_loop3A_1919, %parallel_loop3A_1920 : i32
        %parallel_loop3A_1922 = arith.index_cast %parallel_loop3A_1921 : i32 to index
        %parallel_loop3A_1923 = arith.constant 240 : index
        %parallel_loop3A_1924 = tpu.vector_load %arg9[%parallel_loop3A_1922, %parallel_loop3A_1923] {strides = array<i32>} : memref<64x256xf32, #tpu.memory_space<vmem>>, vector<16xf32>,
        tpu.vector_store %arg9[%parallel_loop3A_1922, %parallel_loop3A_1923], %parallel_loop3A_1812 {strides = array<i32>} : memref<64x256xf32, #tpu.memory_space<vmem>>, vector<16xf32>,
        %parallel_loop3A_1925 = arith.constant 0 : i32
        %parallel_loop3A_1926 = vector.broadcast %parallel_loop3A_1925 : i32 to vector<16xi32>
        %parallel_loop3A_1927 = arith.cmpi slt, %broadcast_in_dim3A_59, %parallel_loop3A_1926 : vector<16xi32>
        %parallel_loop3A_1928 = arith.constant 16 : i32
        %parallel_loop3A_1929 = vector.broadcast %parallel_loop3A_1928 : i32 to vector<16xi32>
        %parallel_loop3A_1930 = arith.addi %broadcast_in_dim3A_59, %parallel_loop3A_1929 : vector<16xi32>
        %parallel_loop3A_1931 = arith.select %parallel_loop3A_1927, %parallel_loop3A_1930, %broadcast_in_dim3A_59 : vector<16xi1>, vector<16xi32>
        %parallel_loop3A_1932 = vector.shape_cast %parallel_loop3A_1931 : vector<16xi32> to vector<16x1xi32>
        %parallel_loop3A_1933 = vector.shape_cast %parallel_loop3A_1932 : vector<16x1xi32> to vector<16xi32>
        %parallel_loop3A_1934 = tpu.dynamic_gather %parallel_loop3A_268[%parallel_loop3A_1933] in [0] : vector<16xi32>, vector<16xi32> -> vector<16xi32>
        %parallel_loop3A_1935 = tpu.vector_load_idx %arg6[%parallel_loop3A_1934, %add3A_68] : memref<256x256xf32, #tpu.memory_space<vmem>>[vector<16xi32>, vector<16xi32>], vector<16xf32>,
        %parallel_loop3A_1936 = tpu.vector_load_idx %arg6[%parallel_loop3A_1934, %add3A_72] : memref<256x256xf32, #tpu.memory_space<vmem>>[vector<16xi32>, vector<16xi32>], vector<16xf32>,
        %parallel_loop3A_1937 = tpu.vector_load_idx %arg6[%parallel_loop3A_1934, %add3A_76] : memref<256x256xf32, #tpu.memory_space<vmem>>[vector<16xi32>, vector<16xi32>], vector<16xf32>,
        %parallel_loop3A_1938 = tpu.vector_load_idx %arg6[%parallel_loop3A_1934, %add3A_80] : memref<256x256xf32, #tpu.memory_space<vmem>>[vector<16xi32>, vector<16xi32>], vector<16xf32>,
        %parallel_loop3A_1939 = tpu.vector_load_idx %arg6[%parallel_loop3A_1934, %add3A_84] : memref<256x256xf32, #tpu.memory_space<vmem>>[vector<16xi32>, vector<16xi32>], vector<16xf32>,
        %parallel_loop3A_1940 = tpu.vector_load_idx %arg6[%parallel_loop3A_1934, %add3A_88] : memref<256x256xf32, #tpu.memory_space<vmem>>[vector<16xi32>, vector<16xi32>], vector<16xf32>,
        %parallel_loop3A_1941 = tpu.vector_load_idx %arg6[%parallel_loop3A_1934, %add3A_92] : memref<256x256xf32, #tpu.memory_space<vmem>>[vector<16xi32>, vector<16xi32>], vector<16xf32>,
        %parallel_loop3A_1942 = tpu.vector_load_idx %arg6[%parallel_loop3A_1934, %add3A_96] : memref<256x256xf32, #tpu.memory_space<vmem>>[vector<16xi32>, vector<16xi32>], vector<16xf32>,
        %parallel_loop3A_1943 = tpu.vector_load_idx %arg6[%parallel_loop3A_1934, %add3A_100] : memref<256x256xf32, #tpu.memory_space<vmem>>[vector<16xi32>, vector<16xi32>], vector<16xf32>,
        %parallel_loop3A_1944 = tpu.vector_load_idx %arg6[%parallel_loop3A_1934, %add3A_104] : memref<256x256xf32, #tpu.memory_space<vmem>>[vector<16xi32>, vector<16xi32>], vector<16xf32>,
        %parallel_loop3A_1945 = tpu.vector_load_idx %arg6[%parallel_loop3A_1934, %add3A_108] : memref<256x256xf32, #tpu.memory_space<vmem>>[vector<16xi32>, vector<16xi32>], vector<16xf32>,
        %parallel_loop3A_1946 = tpu.vector_load_idx %arg6[%parallel_loop3A_1934, %add3A_112] : memref<256x256xf32, #tpu.memory_space<vmem>>[vector<16xi32>, vector<16xi32>], vector<16xf32>,
        %parallel_loop3A_1947 = tpu.vector_load_idx %arg6[%parallel_loop3A_1934, %add3A_116] : memref<256x256xf32, #tpu.memory_space<vmem>>[vector<16xi32>, vector<16xi32>], vector<16xf32>,
        %parallel_loop3A_1948 = tpu.vector_load_idx %arg6[%parallel_loop3A_1934, %add3A_120] : memref<256x256xf32, #tpu.memory_space<vmem>>[vector<16xi32>, vector<16xi32>], vector<16xf32>,
        %parallel_loop3A_1949 = tpu.vector_load_idx %arg6[%parallel_loop3A_1934, %add3A_124] : memref<256x256xf32, #tpu.memory_space<vmem>>[vector<16xi32>, vector<16xi32>], vector<16xf32>,
        %parallel_loop3A_1950 = tpu.vector_load_idx %arg6[%parallel_loop3A_1934, %add3A_128] : memref<256x256xf32, #tpu.memory_space<vmem>>[vector<16xi32>, vector<16xi32>], vector<16xf32>,
        %parallel_loop3A_1951 = arith.constant 16 : i32
        %parallel_loop3A_1952 = arith.muli %parallel_loop3A_259, %parallel_loop3A_1951 : i32
        %parallel_loop3A_1953 = arith.constant 12 : i32
        %parallel_loop3A_1954 = arith.addi %parallel_loop3A_1952, %parallel_loop3A_1953 : i32
        %parallel_loop3A_1955 = arith.index_cast %parallel_loop3A_1954 : i32 to index
        %parallel_loop3A_1956 = arith.constant 0 : index
        %parallel_loop3A_1957 = tpu.vector_load %arg9[%parallel_loop3A_1955, %parallel_loop3A_1956] {strides = array<i32>} : memref<64x256xf32, #tpu.memory_space<vmem>>, vector<16xf32>,
        tpu.vector_store %arg9[%parallel_loop3A_1955, %parallel_loop3A_1956], %parallel_loop3A_1935 {strides = array<i32>} : memref<64x256xf32, #tpu.memory_space<vmem>>, vector<16xf32>,
        %parallel_loop3A_1958 = arith.constant 16 : i32
        %parallel_loop3A_1959 = arith.muli %parallel_loop3A_259, %parallel_loop3A_1958 : i32
        %parallel_loop3A_1960 = arith.constant 12 : i32
        %parallel_loop3A_1961 = arith.addi %parallel_loop3A_1959, %parallel_loop3A_1960 : i32
        %parallel_loop3A_1962 = arith.index_cast %parallel_loop3A_1961 : i32 to index
        %parallel_loop3A_1963 = arith.constant 16 : index
        %parallel_loop3A_1964 = tpu.vector_load %arg9[%parallel_loop3A_1962, %parallel_loop3A_1963] {strides = array<i32>} : memref<64x256xf32, #tpu.memory_space<vmem>>, vector<16xf32>,
        tpu.vector_store %arg9[%parallel_loop3A_1962, %parallel_loop3A_1963], %parallel_loop3A_1936 {strides = array<i32>} : memref<64x256xf32, #tpu.memory_space<vmem>>, vector<16xf32>,
        %parallel_loop3A_1965 = arith.constant 16 : i32
        %parallel_loop3A_1966 = arith.muli %parallel_loop3A_259, %parallel_loop3A_1965 : i32
        %parallel_loop3A_1967 = arith.constant 12 : i32
        %parallel_loop3A_1968 = arith.addi %parallel_loop3A_1966, %parallel_loop3A_1967 : i32
        %parallel_loop3A_1969 = arith.index_cast %parallel_loop3A_1968 : i32 to index
        %parallel_loop3A_1970 = arith.constant 32 : index
        %parallel_loop3A_1971 = tpu.vector_load %arg9[%parallel_loop3A_1969, %parallel_loop3A_1970] {strides = array<i32>} : memref<64x256xf32, #tpu.memory_space<vmem>>, vector<16xf32>,
        tpu.vector_store %arg9[%parallel_loop3A_1969, %parallel_loop3A_1970], %parallel_loop3A_1937 {strides = array<i32>} : memref<64x256xf32, #tpu.memory_space<vmem>>, vector<16xf32>,
        %parallel_loop3A_1972 = arith.constant 16 : i32
        %parallel_loop3A_1973 = arith.muli %parallel_loop3A_259, %parallel_loop3A_1972 : i32
        %parallel_loop3A_1974 = arith.constant 12 : i32
        %parallel_loop3A_1975 = arith.addi %parallel_loop3A_1973, %parallel_loop3A_1974 : i32
        %parallel_loop3A_1976 = arith.index_cast %parallel_loop3A_1975 : i32 to index
        %parallel_loop3A_1977 = arith.constant 48 : index
        %parallel_loop3A_1978 = tpu.vector_load %arg9[%parallel_loop3A_1976, %parallel_loop3A_1977] {strides = array<i32>} : memref<64x256xf32, #tpu.memory_space<vmem>>, vector<16xf32>,
        tpu.vector_store %arg9[%parallel_loop3A_1976, %parallel_loop3A_1977], %parallel_loop3A_1938 {strides = array<i32>} : memref<64x256xf32, #tpu.memory_space<vmem>>, vector<16xf32>,
        %parallel_loop3A_1979 = arith.constant 16 : i32
        %parallel_loop3A_1980 = arith.muli %parallel_loop3A_259, %parallel_loop3A_1979 : i32
        %parallel_loop3A_1981 = arith.constant 12 : i32
        %parallel_loop3A_1982 = arith.addi %parallel_loop3A_1980, %parallel_loop3A_1981 : i32
        %parallel_loop3A_1983 = arith.index_cast %parallel_loop3A_1982 : i32 to index
        %parallel_loop3A_1984 = arith.constant 64 : index
        %parallel_loop3A_1985 = tpu.vector_load %arg9[%parallel_loop3A_1983, %parallel_loop3A_1984] {strides = array<i32>} : memref<64x256xf32, #tpu.memory_space<vmem>>, vector<16xf32>,
        tpu.vector_store %arg9[%parallel_loop3A_1983, %parallel_loop3A_1984], %parallel_loop3A_1939 {strides = array<i32>} : memref<64x256xf32, #tpu.memory_space<vmem>>, vector<16xf32>,
        %parallel_loop3A_1986 = arith.constant 16 : i32
        %parallel_loop3A_1987 = arith.muli %parallel_loop3A_259, %parallel_loop3A_1986 : i32
        %parallel_loop3A_1988 = arith.constant 12 : i32
        %parallel_loop3A_1989 = arith.addi %parallel_loop3A_1987, %parallel_loop3A_1988 : i32
        %parallel_loop3A_1990 = arith.index_cast %parallel_loop3A_1989 : i32 to index
        %parallel_loop3A_1991 = arith.constant 80 : index
        %parallel_loop3A_1992 = tpu.vector_load %arg9[%parallel_loop3A_1990, %parallel_loop3A_1991] {strides = array<i32>} : memref<64x256xf32, #tpu.memory_space<vmem>>, vector<16xf32>,
        tpu.vector_store %arg9[%parallel_loop3A_1990, %parallel_loop3A_1991], %parallel_loop3A_1940 {strides = array<i32>} : memref<64x256xf32, #tpu.memory_space<vmem>>, vector<16xf32>,
        %parallel_loop3A_1993 = arith.constant 16 : i32
        %parallel_loop3A_1994 = arith.muli %parallel_loop3A_259, %parallel_loop3A_1993 : i32
        %parallel_loop3A_1995 = arith.constant 12 : i32
        %parallel_loop3A_1996 = arith.addi %parallel_loop3A_1994, %parallel_loop3A_1995 : i32
        %parallel_loop3A_1997 = arith.index_cast %parallel_loop3A_1996 : i32 to index
        %parallel_loop3A_1998 = arith.constant 96 : index
        %parallel_loop3A_1999 = tpu.vector_load %arg9[%parallel_loop3A_1997, %parallel_loop3A_1998] {strides = array<i32>} : memref<64x256xf32, #tpu.memory_space<vmem>>, vector<16xf32>,
        tpu.vector_store %arg9[%parallel_loop3A_1997, %parallel_loop3A_1998], %parallel_loop3A_1941 {strides = array<i32>} : memref<64x256xf32, #tpu.memory_space<vmem>>, vector<16xf32>,
        %parallel_loop3A_2000 = arith.constant 16 : i32
        %parallel_loop3A_2001 = arith.muli %parallel_loop3A_259, %parallel_loop3A_2000 : i32
        %parallel_loop3A_2002 = arith.constant 12 : i32
        %parallel_loop3A_2003 = arith.addi %parallel_loop3A_2001, %parallel_loop3A_2002 : i32
        %parallel_loop3A_2004 = arith.index_cast %parallel_loop3A_2003 : i32 to index
        %parallel_loop3A_2005 = arith.constant 112 : index
        %parallel_loop3A_2006 = tpu.vector_load %arg9[%parallel_loop3A_2004, %parallel_loop3A_2005] {strides = array<i32>} : memref<64x256xf32, #tpu.memory_space<vmem>>, vector<16xf32>,
        tpu.vector_store %arg9[%parallel_loop3A_2004, %parallel_loop3A_2005], %parallel_loop3A_1942 {strides = array<i32>} : memref<64x256xf32, #tpu.memory_space<vmem>>, vector<16xf32>,
        %parallel_loop3A_2007 = arith.constant 16 : i32
        %parallel_loop3A_2008 = arith.muli %parallel_loop3A_259, %parallel_loop3A_2007 : i32
        %parallel_loop3A_2009 = arith.constant 12 : i32
        %parallel_loop3A_2010 = arith.addi %parallel_loop3A_2008, %parallel_loop3A_2009 : i32
        %parallel_loop3A_2011 = arith.index_cast %parallel_loop3A_2010 : i32 to index
        %parallel_loop3A_2012 = arith.constant 128 : index
        %parallel_loop3A_2013 = tpu.vector_load %arg9[%parallel_loop3A_2011, %parallel_loop3A_2012] {strides = array<i32>} : memref<64x256xf32, #tpu.memory_space<vmem>>, vector<16xf32>,
        tpu.vector_store %arg9[%parallel_loop3A_2011, %parallel_loop3A_2012], %parallel_loop3A_1943 {strides = array<i32>} : memref<64x256xf32, #tpu.memory_space<vmem>>, vector<16xf32>,
        %parallel_loop3A_2014 = arith.constant 16 : i32
        %parallel_loop3A_2015 = arith.muli %parallel_loop3A_259, %parallel_loop3A_2014 : i32
        %parallel_loop3A_2016 = arith.constant 12 : i32
        %parallel_loop3A_2017 = arith.addi %parallel_loop3A_2015, %parallel_loop3A_2016 : i32
        %parallel_loop3A_2018 = arith.index_cast %parallel_loop3A_2017 : i32 to index
        %parallel_loop3A_2019 = arith.constant 144 : index
        %parallel_loop3A_2020 = tpu.vector_load %arg9[%parallel_loop3A_2018, %parallel_loop3A_2019] {strides = array<i32>} : memref<64x256xf32, #tpu.memory_space<vmem>>, vector<16xf32>,
        tpu.vector_store %arg9[%parallel_loop3A_2018, %parallel_loop3A_2019], %parallel_loop3A_1944 {strides = array<i32>} : memref<64x256xf32, #tpu.memory_space<vmem>>, vector<16xf32>,
        %parallel_loop3A_2021 = arith.constant 16 : i32
        %parallel_loop3A_2022 = arith.muli %parallel_loop3A_259, %parallel_loop3A_2021 : i32
        %parallel_loop3A_2023 = arith.constant 12 : i32
        %parallel_loop3A_2024 = arith.addi %parallel_loop3A_2022, %parallel_loop3A_2023 : i32
        %parallel_loop3A_2025 = arith.index_cast %parallel_loop3A_2024 : i32 to index
        %parallel_loop3A_2026 = arith.constant 160 : index
        %parallel_loop3A_2027 = tpu.vector_load %arg9[%parallel_loop3A_2025, %parallel_loop3A_2026] {strides = array<i32>} : memref<64x256xf32, #tpu.memory_space<vmem>>, vector<16xf32>,
        tpu.vector_store %arg9[%parallel_loop3A_2025, %parallel_loop3A_2026], %parallel_loop3A_1945 {strides = array<i32>} : memref<64x256xf32, #tpu.memory_space<vmem>>, vector<16xf32>,
        %parallel_loop3A_2028 = arith.constant 16 : i32
        %parallel_loop3A_2029 = arith.muli %parallel_loop3A_259, %parallel_loop3A_2028 : i32
        %parallel_loop3A_2030 = arith.constant 12 : i32
        %parallel_loop3A_2031 = arith.addi %parallel_loop3A_2029, %parallel_loop3A_2030 : i32
        %parallel_loop3A_2032 = arith.index_cast %parallel_loop3A_2031 : i32 to index
        %parallel_loop3A_2033 = arith.constant 176 : index
        %parallel_loop3A_2034 = tpu.vector_load %arg9[%parallel_loop3A_2032, %parallel_loop3A_2033] {strides = array<i32>} : memref<64x256xf32, #tpu.memory_space<vmem>>, vector<16xf32>,
        tpu.vector_store %arg9[%parallel_loop3A_2032, %parallel_loop3A_2033], %parallel_loop3A_1946 {strides = array<i32>} : memref<64x256xf32, #tpu.memory_space<vmem>>, vector<16xf32>,
        %parallel_loop3A_2035 = arith.constant 16 : i32
        %parallel_loop3A_2036 = arith.muli %parallel_loop3A_259, %parallel_loop3A_2035 : i32
        %parallel_loop3A_2037 = arith.constant 12 : i32
        %parallel_loop3A_2038 = arith.addi %parallel_loop3A_2036, %parallel_loop3A_2037 : i32
        %parallel_loop3A_2039 = arith.index_cast %parallel_loop3A_2038 : i32 to index
        %parallel_loop3A_2040 = arith.constant 192 : index
        %parallel_loop3A_2041 = tpu.vector_load %arg9[%parallel_loop3A_2039, %parallel_loop3A_2040] {strides = array<i32>} : memref<64x256xf32, #tpu.memory_space<vmem>>, vector<16xf32>,
        tpu.vector_store %arg9[%parallel_loop3A_2039, %parallel_loop3A_2040], %parallel_loop3A_1947 {strides = array<i32>} : memref<64x256xf32, #tpu.memory_space<vmem>>, vector<16xf32>,
        %parallel_loop3A_2042 = arith.constant 16 : i32
        %parallel_loop3A_2043 = arith.muli %parallel_loop3A_259, %parallel_loop3A_2042 : i32
        %parallel_loop3A_2044 = arith.constant 12 : i32
        %parallel_loop3A_2045 = arith.addi %parallel_loop3A_2043, %parallel_loop3A_2044 : i32
        %parallel_loop3A_2046 = arith.index_cast %parallel_loop3A_2045 : i32 to index
        %parallel_loop3A_2047 = arith.constant 208 : index
        %parallel_loop3A_2048 = tpu.vector_load %arg9[%parallel_loop3A_2046, %parallel_loop3A_2047] {strides = array<i32>} : memref<64x256xf32, #tpu.memory_space<vmem>>, vector<16xf32>,
        tpu.vector_store %arg9[%parallel_loop3A_2046, %parallel_loop3A_2047], %parallel_loop3A_1948 {strides = array<i32>} : memref<64x256xf32, #tpu.memory_space<vmem>>, vector<16xf32>,
        %parallel_loop3A_2049 = arith.constant 16 : i32
        %parallel_loop3A_2050 = arith.muli %parallel_loop3A_259, %parallel_loop3A_2049 : i32
        %parallel_loop3A_2051 = arith.constant 12 : i32
        %parallel_loop3A_2052 = arith.addi %parallel_loop3A_2050, %parallel_loop3A_2051 : i32
        %parallel_loop3A_2053 = arith.index_cast %parallel_loop3A_2052 : i32 to index
        %parallel_loop3A_2054 = arith.constant 224 : index
        %parallel_loop3A_2055 = tpu.vector_load %arg9[%parallel_loop3A_2053, %parallel_loop3A_2054] {strides = array<i32>} : memref<64x256xf32, #tpu.memory_space<vmem>>, vector<16xf32>,
        tpu.vector_store %arg9[%parallel_loop3A_2053, %parallel_loop3A_2054], %parallel_loop3A_1949 {strides = array<i32>} : memref<64x256xf32, #tpu.memory_space<vmem>>, vector<16xf32>,
        %parallel_loop3A_2056 = arith.constant 16 : i32
        %parallel_loop3A_2057 = arith.muli %parallel_loop3A_259, %parallel_loop3A_2056 : i32
        %parallel_loop3A_2058 = arith.constant 12 : i32
        %parallel_loop3A_2059 = arith.addi %parallel_loop3A_2057, %parallel_loop3A_2058 : i32
        %parallel_loop3A_2060 = arith.index_cast %parallel_loop3A_2059 : i32 to index
        %parallel_loop3A_2061 = arith.constant 240 : index
        %parallel_loop3A_2062 = tpu.vector_load %arg9[%parallel_loop3A_2060, %parallel_loop3A_2061] {strides = array<i32>} : memref<64x256xf32, #tpu.memory_space<vmem>>, vector<16xf32>,
        tpu.vector_store %arg9[%parallel_loop3A_2060, %parallel_loop3A_2061], %parallel_loop3A_1950 {strides = array<i32>} : memref<64x256xf32, #tpu.memory_space<vmem>>, vector<16xf32>,
        %parallel_loop3A_2063 = arith.constant 0 : i32
        %parallel_loop3A_2064 = vector.broadcast %parallel_loop3A_2063 : i32 to vector<16xi32>
        %parallel_loop3A_2065 = arith.cmpi slt, %broadcast_in_dim3A_61, %parallel_loop3A_2064 : vector<16xi32>
        %parallel_loop3A_2066 = arith.constant 16 : i32
        %parallel_loop3A_2067 = vector.broadcast %parallel_loop3A_2066 : i32 to vector<16xi32>
        %parallel_loop3A_2068 = arith.addi %broadcast_in_dim3A_61, %parallel_loop3A_2067 : vector<16xi32>
        %parallel_loop3A_2069 = arith.select %parallel_loop3A_2065, %parallel_loop3A_2068, %broadcast_in_dim3A_61 : vector<16xi1>, vector<16xi32>
        %parallel_loop3A_2070 = vector.shape_cast %parallel_loop3A_2069 : vector<16xi32> to vector<16x1xi32>
        %parallel_loop3A_2071 = vector.shape_cast %parallel_loop3A_2070 : vector<16x1xi32> to vector<16xi32>
        %parallel_loop3A_2072 = tpu.dynamic_gather %parallel_loop3A_268[%parallel_loop3A_2071] in [0] : vector<16xi32>, vector<16xi32> -> vector<16xi32>
        %parallel_loop3A_2073 = tpu.vector_load_idx %arg6[%parallel_loop3A_2072, %add3A_68] : memref<256x256xf32, #tpu.memory_space<vmem>>[vector<16xi32>, vector<16xi32>], vector<16xf32>,
        %parallel_loop3A_2074 = tpu.vector_load_idx %arg6[%parallel_loop3A_2072, %add3A_72] : memref<256x256xf32, #tpu.memory_space<vmem>>[vector<16xi32>, vector<16xi32>], vector<16xf32>,
        %parallel_loop3A_2075 = tpu.vector_load_idx %arg6[%parallel_loop3A_2072, %add3A_76] : memref<256x256xf32, #tpu.memory_space<vmem>>[vector<16xi32>, vector<16xi32>], vector<16xf32>,
        %parallel_loop3A_2076 = tpu.vector_load_idx %arg6[%parallel_loop3A_2072, %add3A_80] : memref<256x256xf32, #tpu.memory_space<vmem>>[vector<16xi32>, vector<16xi32>], vector<16xf32>,
        %parallel_loop3A_2077 = tpu.vector_load_idx %arg6[%parallel_loop3A_2072, %add3A_84] : memref<256x256xf32, #tpu.memory_space<vmem>>[vector<16xi32>, vector<16xi32>], vector<16xf32>,
        %parallel_loop3A_2078 = tpu.vector_load_idx %arg6[%parallel_loop3A_2072, %add3A_88] : memref<256x256xf32, #tpu.memory_space<vmem>>[vector<16xi32>, vector<16xi32>], vector<16xf32>,
        %parallel_loop3A_2079 = tpu.vector_load_idx %arg6[%parallel_loop3A_2072, %add3A_92] : memref<256x256xf32, #tpu.memory_space<vmem>>[vector<16xi32>, vector<16xi32>], vector<16xf32>,
        %parallel_loop3A_2080 = tpu.vector_load_idx %arg6[%parallel_loop3A_2072, %add3A_96] : memref<256x256xf32, #tpu.memory_space<vmem>>[vector<16xi32>, vector<16xi32>], vector<16xf32>,
        %parallel_loop3A_2081 = tpu.vector_load_idx %arg6[%parallel_loop3A_2072, %add3A_100] : memref<256x256xf32, #tpu.memory_space<vmem>>[vector<16xi32>, vector<16xi32>], vector<16xf32>,
        %parallel_loop3A_2082 = tpu.vector_load_idx %arg6[%parallel_loop3A_2072, %add3A_104] : memref<256x256xf32, #tpu.memory_space<vmem>>[vector<16xi32>, vector<16xi32>], vector<16xf32>,
        %parallel_loop3A_2083 = tpu.vector_load_idx %arg6[%parallel_loop3A_2072, %add3A_108] : memref<256x256xf32, #tpu.memory_space<vmem>>[vector<16xi32>, vector<16xi32>], vector<16xf32>,
        %parallel_loop3A_2084 = tpu.vector_load_idx %arg6[%parallel_loop3A_2072, %add3A_112] : memref<256x256xf32, #tpu.memory_space<vmem>>[vector<16xi32>, vector<16xi32>], vector<16xf32>,
        %parallel_loop3A_2085 = tpu.vector_load_idx %arg6[%parallel_loop3A_2072, %add3A_116] : memref<256x256xf32, #tpu.memory_space<vmem>>[vector<16xi32>, vector<16xi32>], vector<16xf32>,
        %parallel_loop3A_2086 = tpu.vector_load_idx %arg6[%parallel_loop3A_2072, %add3A_120] : memref<256x256xf32, #tpu.memory_space<vmem>>[vector<16xi32>, vector<16xi32>], vector<16xf32>,
        %parallel_loop3A_2087 = tpu.vector_load_idx %arg6[%parallel_loop3A_2072, %add3A_124] : memref<256x256xf32, #tpu.memory_space<vmem>>[vector<16xi32>, vector<16xi32>], vector<16xf32>,
        %parallel_loop3A_2088 = tpu.vector_load_idx %arg6[%parallel_loop3A_2072, %add3A_128] : memref<256x256xf32, #tpu.memory_space<vmem>>[vector<16xi32>, vector<16xi32>], vector<16xf32>,
        %parallel_loop3A_2089 = arith.constant 16 : i32
        %parallel_loop3A_2090 = arith.muli %parallel_loop3A_259, %parallel_loop3A_2089 : i32
        %parallel_loop3A_2091 = arith.constant 13 : i32
        %parallel_loop3A_2092 = arith.addi %parallel_loop3A_2090, %parallel_loop3A_2091 : i32
        %parallel_loop3A_2093 = arith.index_cast %parallel_loop3A_2092 : i32 to index
        %parallel_loop3A_2094 = arith.constant 0 : index
        %parallel_loop3A_2095 = tpu.vector_load %arg9[%parallel_loop3A_2093, %parallel_loop3A_2094] {strides = array<i32>} : memref<64x256xf32, #tpu.memory_space<vmem>>, vector<16xf32>,
        tpu.vector_store %arg9[%parallel_loop3A_2093, %parallel_loop3A_2094], %parallel_loop3A_2073 {strides = array<i32>} : memref<64x256xf32, #tpu.memory_space<vmem>>, vector<16xf32>,
        %parallel_loop3A_2096 = arith.constant 16 : i32
        %parallel_loop3A_2097 = arith.muli %parallel_loop3A_259, %parallel_loop3A_2096 : i32
        %parallel_loop3A_2098 = arith.constant 13 : i32
        %parallel_loop3A_2099 = arith.addi %parallel_loop3A_2097, %parallel_loop3A_2098 : i32
        %parallel_loop3A_2100 = arith.index_cast %parallel_loop3A_2099 : i32 to index
        %parallel_loop3A_2101 = arith.constant 16 : index
        %parallel_loop3A_2102 = tpu.vector_load %arg9[%parallel_loop3A_2100, %parallel_loop3A_2101] {strides = array<i32>} : memref<64x256xf32, #tpu.memory_space<vmem>>, vector<16xf32>,
        tpu.vector_store %arg9[%parallel_loop3A_2100, %parallel_loop3A_2101], %parallel_loop3A_2074 {strides = array<i32>} : memref<64x256xf32, #tpu.memory_space<vmem>>, vector<16xf32>,
        %parallel_loop3A_2103 = arith.constant 16 : i32
        %parallel_loop3A_2104 = arith.muli %parallel_loop3A_259, %parallel_loop3A_2103 : i32
        %parallel_loop3A_2105 = arith.constant 13 : i32
        %parallel_loop3A_2106 = arith.addi %parallel_loop3A_2104, %parallel_loop3A_2105 : i32
        %parallel_loop3A_2107 = arith.index_cast %parallel_loop3A_2106 : i32 to index
        %parallel_loop3A_2108 = arith.constant 32 : index
        %parallel_loop3A_2109 = tpu.vector_load %arg9[%parallel_loop3A_2107, %parallel_loop3A_2108] {strides = array<i32>} : memref<64x256xf32, #tpu.memory_space<vmem>>, vector<16xf32>,
        tpu.vector_store %arg9[%parallel_loop3A_2107, %parallel_loop3A_2108], %parallel_loop3A_2075 {strides = array<i32>} : memref<64x256xf32, #tpu.memory_space<vmem>>, vector<16xf32>,
        %parallel_loop3A_2110 = arith.constant 16 : i32
        %parallel_loop3A_2111 = arith.muli %parallel_loop3A_259, %parallel_loop3A_2110 : i32
        %parallel_loop3A_2112 = arith.constant 13 : i32
        %parallel_loop3A_2113 = arith.addi %parallel_loop3A_2111, %parallel_loop3A_2112 : i32
        %parallel_loop3A_2114 = arith.index_cast %parallel_loop3A_2113 : i32 to index
        %parallel_loop3A_2115 = arith.constant 48 : index
        %parallel_loop3A_2116 = tpu.vector_load %arg9[%parallel_loop3A_2114, %parallel_loop3A_2115] {strides = array<i32>} : memref<64x256xf32, #tpu.memory_space<vmem>>, vector<16xf32>,
        tpu.vector_store %arg9[%parallel_loop3A_2114, %parallel_loop3A_2115], %parallel_loop3A_2076 {strides = array<i32>} : memref<64x256xf32, #tpu.memory_space<vmem>>, vector<16xf32>,
        %parallel_loop3A_2117 = arith.constant 16 : i32
        %parallel_loop3A_2118 = arith.muli %parallel_loop3A_259, %parallel_loop3A_2117 : i32
        %parallel_loop3A_2119 = arith.constant 13 : i32
        %parallel_loop3A_2120 = arith.addi %parallel_loop3A_2118, %parallel_loop3A_2119 : i32
        %parallel_loop3A_2121 = arith.index_cast %parallel_loop3A_2120 : i32 to index
        %parallel_loop3A_2122 = arith.constant 64 : index
        %parallel_loop3A_2123 = tpu.vector_load %arg9[%parallel_loop3A_2121, %parallel_loop3A_2122] {strides = array<i32>} : memref<64x256xf32, #tpu.memory_space<vmem>>, vector<16xf32>,
        tpu.vector_store %arg9[%parallel_loop3A_2121, %parallel_loop3A_2122], %parallel_loop3A_2077 {strides = array<i32>} : memref<64x256xf32, #tpu.memory_space<vmem>>, vector<16xf32>,
        %parallel_loop3A_2124 = arith.constant 16 : i32
        %parallel_loop3A_2125 = arith.muli %parallel_loop3A_259, %parallel_loop3A_2124 : i32
        %parallel_loop3A_2126 = arith.constant 13 : i32
        %parallel_loop3A_2127 = arith.addi %parallel_loop3A_2125, %parallel_loop3A_2126 : i32
        %parallel_loop3A_2128 = arith.index_cast %parallel_loop3A_2127 : i32 to index
        %parallel_loop3A_2129 = arith.constant 80 : index
        %parallel_loop3A_2130 = tpu.vector_load %arg9[%parallel_loop3A_2128, %parallel_loop3A_2129] {strides = array<i32>} : memref<64x256xf32, #tpu.memory_space<vmem>>, vector<16xf32>,
        tpu.vector_store %arg9[%parallel_loop3A_2128, %parallel_loop3A_2129], %parallel_loop3A_2078 {strides = array<i32>} : memref<64x256xf32, #tpu.memory_space<vmem>>, vector<16xf32>,
        %parallel_loop3A_2131 = arith.constant 16 : i32
        %parallel_loop3A_2132 = arith.muli %parallel_loop3A_259, %parallel_loop3A_2131 : i32
        %parallel_loop3A_2133 = arith.constant 13 : i32
        %parallel_loop3A_2134 = arith.addi %parallel_loop3A_2132, %parallel_loop3A_2133 : i32
        %parallel_loop3A_2135 = arith.index_cast %parallel_loop3A_2134 : i32 to index
        %parallel_loop3A_2136 = arith.constant 96 : index
        %parallel_loop3A_2137 = tpu.vector_load %arg9[%parallel_loop3A_2135, %parallel_loop3A_2136] {strides = array<i32>} : memref<64x256xf32, #tpu.memory_space<vmem>>, vector<16xf32>,
        tpu.vector_store %arg9[%parallel_loop3A_2135, %parallel_loop3A_2136], %parallel_loop3A_2079 {strides = array<i32>} : memref<64x256xf32, #tpu.memory_space<vmem>>, vector<16xf32>,
        %parallel_loop3A_2138 = arith.constant 16 : i32
        %parallel_loop3A_2139 = arith.muli %parallel_loop3A_259, %parallel_loop3A_2138 : i32
        %parallel_loop3A_2140 = arith.constant 13 : i32
        %parallel_loop3A_2141 = arith.addi %parallel_loop3A_2139, %parallel_loop3A_2140 : i32
        %parallel_loop3A_2142 = arith.index_cast %parallel_loop3A_2141 : i32 to index
        %parallel_loop3A_2143 = arith.constant 112 : index
        %parallel_loop3A_2144 = tpu.vector_load %arg9[%parallel_loop3A_2142, %parallel_loop3A_2143] {strides = array<i32>} : memref<64x256xf32, #tpu.memory_space<vmem>>, vector<16xf32>,
        tpu.vector_store %arg9[%parallel_loop3A_2142, %parallel_loop3A_2143], %parallel_loop3A_2080 {strides = array<i32>} : memref<64x256xf32, #tpu.memory_space<vmem>>, vector<16xf32>,
        %parallel_loop3A_2145 = arith.constant 16 : i32
        %parallel_loop3A_2146 = arith.muli %parallel_loop3A_259, %parallel_loop3A_2145 : i32
        %parallel_loop3A_2147 = arith.constant 13 : i32
        %parallel_loop3A_2148 = arith.addi %parallel_loop3A_2146, %parallel_loop3A_2147 : i32
        %parallel_loop3A_2149 = arith.index_cast %parallel_loop3A_2148 : i32 to index
        %parallel_loop3A_2150 = arith.constant 128 : index
        %parallel_loop3A_2151 = tpu.vector_load %arg9[%parallel_loop3A_2149, %parallel_loop3A_2150] {strides = array<i32>} : memref<64x256xf32, #tpu.memory_space<vmem>>, vector<16xf32>,
        tpu.vector_store %arg9[%parallel_loop3A_2149, %parallel_loop3A_2150], %parallel_loop3A_2081 {strides = array<i32>} : memref<64x256xf32, #tpu.memory_space<vmem>>, vector<16xf32>,
        %parallel_loop3A_2152 = arith.constant 16 : i32
        %parallel_loop3A_2153 = arith.muli %parallel_loop3A_259, %parallel_loop3A_2152 : i32
        %parallel_loop3A_2154 = arith.constant 13 : i32
        %parallel_loop3A_2155 = arith.addi %parallel_loop3A_2153, %parallel_loop3A_2154 : i32
        %parallel_loop3A_2156 = arith.index_cast %parallel_loop3A_2155 : i32 to index
        %parallel_loop3A_2157 = arith.constant 144 : index
        %parallel_loop3A_2158 = tpu.vector_load %arg9[%parallel_loop3A_2156, %parallel_loop3A_2157] {strides = array<i32>} : memref<64x256xf32, #tpu.memory_space<vmem>>, vector<16xf32>,
        tpu.vector_store %arg9[%parallel_loop3A_2156, %parallel_loop3A_2157], %parallel_loop3A_2082 {strides = array<i32>} : memref<64x256xf32, #tpu.memory_space<vmem>>, vector<16xf32>,
        %parallel_loop3A_2159 = arith.constant 16 : i32
        %parallel_loop3A_2160 = arith.muli %parallel_loop3A_259, %parallel_loop3A_2159 : i32
        %parallel_loop3A_2161 = arith.constant 13 : i32
        %parallel_loop3A_2162 = arith.addi %parallel_loop3A_2160, %parallel_loop3A_2161 : i32
        %parallel_loop3A_2163 = arith.index_cast %parallel_loop3A_2162 : i32 to index
        %parallel_loop3A_2164 = arith.constant 160 : index
        %parallel_loop3A_2165 = tpu.vector_load %arg9[%parallel_loop3A_2163, %parallel_loop3A_2164] {strides = array<i32>} : memref<64x256xf32, #tpu.memory_space<vmem>>, vector<16xf32>,
        tpu.vector_store %arg9[%parallel_loop3A_2163, %parallel_loop3A_2164], %parallel_loop3A_2083 {strides = array<i32>} : memref<64x256xf32, #tpu.memory_space<vmem>>, vector<16xf32>,
        %parallel_loop3A_2166 = arith.constant 16 : i32
        %parallel_loop3A_2167 = arith.muli %parallel_loop3A_259, %parallel_loop3A_2166 : i32
        %parallel_loop3A_2168 = arith.constant 13 : i32
        %parallel_loop3A_2169 = arith.addi %parallel_loop3A_2167, %parallel_loop3A_2168 : i32
        %parallel_loop3A_2170 = arith.index_cast %parallel_loop3A_2169 : i32 to index
        %parallel_loop3A_2171 = arith.constant 176 : index
        %parallel_loop3A_2172 = tpu.vector_load %arg9[%parallel_loop3A_2170, %parallel_loop3A_2171] {strides = array<i32>} : memref<64x256xf32, #tpu.memory_space<vmem>>, vector<16xf32>,
        tpu.vector_store %arg9[%parallel_loop3A_2170, %parallel_loop3A_2171], %parallel_loop3A_2084 {strides = array<i32>} : memref<64x256xf32, #tpu.memory_space<vmem>>, vector<16xf32>,
        %parallel_loop3A_2173 = arith.constant 16 : i32
        %parallel_loop3A_2174 = arith.muli %parallel_loop3A_259, %parallel_loop3A_2173 : i32
        %parallel_loop3A_2175 = arith.constant 13 : i32
        %parallel_loop3A_2176 = arith.addi %parallel_loop3A_2174, %parallel_loop3A_2175 : i32
        %parallel_loop3A_2177 = arith.index_cast %parallel_loop3A_2176 : i32 to index
        %parallel_loop3A_2178 = arith.constant 192 : index
        %parallel_loop3A_2179 = tpu.vector_load %arg9[%parallel_loop3A_2177, %parallel_loop3A_2178] {strides = array<i32>} : memref<64x256xf32, #tpu.memory_space<vmem>>, vector<16xf32>,
        tpu.vector_store %arg9[%parallel_loop3A_2177, %parallel_loop3A_2178], %parallel_loop3A_2085 {strides = array<i32>} : memref<64x256xf32, #tpu.memory_space<vmem>>, vector<16xf32>,
        %parallel_loop3A_2180 = arith.constant 16 : i32
        %parallel_loop3A_2181 = arith.muli %parallel_loop3A_259, %parallel_loop3A_2180 : i32
        %parallel_loop3A_2182 = arith.constant 13 : i32
        %parallel_loop3A_2183 = arith.addi %parallel_loop3A_2181, %parallel_loop3A_2182 : i32
        %parallel_loop3A_2184 = arith.index_cast %parallel_loop3A_2183 : i32 to index
        %parallel_loop3A_2185 = arith.constant 208 : index
        %parallel_loop3A_2186 = tpu.vector_load %arg9[%parallel_loop3A_2184, %parallel_loop3A_2185] {strides = array<i32>} : memref<64x256xf32, #tpu.memory_space<vmem>>, vector<16xf32>,
        tpu.vector_store %arg9[%parallel_loop3A_2184, %parallel_loop3A_2185], %parallel_loop3A_2086 {strides = array<i32>} : memref<64x256xf32, #tpu.memory_space<vmem>>, vector<16xf32>,
        %parallel_loop3A_2187 = arith.constant 16 : i32
        %parallel_loop3A_2188 = arith.muli %parallel_loop3A_259, %parallel_loop3A_2187 : i32
        %parallel_loop3A_2189 = arith.constant 13 : i32
        %parallel_loop3A_2190 = arith.addi %parallel_loop3A_2188, %parallel_loop3A_2189 : i32
        %parallel_loop3A_2191 = arith.index_cast %parallel_loop3A_2190 : i32 to index
        %parallel_loop3A_2192 = arith.constant 224 : index
        %parallel_loop3A_2193 = tpu.vector_load %arg9[%parallel_loop3A_2191, %parallel_loop3A_2192] {strides = array<i32>} : memref<64x256xf32, #tpu.memory_space<vmem>>, vector<16xf32>,
        tpu.vector_store %arg9[%parallel_loop3A_2191, %parallel_loop3A_2192], %parallel_loop3A_2087 {strides = array<i32>} : memref<64x256xf32, #tpu.memory_space<vmem>>, vector<16xf32>,
        %parallel_loop3A_2194 = arith.constant 16 : i32
        %parallel_loop3A_2195 = arith.muli %parallel_loop3A_259, %parallel_loop3A_2194 : i32
        %parallel_loop3A_2196 = arith.constant 13 : i32
        %parallel_loop3A_2197 = arith.addi %parallel_loop3A_2195, %parallel_loop3A_2196 : i32
        %parallel_loop3A_2198 = arith.index_cast %parallel_loop3A_2197 : i32 to index
        %parallel_loop3A_2199 = arith.constant 240 : index
        %parallel_loop3A_2200 = tpu.vector_load %arg9[%parallel_loop3A_2198, %parallel_loop3A_2199] {strides = array<i32>} : memref<64x256xf32, #tpu.memory_space<vmem>>, vector<16xf32>,
        tpu.vector_store %arg9[%parallel_loop3A_2198, %parallel_loop3A_2199], %parallel_loop3A_2088 {strides = array<i32>} : memref<64x256xf32, #tpu.memory_space<vmem>>, vector<16xf32>,
        %parallel_loop3A_2201 = arith.constant 0 : i32
        %parallel_loop3A_2202 = vector.broadcast %parallel_loop3A_2201 : i32 to vector<16xi32>
        %parallel_loop3A_2203 = arith.cmpi slt, %broadcast_in_dim3A_63, %parallel_loop3A_2202 : vector<16xi32>
        %parallel_loop3A_2204 = arith.constant 16 : i32
        %parallel_loop3A_2205 = vector.broadcast %parallel_loop3A_2204 : i32 to vector<16xi32>
        %parallel_loop3A_2206 = arith.addi %broadcast_in_dim3A_63, %parallel_loop3A_2205 : vector<16xi32>
        %parallel_loop3A_2207 = arith.select %parallel_loop3A_2203, %parallel_loop3A_2206, %broadcast_in_dim3A_63 : vector<16xi1>, vector<16xi32>
        %parallel_loop3A_2208 = vector.shape_cast %parallel_loop3A_2207 : vector<16xi32> to vector<16x1xi32>
        %parallel_loop3A_2209 = vector.shape_cast %parallel_loop3A_2208 : vector<16x1xi32> to vector<16xi32>
        %parallel_loop3A_2210 = tpu.dynamic_gather %parallel_loop3A_268[%parallel_loop3A_2209] in [0] : vector<16xi32>, vector<16xi32> -> vector<16xi32>
        %parallel_loop3A_2211 = tpu.vector_load_idx %arg6[%parallel_loop3A_2210, %add3A_68] : memref<256x256xf32, #tpu.memory_space<vmem>>[vector<16xi32>, vector<16xi32>], vector<16xf32>,
        %parallel_loop3A_2212 = tpu.vector_load_idx %arg6[%parallel_loop3A_2210, %add3A_72] : memref<256x256xf32, #tpu.memory_space<vmem>>[vector<16xi32>, vector<16xi32>], vector<16xf32>,
        %parallel_loop3A_2213 = tpu.vector_load_idx %arg6[%parallel_loop3A_2210, %add3A_76] : memref<256x256xf32, #tpu.memory_space<vmem>>[vector<16xi32>, vector<16xi32>], vector<16xf32>,
        %parallel_loop3A_2214 = tpu.vector_load_idx %arg6[%parallel_loop3A_2210, %add3A_80] : memref<256x256xf32, #tpu.memory_space<vmem>>[vector<16xi32>, vector<16xi32>], vector<16xf32>,
        %parallel_loop3A_2215 = tpu.vector_load_idx %arg6[%parallel_loop3A_2210, %add3A_84] : memref<256x256xf32, #tpu.memory_space<vmem>>[vector<16xi32>, vector<16xi32>], vector<16xf32>,
        %parallel_loop3A_2216 = tpu.vector_load_idx %arg6[%parallel_loop3A_2210, %add3A_88] : memref<256x256xf32, #tpu.memory_space<vmem>>[vector<16xi32>, vector<16xi32>], vector<16xf32>,
        %parallel_loop3A_2217 = tpu.vector_load_idx %arg6[%parallel_loop3A_2210, %add3A_92] : memref<256x256xf32, #tpu.memory_space<vmem>>[vector<16xi32>, vector<16xi32>], vector<16xf32>,
        %parallel_loop3A_2218 = tpu.vector_load_idx %arg6[%parallel_loop3A_2210, %add3A_96] : memref<256x256xf32, #tpu.memory_space<vmem>>[vector<16xi32>, vector<16xi32>], vector<16xf32>,
        %parallel_loop3A_2219 = tpu.vector_load_idx %arg6[%parallel_loop3A_2210, %add3A_100] : memref<256x256xf32, #tpu.memory_space<vmem>>[vector<16xi32>, vector<16xi32>], vector<16xf32>,
        %parallel_loop3A_2220 = tpu.vector_load_idx %arg6[%parallel_loop3A_2210, %add3A_104] : memref<256x256xf32, #tpu.memory_space<vmem>>[vector<16xi32>, vector<16xi32>], vector<16xf32>,
        %parallel_loop3A_2221 = tpu.vector_load_idx %arg6[%parallel_loop3A_2210, %add3A_108] : memref<256x256xf32, #tpu.memory_space<vmem>>[vector<16xi32>, vector<16xi32>], vector<16xf32>,
        %parallel_loop3A_2222 = tpu.vector_load_idx %arg6[%parallel_loop3A_2210, %add3A_112] : memref<256x256xf32, #tpu.memory_space<vmem>>[vector<16xi32>, vector<16xi32>], vector<16xf32>,
        %parallel_loop3A_2223 = tpu.vector_load_idx %arg6[%parallel_loop3A_2210, %add3A_116] : memref<256x256xf32, #tpu.memory_space<vmem>>[vector<16xi32>, vector<16xi32>], vector<16xf32>,
        %parallel_loop3A_2224 = tpu.vector_load_idx %arg6[%parallel_loop3A_2210, %add3A_120] : memref<256x256xf32, #tpu.memory_space<vmem>>[vector<16xi32>, vector<16xi32>], vector<16xf32>,
        %parallel_loop3A_2225 = tpu.vector_load_idx %arg6[%parallel_loop3A_2210, %add3A_124] : memref<256x256xf32, #tpu.memory_space<vmem>>[vector<16xi32>, vector<16xi32>], vector<16xf32>,
        %parallel_loop3A_2226 = tpu.vector_load_idx %arg6[%parallel_loop3A_2210, %add3A_128] : memref<256x256xf32, #tpu.memory_space<vmem>>[vector<16xi32>, vector<16xi32>], vector<16xf32>,
        %parallel_loop3A_2227 = arith.constant 16 : i32
        %parallel_loop3A_2228 = arith.muli %parallel_loop3A_259, %parallel_loop3A_2227 : i32
        %parallel_loop3A_2229 = arith.constant 14 : i32
        %parallel_loop3A_2230 = arith.addi %parallel_loop3A_2228, %parallel_loop3A_2229 : i32
        %parallel_loop3A_2231 = arith.index_cast %parallel_loop3A_2230 : i32 to index
        %parallel_loop3A_2232 = arith.constant 0 : index
        %parallel_loop3A_2233 = tpu.vector_load %arg9[%parallel_loop3A_2231, %parallel_loop3A_2232] {strides = array<i32>} : memref<64x256xf32, #tpu.memory_space<vmem>>, vector<16xf32>,
        tpu.vector_store %arg9[%parallel_loop3A_2231, %parallel_loop3A_2232], %parallel_loop3A_2211 {strides = array<i32>} : memref<64x256xf32, #tpu.memory_space<vmem>>, vector<16xf32>,
        %parallel_loop3A_2234 = arith.constant 16 : i32
        %parallel_loop3A_2235 = arith.muli %parallel_loop3A_259, %parallel_loop3A_2234 : i32
        %parallel_loop3A_2236 = arith.constant 14 : i32
        %parallel_loop3A_2237 = arith.addi %parallel_loop3A_2235, %parallel_loop3A_2236 : i32
        %parallel_loop3A_2238 = arith.index_cast %parallel_loop3A_2237 : i32 to index
        %parallel_loop3A_2239 = arith.constant 16 : index
        %parallel_loop3A_2240 = tpu.vector_load %arg9[%parallel_loop3A_2238, %parallel_loop3A_2239] {strides = array<i32>} : memref<64x256xf32, #tpu.memory_space<vmem>>, vector<16xf32>,
        tpu.vector_store %arg9[%parallel_loop3A_2238, %parallel_loop3A_2239], %parallel_loop3A_2212 {strides = array<i32>} : memref<64x256xf32, #tpu.memory_space<vmem>>, vector<16xf32>,
        %parallel_loop3A_2241 = arith.constant 16 : i32
        %parallel_loop3A_2242 = arith.muli %parallel_loop3A_259, %parallel_loop3A_2241 : i32
        %parallel_loop3A_2243 = arith.constant 14 : i32
        %parallel_loop3A_2244 = arith.addi %parallel_loop3A_2242, %parallel_loop3A_2243 : i32
        %parallel_loop3A_2245 = arith.index_cast %parallel_loop3A_2244 : i32 to index
        %parallel_loop3A_2246 = arith.constant 32 : index
        %parallel_loop3A_2247 = tpu.vector_load %arg9[%parallel_loop3A_2245, %parallel_loop3A_2246] {strides = array<i32>} : memref<64x256xf32, #tpu.memory_space<vmem>>, vector<16xf32>,
        tpu.vector_store %arg9[%parallel_loop3A_2245, %parallel_loop3A_2246], %parallel_loop3A_2213 {strides = array<i32>} : memref<64x256xf32, #tpu.memory_space<vmem>>, vector<16xf32>,
        %parallel_loop3A_2248 = arith.constant 16 : i32
        %parallel_loop3A_2249 = arith.muli %parallel_loop3A_259, %parallel_loop3A_2248 : i32
        %parallel_loop3A_2250 = arith.constant 14 : i32
        %parallel_loop3A_2251 = arith.addi %parallel_loop3A_2249, %parallel_loop3A_2250 : i32
        %parallel_loop3A_2252 = arith.index_cast %parallel_loop3A_2251 : i32 to index
        %parallel_loop3A_2253 = arith.constant 48 : index
        %parallel_loop3A_2254 = tpu.vector_load %arg9[%parallel_loop3A_2252, %parallel_loop3A_2253] {strides = array<i32>} : memref<64x256xf32, #tpu.memory_space<vmem>>, vector<16xf32>,
        tpu.vector_store %arg9[%parallel_loop3A_2252, %parallel_loop3A_2253], %parallel_loop3A_2214 {strides = array<i32>} : memref<64x256xf32, #tpu.memory_space<vmem>>, vector<16xf32>,
        %parallel_loop3A_2255 = arith.constant 16 : i32
        %parallel_loop3A_2256 = arith.muli %parallel_loop3A_259, %parallel_loop3A_2255 : i32
        %parallel_loop3A_2257 = arith.constant 14 : i32
        %parallel_loop3A_2258 = arith.addi %parallel_loop3A_2256, %parallel_loop3A_2257 : i32
        %parallel_loop3A_2259 = arith.index_cast %parallel_loop3A_2258 : i32 to index
        %parallel_loop3A_2260 = arith.constant 64 : index
        %parallel_loop3A_2261 = tpu.vector_load %arg9[%parallel_loop3A_2259, %parallel_loop3A_2260] {strides = array<i32>} : memref<64x256xf32, #tpu.memory_space<vmem>>, vector<16xf32>,
        tpu.vector_store %arg9[%parallel_loop3A_2259, %parallel_loop3A_2260], %parallel_loop3A_2215 {strides = array<i32>} : memref<64x256xf32, #tpu.memory_space<vmem>>, vector<16xf32>,
        %parallel_loop3A_2262 = arith.constant 16 : i32
        %parallel_loop3A_2263 = arith.muli %parallel_loop3A_259, %parallel_loop3A_2262 : i32
        %parallel_loop3A_2264 = arith.constant 14 : i32
        %parallel_loop3A_2265 = arith.addi %parallel_loop3A_2263, %parallel_loop3A_2264 : i32
        %parallel_loop3A_2266 = arith.index_cast %parallel_loop3A_2265 : i32 to index
        %parallel_loop3A_2267 = arith.constant 80 : index
        %parallel_loop3A_2268 = tpu.vector_load %arg9[%parallel_loop3A_2266, %parallel_loop3A_2267] {strides = array<i32>} : memref<64x256xf32, #tpu.memory_space<vmem>>, vector<16xf32>,
        tpu.vector_store %arg9[%parallel_loop3A_2266, %parallel_loop3A_2267], %parallel_loop3A_2216 {strides = array<i32>} : memref<64x256xf32, #tpu.memory_space<vmem>>, vector<16xf32>,
        %parallel_loop3A_2269 = arith.constant 16 : i32
        %parallel_loop3A_2270 = arith.muli %parallel_loop3A_259, %parallel_loop3A_2269 : i32
        %parallel_loop3A_2271 = arith.constant 14 : i32
        %parallel_loop3A_2272 = arith.addi %parallel_loop3A_2270, %parallel_loop3A_2271 : i32
        %parallel_loop3A_2273 = arith.index_cast %parallel_loop3A_2272 : i32 to index
        %parallel_loop3A_2274 = arith.constant 96 : index
        %parallel_loop3A_2275 = tpu.vector_load %arg9[%parallel_loop3A_2273, %parallel_loop3A_2274] {strides = array<i32>} : memref<64x256xf32, #tpu.memory_space<vmem>>, vector<16xf32>,
        tpu.vector_store %arg9[%parallel_loop3A_2273, %parallel_loop3A_2274], %parallel_loop3A_2217 {strides = array<i32>} : memref<64x256xf32, #tpu.memory_space<vmem>>, vector<16xf32>,
        %parallel_loop3A_2276 = arith.constant 16 : i32
        %parallel_loop3A_2277 = arith.muli %parallel_loop3A_259, %parallel_loop3A_2276 : i32
        %parallel_loop3A_2278 = arith.constant 14 : i32
        %parallel_loop3A_2279 = arith.addi %parallel_loop3A_2277, %parallel_loop3A_2278 : i32
        %parallel_loop3A_2280 = arith.index_cast %parallel_loop3A_2279 : i32 to index
        %parallel_loop3A_2281 = arith.constant 112 : index
        %parallel_loop3A_2282 = tpu.vector_load %arg9[%parallel_loop3A_2280, %parallel_loop3A_2281] {strides = array<i32>} : memref<64x256xf32, #tpu.memory_space<vmem>>, vector<16xf32>,
        tpu.vector_store %arg9[%parallel_loop3A_2280, %parallel_loop3A_2281], %parallel_loop3A_2218 {strides = array<i32>} : memref<64x256xf32, #tpu.memory_space<vmem>>, vector<16xf32>,
        %parallel_loop3A_2283 = arith.constant 16 : i32
        %parallel_loop3A_2284 = arith.muli %parallel_loop3A_259, %parallel_loop3A_2283 : i32
        %parallel_loop3A_2285 = arith.constant 14 : i32
        %parallel_loop3A_2286 = arith.addi %parallel_loop3A_2284, %parallel_loop3A_2285 : i32
        %parallel_loop3A_2287 = arith.index_cast %parallel_loop3A_2286 : i32 to index
        %parallel_loop3A_2288 = arith.constant 128 : index
        %parallel_loop3A_2289 = tpu.vector_load %arg9[%parallel_loop3A_2287, %parallel_loop3A_2288] {strides = array<i32>} : memref<64x256xf32, #tpu.memory_space<vmem>>, vector<16xf32>,
        tpu.vector_store %arg9[%parallel_loop3A_2287, %parallel_loop3A_2288], %parallel_loop3A_2219 {strides = array<i32>} : memref<64x256xf32, #tpu.memory_space<vmem>>, vector<16xf32>,
        %parallel_loop3A_2290 = arith.constant 16 : i32
        %parallel_loop3A_2291 = arith.muli %parallel_loop3A_259, %parallel_loop3A_2290 : i32
        %parallel_loop3A_2292 = arith.constant 14 : i32
        %parallel_loop3A_2293 = arith.addi %parallel_loop3A_2291, %parallel_loop3A_2292 : i32
        %parallel_loop3A_2294 = arith.index_cast %parallel_loop3A_2293 : i32 to index
        %parallel_loop3A_2295 = arith.constant 144 : index
        %parallel_loop3A_2296 = tpu.vector_load %arg9[%parallel_loop3A_2294, %parallel_loop3A_2295] {strides = array<i32>} : memref<64x256xf32, #tpu.memory_space<vmem>>, vector<16xf32>,
        tpu.vector_store %arg9[%parallel_loop3A_2294, %parallel_loop3A_2295], %parallel_loop3A_2220 {strides = array<i32>} : memref<64x256xf32, #tpu.memory_space<vmem>>, vector<16xf32>,
        %parallel_loop3A_2297 = arith.constant 16 : i32
        %parallel_loop3A_2298 = arith.muli %parallel_loop3A_259, %parallel_loop3A_2297 : i32
        %parallel_loop3A_2299 = arith.constant 14 : i32
        %parallel_loop3A_2300 = arith.addi %parallel_loop3A_2298, %parallel_loop3A_2299 : i32
        %parallel_loop3A_2301 = arith.index_cast %parallel_loop3A_2300 : i32 to index
        %parallel_loop3A_2302 = arith.constant 160 : index
        %parallel_loop3A_2303 = tpu.vector_load %arg9[%parallel_loop3A_2301, %parallel_loop3A_2302] {strides = array<i32>} : memref<64x256xf32, #tpu.memory_space<vmem>>, vector<16xf32>,
        tpu.vector_store %arg9[%parallel_loop3A_2301, %parallel_loop3A_2302], %parallel_loop3A_2221 {strides = array<i32>} : memref<64x256xf32, #tpu.memory_space<vmem>>, vector<16xf32>,
        %parallel_loop3A_2304 = arith.constant 16 : i32
        %parallel_loop3A_2305 = arith.muli %parallel_loop3A_259, %parallel_loop3A_2304 : i32
        %parallel_loop3A_2306 = arith.constant 14 : i32
        %parallel_loop3A_2307 = arith.addi %parallel_loop3A_2305, %parallel_loop3A_2306 : i32
        %parallel_loop3A_2308 = arith.index_cast %parallel_loop3A_2307 : i32 to index
        %parallel_loop3A_2309 = arith.constant 176 : index
        %parallel_loop3A_2310 = tpu.vector_load %arg9[%parallel_loop3A_2308, %parallel_loop3A_2309] {strides = array<i32>} : memref<64x256xf32, #tpu.memory_space<vmem>>, vector<16xf32>,
        tpu.vector_store %arg9[%parallel_loop3A_2308, %parallel_loop3A_2309], %parallel_loop3A_2222 {strides = array<i32>} : memref<64x256xf32, #tpu.memory_space<vmem>>, vector<16xf32>,
        %parallel_loop3A_2311 = arith.constant 16 : i32
        %parallel_loop3A_2312 = arith.muli %parallel_loop3A_259, %parallel_loop3A_2311 : i32
        %parallel_loop3A_2313 = arith.constant 14 : i32
        %parallel_loop3A_2314 = arith.addi %parallel_loop3A_2312, %parallel_loop3A_2313 : i32
        %parallel_loop3A_2315 = arith.index_cast %parallel_loop3A_2314 : i32 to index
        %parallel_loop3A_2316 = arith.constant 192 : index
        %parallel_loop3A_2317 = tpu.vector_load %arg9[%parallel_loop3A_2315, %parallel_loop3A_2316] {strides = array<i32>} : memref<64x256xf32, #tpu.memory_space<vmem>>, vector<16xf32>,
        tpu.vector_store %arg9[%parallel_loop3A_2315, %parallel_loop3A_2316], %parallel_loop3A_2223 {strides = array<i32>} : memref<64x256xf32, #tpu.memory_space<vmem>>, vector<16xf32>,
        %parallel_loop3A_2318 = arith.constant 16 : i32
        %parallel_loop3A_2319 = arith.muli %parallel_loop3A_259, %parallel_loop3A_2318 : i32
        %parallel_loop3A_2320 = arith.constant 14 : i32
        %parallel_loop3A_2321 = arith.addi %parallel_loop3A_2319, %parallel_loop3A_2320 : i32
        %parallel_loop3A_2322 = arith.index_cast %parallel_loop3A_2321 : i32 to index
        %parallel_loop3A_2323 = arith.constant 208 : index
        %parallel_loop3A_2324 = tpu.vector_load %arg9[%parallel_loop3A_2322, %parallel_loop3A_2323] {strides = array<i32>} : memref<64x256xf32, #tpu.memory_space<vmem>>, vector<16xf32>,
        tpu.vector_store %arg9[%parallel_loop3A_2322, %parallel_loop3A_2323], %parallel_loop3A_2224 {strides = array<i32>} : memref<64x256xf32, #tpu.memory_space<vmem>>, vector<16xf32>,
        %parallel_loop3A_2325 = arith.constant 16 : i32
        %parallel_loop3A_2326 = arith.muli %parallel_loop3A_259, %parallel_loop3A_2325 : i32
        %parallel_loop3A_2327 = arith.constant 14 : i32
        %parallel_loop3A_2328 = arith.addi %parallel_loop3A_2326, %parallel_loop3A_2327 : i32
        %parallel_loop3A_2329 = arith.index_cast %parallel_loop3A_2328 : i32 to index
        %parallel_loop3A_2330 = arith.constant 224 : index
        %parallel_loop3A_2331 = tpu.vector_load %arg9[%parallel_loop3A_2329, %parallel_loop3A_2330] {strides = array<i32>} : memref<64x256xf32, #tpu.memory_space<vmem>>, vector<16xf32>,
        tpu.vector_store %arg9[%parallel_loop3A_2329, %parallel_loop3A_2330], %parallel_loop3A_2225 {strides = array<i32>} : memref<64x256xf32, #tpu.memory_space<vmem>>, vector<16xf32>,
        %parallel_loop3A_2332 = arith.constant 16 : i32
        %parallel_loop3A_2333 = arith.muli %parallel_loop3A_259, %parallel_loop3A_2332 : i32
        %parallel_loop3A_2334 = arith.constant 14 : i32
        %parallel_loop3A_2335 = arith.addi %parallel_loop3A_2333, %parallel_loop3A_2334 : i32
        %parallel_loop3A_2336 = arith.index_cast %parallel_loop3A_2335 : i32 to index
        %parallel_loop3A_2337 = arith.constant 240 : index
        %parallel_loop3A_2338 = tpu.vector_load %arg9[%parallel_loop3A_2336, %parallel_loop3A_2337] {strides = array<i32>} : memref<64x256xf32, #tpu.memory_space<vmem>>, vector<16xf32>,
        tpu.vector_store %arg9[%parallel_loop3A_2336, %parallel_loop3A_2337], %parallel_loop3A_2226 {strides = array<i32>} : memref<64x256xf32, #tpu.memory_space<vmem>>, vector<16xf32>,
        %parallel_loop3A_2339 = arith.constant 0 : i32
        %parallel_loop3A_2340 = vector.broadcast %parallel_loop3A_2339 : i32 to vector<16xi32>
        %parallel_loop3A_2341 = arith.cmpi slt, %broadcast_in_dim3A_65, %parallel_loop3A_2340 : vector<16xi32>
        %parallel_loop3A_2342 = arith.constant 16 : i32
        %parallel_loop3A_2343 = vector.broadcast %parallel_loop3A_2342 : i32 to vector<16xi32>
        %parallel_loop3A_2344 = arith.addi %broadcast_in_dim3A_65, %parallel_loop3A_2343 : vector<16xi32>
        %parallel_loop3A_2345 = arith.select %parallel_loop3A_2341, %parallel_loop3A_2344, %broadcast_in_dim3A_65 : vector<16xi1>, vector<16xi32>
        %parallel_loop3A_2346 = vector.shape_cast %parallel_loop3A_2345 : vector<16xi32> to vector<16x1xi32>
        %parallel_loop3A_2347 = vector.shape_cast %parallel_loop3A_2346 : vector<16x1xi32> to vector<16xi32>
        %parallel_loop3A_2348 = tpu.dynamic_gather %parallel_loop3A_268[%parallel_loop3A_2347] in [0] : vector<16xi32>, vector<16xi32> -> vector<16xi32>
        %parallel_loop3A_2349 = tpu.vector_load_idx %arg6[%parallel_loop3A_2348, %add3A_68] : memref<256x256xf32, #tpu.memory_space<vmem>>[vector<16xi32>, vector<16xi32>], vector<16xf32>,
        %parallel_loop3A_2350 = tpu.vector_load_idx %arg6[%parallel_loop3A_2348, %add3A_72] : memref<256x256xf32, #tpu.memory_space<vmem>>[vector<16xi32>, vector<16xi32>], vector<16xf32>,
        %parallel_loop3A_2351 = tpu.vector_load_idx %arg6[%parallel_loop3A_2348, %add3A_76] : memref<256x256xf32, #tpu.memory_space<vmem>>[vector<16xi32>, vector<16xi32>], vector<16xf32>,
        %parallel_loop3A_2352 = tpu.vector_load_idx %arg6[%parallel_loop3A_2348, %add3A_80] : memref<256x256xf32, #tpu.memory_space<vmem>>[vector<16xi32>, vector<16xi32>], vector<16xf32>,
        %parallel_loop3A_2353 = tpu.vector_load_idx %arg6[%parallel_loop3A_2348, %add3A_84] : memref<256x256xf32, #tpu.memory_space<vmem>>[vector<16xi32>, vector<16xi32>], vector<16xf32>,
        %parallel_loop3A_2354 = tpu.vector_load_idx %arg6[%parallel_loop3A_2348, %add3A_88] : memref<256x256xf32, #tpu.memory_space<vmem>>[vector<16xi32>, vector<16xi32>], vector<16xf32>,
        %parallel_loop3A_2355 = tpu.vector_load_idx %arg6[%parallel_loop3A_2348, %add3A_92] : memref<256x256xf32, #tpu.memory_space<vmem>>[vector<16xi32>, vector<16xi32>], vector<16xf32>,
        %parallel_loop3A_2356 = tpu.vector_load_idx %arg6[%parallel_loop3A_2348, %add3A_96] : memref<256x256xf32, #tpu.memory_space<vmem>>[vector<16xi32>, vector<16xi32>], vector<16xf32>,
        %parallel_loop3A_2357 = tpu.vector_load_idx %arg6[%parallel_loop3A_2348, %add3A_100] : memref<256x256xf32, #tpu.memory_space<vmem>>[vector<16xi32>, vector<16xi32>], vector<16xf32>,
        %parallel_loop3A_2358 = tpu.vector_load_idx %arg6[%parallel_loop3A_2348, %add3A_104] : memref<256x256xf32, #tpu.memory_space<vmem>>[vector<16xi32>, vector<16xi32>], vector<16xf32>,
        %parallel_loop3A_2359 = tpu.vector_load_idx %arg6[%parallel_loop3A_2348, %add3A_108] : memref<256x256xf32, #tpu.memory_space<vmem>>[vector<16xi32>, vector<16xi32>], vector<16xf32>,
        %parallel_loop3A_2360 = tpu.vector_load_idx %arg6[%parallel_loop3A_2348, %add3A_112] : memref<256x256xf32, #tpu.memory_space<vmem>>[vector<16xi32>, vector<16xi32>], vector<16xf32>,
        %parallel_loop3A_2361 = tpu.vector_load_idx %arg6[%parallel_loop3A_2348, %add3A_116] : memref<256x256xf32, #tpu.memory_space<vmem>>[vector<16xi32>, vector<16xi32>], vector<16xf32>,
        %parallel_loop3A_2362 = tpu.vector_load_idx %arg6[%parallel_loop3A_2348, %add3A_120] : memref<256x256xf32, #tpu.memory_space<vmem>>[vector<16xi32>, vector<16xi32>], vector<16xf32>,
        %parallel_loop3A_2363 = tpu.vector_load_idx %arg6[%parallel_loop3A_2348, %add3A_124] : memref<256x256xf32, #tpu.memory_space<vmem>>[vector<16xi32>, vector<16xi32>], vector<16xf32>,
        %parallel_loop3A_2364 = tpu.vector_load_idx %arg6[%parallel_loop3A_2348, %add3A_128] : memref<256x256xf32, #tpu.memory_space<vmem>>[vector<16xi32>, vector<16xi32>], vector<16xf32>,
        %parallel_loop3A_2365 = arith.constant 16 : i32
        %parallel_loop3A_2366 = arith.muli %parallel_loop3A_259, %parallel_loop3A_2365 : i32
        %parallel_loop3A_2367 = arith.constant 15 : i32
        %parallel_loop3A_2368 = arith.addi %parallel_loop3A_2366, %parallel_loop3A_2367 : i32
        %parallel_loop3A_2369 = arith.index_cast %parallel_loop3A_2368 : i32 to index
        %parallel_loop3A_2370 = arith.constant 0 : index
        %parallel_loop3A_2371 = tpu.vector_load %arg9[%parallel_loop3A_2369, %parallel_loop3A_2370] {strides = array<i32>} : memref<64x256xf32, #tpu.memory_space<vmem>>, vector<16xf32>,
        tpu.vector_store %arg9[%parallel_loop3A_2369, %parallel_loop3A_2370], %parallel_loop3A_2349 {strides = array<i32>} : memref<64x256xf32, #tpu.memory_space<vmem>>, vector<16xf32>,
        %parallel_loop3A_2372 = arith.constant 16 : i32
        %parallel_loop3A_2373 = arith.muli %parallel_loop3A_259, %parallel_loop3A_2372 : i32
        %parallel_loop3A_2374 = arith.constant 15 : i32
        %parallel_loop3A_2375 = arith.addi %parallel_loop3A_2373, %parallel_loop3A_2374 : i32
        %parallel_loop3A_2376 = arith.index_cast %parallel_loop3A_2375 : i32 to index
        %parallel_loop3A_2377 = arith.constant 16 : index
        %parallel_loop3A_2378 = tpu.vector_load %arg9[%parallel_loop3A_2376, %parallel_loop3A_2377] {strides = array<i32>} : memref<64x256xf32, #tpu.memory_space<vmem>>, vector<16xf32>,
        tpu.vector_store %arg9[%parallel_loop3A_2376, %parallel_loop3A_2377], %parallel_loop3A_2350 {strides = array<i32>} : memref<64x256xf32, #tpu.memory_space<vmem>>, vector<16xf32>,
        %parallel_loop3A_2379 = arith.constant 16 : i32
        %parallel_loop3A_2380 = arith.muli %parallel_loop3A_259, %parallel_loop3A_2379 : i32
        %parallel_loop3A_2381 = arith.constant 15 : i32
        %parallel_loop3A_2382 = arith.addi %parallel_loop3A_2380, %parallel_loop3A_2381 : i32
        %parallel_loop3A_2383 = arith.index_cast %parallel_loop3A_2382 : i32 to index
        %parallel_loop3A_2384 = arith.constant 32 : index
        %parallel_loop3A_2385 = tpu.vector_load %arg9[%parallel_loop3A_2383, %parallel_loop3A_2384] {strides = array<i32>} : memref<64x256xf32, #tpu.memory_space<vmem>>, vector<16xf32>,
        tpu.vector_store %arg9[%parallel_loop3A_2383, %parallel_loop3A_2384], %parallel_loop3A_2351 {strides = array<i32>} : memref<64x256xf32, #tpu.memory_space<vmem>>, vector<16xf32>,
        %parallel_loop3A_2386 = arith.constant 16 : i32
        %parallel_loop3A_2387 = arith.muli %parallel_loop3A_259, %parallel_loop3A_2386 : i32
        %parallel_loop3A_2388 = arith.constant 15 : i32
        %parallel_loop3A_2389 = arith.addi %parallel_loop3A_2387, %parallel_loop3A_2388 : i32
        %parallel_loop3A_2390 = arith.index_cast %parallel_loop3A_2389 : i32 to index
        %parallel_loop3A_2391 = arith.constant 48 : index
        %parallel_loop3A_2392 = tpu.vector_load %arg9[%parallel_loop3A_2390, %parallel_loop3A_2391] {strides = array<i32>} : memref<64x256xf32, #tpu.memory_space<vmem>>, vector<16xf32>,
        tpu.vector_store %arg9[%parallel_loop3A_2390, %parallel_loop3A_2391], %parallel_loop3A_2352 {strides = array<i32>} : memref<64x256xf32, #tpu.memory_space<vmem>>, vector<16xf32>,
        %parallel_loop3A_2393 = arith.constant 16 : i32
        %parallel_loop3A_2394 = arith.muli %parallel_loop3A_259, %parallel_loop3A_2393 : i32
        %parallel_loop3A_2395 = arith.constant 15 : i32
        %parallel_loop3A_2396 = arith.addi %parallel_loop3A_2394, %parallel_loop3A_2395 : i32
        %parallel_loop3A_2397 = arith.index_cast %parallel_loop3A_2396 : i32 to index
        %parallel_loop3A_2398 = arith.constant 64 : index
        %parallel_loop3A_2399 = tpu.vector_load %arg9[%parallel_loop3A_2397, %parallel_loop3A_2398] {strides = array<i32>} : memref<64x256xf32, #tpu.memory_space<vmem>>, vector<16xf32>,
        tpu.vector_store %arg9[%parallel_loop3A_2397, %parallel_loop3A_2398], %parallel_loop3A_2353 {strides = array<i32>} : memref<64x256xf32, #tpu.memory_space<vmem>>, vector<16xf32>,
        %parallel_loop3A_2400 = arith.constant 16 : i32
        %parallel_loop3A_2401 = arith.muli %parallel_loop3A_259, %parallel_loop3A_2400 : i32
        %parallel_loop3A_2402 = arith.constant 15 : i32
        %parallel_loop3A_2403 = arith.addi %parallel_loop3A_2401, %parallel_loop3A_2402 : i32
        %parallel_loop3A_2404 = arith.index_cast %parallel_loop3A_2403 : i32 to index
        %parallel_loop3A_2405 = arith.constant 80 : index
        %parallel_loop3A_2406 = tpu.vector_load %arg9[%parallel_loop3A_2404, %parallel_loop3A_2405] {strides = array<i32>} : memref<64x256xf32, #tpu.memory_space<vmem>>, vector<16xf32>,
        tpu.vector_store %arg9[%parallel_loop3A_2404, %parallel_loop3A_2405], %parallel_loop3A_2354 {strides = array<i32>} : memref<64x256xf32, #tpu.memory_space<vmem>>, vector<16xf32>,
        %parallel_loop3A_2407 = arith.constant 16 : i32
        %parallel_loop3A_2408 = arith.muli %parallel_loop3A_259, %parallel_loop3A_2407 : i32
        %parallel_loop3A_2409 = arith.constant 15 : i32
        %parallel_loop3A_2410 = arith.addi %parallel_loop3A_2408, %parallel_loop3A_2409 : i32
        %parallel_loop3A_2411 = arith.index_cast %parallel_loop3A_2410 : i32 to index
        %parallel_loop3A_2412 = arith.constant 96 : index
        %parallel_loop3A_2413 = tpu.vector_load %arg9[%parallel_loop3A_2411, %parallel_loop3A_2412] {strides = array<i32>} : memref<64x256xf32, #tpu.memory_space<vmem>>, vector<16xf32>,
        tpu.vector_store %arg9[%parallel_loop3A_2411, %parallel_loop3A_2412], %parallel_loop3A_2355 {strides = array<i32>} : memref<64x256xf32, #tpu.memory_space<vmem>>, vector<16xf32>,
        %parallel_loop3A_2414 = arith.constant 16 : i32
        %parallel_loop3A_2415 = arith.muli %parallel_loop3A_259, %parallel_loop3A_2414 : i32
        %parallel_loop3A_2416 = arith.constant 15 : i32
        %parallel_loop3A_2417 = arith.addi %parallel_loop3A_2415, %parallel_loop3A_2416 : i32
        %parallel_loop3A_2418 = arith.index_cast %parallel_loop3A_2417 : i32 to index
        %parallel_loop3A_2419 = arith.constant 112 : index
        %parallel_loop3A_2420 = tpu.vector_load %arg9[%parallel_loop3A_2418, %parallel_loop3A_2419] {strides = array<i32>} : memref<64x256xf32, #tpu.memory_space<vmem>>, vector<16xf32>,
        tpu.vector_store %arg9[%parallel_loop3A_2418, %parallel_loop3A_2419], %parallel_loop3A_2356 {strides = array<i32>} : memref<64x256xf32, #tpu.memory_space<vmem>>, vector<16xf32>,
        %parallel_loop3A_2421 = arith.constant 16 : i32
        %parallel_loop3A_2422 = arith.muli %parallel_loop3A_259, %parallel_loop3A_2421 : i32
        %parallel_loop3A_2423 = arith.constant 15 : i32
        %parallel_loop3A_2424 = arith.addi %parallel_loop3A_2422, %parallel_loop3A_2423 : i32
        %parallel_loop3A_2425 = arith.index_cast %parallel_loop3A_2424 : i32 to index
        %parallel_loop3A_2426 = arith.constant 128 : index
        %parallel_loop3A_2427 = tpu.vector_load %arg9[%parallel_loop3A_2425, %parallel_loop3A_2426] {strides = array<i32>} : memref<64x256xf32, #tpu.memory_space<vmem>>, vector<16xf32>,
        tpu.vector_store %arg9[%parallel_loop3A_2425, %parallel_loop3A_2426], %parallel_loop3A_2357 {strides = array<i32>} : memref<64x256xf32, #tpu.memory_space<vmem>>, vector<16xf32>,
        %parallel_loop3A_2428 = arith.constant 16 : i32
        %parallel_loop3A_2429 = arith.muli %parallel_loop3A_259, %parallel_loop3A_2428 : i32
        %parallel_loop3A_2430 = arith.constant 15 : i32
        %parallel_loop3A_2431 = arith.addi %parallel_loop3A_2429, %parallel_loop3A_2430 : i32
        %parallel_loop3A_2432 = arith.index_cast %parallel_loop3A_2431 : i32 to index
        %parallel_loop3A_2433 = arith.constant 144 : index
        %parallel_loop3A_2434 = tpu.vector_load %arg9[%parallel_loop3A_2432, %parallel_loop3A_2433] {strides = array<i32>} : memref<64x256xf32, #tpu.memory_space<vmem>>, vector<16xf32>,
        tpu.vector_store %arg9[%parallel_loop3A_2432, %parallel_loop3A_2433], %parallel_loop3A_2358 {strides = array<i32>} : memref<64x256xf32, #tpu.memory_space<vmem>>, vector<16xf32>,
        %parallel_loop3A_2435 = arith.constant 16 : i32
        %parallel_loop3A_2436 = arith.muli %parallel_loop3A_259, %parallel_loop3A_2435 : i32
        %parallel_loop3A_2437 = arith.constant 15 : i32
        %parallel_loop3A_2438 = arith.addi %parallel_loop3A_2436, %parallel_loop3A_2437 : i32
        %parallel_loop3A_2439 = arith.index_cast %parallel_loop3A_2438 : i32 to index
        %parallel_loop3A_2440 = arith.constant 160 : index
        %parallel_loop3A_2441 = tpu.vector_load %arg9[%parallel_loop3A_2439, %parallel_loop3A_2440] {strides = array<i32>} : memref<64x256xf32, #tpu.memory_space<vmem>>, vector<16xf32>,
        tpu.vector_store %arg9[%parallel_loop3A_2439, %parallel_loop3A_2440], %parallel_loop3A_2359 {strides = array<i32>} : memref<64x256xf32, #tpu.memory_space<vmem>>, vector<16xf32>,
        %parallel_loop3A_2442 = arith.constant 16 : i32
        %parallel_loop3A_2443 = arith.muli %parallel_loop3A_259, %parallel_loop3A_2442 : i32
        %parallel_loop3A_2444 = arith.constant 15 : i32
        %parallel_loop3A_2445 = arith.addi %parallel_loop3A_2443, %parallel_loop3A_2444 : i32
        %parallel_loop3A_2446 = arith.index_cast %parallel_loop3A_2445 : i32 to index
        %parallel_loop3A_2447 = arith.constant 176 : index
        %parallel_loop3A_2448 = tpu.vector_load %arg9[%parallel_loop3A_2446, %parallel_loop3A_2447] {strides = array<i32>} : memref<64x256xf32, #tpu.memory_space<vmem>>, vector<16xf32>,
        tpu.vector_store %arg9[%parallel_loop3A_2446, %parallel_loop3A_2447], %parallel_loop3A_2360 {strides = array<i32>} : memref<64x256xf32, #tpu.memory_space<vmem>>, vector<16xf32>,
        %parallel_loop3A_2449 = arith.constant 16 : i32
        %parallel_loop3A_2450 = arith.muli %parallel_loop3A_259, %parallel_loop3A_2449 : i32
        %parallel_loop3A_2451 = arith.constant 15 : i32
        %parallel_loop3A_2452 = arith.addi %parallel_loop3A_2450, %parallel_loop3A_2451 : i32
        %parallel_loop3A_2453 = arith.index_cast %parallel_loop3A_2452 : i32 to index
        %parallel_loop3A_2454 = arith.constant 192 : index
        %parallel_loop3A_2455 = tpu.vector_load %arg9[%parallel_loop3A_2453, %parallel_loop3A_2454] {strides = array<i32>} : memref<64x256xf32, #tpu.memory_space<vmem>>, vector<16xf32>,
        tpu.vector_store %arg9[%parallel_loop3A_2453, %parallel_loop3A_2454], %parallel_loop3A_2361 {strides = array<i32>} : memref<64x256xf32, #tpu.memory_space<vmem>>, vector<16xf32>,
        %parallel_loop3A_2456 = arith.constant 16 : i32
        %parallel_loop3A_2457 = arith.muli %parallel_loop3A_259, %parallel_loop3A_2456 : i32
        %parallel_loop3A_2458 = arith.constant 15 : i32
        %parallel_loop3A_2459 = arith.addi %parallel_loop3A_2457, %parallel_loop3A_2458 : i32
        %parallel_loop3A_2460 = arith.index_cast %parallel_loop3A_2459 : i32 to index
        %parallel_loop3A_2461 = arith.constant 208 : index
        %parallel_loop3A_2462 = tpu.vector_load %arg9[%parallel_loop3A_2460, %parallel_loop3A_2461] {strides = array<i32>} : memref<64x256xf32, #tpu.memory_space<vmem>>, vector<16xf32>,
        tpu.vector_store %arg9[%parallel_loop3A_2460, %parallel_loop3A_2461], %parallel_loop3A_2362 {strides = array<i32>} : memref<64x256xf32, #tpu.memory_space<vmem>>, vector<16xf32>,
        %parallel_loop3A_2463 = arith.constant 16 : i32
        %parallel_loop3A_2464 = arith.muli %parallel_loop3A_259, %parallel_loop3A_2463 : i32
        %parallel_loop3A_2465 = arith.constant 15 : i32
        %parallel_loop3A_2466 = arith.addi %parallel_loop3A_2464, %parallel_loop3A_2465 : i32
        %parallel_loop3A_2467 = arith.index_cast %parallel_loop3A_2466 : i32 to index
        %parallel_loop3A_2468 = arith.constant 224 : index
        %parallel_loop3A_2469 = tpu.vector_load %arg9[%parallel_loop3A_2467, %parallel_loop3A_2468] {strides = array<i32>} : memref<64x256xf32, #tpu.memory_space<vmem>>, vector<16xf32>,
        tpu.vector_store %arg9[%parallel_loop3A_2467, %parallel_loop3A_2468], %parallel_loop3A_2363 {strides = array<i32>} : memref<64x256xf32, #tpu.memory_space<vmem>>, vector<16xf32>,
        %parallel_loop3A_2470 = arith.constant 16 : i32
        %parallel_loop3A_2471 = arith.muli %parallel_loop3A_259, %parallel_loop3A_2470 : i32
        %parallel_loop3A_2472 = arith.constant 15 : i32
        %parallel_loop3A_2473 = arith.addi %parallel_loop3A_2471, %parallel_loop3A_2472 : i32
        %parallel_loop3A_2474 = arith.index_cast %parallel_loop3A_2473 : i32 to index
        %parallel_loop3A_2475 = arith.constant 240 : index
        %parallel_loop3A_2476 = tpu.vector_load %arg9[%parallel_loop3A_2474, %parallel_loop3A_2475] {strides = array<i32>} : memref<64x256xf32, #tpu.memory_space<vmem>>, vector<16xf32>,
        tpu.vector_store %arg9[%parallel_loop3A_2474, %parallel_loop3A_2475], %parallel_loop3A_2364 {strides = array<i32>} : memref<64x256xf32, #tpu.memory_space<vmem>>, vector<16xf32>,
      } {sc.loop_unroll_factor = 2 : i64, sc.parallel_access}
      %mul3A_251 = arith.constant 64 : i32
      %mul3A_252 = arith.muli %add3A_248, %mul3A_251 : i32
      %add3A_253 = arith.addi %mul3A_2, %mul3A_252 : i32
      %dma_start3A_254 = arith.constant 0 : i32
      %dma_start3A_255 = tpu.memref_slice %arg4[%add3A_253, %dma_start3A_254] : memref<32768x256xf32, #tpu.memory_space<hbm>> -> memref<64x256xf32, #tpu.memory_space<hbm>>
      %dma_start3A_256 = arith.constant 0 : i32
      %dma_start3A_257 = tpu.memref_slice %arg4[%add3A_253, %dma_start3A_256] : memref<32768x256xf32, #tpu.memory_space<hbm>> -> memref<64x256xf32, #tpu.memory_space<hbm>>
      tpu.enqueue_dma source(%arg9 : memref<64x256xf32, #tpu.memory_space<vmem>>) target(%dma_start3A_257 : memref<64x256xf32, #tpu.memory_space<hbm>>) target_semaphore(%arg12 : memref<!tpu.dma_semaphore, #tpu.memory_space<semaphore_mem>>)
      %scan3A_258 = arith.constant 0 : i32
      scf.yield %scan3A_258 : i32
    }
    %scan3A_177 = arith.constant 5 : i32
    %dma_wait3A_178 = arith.constant 0 : i32
    %dma_wait3A_179 = arith.constant 0 : i32
    %dma_wait3A_180 = tpu.memref_slice %arg4[%dma_wait3A_178, %dma_wait3A_179] : memref<32768x256xf32, #tpu.memory_space<hbm>> -> memref<64x256xf32, #tpu.memory_space<hbm>>
    %dma_wait3A_181 = arith.constant 0 : i32
    %dma_wait3A_182 = arith.constant 0 : i32
    %dma_wait3A_183 = tpu.memref_slice %arg4[%dma_wait3A_181, %dma_wait3A_182] : memref<32768x256xf32, #tpu.memory_space<hbm>> -> memref<64x256xf32, #tpu.memory_space<hbm>>
    tpu.wait_dma2 semaphore(%arg12 : memref<!tpu.dma_semaphore, #tpu.memory_space<semaphore_mem>>) src(%arg9 : memref<64x256xf32, #tpu.memory_space<vmem>>) dst(%dma_wait3A_183 : memref<64x256xf32, #tpu.memory_space<hbm>>)
    return
  }
}

module attributes {stable_mosaic.version = 14 : i64} {
  func.func @_fused_table_body(%arg0: memref<256x64xf32, #tpu.memory_space<vmem>>, %arg1: memref<256x64xf32, #tpu.memory_space<vmem>>, %arg2: memref<1x256xf32, #tpu.memory_space<vmem>>, %arg3: memref<256x256xf32, #tpu.memory_space<vmem>>) attributes {dimension_semantics = [], scalar_prefetch = 0 : i64, scratch_operands = 0 : i64, tpu.core_type = #tpu.core_type<tc>} {
    %get3A = arith.constant 0 : index
    %get3A_0 = arith.constant 0 : index
    %get3A_1 = vector.load %arg0[%get3A, %get3A_0] : memref<256x64xf32, #tpu.memory_space<vmem>>, vector<256x64xf32>
    %get3A_2 = arith.constant 0 : index
    %get3A_3 = arith.constant 0 : index
    %get3A_4 = vector.load %arg1[%get3A_2, %get3A_3] : memref<256x64xf32, #tpu.memory_space<vmem>>, vector<256x64xf32>
    %transpose3A = tpu.transpose %get3A_4, [1, 0] : vector<256x64xf32> -> vector<64x256xf32>
    %dot_general3A = arith.constant dense<0.000000e+00> : vector<256x256xf32>
    %dot_general3A_5 = tpu.matmul %get3A_1, %transpose3A, %dot_general3A {dimension_numbers = #tpu.dot_dimension_numbers<[1], [0], [0], [1], [0, 0, 1, 1], [], []>, transpose_lhs_hint = false} : vector<256x64xf32>, vector<64x256xf32>, vector<256x256xf32> -> vector<256x256xf32>
    %get3A_6 = arith.constant 0 : index
    %get3A_7 = arith.constant 0 : index
    %get3A_8 = vector.load %arg2[%get3A_6, %get3A_7] : memref<1x256xf32, #tpu.memory_space<vmem>>, vector<1x256xf32>
    %add3A = vector.broadcast %get3A_8 : vector<1x256xf32> to vector<256x256xf32>
    %add3A_9 = arith.addf %dot_general3A_5, %add3A : vector<256x256xf32>
    %swap3A = arith.constant 0 : index
    %swap3A_10 = arith.constant 0 : index
    %swap3A_11 = vector.load %arg3[%swap3A, %swap3A_10] : memref<256x256xf32, #tpu.memory_space<vmem>>, vector<256x256xf32>
    tpu.vector_store %arg3[%swap3A, %swap3A_10], %add3A_9 {strides = array<i32>} : memref<256x256xf32, #tpu.memory_space<vmem>>, vector<256x256xf32>,
    return
  }
}

</mosaic_0001>

<sc_bundles>
// kernel: kernel.4.cloned.1.call-start
scs
__scs_entry_jumppad:
0x0: {  	(pc) =	sbr.rel $0x88, $3  }
0x1: {  	(tag) =	ssettag $0x0;
	lr =	simm.s32 $0x1  }
0x2: {  	[smem:$0x3F9D] =	sst lr;
	_ =	strace $0xD0000000  }
0x3: {  	_ = 	snop  }
0x4: {  	_ = 	snop  }
0x5: {  	_ = 	snop  }
0x6: {  	_ = 	snop  }
0x7: {  	_ = 	snop  }
__scs_overlays_trampoline_lowered:
0x8: {  	[smem:$0x3FAC] =	sst s0  }
0x9: {  	[smem:$0x3FAD] =	sst s1  }
0xa: {  	[smem:$0x3FAE] =	sst s2  }
0xb: {  	[smem:$0x3FAF] =	sst s3  }
0xc: {  	[smem:$0x3FB0] =	sst s4  }
0xd: {  	[smem:$0x3FB1] =	sst s5  }
0xe: {  	[smem:$0x3FB2] =	sst s6  }
0xf: {  	[smem:$0x3FB3] =	sst s7  }
0x10: {  	[smem:$0x3FB4] =	sst s8  }
0x11: {  	[smem:$0x3FB5] =	sst s9;
	s0 =	simm.s32 @!p0 $0x0  }
0x12: {  	s1 =	sld [smem:$0x3F9B];
	s0 =	simm.s32 @p0 $0x1  }
0x13: {  	[smem:$0x3FB6] =	sst s0;
	s0 =	simm.s32 @!p1 $0x0  }
0x14: {  	s2 =	sld [smem:$0x3F9A];
	s0 =	simm.s32 @p1 $0x1  }
0x15: {  	[smem:$0x3FB7] =	sst s0;
	s0 =	simm.s32 @!p2 $0x0  }
0x16: {  	s3 =	sld [smem:$0x3FDB];
	s0 =	simm.s32 @p2 $0x1  }
0x17: {  	s4 =	simm.s32 $0x1BF5;
	[smem:$0x3FB9] =	sst s0  }
0x18: {  	s0 =	sld [smem:$0x3F9C];
	_ =	swait.ge [sflag:s4], $0x0  }
0x19: {  	s7 =	sld [smem:$0x3F9D]  }
0x1a: {  	s8 =	sadd.s32 $0xFFFFE003, lr  }
0x1b: {  	s9 =	sadd.s32 $0xFFFFFEF7, lr;
	s5 =	simm.s32 $0xFFFFFFFF;
	p2 =	slt.u32 s8, $0xFFFFF086  }
0x1c: {  	p1 =	slt.u32 s9, $0xF7A;
	s5 =	simm.s32 @!p2 $0x0  }
0x1d: {  	s5 =	simm.s32 @p1 $0x1;
	p0 =	seq.s32 s7, s2  }
0x1e: {  	s7 =	smul.u32 @!p0 $0xF7A, s2;
	p2 =	seq.s32 @!p0 s5, $0x0  }
0x1f: {  	s9 =	smul.u32 $0xF7A, s1;
	s8 =	simm.s32 @!p0 $0x1BF5;
	p2 =	por !p2, p0  }
0x20: {  	[sflag:s8] =	ssyncset.s32 @!p0 $0xFFFFF086;
	s6 =	sadd.s32 @!p0 s3, s7;
	s7 =	simm.s32 @!p0 $0x108  }
0x21: {  	s3 =	sadd.s32 s3, s9;
	s6 =	sadd.s32 @!p0 $0x88, s6;
	s7 =	simm.s32 @p2 $0x1082  }
0x22: {  	[simem:s7], [sflag:s8] =	dma.local @!p0 [hbm:s6], $0xF7A  }
0x23: {  	s9 =	sor.u32 $0xD0000000, s2;
	s6 =	simm.s32 $0x108;
	_ =	swait.ge @!p0 [sflag:s8], $0x0  }
0x24: {  	s3 =	sadd.s32 $0x88, s3;
	s6 =	simm.s32 @!p1 $0x1082;
	[sflag:s4] =	ssyncset.s32 $0xFFFFF086  }
0x25: {  	[simem:s6], [sflag:s4] =	dma.local [hbm:s3], $0xF7A  }
0x26: {  	[smem:$0x3F9D] =	sst s1;
	(tag) =	ssettag s2;
	_ =	strace s9  }
0x27: {  	s1 =	sld [smem:$0x3FAD]  }
0x28: {  	s2 =	sld [smem:$0x3FAE]  }
0x29: {  	s4 =	sld [smem:$0x3FB0]  }
0x2a: {  	p0 =	seq.s32 s5, $0x0;
	s5 =	sld [smem:$0x3FB1]  }
0x2b: {  	s6 =	sld [smem:$0x3FB2]  }
0x2c: {  	s7 =	sld [smem:$0x3FB3]  }
0x2d: {  	s3 =	simm.s32 $0x108;
	s8 =	sld [smem:$0x3FB4]  }
0x2e: {  	s3 =	simm.s32 @!p0 $0x1082;
	s9 =	sld [smem:$0x3FB5]  }
0x2f: {  	lr =	sadd.s32 s0, s3;
	s0 =	sld [smem:$0x3FAC]  }
0x30: {  	s3 =	sld [smem:$0x3FAF]  }
0x31: {  	[smem:$0x3FB8] =	sst s10  }
0x32: {  	s10 =	sld [smem:$0x3FB6];
	_ =	sdelay $0x3  }
0x33: {  	p0 =	seq.s32 s10, $0x1;
	s10 =	sld [smem:$0x3FB8];
	_ =	sdelay $0x3  }
0x34: {  	[smem:$0x3FB8] =	sst s10  }
0x35: {  	s10 =	sld [smem:$0x3FB7];
	_ =	sdelay $0x3  }
0x36: {  	p1 =	seq.s32 s10, $0x1;
	s10 =	sld [smem:$0x3FB8];
	_ =	sdelay $0x3  }
0x37: {  	[smem:$0x3FB8] =	sst s10  }
0x38: {  	s10 =	sld [smem:$0x3FB9]  }
0x39: {  	_ = 	snop;
	(pc) =	sbr.ind lr, $3  }
0x3a: {  	_ = 	snop  }
0x3b: {  	_ = 	snop  }
0x3c: {  	p2 =	seq.s32 s10, $0x1;
	s10 =	sld [smem:$0x3FB8]  }
0x3d: {  	_ =	shalt  }
0x3e: {  	_ =	shalt  }
0x3f: {  	_ =	shalt  }
0x40: {  	_ =	shalt  }
0x41: {  	_ =	shalt  }
0x42: {  	_ =	shalt  }
0x43: {  	_ =	shalt  }
0x44: {  	_ =	shalt  }
0x45: {  	_ =	shalt  }
0x46: {  	_ =	shalt  }
0x47: {  	_ =	shalt  }
0x48: {  	_ =	shalt  }
0x49: {  	_ =	shalt  }
0x4a: {  	_ =	shalt  }
0x4b: {  	_ =	shalt  }
0x4c: {  	_ =	shalt  }
0x4d: {  	_ =	shalt  }
0x4e: {  	_ =	shalt  }
0x4f: {  	_ =	shalt  }
0x50: {  	_ =	shalt  }
0x51: {  	_ =	shalt  }
0x52: {  	_ =	shalt  }
0x53: {  	_ =	shalt  }
0x54: {  	_ =	shalt  }
0x55: {  	_ =	shalt  }
0x56: {  	_ =	shalt  }
0x57: {  	_ =	shalt  }
0x58: {  	_ =	shalt  }
0x59: {  	_ =	shalt  }
0x5a: {  	_ =	shalt  }
0x5b: {  	_ =	shalt  }
0x5c: {  	_ =	shalt  }
0x5d: {  	_ =	shalt  }
0x5e: {  	_ =	shalt  }
0x5f: {  	_ =	shalt  }
0x60: {  	_ =	shalt  }
0x61: {  	_ =	shalt  }
0x62: {  	_ =	shalt  }
0x63: {  	_ =	shalt  }
0x64: {  	_ =	shalt  }
0x65: {  	_ =	shalt  }
0x66: {  	_ =	shalt  }
0x67: {  	_ =	shalt  }
0x68: {  	_ =	shalt  }
0x69: {  	_ =	shalt  }
0x6a: {  	_ =	shalt  }
0x6b: {  	_ =	shalt  }
0x6c: {  	_ =	shalt  }
0x6d: {  	_ =	shalt  }
0x6e: {  	_ =	shalt  }
0x6f: {  	_ =	shalt  }
0x70: {  	_ =	shalt  }
0x71: {  	_ =	shalt  }
0x72: {  	_ =	shalt  }
0x73: {  	_ =	shalt  }
0x74: {  	_ =	shalt  }
0x75: {  	_ =	shalt  }
0x76: {  	_ =	shalt  }
0x77: {  	_ =	shalt  }
0x78: {  	_ =	shalt  }
0x79: {  	_ =	shalt  }
0x7a: {  	_ =	shalt  }
0x7b: {  	_ =	shalt  }
0x7c: {  	_ =	shalt  }
0x7d: {  	_ =	shalt  }
0x7e: {  	_ =	shalt  }
0x7f: {  	_ =	shalt  }
0x80: {  	_ =	shalt  }
0x81: {  	_ =	shalt  }
0x82: {  	_ =	shalt  }
0x83: {  	_ =	shalt  }
0x84: {  	_ =	shalt  }
0x85: {  	_ =	shalt  }
0x86: {  	_ =	shalt  }
0x87: {  	_ =	shalt  }
.Lfunc_end0:
.L_simem_size_0:
called_computation_lowered:
.L_overlay_start_0:
0x88: {  	s2 =	sld [smem:$0x3FD9]  }
0x89: {  	s3 =	sld [smem:$0x3FFE];
	_ =	sdelay $0x1  }
0x8a: {  	s1 =	srdreg.scid  }
0x8b: {  	s0 =	sand.u32 $0x1, s1  }
0x8c: {  	s17 =	sshll.u32 s0, $0xA;
	s2 =	sadd.s32 s3, s2  }
0x8d: {  	s2 =	sadd.s32 s2, s17  }
0x8e: {  	[smem:$0x3FC4] =	sst s2  }
0x8f: {  	_ = 	snop  }
0x90: {  	s2 =	sld [smem:$0x3FC9]  }
0x91: {  	s18 =	sld [smem:$0x3FD0];
	(tm) =	ssettm $0x1  }
0x92: {  	s4 =	sld [smem:$0x3FFB];
	_ =	sdelay $0x3  }
0x93: {  	_ =	strace s4  }
0x94: {  	s4 =	sld [smem:$0x3FFC];
	_ =	sdelay $0x3  }
0x95: {  	_ =	strace s4  }
0x96: {  	s4 =	sld [smem:$0x3FFD];
	_ =	sdelay $0x3  }
0x97: {  	_ =	strace s4  }
0x98: {  	_ =	strace $0x8FFFFFFF  }
0x99: {  	s19 =	sld [smem:$0x3FDB];
	_ =	sdelay $0x1  }
0x9a: {  	s5 =	simm.s32 $_scs_section_size  }
0x9b: {  	s6 =	simm.s32 $_size__tile_overlayer_lowered;
	s7 =	simm.s32 $_tile_overlayer_lowered  }
0x9c: {  	s22 =	simm.s32 $0x1BFF;
	s21 =	sshll.u32 s7, $0x1;
	s4 =	sadd.s32 s5, s19  }
0x9d: {  	s8 =	simm.s32 $0x0;
	s20 =	sshll.u32 s6, $0x1;
	s6 =	sadd.s32 s21, s4  }
0x9e: {  	[timem:s8], [sflag:s22] =	dma.local [hbm:s6], s20  }
0x9f: {  	_ =	swait.ge [sflag:s22], s20  }
0xa0: {  	s5 =	ssub.s32 $0x0, s20;
	[sflag:s22] =	ssyncset.done $0x0  }
0xa1: {  	[sflag:s22] =	ssyncadd.s32 s5;
	_ =	sdelay $0x1  }
0xa2: {  	s23 =	simm.s32 $0x1B8B  }
0xa3: {  	_ =	swait.ge [sflag:s23], $0x1  }
0xa4: {  	[sflag:s23] =	ssyncset.done $0x0  }
0xa5: {  	s25 =	simm.s32 $0x1B8E;
	s24 =	sld [smem:$0x3FFE];
	[sflag:s23] =	ssyncadd.s32 $0xFFFFFFFF  }
0xa6: {  	s26 =	simm.s32 $execute0_lowered;
	[smem:$0x3FD2] =	sst s25  }
0xa7: {  	s6 =	sshll.u32 s26, $0x1;
	_ =	strace $0x80000046;
	[dreg:$0x1] =	wrdreg $0xFFFFFFFF  }
0xa8: {  	s28 =	simm.s32 $_size_execute0_lowered;
	s4 =	sadd.s32 s4, s6;
	[dreg:$0x0] =	wrdreg $0x0  }
0xa9: {  	s6 =	sshll.u32 s28, $0x1;
	[dreg:$0x2] =	wrdreg s4  }
0xaa: {  	[dreg:$0x3] =	wrdreg s6  }
0xab: {  	[dreg:$0x4] =	wrdreg $0xC0  }
0xac: {  	_ =	task [dreg:s8], $0x5FFFF  }
0xad: {  	[dreg:$0x1] =	wrdreg $0xFFFFFFFF  }
0xae: {  	[dreg:$0x0] =	wrdreg $0x60  }
0xaf: {  	[dreg:$0x2] =	wrdreg s24  }
0xb0: {  	[dreg:$0x3] =	wrdreg s2  }
0xb1: {  	[dreg:$0x4] =	wrdreg s18  }
0xb2: {  	[dreg:$0x5] =	wrdreg $0x9  }
0xb3: {  	_ =	task.clear_ibuf [dreg:s8], $0x6FFFF;
	_ =	strace $0x90000046  }
0xb4: {  	s29 =	simm.s32 $0x9;
	_ =	strace $0x80000048  }
0xb5: {  	_ =	swait.ge [sflag:s29], $0x1  }
0xb6: {  	[sflag:s29] =	ssyncadd.s32 $0xFFFFFFFF  }
0xb7: {  	_ =	strace $0x90000048  }
0xb8: {  	_ =	sfence  }
0xb9: {  	s30 =	sld [smem:$0x0];
	_ =	sdelay $0x2  }
0xba: {  	s31 =	sshll.u32 s1, $0xD;
	s1 =	sshrl.u32 s1, $0x2  }
0xbb: {  	s3 =	sand.u32 $0x4000, s31;
	s1 =	sadd.s32 s1, s30  }
0xbc: {  	s0 =	sor.u32 s3, s0;
	s1 =	sshll.u32 s1, $0x11  }
0xbd: {  	s0 =	sor.u32 s1, s0  }
0xbe: {  	s0 =	sadd.s32 $0x8F2B, s0  }
0xbf: {  	[sflag:s0] =	ssyncadd.remote.s32 $0x1  }
0xc0: {  	_ =	sfence.sel $0xFFFF  }
0xc1: {  	[dreg:$0x0] =	wrdreg $0xFFFFFFFF;
	(pc) =	sbr.abs _section_cstart, $3  }
0xc2: {  	[dreg:$0x1] =	wrdreg $0xFFFFFFFF  }
0xc3: {  	_ =	task.clear_ibuf [dreg:s8], $0x2FFFF;
	_ =	strace $0x9FFFFFFF  }
0xc4: {  	(tm) =	ssettm $0x7FFFFFFF  }
0xc5: {  	_ =	shalt  }
tec
execute0_lowered:
.L_overlay_start_1:
0x0: {  	(tag) =	ssettag $0x1  }
0x1: {  	s0 =	rddreg [dreg:$0x0]  }
0x2: {  	s2 =	rddreg [dreg:$0x1]  }
0x3: {  	s1 =	rddreg [dreg:$0x2];
	s3 =	simm.s32 $0x0;
	s4 =	srdreg.scid  }
0x4: {  	s8 =	stileid.u32;
	s12 =	simm.s32 $0x4;
	s13 =	simm.s32 $0x400  }
0x5: {  	s14 =	simm.s32 $0x10400;
	s15 =	simm.s32 $0x10C00;
	s16 =	simm.s32 $0x11400  }
0x6: {  	v0 =	vlaneseq.u32;
	s17 =	simm.s32 $0x11C00;
	s18 =	simm.s32 $0x12400;
	s19 =	simm.s32 $0x12C00  }
0x7: {  	vm0 =	vmmov $0xffff;
	v4 =	vimm.s32 $0x0;
	v5 =	vimm.s32 $0x8;
	s20 =	simm.s32 $0x13400;
	s21 =	simm.s32 $0x13C00;
	s22 =	simm.s32 $0x14400  }
0x8: {  	v6 =	vimm.s32 $0x7;
	v16 =	vimm.s32 $0x1;
	v17 =	vimm.s32 $0x2;
	s29 =	simm.s32 $0x17400;
	s30 =	simm.s32 $0x17C00;
	s31 =	simm.s32 $0x1  }
0x9: {  	v18 =	vimm.s32 $0x3;
	v19 =	vimm.s32 $0x4;
	v20 =	vimm.s32 $0x5;
	s10 =	simm.s32 $0x3;
	s11 =	simm.s32 $0x0;
	[smem:$0x7FF] =	sst s3  }
0xa: {  	v21 =	vimm.s32 $0x6;
	v22 =	vimm.s32 $0x9;
	v23 =	vimm.s32 $0xA;
	s5 =	sand.u32 $0x1, s4;
	s4 =	sadd.s32 $0x800, s0;
	s6 =	sshll.u32 s8, $0x1  }
0xb: {  	v24 =	vimm.s32 $0xB;
	v25 =	vimm.s32 $0xC;
	v26 =	vimm.s32 $0xD;
	s25 =	sshll.u32 s8, $0x2;
	_ =	strace $0x80000047;
	s24 =	ssub.s32 $0x2, s5  }
0xc: {  	v27 =	vimm.s32 $0xE;
	v28 =	vimm.s32 $0xF;
	v2 =	vshrl.u32 v0, $0x3;
	s5 =	sor.u32 s5, s6;
	s6 =	sand.u32 $0x30, s25;
	s7 =	sshrl.u32 s24, $0x1  }
0xd: {  	v1 =	vand.u32 $0x7, v0;
	v3 =	vor.u32 $0x8, v0;
	v7 =	vor.u32 $0x10, v0;
	s26 =	sshll.u32 s5, $0x9;
	s2 =	sadd.s32 s2, s6;
	s28 =	sshll.u32 s5, $0xF  }
0xe: {  	v8 =	vor.u32 $0x20, v0;
	v9 =	vor.u32 $0x30, v0;
	v10 =	vor.u32 $0x40, v0;
	s5 =	sshll.u32 s5, $0xA;
	s0 =	ssub.s32 s24, s7;
	s7 =	sand.u32 $0xE00, s26  }
0xf: {  	v11 =	vor.u32 $0x50, v0;
	v12 =	vor.u32 $0x60, v0;
	v13 =	vor.u32 $0x70, v0;
	s8 =	sor.u32 $0x80, s5;
	s6 =	sadd.s32 s7, s2;
	s7 =	sadd.s32 s1, s28  }
0x10: {  	v14 =	vor.u32 $0x400, v0;
	v15 =	vor.u32 $0x410, v0;
	v2 =	vmul.u32 $0x8, v2;
	s9 =	smax.u32 s0, $0x1;
	s0 =	simm.s32 $0x2;
	s2 =	simm.s32 $0x18400  }
.LBB2_1:
0x11: {  	s23 =	simm.s32 $0x80;
	s24 =	simm.s32 $0x200  }
0x12: {  	[tilespmem:s3], [sflag:$0x4] =	stream.strided.gather [hbm4b:s6+s23], $0x400, s24, s23, $0x38;
	[tilespmem:$0x1C400] =	vst v63  }
0x13: {  	_ =	swait.ge [sflag:s12], $0x400  }
0x14: {  	[sflag:s12] =	ssyncset.done $0x0  }
0x15: {  	[sflag:s12] =	ssyncadd.s32 $0xFFFFFC00  }
0x16: {  	[tilespmem:s13], [sflag:$0x4] =	stream.linear.gather [hbm4b:s4+s3], $0x10000, $0x38;
	[tilespmem:$0x1C400] =	vst v63  }
0x17: {  	_ =	swait.ge [sflag:s12], $0x10000  }
0x18: {  	[sflag:s12] =	ssyncset.done $0x0  }
0x19: {  	[sflag:s12] =	ssyncadd.s32 $0xFFFF0000  }
0x1a: {  	v29 =	vld [tilespmem:$0x0];
	_ =	sdelay $0x4  }
0x1b: {  	v30 =	vshll.u32 v29, $0x1  }
0x1c: {  	v29 =	vand.u32 $0x7, v29;
	v30 =	vand.u32 $0xFFFFFFF0, v30  }
0x1d: {  	v29 =	vor.u32 v29, v30  }
0x1e: {  	v30 =	vperm.xlane v29, v1;
	_ =	sdelay $0x1  }
0x1f: {  	v29 =	vperm.xlane v29, v3;
	v30 =	vadd.s32 v2, v30;
	_ =	sdelay $0x1  }
0x20: {  	v29 =	vadd.s32 v2, v29;
	_ =	sdelay $0x2  }
0x21: {  	[tilespmem:s14], [sflag:$0x1] =	stream.indirect_vreg.gather [hbm4b:s4+s3], $0x80, v30, vm0, $0xb8;
	[tilespmem:$0x1C400] =	vst v63  }
0x22: {  	_ = 	snop  }
0x23: {  	[tilespmem:s15], [sflag:$0x1] =	stream.indirect_vreg.gather [hbm4b:s4+s3], $0x80, v29, vm0, $0xb8;
	[tilespmem:$0x1C400] =	vst v63  }
0x24: {  	v29 =	vld [tilespmem:$0x10];
	_ =	sdelay $0x4  }
0x25: {  	v30 =	vshll.u32 v29, $0x1  }
0x26: {  	v29 =	vand.u32 $0x7, v29;
	v30 =	vand.u32 $0xFFFFFFF0, v30  }
0x27: {  	v29 =	vor.u32 v29, v30  }
0x28: {  	v30 =	vperm.xlane v29, v1;
	_ =	sdelay $0x1  }
0x29: {  	v29 =	vperm.xlane v29, v3;
	v30 =	vadd.s32 v2, v30;
	_ =	sdelay $0x1  }
0x2a: {  	v29 =	vadd.s32 v2, v29;
	_ =	sdelay $0x2  }
0x2b: {  	[tilespmem:s16], [sflag:$0x1] =	stream.indirect_vreg.gather [hbm4b:s4+s3], $0x80, v30, vm0, $0xb8;
	[tilespmem:$0x1C400] =	vst v63  }
0x2c: {  	_ = 	snop  }
0x2d: {  	[tilespmem:s17], [sflag:$0x1] =	stream.indirect_vreg.gather [hbm4b:s4+s3], $0x80, v29, vm0, $0xb8;
	[tilespmem:$0x1C400] =	vst v63  }
0x2e: {  	v29 =	vld [tilespmem:$0x20];
	_ =	sdelay $0x4  }
0x2f: {  	v30 =	vshll.u32 v29, $0x1  }
0x30: {  	v29 =	vand.u32 $0x7, v29;
	v30 =	vand.u32 $0xFFFFFFF0, v30  }
0x31: {  	v29 =	vor.u32 v29, v30  }
0x32: {  	v30 =	vperm.xlane v29, v1;
	_ =	sdelay $0x1  }
0x33: {  	v29 =	vperm.xlane v29, v3;
	v30 =	vadd.s32 v2, v30;
	_ =	sdelay $0x1  }
0x34: {  	v29 =	vadd.s32 v2, v29;
	_ =	sdelay $0x2  }
0x35: {  	[tilespmem:s18], [sflag:$0x1] =	stream.indirect_vreg.gather [hbm4b:s4+s3], $0x80, v30, vm0, $0xb8;
	[tilespmem:$0x1C400] =	vst v63  }
0x36: {  	_ = 	snop  }
0x37: {  	[tilespmem:s19], [sflag:$0x1] =	stream.indirect_vreg.gather [hbm4b:s4+s3], $0x80, v29, vm0, $0xb8;
	[tilespmem:$0x1C400] =	vst v63  }
0x38: {  	v29 =	vld [tilespmem:$0x30];
	_ =	sdelay $0x4  }
0x39: {  	v30 =	vshll.u32 v29, $0x1  }
0x3a: {  	v29 =	vand.u32 $0x7, v29;
	v30 =	vand.u32 $0xFFFFFFF0, v30  }
0x3b: {  	v29 =	vor.u32 v29, v30  }
0x3c: {  	v30 =	vperm.xlane v29, v1;
	_ =	sdelay $0x1  }
0x3d: {  	v29 =	vperm.xlane v29, v3;
	v30 =	vadd.s32 v2, v30;
	_ =	sdelay $0x1  }
0x3e: {  	v29 =	vadd.s32 v2, v29;
	_ =	sdelay $0x2  }
0x3f: {  	[tilespmem:s20], [sflag:$0x1] =	stream.indirect_vreg.gather [hbm4b:s4+s3], $0x80, v30, vm0, $0xb8;
	[tilespmem:$0x1C400] =	vst v63  }
0x40: {  	_ = 	snop  }
0x41: {  	[tilespmem:s21], [sflag:$0x1] =	stream.indirect_vreg.gather [hbm4b:s4+s3], $0x80, v29, vm0, $0xb8;
	[tilespmem:$0x1C400] =	vst v63  }
0x42: {  	v29 =	vld [tilespmem:$0x40];
	_ =	sdelay $0x4  }
0x43: {  	v30 =	vshll.u32 v29, $0x1  }
0x44: {  	v29 =	vand.u32 $0x7, v29;
	v30 =	vand.u32 $0xFFFFFFF0, v30  }
0x45: {  	v29 =	vor.u32 v29, v30  }
0x46: {  	v30 =	vperm.xlane v29, v1;
	_ =	sdelay $0x1  }
0x47: {  	v29 =	vperm.xlane v29, v3;
	v30 =	vadd.s32 v2, v30;
	_ =	sdelay $0x1  }
0x48: {  	v29 =	vadd.s32 v2, v29;
	_ =	sdelay $0x2  }
0x49: {  	[tilespmem:s22], [sflag:$0x2] =	stream.indirect_vreg.gather [hbm4b:s4+s3], $0x80, v30, vm0, $0xb8;
	[tilespmem:$0x1C400] =	vst v63  }
0x4a: {  	s28 =	simm.s32 $0x14C00  }
0x4b: {  	[tilespmem:s28], [sflag:$0x2] =	stream.indirect_vreg.gather [hbm4b:s4+s3], $0x80, v29, vm0, $0xb8;
	[tilespmem:$0x1C400] =	vst v63  }
0x4c: {  	v29 =	vld [tilespmem:$0x50];
	_ =	sdelay $0x4  }
0x4d: {  	v30 =	vshll.u32 v29, $0x1  }
0x4e: {  	v29 =	vand.u32 $0x7, v29;
	v30 =	vand.u32 $0xFFFFFFF0, v30  }
0x4f: {  	v29 =	vor.u32 v29, v30  }
0x50: {  	v30 =	vperm.xlane v29, v1;
	_ =	sdelay $0x1  }
0x51: {  	v29 =	vperm.xlane v29, v3;
	v30 =	vadd.s32 v2, v30;
	_ =	sdelay $0x1  }
0x52: {  	v29 =	vadd.s32 v2, v29;
	_ =	sdelay $0x1  }
0x53: {  	s24 =	simm.s32 $0x15400  }
0x54: {  	[tilespmem:s24], [sflag:$0x2] =	stream.indirect_vreg.gather [hbm4b:s4+s3], $0x80, v30, vm0, $0xb8;
	[tilespmem:$0x1C400] =	vst v63  }
0x55: {  	s25 =	simm.s32 $0x15C00  }
0x56: {  	[tilespmem:s25], [sflag:$0x2] =	stream.indirect_vreg.gather [hbm4b:s4+s3], $0x80, v29, vm0, $0xb8;
	[tilespmem:$0x1C400] =	vst v63  }
0x57: {  	v29 =	vld [tilespmem:$0x60];
	_ =	sdelay $0x4  }
0x58: {  	v30 =	vshll.u32 v29, $0x1  }
0x59: {  	v29 =	vand.u32 $0x7, v29;
	v30 =	vand.u32 $0xFFFFFFF0, v30  }
0x5a: {  	v29 =	vor.u32 v29, v30  }
0x5b: {  	v30 =	vperm.xlane v29, v1;
	_ =	sdelay $0x1  }
0x5c: {  	v29 =	vperm.xlane v29, v3;
	v30 =	vadd.s32 v2, v30;
	_ =	sdelay $0x1  }
0x5d: {  	v29 =	vadd.s32 v2, v29;
	_ =	sdelay $0x1  }
0x5e: {  	s26 =	simm.s32 $0x16400  }
0x5f: {  	[tilespmem:s26], [sflag:$0x2] =	stream.indirect_vreg.gather [hbm4b:s4+s3], $0x80, v30, vm0, $0xb8;
	[tilespmem:$0x1C400] =	vst v63  }
0x60: {  	s28 =	simm.s32 $0x16C00  }
0x61: {  	[tilespmem:s28], [sflag:$0x2] =	stream.indirect_vreg.gather [hbm4b:s4+s3], $0x80, v29, vm0, $0xb8;
	[tilespmem:$0x1C400] =	vst v63  }
0x62: {  	v29 =	vld [tilespmem:$0x70];
	_ =	sdelay $0x4  }
0x63: {  	v30 =	vshll.u32 v29, $0x1  }
0x64: {  	v29 =	vand.u32 $0x7, v29;
	v30 =	vand.u32 $0xFFFFFFF0, v30  }
0x65: {  	v29 =	vor.u32 v29, v30  }
0x66: {  	v30 =	vperm.xlane v29, v1;
	_ =	sdelay $0x1  }
0x67: {  	v29 =	vperm.xlane v29, v3;
	v30 =	vadd.s32 v2, v30;
	_ =	sdelay $0x1  }
0x68: {  	v29 =	vadd.s32 v2, v29;
	_ =	sdelay $0x2  }
0x69: {  	[tilespmem:s29], [sflag:$0x2] =	stream.indirect_vreg.gather [hbm4b:s4+s3], $0x80, v30, vm0, $0xb8;
	[tilespmem:$0x1C400] =	vst v63  }
0x6a: {  	_ = 	snop  }
0x6b: {  	[tilespmem:s30], [sflag:$0x2] =	stream.indirect_vreg.gather [hbm4b:s4+s3], $0x80, v29, vm0, $0xb8;
	[tilespmem:$0x1C400] =	vst v63  }
0x6c: {  	_ =	swait.ge [sflag:s31], $0x4000  }
0x6d: {  	[sflag:s31] =	ssyncset.done $0x0  }
0x6e: {  	[sflag:s31] =	ssyncadd.s32 $0xFFFFC000  }
0x6f: {  	[hbm4b:s7+s3] =	stream.linear.scatter [tilespmem:s14], [sflag:$0x1], $0x4000, $0x38;
	[tilespmem:$0x1C400] =	vst v63  }
0x70: {  	_ =	swait.ge [sflag:s31], $0x4000  }
0x71: {  	[sflag:s31] =	ssyncset.done $0x0  }
0x72: {  	[sflag:s31] =	ssyncadd.s32 $0xFFFFC000  }
0x73: {  	v29 =	vld [tilespmem:$0x80];
	_ =	sdelay $0x4  }
0x74: {  	v30 =	vshll.u32 v29, $0x1  }
0x75: {  	v29 =	vand.u32 $0x7, v29;
	v30 =	vand.u32 $0xFFFFFFF0, v30  }
0x76: {  	v29 =	vor.u32 v29, v30  }
0x77: {  	v30 =	vperm.xlane v29, v1;
	_ =	sdelay $0x1  }
0x78: {  	v29 =	vperm.xlane v29, v3;
	v30 =	vadd.s32 v2, v30;
	_ =	sdelay $0x1  }
0x79: {  	v29 =	vadd.s32 v2, v29;
	_ =	sdelay $0x2  }
0x7a: {  	[tilespmem:s14], [sflag:$0x1] =	stream.indirect_vreg.gather [hbm4b:s4+s3], $0x80, v30, vm0, $0xb8;
	[tilespmem:$0x1C400] =	vst v63  }
0x7b: {  	_ = 	snop  }
0x7c: {  	[tilespmem:s15], [sflag:$0x1] =	stream.indirect_vreg.gather [hbm4b:s4+s3], $0x80, v29, vm0, $0xb8;
	[tilespmem:$0x1C400] =	vst v63  }
0x7d: {  	v29 =	vld [tilespmem:$0x90];
	_ =	sdelay $0x4  }
0x7e: {  	v30 =	vshll.u32 v29, $0x1  }
0x7f: {  	v29 =	vand.u32 $0x7, v29;
	v30 =	vand.u32 $0xFFFFFFF0, v30  }
0x80: {  	v29 =	vor.u32 v29, v30  }
0x81: {  	v30 =	vperm.xlane v29, v1;
	_ =	sdelay $0x1  }
0x82: {  	v29 =	vperm.xlane v29, v3;
	v30 =	vadd.s32 v2, v30;
	_ =	sdelay $0x1  }
0x83: {  	v29 =	vadd.s32 v2, v29;
	_ =	sdelay $0x2  }
0x84: {  	[tilespmem:s16], [sflag:$0x1] =	stream.indirect_vreg.gather [hbm4b:s4+s3], $0x80, v30, vm0, $0xb8;
	[tilespmem:$0x1C400] =	vst v63  }
0x85: {  	_ = 	snop  }
0x86: {  	[tilespmem:s17], [sflag:$0x1] =	stream.indirect_vreg.gather [hbm4b:s4+s3], $0x80, v29, vm0, $0xb8;
	[tilespmem:$0x1C400] =	vst v63  }
0x87: {  	v29 =	vld [tilespmem:$0xA0];
	_ =	sdelay $0x4  }
0x88: {  	v30 =	vshll.u32 v29, $0x1  }
0x89: {  	v29 =	vand.u32 $0x7, v29;
	v30 =	vand.u32 $0xFFFFFFF0, v30  }
0x8a: {  	v29 =	vor.u32 v29, v30  }
0x8b: {  	v30 =	vperm.xlane v29, v1;
	_ =	sdelay $0x1  }
0x8c: {  	v29 =	vperm.xlane v29, v3;
	v30 =	vadd.s32 v2, v30;
	_ =	sdelay $0x1  }
0x8d: {  	v29 =	vadd.s32 v2, v29;
	_ =	sdelay $0x2  }
0x8e: {  	[tilespmem:s18], [sflag:$0x1] =	stream.indirect_vreg.gather [hbm4b:s4+s3], $0x80, v30, vm0, $0xb8;
	[tilespmem:$0x1C400] =	vst v63  }
0x8f: {  	_ = 	snop  }
0x90: {  	[tilespmem:s19], [sflag:$0x1] =	stream.indirect_vreg.gather [hbm4b:s4+s3], $0x80, v29, vm0, $0xb8;
	[tilespmem:$0x1C400] =	vst v63  }
0x91: {  	v29 =	vld [tilespmem:$0xB0];
	_ =	sdelay $0x4  }
0x92: {  	v30 =	vshll.u32 v29, $0x1  }
0x93: {  	v29 =	vand.u32 $0x7, v29;
	v30 =	vand.u32 $0xFFFFFFF0, v30  }
0x94: {  	v29 =	vor.u32 v29, v30  }
0x95: {  	v30 =	vperm.xlane v29, v1;
	_ =	sdelay $0x1  }
0x96: {  	v29 =	vperm.xlane v29, v3;
	v30 =	vadd.s32 v2, v30;
	_ =	sdelay $0x1  }
0x97: {  	v29 =	vadd.s32 v2, v29;
	_ =	sdelay $0x2  }
0x98: {  	[tilespmem:s20], [sflag:$0x1] =	stream.indirect_vreg.gather [hbm4b:s4+s3], $0x80, v30, vm0, $0xb8;
	[tilespmem:$0x1C400] =	vst v63  }
0x99: {  	s23 =	simm.s32 $0x0  }
0x9a: {  	[tilespmem:s21], [sflag:$0x1] =	stream.indirect_vreg.gather [hbm4b:s4+s3], $0x80, v29, vm0, $0xb8;
	[tilespmem:$0x1C400] =	vst v63  }
.LBB2_2:
0x9b: {  	s26 =	sshll.u32 s23, $0x7  }
0x9c: {  	s24 =	sadd.s32 s26, s5  }
0x9d: {  	_ =	swait.ge [sflag:s0], $0x4000;
	s24 =	sshll.u32 s24, $0x5  }
0x9e: {  	[sflag:s0] =	ssyncset.done $0x0;
	s24 =	sadd.s32 s1, s24  }
0x9f: {  	[sflag:s0] =	ssyncadd.s32 $0xFFFFC000;
	s24 =	sadd.s32 $0x800, s24  }
0xa0: {  	[hbm4b:s24+s3] =	stream.linear.scatter [tilespmem:s22], [sflag:$0x2], $0x4000, $0x38;
	[tilespmem:$0x1C400] =	vst v63  }
0xa1: {  	_ =	swait.ge [sflag:s0], $0x4000  }
0xa2: {  	p0 =	seq.s32 s23, $0x4;
	s24 =	sshll.u32 s23, $0x9;
	[sflag:s0] =	ssyncset.done $0x0  }
0xa3: {  	s24 =	sshrl.u32 @!p0 s24, $0x2;
	[sflag:s0] =	ssyncadd.s32 $0xFFFFC000  }
0xa4: {  	v29 =	vld @!p0 [tilespmem:s24+$0xC0];
	_ =	sdelay $0x4  }
0xa5: {  	v30 =	vshll.u32 @!p0 v29, $0x1  }
0xa6: {  	v31 =	vlaneseq.u32 @!p0;
	v29 =	vand.u32 @!p0 $0x7, v29;
	v30 =	vand.u32 @!p0 $0xFFFFFFF0, v30  }
0xa7: {  	v32 =	vshrl.u32 @!p0 v31, $0x3;
	v29 =	vor.u32 @!p0 v29, v30;
	v30 =	vand.u32 @!p0 $0x7, v31  }
0xa8: {  	v32 =	vmul.u32 @!p0 $0x8, v32;
	v33 =	vperm.xlane @!p0 v29, v30  }
0xa9: {  	v31 =	vor.u32 @!p0 $0x8, v31  }
0xaa: {  	v29 =	vperm.xlane @!p0 v29, v31;
	v33 =	vadd.s32 @!p0 v32, v33;
	_ =	sdelay $0x1  }
0xab: {  	v29 =	vadd.s32 @!p0 v32, v29;
	_ =	sdelay $0x1  }
0xac: {  	vm1 =	vmmov @!p0 $0xffff;
	s25 =	simm.s32 @!p0 $0x0;
	s28 =	simm.s32 @!p0 $0x14400  }
0xad: {  	[tilespmem:s28], [sflag:$0x2] =	stream.indirect_vreg.gather @!p0 [hbm4b:s4+s25], $0x80, v33, vm1, $0xb8;
	[tilespmem:$0x1C400] =	vst v63  }
0xae: {  	s28 =	simm.s32 @!p0 $0x14C00  }
0xaf: {  	[tilespmem:s28], [sflag:$0x2] =	stream.indirect_vreg.gather @!p0 [hbm4b:s4+s25], $0x80, v29, vm1, $0xb8;
	[tilespmem:$0x1C400] =	vst v63  }
0xb0: {  	v29 =	vld @!p0 [tilespmem:s24+$0xD0];
	_ =	sdelay $0x4  }
0xb1: {  	v33 =	vshll.u32 @!p0 v29, $0x1  }
0xb2: {  	v29 =	vand.u32 @!p0 $0x7, v29;
	v33 =	vand.u32 @!p0 $0xFFFFFFF0, v33  }
0xb3: {  	v29 =	vor.u32 @!p0 v29, v33  }
0xb4: {  	v33 =	vperm.xlane @!p0 v29, v30;
	_ =	sdelay $0x1  }
0xb5: {  	v29 =	vperm.xlane @!p0 v29, v31;
	v33 =	vadd.s32 @!p0 v32, v33;
	_ =	sdelay $0x1  }
0xb6: {  	v29 =	vadd.s32 @!p0 v32, v29;
	_ =	sdelay $0x1  }
0xb7: {  	s28 =	simm.s32 @!p0 $0x15400  }
0xb8: {  	[tilespmem:s28], [sflag:$0x2] =	stream.indirect_vreg.gather @!p0 [hbm4b:s4+s25], $0x80, v33, vm1, $0xb8;
	[tilespmem:$0x1C400] =	vst v63  }
0xb9: {  	s28 =	simm.s32 @!p0 $0x15C00  }
0xba: {  	[tilespmem:s28], [sflag:$0x2] =	stream.indirect_vreg.gather @!p0 [hbm4b:s4+s25], $0x80, v29, vm1, $0xb8;
	[tilespmem:$0x1C400] =	vst v63  }
0xbb: {  	v29 =	vld @!p0 [tilespmem:s24+$0xE0];
	_ =	sdelay $0x4  }
0xbc: {  	v33 =	vshll.u32 @!p0 v29, $0x1  }
0xbd: {  	v29 =	vand.u32 @!p0 $0x7, v29;
	v33 =	vand.u32 @!p0 $0xFFFFFFF0, v33  }
0xbe: {  	v29 =	vor.u32 @!p0 v29, v33  }
0xbf: {  	v33 =	vperm.xlane @!p0 v29, v30;
	_ =	sdelay $0x1  }
0xc0: {  	v29 =	vperm.xlane @!p0 v29, v31;
	v33 =	vadd.s32 @!p0 v32, v33;
	_ =	sdelay $0x1  }
0xc1: {  	v29 =	vadd.s32 @!p0 v32, v29;
	_ =	sdelay $0x1  }
0xc2: {  	s28 =	simm.s32 @!p0 $0x16400  }
0xc3: {  	[tilespmem:s28], [sflag:$0x2] =	stream.indirect_vreg.gather @!p0 [hbm4b:s4+s25], $0x80, v33, vm1, $0xb8;
	[tilespmem:$0x1C400] =	vst v63  }
0xc4: {  	s28 =	simm.s32 @!p0 $0x16C00  }
0xc5: {  	[tilespmem:s28], [sflag:$0x2] =	stream.indirect_vreg.gather @!p0 [hbm4b:s4+s25], $0x80, v29, vm1, $0xb8;
	[tilespmem:$0x1C400] =	vst v63  }
0xc6: {  	v29 =	vld @!p0 [tilespmem:s24+$0xF0];
	_ =	sdelay $0x4  }
0xc7: {  	v33 =	vshll.u32 @!p0 v29, $0x1  }
0xc8: {  	v29 =	vand.u32 @!p0 $0x7, v29;
	v33 =	vand.u32 @!p0 $0xFFFFFFF0, v33  }
0xc9: {  	v29 =	vor.u32 @!p0 v29, v33  }
0xca: {  	v33 =	vperm.xlane @!p0 v29, v30;
	_ =	sdelay $0x1  }
0xcb: {  	v29 =	vperm.xlane @!p0 v29, v31;
	v33 =	vadd.s32 @!p0 v32, v33;
	_ =	sdelay $0x1  }
0xcc: {  	v29 =	vadd.s32 @!p0 v32, v29;
	_ =	sdelay $0x1  }
0xcd: {  	s28 =	simm.s32 @!p0 $0x17400  }
0xce: {  	[tilespmem:s28], [sflag:$0x2] =	stream.indirect_vreg.gather @!p0 [hbm4b:s4+s25], $0x80, v33, vm1, $0xb8;
	[tilespmem:$0x1C400] =	vst v63  }
0xcf: {  	s28 =	simm.s32 @!p0 $0x17C00  }
0xd0: {  	[tilespmem:s28], [sflag:$0x2] =	stream.indirect_vreg.gather @!p0 [hbm4b:s4+s25], $0x80, v29, vm1, $0xb8;
	[tilespmem:$0x1C400] =	vst v63  }
0xd1: {  	s26 =	sadd.s32 s26, s8;
	_ =	swait.ge [sflag:s31], $0x4000  }
0xd2: {  	s26 =	sshll.u32 s26, $0x5;
	[sflag:s31] =	ssyncset.done $0x0  }
0xd3: {  	s26 =	sadd.s32 s1, s26;
	[sflag:s31] =	ssyncadd.s32 $0xFFFFC000  }
0xd4: {  	[hbm4b:s26+s3] =	stream.linear.scatter [tilespmem:s14], [sflag:$0x1], $0x4000, $0x38;
	[tilespmem:$0x1C400] =	vst v63  }
0xd5: {  	_ =	swait.ge [sflag:s31], $0x4000  }
0xd6: {  	[sflag:s31] =	ssyncset.done $0x0  }
0xd7: {  	[sflag:s31] =	ssyncadd.s32 $0xFFFFC000  }
0xd8: {  	v29 =	vld @!p0 [tilespmem:s24+$0x100];
	_ =	sdelay $0x4  }
0xd9: {  	v33 =	vshll.u32 @!p0 v29, $0x1  }
0xda: {  	v29 =	vand.u32 @!p0 $0x7, v29;
	v33 =	vand.u32 @!p0 $0xFFFFFFF0, v33  }
0xdb: {  	v29 =	vor.u32 @!p0 v29, v33  }
0xdc: {  	v33 =	vperm.xlane @!p0 v29, v30;
	_ =	sdelay $0x1  }
0xdd: {  	v29 =	vperm.xlane @!p0 v29, v31;
	v33 =	vadd.s32 @!p0 v32, v33;
	_ =	sdelay $0x1  }
0xde: {  	v29 =	vadd.s32 @!p0 v32, v29;
	_ =	sdelay $0x1  }
0xdf: {  	s26 =	simm.s32 @!p0 $0x10400  }
0xe0: {  	[tilespmem:s26], [sflag:$0x1] =	stream.indirect_vreg.gather @!p0 [hbm4b:s4+s25], $0x80, v33, vm1, $0xb8;
	[tilespmem:$0x1C400] =	vst v63  }
0xe1: {  	s26 =	simm.s32 @!p0 $0x10C00  }
0xe2: {  	[tilespmem:s26], [sflag:$0x1] =	stream.indirect_vreg.gather @!p0 [hbm4b:s4+s25], $0x80, v29, vm1, $0xb8;
	[tilespmem:$0x1C400] =	vst v63  }
0xe3: {  	v29 =	vld @!p0 [tilespmem:s24+$0x110];
	_ =	sdelay $0x4  }
0xe4: {  	v33 =	vshll.u32 @!p0 v29, $0x1  }
0xe5: {  	v29 =	vand.u32 @!p0 $0x7, v29;
	v33 =	vand.u32 @!p0 $0xFFFFFFF0, v33  }
0xe6: {  	v29 =	vor.u32 @!p0 v29, v33  }
0xe7: {  	v33 =	vperm.xlane @!p0 v29, v30;
	_ =	sdelay $0x1  }
0xe8: {  	v29 =	vperm.xlane @!p0 v29, v31;
	v33 =	vadd.s32 @!p0 v32, v33;
	_ =	sdelay $0x1  }
0xe9: {  	v29 =	vadd.s32 @!p0 v32, v29;
	_ =	sdelay $0x1  }
0xea: {  	s26 =	simm.s32 @!p0 $0x11400  }
0xeb: {  	[tilespmem:s26], [sflag:$0x1] =	stream.indirect_vreg.gather @!p0 [hbm4b:s4+s25], $0x80, v33, vm1, $0xb8;
	[tilespmem:$0x1C400] =	vst v63  }
0xec: {  	s26 =	simm.s32 @!p0 $0x11C00  }
0xed: {  	[tilespmem:s26], [sflag:$0x1] =	stream.indirect_vreg.gather @!p0 [hbm4b:s4+s25], $0x80, v29, vm1, $0xb8;
	[tilespmem:$0x1C400] =	vst v63  }
0xee: {  	v29 =	vld @!p0 [tilespmem:s24+$0x120];
	_ =	sdelay $0x4  }
0xef: {  	v33 =	vshll.u32 @!p0 v29, $0x1  }
0xf0: {  	v29 =	vand.u32 @!p0 $0x7, v29;
	v33 =	vand.u32 @!p0 $0xFFFFFFF0, v33  }
0xf1: {  	v29 =	vor.u32 @!p0 v29, v33  }
0xf2: {  	v33 =	vperm.xlane @!p0 v29, v30;
	_ =	sdelay $0x1  }
0xf3: {  	v29 =	vperm.xlane @!p0 v29, v31;
	v33 =	vadd.s32 @!p0 v32, v33;
	_ =	sdelay $0x1  }
0xf4: {  	v29 =	vadd.s32 @!p0 v32, v29;
	_ =	sdelay $0x1  }
0xf5: {  	s26 =	simm.s32 @!p0 $0x12400  }
0xf6: {  	[tilespmem:s26], [sflag:$0x1] =	stream.indirect_vreg.gather @!p0 [hbm4b:s4+s25], $0x80, v33, vm1, $0xb8;
	[tilespmem:$0x1C400] =	vst v63  }
0xf7: {  	s26 =	simm.s32 @!p0 $0x12C00  }
0xf8: {  	[tilespmem:s26], [sflag:$0x1] =	stream.indirect_vreg.gather @!p0 [hbm4b:s4+s25], $0x80, v29, vm1, $0xb8;
	[tilespmem:$0x1C400] =	vst v63  }
0xf9: {  	v29 =	vld @!p0 [tilespmem:s24+$0x130];
	_ =	sdelay $0x4  }
0xfa: {  	v33 =	vshll.u32 @!p0 v29, $0x1  }
0xfb: {  	v29 =	vand.u32 @!p0 $0x7, v29;
	v33 =	vand.u32 @!p0 $0xFFFFFFF0, v33  }
0xfc: {  	v29 =	vor.u32 @!p0 v29, v33  }
0xfd: {  	v30 =	vperm.xlane @!p0 v29, v30;
	_ =	sdelay $0x1  }
0xfe: {  	v29 =	vperm.xlane @!p0 v29, v31;
	v30 =	vadd.s32 @!p0 v32, v30;
	_ =	sdelay $0x1  }
0xff: {  	v29 =	vadd.s32 @!p0 v32, v29;
	_ =	sdelay $0x1  }
0x100: {  	s24 =	simm.s32 @!p0 $0x13400  }
0x101: {  	[tilespmem:s24], [sflag:$0x1] =	stream.indirect_vreg.gather @!p0 [hbm4b:s4+s25], $0x80, v30, vm1, $0xb8;
	[tilespmem:$0x1C400] =	vst v63  }
0x102: {  	s24 =	simm.s32 @!p0 $0x13C00  }
0x103: {  	[tilespmem:s24], [sflag:$0x1] =	stream.indirect_vreg.gather @!p0 [hbm4b:s4+s25], $0x80, v29, vm1, $0xb8;
	[tilespmem:$0x1C400] =	vst v63  }
0x104: {  	s24 =	sadd.s32 $0xB, s23  }
0x105: {  	p1 =	seq.s32 @!p0 s23, $0x0;
	s26 =	sshll.u32 s24, $0x6  }
0x106: {  	p0 =	por p0, !p1;
	s28 =	sand.u32 $0x3FFFFFC0, s26  }
0x107: {  	_ =	swait.ge @p0 [sflag:s10], $0x4000;
	v29 =	vmov s28  }
0x108: {  	[sflag:s10] =	ssyncset.done @p0 $0x0  }
0x109: {  	s25 =	simm.s32 $0x0;
	[sflag:s10] =	ssyncadd.s32 @p0 $0xFFFFC000;
	p0 =	por $0x1, $0x1  }
.LBB2_3:
0x10a: {  	s26 =	sshll.u32 s25, $0x4  }
0x10b: {  	s28 =	sand.u32 $0x3FFFFFF0, s26  }
0x10c: {  	v36 =	vld.idx.msk [tilespmem:v29+s28+$0x0 ss:$0x1], $0xffff;
	_ =	sdelay $0x4  }
0x10d: {  	v30 =	vperm.xlane v36, v4;
	_ =	sdelay $0x1  }
0x10e: {  	v31 =	vshll.u32 v30, $0x8;
	v30 =	vshll.u32 v30, $0x7  }
0x10f: {  	v31 =	vand.u32 $0xFFFFF800, v31;
	v30 =	vand.u32 $0x380, v30  }
0x110: {  	v37 =	vor.u32 v30, v31  }
0x111: {  	v30 =	vor.u32 v0, v37  }
0x112: {  	v31 =	vor.u32 v7, v37  }
0x113: {  	v32 =	vor.u32 v8, v37  }
0x114: {  	v33 =	vor.u32 v9, v37  }
0x115: {  	v34 =	vor.u32 v10, v37  }
0x116: {  	v35 =	vor.u32 v11, v37;
	v38 =	vld.idx.msk [tilespmem:v30+s13+$0x0], $0xffff  }
0x117: {  	v40 =	vor.u32 v12, v37;
	v39 =	vld.idx.msk [tilespmem:v31+s13+$0x0], $0xffff  }
0x118: {  	v42 =	vor.u32 v13, v37;
	v41 =	vld.idx.msk [tilespmem:v32+s13+$0x0], $0xffff  }
0x119: {  	v44 =	vor.u32 v14, v37;
	v43 =	vld.idx.msk [tilespmem:v33+s13+$0x0], $0xffff  }
0x11a: {  	v46 =	vor.u32 v15, v37;
	v45 =	vld.idx.msk [tilespmem:v34+s13+$0x0], $0xffff;
	v30 =	vor.u32 $0x420, v0  }
0x11b: {  	v47 =	vld.idx.msk [tilespmem:v35+s13+$0x0], $0xffff;
	v31 =	vor.u32 $0x430, v0;
	v48 =	vor.u32 v30, v37  }
0x11c: {  	v40 =	vld.idx.msk [tilespmem:v40+s13+$0x0], $0xffff;
	v32 =	vor.u32 $0x440, v0;
	v49 =	vor.u32 v31, v37  }
0x11d: {  	v42 =	vld.idx.msk [tilespmem:v42+s13+$0x0], $0xffff;
	v33 =	vor.u32 $0x450, v0;
	v50 =	vor.u32 v32, v37  }
0x11e: {  	v44 =	vld.idx.msk [tilespmem:v44+s13+$0x0], $0xffff;
	v34 =	vor.u32 $0x460, v0;
	v51 =	vor.u32 v33, v37  }
0x11f: {  	v46 =	vld.idx.msk [tilespmem:v46+s13+$0x0], $0xffff;
	v35 =	vor.u32 $0x470, v0;
	v52 =	vor.u32 v34, v37  }
0x120: {  	v37 =	vor.u32 v35, v37;
	v48 =	vld.idx.msk [tilespmem:v48+s13+$0x0], $0xffff  }
0x121: {  	v49 =	vld.idx.msk [tilespmem:v49+s13+$0x0], $0xffff  }
0x122: {  	v50 =	vld.idx.msk [tilespmem:v50+s13+$0x0], $0xffff  }
0x123: {  	s28 =	sshll.u32 s25, $0xC;
	v51 =	vld.idx.msk [tilespmem:v51+s13+$0x0], $0xffff  }
0x124: {  	s25 =	sand.u32 $0x3FFFF000, s28;
	v52 =	vld.idx.msk [tilespmem:v52+s13+$0x0], $0xffff  }
0x125: {  	v37 =	vld.idx.msk [tilespmem:v37+s13+$0x0], $0xffff;
	[tilespmem:s25+$0x18400] =	vst v38  }
0x126: {  	[tilespmem:s25+$0x18410] =	vst v39  }
0x127: {  	[tilespmem:s25+$0x18420] =	vst v41  }
0x128: {  	[tilespmem:s25+$0x18430] =	vst v43  }
0x129: {  	[tilespmem:s25+$0x18440] =	vst v45  }
0x12a: {  	[tilespmem:s25+$0x18450] =	vst v47  }
0x12b: {  	[tilespmem:s25+$0x18460] =	vst v40;
	v45 =	vperm.xlane v36, v16  }
0x12c: {  	[tilespmem:s25+$0x18470] =	vst v42  }
0x12d: {  	[tilespmem:s25+$0x18800] =	vst v44;
	v47 =	vshll.u32 v45, $0x8;
	v38 =	vshll.u32 v45, $0x7  }
0x12e: {  	[tilespmem:s25+$0x18810] =	vst v46;
	v39 =	vand.u32 $0xFFFFF800, v47;
	v38 =	vand.u32 $0x380, v38  }
0x12f: {  	v38 =	vor.u32 v38, v39;
	[tilespmem:s25+$0x18820] =	vst v48  }
0x130: {  	[tilespmem:s25+$0x18830] =	vst v49;
	v39 =	vor.u32 v0, v38  }
0x131: {  	[tilespmem:s25+$0x18840] =	vst v50;
	v50 =	vor.u32 v7, v38  }
0x132: {  	[tilespmem:s25+$0x18850] =	vst v51;
	v51 =	vor.u32 v8, v38  }
0x133: {  	[tilespmem:s25+$0x18860] =	vst v52;
	v52 =	vor.u32 v9, v38  }
0x134: {  	[tilespmem:s25+$0x18870] =	vst v37;
	v53 =	vor.u32 v10, v38  }
0x135: {  	v54 =	vor.u32 v11, v38;
	v39 =	vld.idx.msk [tilespmem:v39+s13+$0x0], $0xffff  }
0x136: {  	v55 =	vor.u32 v12, v38;
	v40 =	vld.idx.msk [tilespmem:v50+s13+$0x0], $0xffff  }
0x137: {  	v56 =	vor.u32 v13, v38;
	v41 =	vld.idx.msk [tilespmem:v51+s13+$0x0], $0xffff  }
0x138: {  	v57 =	vor.u32 v14, v38;
	v42 =	vld.idx.msk [tilespmem:v52+s13+$0x0], $0xffff  }
0x139: {  	v58 =	vor.u32 v15, v38;
	v37 =	vld.idx.msk [tilespmem:v53+s13+$0x0], $0xffff  }
0x13a: {  	v59 =	vor.u32 v30, v38;
	v43 =	vld.idx.msk [tilespmem:v54+s13+$0x0], $0xffff  }
0x13b: {  	v60 =	vor.u32 v31, v38;
	v44 =	vld.idx.msk [tilespmem:v55+s13+$0x0], $0xffff  }
0x13c: {  	v61 =	vor.u32 v32, v38;
	v45 =	vld.idx.msk [tilespmem:v56+s13+$0x0], $0xffff  }
0x13d: {  	v62 =	vor.u32 v33, v38;
	v46 =	vld.idx.msk [tilespmem:v57+s13+$0x0], $0xffff  }
0x13e: {  	v63 =	vor.u32 v34, v38;
	v47 =	vld.idx.msk [tilespmem:v58+s13+$0x0], $0xffff  }
0x13f: {  	v38 =	vor.u32 v35, v38;
	v48 =	vld.idx.msk [tilespmem:v59+s13+$0x0], $0xffff  }
0x140: {  	v49 =	vld.idx.msk [tilespmem:v60+s13+$0x0], $0xffff  }
0x141: {  	v50 =	vld.idx.msk [tilespmem:v61+s13+$0x0], $0xffff  }
0x142: {  	v51 =	vld.idx.msk [tilespmem:v62+s13+$0x0], $0xffff  }
0x143: {  	v52 =	vld.idx.msk [tilespmem:v63+s13+$0x0], $0xffff  }
0x144: {  	v38 =	vld.idx.msk [tilespmem:v38+s13+$0x0], $0xffff;
	[tilespmem:s25+$0x18480] =	vst v39  }
0x145: {  	[tilespmem:s25+$0x18490] =	vst v40  }
0x146: {  	[tilespmem:s25+$0x184A0] =	vst v41  }
0x147: {  	[tilespmem:s25+$0x184B0] =	vst v42  }
0x148: {  	[tilespmem:s25+$0x184C0] =	vst v37  }
0x149: {  	[tilespmem:s25+$0x184D0] =	vst v43  }
0x14a: {  	[tilespmem:s25+$0x184E0] =	vst v44;
	v44 =	vperm.xlane v36, v17  }
0x14b: {  	[tilespmem:s25+$0x184F0] =	vst v45  }
0x14c: {  	[tilespmem:s25+$0x18880] =	vst v46;
	v46 =	vshll.u32 v44, $0x8;
	v37 =	vshll.u32 v44, $0x7  }
0x14d: {  	[tilespmem:s25+$0x18890] =	vst v47;
	v39 =	vand.u32 $0xFFFFF800, v46;
	v37 =	vand.u32 $0x380, v37  }
0x14e: {  	[tilespmem:s25+$0x188A0] =	vst v48;
	v37 =	vor.u32 v37, v39  }
0x14f: {  	[tilespmem:s25+$0x188B0] =	vst v49;
	v39 =	vor.u32 v0, v37  }
0x150: {  	[tilespmem:s25+$0x188C0] =	vst v50;
	v50 =	vor.u32 v7, v37  }
0x151: {  	[tilespmem:s25+$0x188D0] =	vst v51;
	v51 =	vor.u32 v8, v37  }
0x152: {  	[tilespmem:s25+$0x188E0] =	vst v52;
	v52 =	vor.u32 v9, v37  }
0x153: {  	[tilespmem:s25+$0x188F0] =	vst v38;
	v53 =	vor.u32 v10, v37  }
0x154: {  	v54 =	vor.u32 v11, v37;
	v39 =	vld.idx.msk [tilespmem:v39+s13+$0x0], $0xffff  }
0x155: {  	v55 =	vor.u32 v12, v37;
	v40 =	vld.idx.msk [tilespmem:v50+s13+$0x0], $0xffff  }
0x156: {  	v56 =	vor.u32 v13, v37;
	v41 =	vld.idx.msk [tilespmem:v51+s13+$0x0], $0xffff  }
0x157: {  	v57 =	vor.u32 v14, v37;
	v42 =	vld.idx.msk [tilespmem:v52+s13+$0x0], $0xffff  }
0x158: {  	v58 =	vor.u32 v15, v37;
	v38 =	vld.idx.msk [tilespmem:v53+s13+$0x0], $0xffff  }
0x159: {  	v59 =	vor.u32 v30, v37;
	v43 =	vld.idx.msk [tilespmem:v54+s13+$0x0], $0xffff  }
0x15a: {  	v60 =	vor.u32 v31, v37;
	v44 =	vld.idx.msk [tilespmem:v55+s13+$0x0], $0xffff  }
0x15b: {  	v61 =	vor.u32 v32, v37;
	v45 =	vld.idx.msk [tilespmem:v56+s13+$0x0], $0xffff  }
0x15c: {  	v62 =	vor.u32 v33, v37;
	v46 =	vld.idx.msk [tilespmem:v57+s13+$0x0], $0xffff  }
0x15d: {  	v63 =	vor.u32 v34, v37;
	v47 =	vld.idx.msk [tilespmem:v58+s13+$0x0], $0xffff  }
0x15e: {  	v37 =	vor.u32 v35, v37;
	v48 =	vld.idx.msk [tilespmem:v59+s13+$0x0], $0xffff  }
0x15f: {  	v49 =	vld.idx.msk [tilespmem:v60+s13+$0x0], $0xffff  }
0x160: {  	v50 =	vld.idx.msk [tilespmem:v61+s13+$0x0], $0xffff  }
0x161: {  	v51 =	vld.idx.msk [tilespmem:v62+s13+$0x0], $0xffff  }
0x162: {  	v52 =	vld.idx.msk [tilespmem:v63+s13+$0x0], $0xffff  }
0x163: {  	v37 =	vld.idx.msk [tilespmem:v37+s13+$0x0], $0xffff;
	[tilespmem:s25+$0x18500] =	vst v39  }
0x164: {  	[tilespmem:s25+$0x18510] =	vst v40  }
0x165: {  	[tilespmem:s25+$0x18520] =	vst v41  }
0x166: {  	[tilespmem:s25+$0x18530] =	vst v42  }
0x167: {  	[tilespmem:s25+$0x18540] =	vst v38  }
0x168: {  	[tilespmem:s25+$0x18550] =	vst v43  }
0x169: {  	[tilespmem:s25+$0x18560] =	vst v44;
	v44 =	vperm.xlane v36, v18  }
0x16a: {  	[tilespmem:s25+$0x18570] =	vst v45  }
0x16b: {  	[tilespmem:s25+$0x18900] =	vst v46;
	v46 =	vshll.u32 v44, $0x8;
	v38 =	vshll.u32 v44, $0x7  }
0x16c: {  	[tilespmem:s25+$0x18910] =	vst v47;
	v39 =	vand.u32 $0xFFFFF800, v46;
	v38 =	vand.u32 $0x380, v38  }
0x16d: {  	[tilespmem:s25+$0x18920] =	vst v48;
	v38 =	vor.u32 v38, v39  }
0x16e: {  	[tilespmem:s25+$0x18930] =	vst v49;
	v39 =	vor.u32 v0, v38  }
0x16f: {  	[tilespmem:s25+$0x18940] =	vst v50;
	v50 =	vor.u32 v7, v38  }
0x170: {  	[tilespmem:s25+$0x18950] =	vst v51;
	v51 =	vor.u32 v8, v38  }
0x171: {  	[tilespmem:s25+$0x18960] =	vst v52;
	v52 =	vor.u32 v9, v38  }
0x172: {  	[tilespmem:s25+$0x18970] =	vst v37;
	v53 =	vor.u32 v10, v38  }
0x173: {  	v54 =	vor.u32 v11, v38;
	v39 =	vld.idx.msk [tilespmem:v39+s13+$0x0], $0xffff  }
0x174: {  	v55 =	vor.u32 v12, v38;
	v40 =	vld.idx.msk [tilespmem:v50+s13+$0x0], $0xffff  }
0x175: {  	v56 =	vor.u32 v13, v38;
	v41 =	vld.idx.msk [tilespmem:v51+s13+$0x0], $0xffff  }
0x176: {  	v57 =	vor.u32 v14, v38;
	v42 =	vld.idx.msk [tilespmem:v52+s13+$0x0], $0xffff  }
0x177: {  	v58 =	vor.u32 v15, v38;
	v37 =	vld.idx.msk [tilespmem:v53+s13+$0x0], $0xffff  }
0x178: {  	v59 =	vor.u32 v30, v38;
	v43 =	vld.idx.msk [tilespmem:v54+s13+$0x0], $0xffff  }
0x179: {  	v60 =	vor.u32 v31, v38;
	v44 =	vld.idx.msk [tilespmem:v55+s13+$0x0], $0xffff  }
0x17a: {  	v61 =	vor.u32 v32, v38;
	v45 =	vld.idx.msk [tilespmem:v56+s13+$0x0], $0xffff  }
0x17b: {  	v62 =	vor.u32 v33, v38;
	v46 =	vld.idx.msk [tilespmem:v57+s13+$0x0], $0xffff  }
0x17c: {  	v63 =	vor.u32 v34, v38;
	v47 =	vld.idx.msk [tilespmem:v58+s13+$0x0], $0xffff  }
0x17d: {  	v38 =	vor.u32 v35, v38;
	v48 =	vld.idx.msk [tilespmem:v59+s13+$0x0], $0xffff  }
0x17e: {  	v49 =	vld.idx.msk [tilespmem:v60+s13+$0x0], $0xffff  }
0x17f: {  	v50 =	vld.idx.msk [tilespmem:v61+s13+$0x0], $0xffff  }
0x180: {  	v51 =	vld.idx.msk [tilespmem:v62+s13+$0x0], $0xffff  }
0x181: {  	v52 =	vld.idx.msk [tilespmem:v63+s13+$0x0], $0xffff  }
0x182: {  	v38 =	vld.idx.msk [tilespmem:v38+s13+$0x0], $0xffff;
	[tilespmem:s25+$0x18580] =	vst v39  }
0x183: {  	[tilespmem:s25+$0x18590] =	vst v40  }
0x184: {  	[tilespmem:s25+$0x185A0] =	vst v41  }
0x185: {  	[tilespmem:s25+$0x185B0] =	vst v42  }
0x186: {  	[tilespmem:s25+$0x185C0] =	vst v37  }
0x187: {  	[tilespmem:s25+$0x185D0] =	vst v43  }
0x188: {  	[tilespmem:s25+$0x185E0] =	vst v44;
	v44 =	vperm.xlane v36, v19  }
0x189: {  	[tilespmem:s25+$0x185F0] =	vst v45  }
0x18a: {  	[tilespmem:s25+$0x18980] =	vst v46;
	v46 =	vshll.u32 v44, $0x8;
	v37 =	vshll.u32 v44, $0x7  }
0x18b: {  	[tilespmem:s25+$0x18990] =	vst v47;
	v39 =	vand.u32 $0xFFFFF800, v46;
	v37 =	vand.u32 $0x380, v37  }
0x18c: {  	[tilespmem:s25+$0x189A0] =	vst v48;
	v37 =	vor.u32 v37, v39  }
0x18d: {  	[tilespmem:s25+$0x189B0] =	vst v49;
	v39 =	vor.u32 v0, v37  }
0x18e: {  	[tilespmem:s25+$0x189C0] =	vst v50;
	v50 =	vor.u32 v7, v37  }
0x18f: {  	[tilespmem:s25+$0x189D0] =	vst v51;
	v51 =	vor.u32 v8, v37  }
0x190: {  	[tilespmem:s25+$0x189E0] =	vst v52;
	v52 =	vor.u32 v9, v37  }
0x191: {  	[tilespmem:s25+$0x189F0] =	vst v38;
	v53 =	vor.u32 v10, v37  }
0x192: {  	v54 =	vor.u32 v11, v37;
	v39 =	vld.idx.msk [tilespmem:v39+s13+$0x0], $0xffff  }
0x193: {  	v55 =	vor.u32 v12, v37;
	v40 =	vld.idx.msk [tilespmem:v50+s13+$0x0], $0xffff  }
0x194: {  	v56 =	vor.u32 v13, v37;
	v41 =	vld.idx.msk [tilespmem:v51+s13+$0x0], $0xffff  }
0x195: {  	v57 =	vor.u32 v14, v37;
	v42 =	vld.idx.msk [tilespmem:v52+s13+$0x0], $0xffff  }
0x196: {  	v58 =	vor.u32 v15, v37;
	v38 =	vld.idx.msk [tilespmem:v53+s13+$0x0], $0xffff  }
0x197: {  	v59 =	vor.u32 v30, v37;
	v43 =	vld.idx.msk [tilespmem:v54+s13+$0x0], $0xffff  }
0x198: {  	v60 =	vor.u32 v31, v37;
	v44 =	vld.idx.msk [tilespmem:v55+s13+$0x0], $0xffff  }
0x199: {  	v61 =	vor.u32 v32, v37;
	v45 =	vld.idx.msk [tilespmem:v56+s13+$0x0], $0xffff  }
0x19a: {  	v62 =	vor.u32 v33, v37;
	v46 =	vld.idx.msk [tilespmem:v57+s13+$0x0], $0xffff  }
0x19b: {  	v63 =	vor.u32 v34, v37;
	v47 =	vld.idx.msk [tilespmem:v58+s13+$0x0], $0xffff  }
0x19c: {  	v37 =	vor.u32 v35, v37;
	v48 =	vld.idx.msk [tilespmem:v59+s13+$0x0], $0xffff  }
0x19d: {  	v49 =	vld.idx.msk [tilespmem:v60+s13+$0x0], $0xffff  }
0x19e: {  	v50 =	vld.idx.msk [tilespmem:v61+s13+$0x0], $0xffff  }
0x19f: {  	v51 =	vld.idx.msk [tilespmem:v62+s13+$0x0], $0xffff  }
0x1a0: {  	v52 =	vld.idx.msk [tilespmem:v63+s13+$0x0], $0xffff  }
0x1a1: {  	v37 =	vld.idx.msk [tilespmem:v37+s13+$0x0], $0xffff;
	[tilespmem:s25+$0x18600] =	vst v39  }
0x1a2: {  	[tilespmem:s25+$0x18610] =	vst v40  }
0x1a3: {  	[tilespmem:s25+$0x18620] =	vst v41  }
0x1a4: {  	[tilespmem:s25+$0x18630] =	vst v42  }
0x1a5: {  	[tilespmem:s25+$0x18640] =	vst v38  }
0x1a6: {  	[tilespmem:s25+$0x18650] =	vst v43  }
0x1a7: {  	[tilespmem:s25+$0x18660] =	vst v44;
	v44 =	vperm.xlane v36, v20  }
0x1a8: {  	[tilespmem:s25+$0x18670] =	vst v45  }
0x1a9: {  	[tilespmem:s25+$0x18A00] =	vst v46;
	v46 =	vshll.u32 v44, $0x8;
	v38 =	vshll.u32 v44, $0x7  }
0x1aa: {  	[tilespmem:s25+$0x18A10] =	vst v47;
	v39 =	vand.u32 $0xFFFFF800, v46;
	v38 =	vand.u32 $0x380, v38  }
0x1ab: {  	[tilespmem:s25+$0x18A20] =	vst v48;
	v38 =	vor.u32 v38, v39  }
0x1ac: {  	[tilespmem:s25+$0x18A30] =	vst v49;
	v39 =	vor.u32 v0, v38  }
0x1ad: {  	[tilespmem:s25+$0x18A40] =	vst v50;
	v50 =	vor.u32 v7, v38  }
0x1ae: {  	[tilespmem:s25+$0x18A50] =	vst v51;
	v51 =	vor.u32 v8, v38  }
0x1af: {  	[tilespmem:s25+$0x18A60] =	vst v52;
	v52 =	vor.u32 v9, v38  }
0x1b0: {  	[tilespmem:s25+$0x18A70] =	vst v37;
	v53 =	vor.u32 v10, v38  }
0x1b1: {  	v54 =	vor.u32 v11, v38;
	v39 =	vld.idx.msk [tilespmem:v39+s13+$0x0], $0xffff  }
0x1b2: {  	v55 =	vor.u32 v12, v38;
	v40 =	vld.idx.msk [tilespmem:v50+s13+$0x0], $0xffff  }
0x1b3: {  	v56 =	vor.u32 v13, v38;
	v41 =	vld.idx.msk [tilespmem:v51+s13+$0x0], $0xffff  }
0x1b4: {  	v57 =	vor.u32 v14, v38;
	v42 =	vld.idx.msk [tilespmem:v52+s13+$0x0], $0xffff  }
0x1b5: {  	v58 =	vor.u32 v15, v38;
	v37 =	vld.idx.msk [tilespmem:v53+s13+$0x0], $0xffff  }
0x1b6: {  	v59 =	vor.u32 v30, v38;
	v43 =	vld.idx.msk [tilespmem:v54+s13+$0x0], $0xffff  }
0x1b7: {  	v60 =	vor.u32 v31, v38;
	v44 =	vld.idx.msk [tilespmem:v55+s13+$0x0], $0xffff  }
0x1b8: {  	v61 =	vor.u32 v32, v38;
	v45 =	vld.idx.msk [tilespmem:v56+s13+$0x0], $0xffff  }
0x1b9: {  	v62 =	vor.u32 v33, v38;
	v46 =	vld.idx.msk [tilespmem:v57+s13+$0x0], $0xffff  }
0x1ba: {  	v63 =	vor.u32 v34, v38;
	v47 =	vld.idx.msk [tilespmem:v58+s13+$0x0], $0xffff  }
0x1bb: {  	v38 =	vor.u32 v35, v38;
	v48 =	vld.idx.msk [tilespmem:v59+s13+$0x0], $0xffff  }
0x1bc: {  	v49 =	vld.idx.msk [tilespmem:v60+s13+$0x0], $0xffff  }
0x1bd: {  	v50 =	vld.idx.msk [tilespmem:v61+s13+$0x0], $0xffff  }
0x1be: {  	v51 =	vld.idx.msk [tilespmem:v62+s13+$0x0], $0xffff  }
0x1bf: {  	v52 =	vld.idx.msk [tilespmem:v63+s13+$0x0], $0xffff  }
0x1c0: {  	v38 =	vld.idx.msk [tilespmem:v38+s13+$0x0], $0xffff;
	[tilespmem:s25+$0x18680] =	vst v39  }
0x1c1: {  	[tilespmem:s25+$0x18690] =	vst v40  }
0x1c2: {  	[tilespmem:s25+$0x186A0] =	vst v41  }
0x1c3: {  	[tilespmem:s25+$0x186B0] =	vst v42  }
0x1c4: {  	[tilespmem:s25+$0x186C0] =	vst v37  }
0x1c5: {  	[tilespmem:s25+$0x186D0] =	vst v43  }
0x1c6: {  	[tilespmem:s25+$0x186E0] =	vst v44;
	v44 =	vperm.xlane v36, v21  }
0x1c7: {  	[tilespmem:s25+$0x186F0] =	vst v45  }
0x1c8: {  	[tilespmem:s25+$0x18A80] =	vst v46;
	v46 =	vshll.u32 v44, $0x8;
	v37 =	vshll.u32 v44, $0x7  }
0x1c9: {  	[tilespmem:s25+$0x18A90] =	vst v47;
	v39 =	vand.u32 $0xFFFFF800, v46;
	v37 =	vand.u32 $0x380, v37  }
0x1ca: {  	[tilespmem:s25+$0x18AA0] =	vst v48;
	v37 =	vor.u32 v37, v39  }
0x1cb: {  	[tilespmem:s25+$0x18AB0] =	vst v49;
	v39 =	vor.u32 v0, v37  }
0x1cc: {  	[tilespmem:s25+$0x18AC0] =	vst v50;
	v50 =	vor.u32 v7, v37  }
0x1cd: {  	[tilespmem:s25+$0x18AD0] =	vst v51;
	v51 =	vor.u32 v8, v37  }
0x1ce: {  	[tilespmem:s25+$0x18AE0] =	vst v52;
	v52 =	vor.u32 v9, v37  }
0x1cf: {  	[tilespmem:s25+$0x18AF0] =	vst v38;
	v53 =	vor.u32 v10, v37  }
0x1d0: {  	v54 =	vor.u32 v11, v37;
	v39 =	vld.idx.msk [tilespmem:v39+s13+$0x0], $0xffff  }
0x1d1: {  	v55 =	vor.u32 v12, v37;
	v40 =	vld.idx.msk [tilespmem:v50+s13+$0x0], $0xffff  }
0x1d2: {  	v56 =	vor.u32 v13, v37;
	v41 =	vld.idx.msk [tilespmem:v51+s13+$0x0], $0xffff  }
0x1d3: {  	v57 =	vor.u32 v14, v37;
	v42 =	vld.idx.msk [tilespmem:v52+s13+$0x0], $0xffff  }
0x1d4: {  	v58 =	vor.u32 v15, v37;
	v38 =	vld.idx.msk [tilespmem:v53+s13+$0x0], $0xffff  }
0x1d5: {  	v59 =	vor.u32 v30, v37;
	v43 =	vld.idx.msk [tilespmem:v54+s13+$0x0], $0xffff  }
0x1d6: {  	v60 =	vor.u32 v31, v37;
	v44 =	vld.idx.msk [tilespmem:v55+s13+$0x0], $0xffff  }
0x1d7: {  	v61 =	vor.u32 v32, v37;
	v45 =	vld.idx.msk [tilespmem:v56+s13+$0x0], $0xffff  }
0x1d8: {  	v62 =	vor.u32 v33, v37;
	v46 =	vld.idx.msk [tilespmem:v57+s13+$0x0], $0xffff  }
0x1d9: {  	v63 =	vor.u32 v34, v37;
	v47 =	vld.idx.msk [tilespmem:v58+s13+$0x0], $0xffff  }
0x1da: {  	v37 =	vor.u32 v35, v37;
	v48 =	vld.idx.msk [tilespmem:v59+s13+$0x0], $0xffff  }
0x1db: {  	v49 =	vld.idx.msk [tilespmem:v60+s13+$0x0], $0xffff  }
0x1dc: {  	v50 =	vld.idx.msk [tilespmem:v61+s13+$0x0], $0xffff  }
0x1dd: {  	v51 =	vld.idx.msk [tilespmem:v62+s13+$0x0], $0xffff  }
0x1de: {  	v52 =	vld.idx.msk [tilespmem:v63+s13+$0x0], $0xffff  }
0x1df: {  	v37 =	vld.idx.msk [tilespmem:v37+s13+$0x0], $0xffff;
	[tilespmem:s25+$0x18700] =	vst v39  }
0x1e0: {  	[tilespmem:s25+$0x18710] =	vst v40  }
0x1e1: {  	[tilespmem:s25+$0x18720] =	vst v41  }
0x1e2: {  	[tilespmem:s25+$0x18730] =	vst v42  }
0x1e3: {  	[tilespmem:s25+$0x18740] =	vst v38  }
0x1e4: {  	[tilespmem:s25+$0x18750] =	vst v43  }
0x1e5: {  	[tilespmem:s25+$0x18760] =	vst v44;
	v44 =	vperm.xlane v36, v6  }
0x1e6: {  	[tilespmem:s25+$0x18770] =	vst v45  }
0x1e7: {  	[tilespmem:s25+$0x18B00] =	vst v46;
	v46 =	vshll.u32 v44, $0x8;
	v38 =	vshll.u32 v44, $0x7  }
0x1e8: {  	[tilespmem:s25+$0x18B10] =	vst v47;
	v39 =	vand.u32 $0xFFFFF800, v46;
	v38 =	vand.u32 $0x380, v38  }
0x1e9: {  	[tilespmem:s25+$0x18B20] =	vst v48;
	v38 =	vor.u32 v38, v39  }
0x1ea: {  	[tilespmem:s25+$0x18B30] =	vst v49;
	v39 =	vor.u32 v0, v38  }
0x1eb: {  	[tilespmem:s25+$0x18B40] =	vst v50;
	v50 =	vor.u32 v7, v38  }
0x1ec: {  	[tilespmem:s25+$0x18B50] =	vst v51;
	v51 =	vor.u32 v8, v38  }
0x1ed: {  	[tilespmem:s25+$0x18B60] =	vst v52;
	v52 =	vor.u32 v9, v38  }
0x1ee: {  	[tilespmem:s25+$0x18B70] =	vst v37;
	v53 =	vor.u32 v10, v38  }
0x1ef: {  	v54 =	vor.u32 v11, v38;
	v39 =	vld.idx.msk [tilespmem:v39+s13+$0x0], $0xffff  }
0x1f0: {  	v55 =	vor.u32 v12, v38;
	v40 =	vld.idx.msk [tilespmem:v50+s13+$0x0], $0xffff  }
0x1f1: {  	v56 =	vor.u32 v13, v38;
	v41 =	vld.idx.msk [tilespmem:v51+s13+$0x0], $0xffff  }
0x1f2: {  	v57 =	vor.u32 v14, v38;
	v42 =	vld.idx.msk [tilespmem:v52+s13+$0x0], $0xffff  }
0x1f3: {  	v58 =	vor.u32 v15, v38;
	v37 =	vld.idx.msk [tilespmem:v53+s13+$0x0], $0xffff  }
0x1f4: {  	v59 =	vor.u32 v30, v38;
	v43 =	vld.idx.msk [tilespmem:v54+s13+$0x0], $0xffff  }
0x1f5: {  	v60 =	vor.u32 v31, v38;
	v44 =	vld.idx.msk [tilespmem:v55+s13+$0x0], $0xffff  }
0x1f6: {  	v61 =	vor.u32 v32, v38;
	v45 =	vld.idx.msk [tilespmem:v56+s13+$0x0], $0xffff  }
0x1f7: {  	v62 =	vor.u32 v33, v38;
	v46 =	vld.idx.msk [tilespmem:v57+s13+$0x0], $0xffff  }
0x1f8: {  	v63 =	vor.u32 v34, v38;
	v47 =	vld.idx.msk [tilespmem:v58+s13+$0x0], $0xffff  }
0x1f9: {  	v38 =	vor.u32 v35, v38;
	v48 =	vld.idx.msk [tilespmem:v59+s13+$0x0], $0xffff  }
0x1fa: {  	v49 =	vld.idx.msk [tilespmem:v60+s13+$0x0], $0xffff  }
0x1fb: {  	v50 =	vld.idx.msk [tilespmem:v61+s13+$0x0], $0xffff  }
0x1fc: {  	v51 =	vld.idx.msk [tilespmem:v62+s13+$0x0], $0xffff  }
0x1fd: {  	v52 =	vld.idx.msk [tilespmem:v63+s13+$0x0], $0xffff  }
0x1fe: {  	v38 =	vld.idx.msk [tilespmem:v38+s13+$0x0], $0xffff;
	[tilespmem:s25+$0x18780] =	vst v39  }
0x1ff: {  	[tilespmem:s25+$0x18790] =	vst v40  }
0x200: {  	[tilespmem:s25+$0x187A0] =	vst v41  }
0x201: {  	[tilespmem:s25+$0x187B0] =	vst v42  }
0x202: {  	[tilespmem:s25+$0x187C0] =	vst v37  }
0x203: {  	[tilespmem:s25+$0x187D0] =	vst v43  }
0x204: {  	[tilespmem:s25+$0x187E0] =	vst v44;
	v44 =	vperm.xlane v36, v5  }
0x205: {  	[tilespmem:s25+$0x187F0] =	vst v45  }
0x206: {  	[tilespmem:s25+$0x18B80] =	vst v46;
	v46 =	vshll.u32 v44, $0x8;
	v37 =	vshll.u32 v44, $0x7  }
0x207: {  	[tilespmem:s25+$0x18B90] =	vst v47;
	v39 =	vand.u32 $0xFFFFF800, v46;
	v37 =	vand.u32 $0x380, v37  }
0x208: {  	[tilespmem:s25+$0x18BA0] =	vst v48;
	v37 =	vor.u32 v37, v39  }
0x209: {  	[tilespmem:s25+$0x18BB0] =	vst v49;
	v39 =	vor.u32 v0, v37  }
0x20a: {  	[tilespmem:s25+$0x18BC0] =	vst v50;
	v50 =	vor.u32 v7, v37  }
0x20b: {  	[tilespmem:s25+$0x18BD0] =	vst v51;
	v51 =	vor.u32 v8, v37  }
0x20c: {  	[tilespmem:s25+$0x18BE0] =	vst v52;
	v52 =	vor.u32 v9, v37  }
0x20d: {  	[tilespmem:s25+$0x18BF0] =	vst v38;
	v53 =	vor.u32 v10, v37  }
0x20e: {  	v54 =	vor.u32 v11, v37;
	v39 =	vld.idx.msk [tilespmem:v39+s13+$0x0], $0xffff  }
0x20f: {  	v55 =	vor.u32 v12, v37;
	v40 =	vld.idx.msk [tilespmem:v50+s13+$0x0], $0xffff  }
0x210: {  	v56 =	vor.u32 v13, v37;
	v41 =	vld.idx.msk [tilespmem:v51+s13+$0x0], $0xffff  }
0x211: {  	v57 =	vor.u32 v14, v37;
	v42 =	vld.idx.msk [tilespmem:v52+s13+$0x0], $0xffff  }
0x212: {  	v58 =	vor.u32 v15, v37;
	v38 =	vld.idx.msk [tilespmem:v53+s13+$0x0], $0xffff  }
0x213: {  	v59 =	vor.u32 v30, v37;
	v43 =	vld.idx.msk [tilespmem:v54+s13+$0x0], $0xffff  }
0x214: {  	v60 =	vor.u32 v31, v37;
	v44 =	vld.idx.msk [tilespmem:v55+s13+$0x0], $0xffff  }
0x215: {  	v61 =	vor.u32 v32, v37;
	v45 =	vld.idx.msk [tilespmem:v56+s13+$0x0], $0xffff  }
0x216: {  	v62 =	vor.u32 v33, v37;
	v46 =	vld.idx.msk [tilespmem:v57+s13+$0x0], $0xffff  }
0x217: {  	v63 =	vor.u32 v34, v37;
	v47 =	vld.idx.msk [tilespmem:v58+s13+$0x0], $0xffff  }
0x218: {  	v37 =	vor.u32 v35, v37;
	v48 =	vld.idx.msk [tilespmem:v59+s13+$0x0], $0xffff  }
0x219: {  	v49 =	vld.idx.msk [tilespmem:v60+s13+$0x0], $0xffff  }
0x21a: {  	v50 =	vld.idx.msk [tilespmem:v61+s13+$0x0], $0xffff  }
0x21b: {  	v51 =	vld.idx.msk [tilespmem:v62+s13+$0x0], $0xffff  }
0x21c: {  	v52 =	vld.idx.msk [tilespmem:v63+s13+$0x0], $0xffff  }
0x21d: {  	v37 =	vld.idx.msk [tilespmem:v37+s13+$0x0], $0xffff;
	[tilespmem:s25+$0x18C00] =	vst v39  }
0x21e: {  	[tilespmem:s25+$0x18C10] =	vst v40  }
0x21f: {  	[tilespmem:s25+$0x18C20] =	vst v41  }
0x220: {  	[tilespmem:s25+$0x18C30] =	vst v42  }
0x221: {  	[tilespmem:s25+$0x18C40] =	vst v38  }
0x222: {  	[tilespmem:s25+$0x18C50] =	vst v43  }
0x223: {  	[tilespmem:s25+$0x18C60] =	vst v44;
	v44 =	vperm.xlane v36, v22  }
0x224: {  	[tilespmem:s25+$0x18C70] =	vst v45  }
0x225: {  	[tilespmem:s25+$0x19000] =	vst v46;
	v46 =	vshll.u32 v44, $0x8;
	v38 =	vshll.u32 v44, $0x7  }
0x226: {  	[tilespmem:s25+$0x19010] =	vst v47;
	v39 =	vand.u32 $0xFFFFF800, v46;
	v38 =	vand.u32 $0x380, v38  }
0x227: {  	[tilespmem:s25+$0x19020] =	vst v48;
	v38 =	vor.u32 v38, v39  }
0x228: {  	[tilespmem:s25+$0x19030] =	vst v49;
	v39 =	vor.u32 v0, v38  }
0x229: {  	[tilespmem:s25+$0x19040] =	vst v50;
	v50 =	vor.u32 v7, v38  }
0x22a: {  	[tilespmem:s25+$0x19050] =	vst v51;
	v51 =	vor.u32 v8, v38  }
0x22b: {  	[tilespmem:s25+$0x19060] =	vst v52;
	v52 =	vor.u32 v9, v38  }
0x22c: {  	[tilespmem:s25+$0x19070] =	vst v37;
	v53 =	vor.u32 v10, v38  }
0x22d: {  	v54 =	vor.u32 v11, v38;
	v39 =	vld.idx.msk [tilespmem:v39+s13+$0x0], $0xffff  }
0x22e: {  	v55 =	vor.u32 v12, v38;
	v40 =	vld.idx.msk [tilespmem:v50+s13+$0x0], $0xffff  }
0x22f: {  	v56 =	vor.u32 v13, v38;
	v41 =	vld.idx.msk [tilespmem:v51+s13+$0x0], $0xffff  }
0x230: {  	v57 =	vor.u32 v14, v38;
	v42 =	vld.idx.msk [tilespmem:v52+s13+$0x0], $0xffff  }
0x231: {  	v58 =	vor.u32 v15, v38;
	v37 =	vld.idx.msk [tilespmem:v53+s13+$0x0], $0xffff  }
0x232: {  	v59 =	vor.u32 v30, v38;
	v43 =	vld.idx.msk [tilespmem:v54+s13+$0x0], $0xffff  }
0x233: {  	v60 =	vor.u32 v31, v38;
	v44 =	vld.idx.msk [tilespmem:v55+s13+$0x0], $0xffff  }
0x234: {  	v61 =	vor.u32 v32, v38;
	v45 =	vld.idx.msk [tilespmem:v56+s13+$0x0], $0xffff  }
0x235: {  	v62 =	vor.u32 v33, v38;
	v46 =	vld.idx.msk [tilespmem:v57+s13+$0x0], $0xffff  }
0x236: {  	v63 =	vor.u32 v34, v38;
	v47 =	vld.idx.msk [tilespmem:v58+s13+$0x0], $0xffff  }
0x237: {  	v38 =	vor.u32 v35, v38;
	v48 =	vld.idx.msk [tilespmem:v59+s13+$0x0], $0xffff  }
0x238: {  	v49 =	vld.idx.msk [tilespmem:v60+s13+$0x0], $0xffff  }
0x239: {  	v50 =	vld.idx.msk [tilespmem:v61+s13+$0x0], $0xffff  }
0x23a: {  	v51 =	vld.idx.msk [tilespmem:v62+s13+$0x0], $0xffff  }
0x23b: {  	v52 =	vld.idx.msk [tilespmem:v63+s13+$0x0], $0xffff  }
0x23c: {  	v38 =	vld.idx.msk [tilespmem:v38+s13+$0x0], $0xffff;
	[tilespmem:s25+$0x18C80] =	vst v39  }
0x23d: {  	[tilespmem:s25+$0x18C90] =	vst v40  }
0x23e: {  	[tilespmem:s25+$0x18CA0] =	vst v41  }
0x23f: {  	[tilespmem:s25+$0x18CB0] =	vst v42  }
0x240: {  	[tilespmem:s25+$0x18CC0] =	vst v37  }
0x241: {  	[tilespmem:s25+$0x18CD0] =	vst v43  }
0x242: {  	[tilespmem:s25+$0x18CE0] =	vst v44;
	v44 =	vperm.xlane v36, v23  }
0x243: {  	[tilespmem:s25+$0x18CF0] =	vst v45  }
0x244: {  	[tilespmem:s25+$0x19080] =	vst v46;
	v46 =	vshll.u32 v44, $0x8;
	v37 =	vshll.u32 v44, $0x7  }
0x245: {  	[tilespmem:s25+$0x19090] =	vst v47;
	v39 =	vand.u32 $0xFFFFF800, v46;
	v37 =	vand.u32 $0x380, v37  }
0x246: {  	[tilespmem:s25+$0x190A0] =	vst v48;
	v37 =	vor.u32 v37, v39  }
0x247: {  	[tilespmem:s25+$0x190B0] =	vst v49;
	v39 =	vor.u32 v0, v37  }
0x248: {  	[tilespmem:s25+$0x190C0] =	vst v50;
	v50 =	vor.u32 v7, v37  }
0x249: {  	[tilespmem:s25+$0x190D0] =	vst v51;
	v51 =	vor.u32 v8, v37  }
0x24a: {  	[tilespmem:s25+$0x190E0] =	vst v52;
	v52 =	vor.u32 v9, v37  }
0x24b: {  	[tilespmem:s25+$0x190F0] =	vst v38;
	v53 =	vor.u32 v10, v37  }
0x24c: {  	v54 =	vor.u32 v11, v37;
	v39 =	vld.idx.msk [tilespmem:v39+s13+$0x0], $0xffff  }
0x24d: {  	v55 =	vor.u32 v12, v37;
	v40 =	vld.idx.msk [tilespmem:v50+s13+$0x0], $0xffff  }
0x24e: {  	v56 =	vor.u32 v13, v37;
	v41 =	vld.idx.msk [tilespmem:v51+s13+$0x0], $0xffff  }
0x24f: {  	v57 =	vor.u32 v14, v37;
	v42 =	vld.idx.msk [tilespmem:v52+s13+$0x0], $0xffff  }
0x250: {  	v58 =	vor.u32 v15, v37;
	v38 =	vld.idx.msk [tilespmem:v53+s13+$0x0], $0xffff  }
0x251: {  	v59 =	vor.u32 v30, v37;
	v43 =	vld.idx.msk [tilespmem:v54+s13+$0x0], $0xffff  }
0x252: {  	v60 =	vor.u32 v31, v37;
	v44 =	vld.idx.msk [tilespmem:v55+s13+$0x0], $0xffff  }
0x253: {  	v61 =	vor.u32 v32, v37;
	v45 =	vld.idx.msk [tilespmem:v56+s13+$0x0], $0xffff  }
0x254: {  	v62 =	vor.u32 v33, v37;
	v46 =	vld.idx.msk [tilespmem:v57+s13+$0x0], $0xffff  }
0x255: {  	v63 =	vor.u32 v34, v37;
	v47 =	vld.idx.msk [tilespmem:v58+s13+$0x0], $0xffff  }
0x256: {  	v37 =	vor.u32 v35, v37;
	v48 =	vld.idx.msk [tilespmem:v59+s13+$0x0], $0xffff  }
0x257: {  	v49 =	vld.idx.msk [tilespmem:v60+s13+$0x0], $0xffff  }
0x258: {  	v50 =	vld.idx.msk [tilespmem:v61+s13+$0x0], $0xffff  }
0x259: {  	v51 =	vld.idx.msk [tilespmem:v62+s13+$0x0], $0xffff  }
0x25a: {  	v52 =	vld.idx.msk [tilespmem:v63+s13+$0x0], $0xffff  }
0x25b: {  	v37 =	vld.idx.msk [tilespmem:v37+s13+$0x0], $0xffff;
	[tilespmem:s25+$0x18D00] =	vst v39  }
0x25c: {  	[tilespmem:s25+$0x18D10] =	vst v40  }
0x25d: {  	[tilespmem:s25+$0x18D20] =	vst v41  }
0x25e: {  	[tilespmem:s25+$0x18D30] =	vst v42  }
0x25f: {  	[tilespmem:s25+$0x18D40] =	vst v38  }
0x260: {  	[tilespmem:s25+$0x18D50] =	vst v43  }
0x261: {  	[tilespmem:s25+$0x18D60] =	vst v44;
	v44 =	vperm.xlane v36, v24  }
0x262: {  	[tilespmem:s25+$0x18D70] =	vst v45  }
0x263: {  	[tilespmem:s25+$0x19100] =	vst v46;
	v46 =	vshll.u32 v44, $0x8;
	v38 =	vshll.u32 v44, $0x7  }
0x264: {  	[tilespmem:s25+$0x19110] =	vst v47;
	v39 =	vand.u32 $0xFFFFF800, v46;
	v38 =	vand.u32 $0x380, v38  }
0x265: {  	[tilespmem:s25+$0x19120] =	vst v48;
	v38 =	vor.u32 v38, v39  }
0x266: {  	[tilespmem:s25+$0x19130] =	vst v49;
	v39 =	vor.u32 v0, v38  }
0x267: {  	[tilespmem:s25+$0x19140] =	vst v50;
	v50 =	vor.u32 v7, v38  }
0x268: {  	[tilespmem:s25+$0x19150] =	vst v51;
	v51 =	vor.u32 v8, v38  }
0x269: {  	[tilespmem:s25+$0x19160] =	vst v52;
	v52 =	vor.u32 v9, v38  }
0x26a: {  	[tilespmem:s25+$0x19170] =	vst v37;
	v53 =	vor.u32 v10, v38  }
0x26b: {  	v54 =	vor.u32 v11, v38;
	v39 =	vld.idx.msk [tilespmem:v39+s13+$0x0], $0xffff  }
0x26c: {  	v55 =	vor.u32 v12, v38;
	v40 =	vld.idx.msk [tilespmem:v50+s13+$0x0], $0xffff  }
0x26d: {  	v56 =	vor.u32 v13, v38;
	v41 =	vld.idx.msk [tilespmem:v51+s13+$0x0], $0xffff  }
0x26e: {  	v57 =	vor.u32 v14, v38;
	v42 =	vld.idx.msk [tilespmem:v52+s13+$0x0], $0xffff  }
0x26f: {  	v58 =	vor.u32 v15, v38;
	v37 =	vld.idx.msk [tilespmem:v53+s13+$0x0], $0xffff  }
0x270: {  	v59 =	vor.u32 v30, v38;
	v43 =	vld.idx.msk [tilespmem:v54+s13+$0x0], $0xffff  }
0x271: {  	v60 =	vor.u32 v31, v38;
	v44 =	vld.idx.msk [tilespmem:v55+s13+$0x0], $0xffff  }
0x272: {  	v61 =	vor.u32 v32, v38;
	v45 =	vld.idx.msk [tilespmem:v56+s13+$0x0], $0xffff  }
0x273: {  	v62 =	vor.u32 v33, v38;
	v46 =	vld.idx.msk [tilespmem:v57+s13+$0x0], $0xffff  }
0x274: {  	v63 =	vor.u32 v34, v38;
	v47 =	vld.idx.msk [tilespmem:v58+s13+$0x0], $0xffff  }
0x275: {  	v38 =	vor.u32 v35, v38;
	v48 =	vld.idx.msk [tilespmem:v59+s13+$0x0], $0xffff  }
0x276: {  	v49 =	vld.idx.msk [tilespmem:v60+s13+$0x0], $0xffff  }
0x277: {  	v50 =	vld.idx.msk [tilespmem:v61+s13+$0x0], $0xffff  }
0x278: {  	v51 =	vld.idx.msk [tilespmem:v62+s13+$0x0], $0xffff  }
0x279: {  	v52 =	vld.idx.msk [tilespmem:v63+s13+$0x0], $0xffff  }
0x27a: {  	v38 =	vld.idx.msk [tilespmem:v38+s13+$0x0], $0xffff;
	[tilespmem:s25+$0x18D80] =	vst v39  }
0x27b: {  	[tilespmem:s25+$0x18D90] =	vst v40  }
0x27c: {  	[tilespmem:s25+$0x18DA0] =	vst v41  }
0x27d: {  	[tilespmem:s25+$0x18DB0] =	vst v42  }
0x27e: {  	[tilespmem:s25+$0x18DC0] =	vst v37  }
0x27f: {  	[tilespmem:s25+$0x18DD0] =	vst v43  }
0x280: {  	[tilespmem:s25+$0x18DE0] =	vst v44;
	v44 =	vperm.xlane v36, v25  }
0x281: {  	[tilespmem:s25+$0x18DF0] =	vst v45  }
0x282: {  	[tilespmem:s25+$0x19180] =	vst v46;
	v46 =	vshll.u32 v44, $0x8;
	v37 =	vshll.u32 v44, $0x7  }
0x283: {  	[tilespmem:s25+$0x19190] =	vst v47;
	v39 =	vand.u32 $0xFFFFF800, v46;
	v37 =	vand.u32 $0x380, v37  }
0x284: {  	[tilespmem:s25+$0x191A0] =	vst v48;
	v37 =	vor.u32 v37, v39  }
0x285: {  	[tilespmem:s25+$0x191B0] =	vst v49;
	v39 =	vor.u32 v0, v37  }
0x286: {  	[tilespmem:s25+$0x191C0] =	vst v50;
	v50 =	vor.u32 v7, v37  }
0x287: {  	[tilespmem:s25+$0x191D0] =	vst v51;
	v51 =	vor.u32 v8, v37  }
0x288: {  	[tilespmem:s25+$0x191E0] =	vst v52;
	v52 =	vor.u32 v9, v37  }
0x289: {  	[tilespmem:s25+$0x191F0] =	vst v38;
	v53 =	vor.u32 v10, v37  }
0x28a: {  	v54 =	vor.u32 v11, v37;
	v39 =	vld.idx.msk [tilespmem:v39+s13+$0x0], $0xffff  }
0x28b: {  	v55 =	vor.u32 v12, v37;
	v40 =	vld.idx.msk [tilespmem:v50+s13+$0x0], $0xffff  }
0x28c: {  	v56 =	vor.u32 v13, v37;
	v41 =	vld.idx.msk [tilespmem:v51+s13+$0x0], $0xffff  }
0x28d: {  	v57 =	vor.u32 v14, v37;
	v42 =	vld.idx.msk [tilespmem:v52+s13+$0x0], $0xffff  }
0x28e: {  	v58 =	vor.u32 v15, v37;
	v38 =	vld.idx.msk [tilespmem:v53+s13+$0x0], $0xffff  }
0x28f: {  	v59 =	vor.u32 v30, v37;
	v43 =	vld.idx.msk [tilespmem:v54+s13+$0x0], $0xffff  }
0x290: {  	v60 =	vor.u32 v31, v37;
	v44 =	vld.idx.msk [tilespmem:v55+s13+$0x0], $0xffff  }
0x291: {  	v61 =	vor.u32 v32, v37;
	v45 =	vld.idx.msk [tilespmem:v56+s13+$0x0], $0xffff  }
0x292: {  	v62 =	vor.u32 v33, v37;
	v46 =	vld.idx.msk [tilespmem:v57+s13+$0x0], $0xffff  }
0x293: {  	v63 =	vor.u32 v34, v37;
	v47 =	vld.idx.msk [tilespmem:v58+s13+$0x0], $0xffff  }
0x294: {  	v37 =	vor.u32 v35, v37;
	v48 =	vld.idx.msk [tilespmem:v59+s13+$0x0], $0xffff  }
0x295: {  	v49 =	vld.idx.msk [tilespmem:v60+s13+$0x0], $0xffff  }
0x296: {  	v50 =	vld.idx.msk [tilespmem:v61+s13+$0x0], $0xffff  }
0x297: {  	v51 =	vld.idx.msk [tilespmem:v62+s13+$0x0], $0xffff  }
0x298: {  	v52 =	vld.idx.msk [tilespmem:v63+s13+$0x0], $0xffff  }
0x299: {  	v37 =	vld.idx.msk [tilespmem:v37+s13+$0x0], $0xffff;
	[tilespmem:s25+$0x18E00] =	vst v39  }
0x29a: {  	[tilespmem:s25+$0x18E10] =	vst v40  }
0x29b: {  	[tilespmem:s25+$0x18E20] =	vst v41  }
0x29c: {  	[tilespmem:s25+$0x18E30] =	vst v42  }
0x29d: {  	[tilespmem:s25+$0x18E40] =	vst v38  }
0x29e: {  	[tilespmem:s25+$0x18E50] =	vst v43  }
0x29f: {  	[tilespmem:s25+$0x18E60] =	vst v44;
	v44 =	vperm.xlane v36, v26  }
0x2a0: {  	[tilespmem:s25+$0x18E70] =	vst v45  }
0x2a1: {  	[tilespmem:s25+$0x19200] =	vst v46;
	v46 =	vshll.u32 v44, $0x8;
	v38 =	vshll.u32 v44, $0x7  }
0x2a2: {  	[tilespmem:s25+$0x19210] =	vst v47;
	v39 =	vand.u32 $0xFFFFF800, v46;
	v38 =	vand.u32 $0x380, v38  }
0x2a3: {  	[tilespmem:s25+$0x19220] =	vst v48;
	v38 =	vor.u32 v38, v39  }
0x2a4: {  	[tilespmem:s25+$0x19230] =	vst v49;
	v39 =	vor.u32 v0, v38  }
0x2a5: {  	[tilespmem:s25+$0x19240] =	vst v50;
	v50 =	vor.u32 v7, v38  }
0x2a6: {  	[tilespmem:s25+$0x19250] =	vst v51;
	v51 =	vor.u32 v8, v38  }
0x2a7: {  	[tilespmem:s25+$0x19260] =	vst v52;
	v52 =	vor.u32 v9, v38  }
0x2a8: {  	[tilespmem:s25+$0x19270] =	vst v37;
	v53 =	vor.u32 v10, v38  }
0x2a9: {  	v54 =	vor.u32 v11, v38;
	v39 =	vld.idx.msk [tilespmem:v39+s13+$0x0], $0xffff  }
0x2aa: {  	v55 =	vor.u32 v12, v38;
	v40 =	vld.idx.msk [tilespmem:v50+s13+$0x0], $0xffff  }
0x2ab: {  	v56 =	vor.u32 v13, v38;
	v41 =	vld.idx.msk [tilespmem:v51+s13+$0x0], $0xffff  }
0x2ac: {  	v57 =	vor.u32 v14, v38;
	v42 =	vld.idx.msk [tilespmem:v52+s13+$0x0], $0xffff  }
0x2ad: {  	v58 =	vor.u32 v15, v38;
	v37 =	vld.idx.msk [tilespmem:v53+s13+$0x0], $0xffff  }
0x2ae: {  	v59 =	vor.u32 v30, v38;
	v43 =	vld.idx.msk [tilespmem:v54+s13+$0x0], $0xffff  }
0x2af: {  	v60 =	vor.u32 v31, v38;
	v44 =	vld.idx.msk [tilespmem:v55+s13+$0x0], $0xffff  }
0x2b0: {  	v61 =	vor.u32 v32, v38;
	v45 =	vld.idx.msk [tilespmem:v56+s13+$0x0], $0xffff  }
0x2b1: {  	v62 =	vor.u32 v33, v38;
	v46 =	vld.idx.msk [tilespmem:v57+s13+$0x0], $0xffff  }
0x2b2: {  	v63 =	vor.u32 v34, v38;
	v47 =	vld.idx.msk [tilespmem:v58+s13+$0x0], $0xffff  }
0x2b3: {  	v38 =	vor.u32 v35, v38;
	v48 =	vld.idx.msk [tilespmem:v59+s13+$0x0], $0xffff  }
0x2b4: {  	v49 =	vld.idx.msk [tilespmem:v60+s13+$0x0], $0xffff  }
0x2b5: {  	v50 =	vld.idx.msk [tilespmem:v61+s13+$0x0], $0xffff  }
0x2b6: {  	v51 =	vld.idx.msk [tilespmem:v62+s13+$0x0], $0xffff  }
0x2b7: {  	v52 =	vld.idx.msk [tilespmem:v63+s13+$0x0], $0xffff  }
0x2b8: {  	v38 =	vld.idx.msk [tilespmem:v38+s13+$0x0], $0xffff;
	[tilespmem:s25+$0x18E80] =	vst v39  }
0x2b9: {  	[tilespmem:s25+$0x18E90] =	vst v40  }
0x2ba: {  	[tilespmem:s25+$0x18EA0] =	vst v41  }
0x2bb: {  	[tilespmem:s25+$0x18EB0] =	vst v42  }
0x2bc: {  	[tilespmem:s25+$0x18EC0] =	vst v37  }
0x2bd: {  	[tilespmem:s25+$0x18ED0] =	vst v43  }
0x2be: {  	[tilespmem:s25+$0x18EE0] =	vst v44;
	v44 =	vperm.xlane v36, v27  }
0x2bf: {  	[tilespmem:s25+$0x18EF0] =	vst v45  }
0x2c0: {  	[tilespmem:s25+$0x19280] =	vst v46;
	v46 =	vshll.u32 v44, $0x8;
	v37 =	vshll.u32 v44, $0x7  }
0x2c1: {  	[tilespmem:s25+$0x19290] =	vst v47;
	v39 =	vand.u32 $0xFFFFF800, v46;
	v37 =	vand.u32 $0x380, v37  }
0x2c2: {  	[tilespmem:s25+$0x192A0] =	vst v48;
	v37 =	vor.u32 v37, v39  }
0x2c3: {  	[tilespmem:s25+$0x192B0] =	vst v49;
	v39 =	vor.u32 v0, v37  }
0x2c4: {  	[tilespmem:s25+$0x192C0] =	vst v50;
	v50 =	vor.u32 v7, v37  }
0x2c5: {  	[tilespmem:s25+$0x192D0] =	vst v51;
	v51 =	vor.u32 v8, v37  }
0x2c6: {  	[tilespmem:s25+$0x192E0] =	vst v52;
	v52 =	vor.u32 v9, v37  }
0x2c7: {  	[tilespmem:s25+$0x192F0] =	vst v38;
	v53 =	vor.u32 v10, v37  }
0x2c8: {  	v54 =	vor.u32 v11, v37;
	v39 =	vld.idx.msk [tilespmem:v39+s13+$0x0], $0xffff  }
0x2c9: {  	v55 =	vor.u32 v12, v37;
	v40 =	vld.idx.msk [tilespmem:v50+s13+$0x0], $0xffff  }
0x2ca: {  	v56 =	vor.u32 v13, v37;
	v41 =	vld.idx.msk [tilespmem:v51+s13+$0x0], $0xffff  }
0x2cb: {  	v57 =	vor.u32 v14, v37;
	v42 =	vld.idx.msk [tilespmem:v52+s13+$0x0], $0xffff  }
0x2cc: {  	v58 =	vor.u32 v15, v37;
	v38 =	vld.idx.msk [tilespmem:v53+s13+$0x0], $0xffff  }
0x2cd: {  	v59 =	vor.u32 v30, v37;
	v43 =	vld.idx.msk [tilespmem:v54+s13+$0x0], $0xffff  }
0x2ce: {  	v60 =	vor.u32 v31, v37;
	v44 =	vld.idx.msk [tilespmem:v55+s13+$0x0], $0xffff  }
0x2cf: {  	v61 =	vor.u32 v32, v37;
	v45 =	vld.idx.msk [tilespmem:v56+s13+$0x0], $0xffff  }
0x2d0: {  	v62 =	vor.u32 v33, v37;
	v46 =	vld.idx.msk [tilespmem:v57+s13+$0x0], $0xffff  }
0x2d1: {  	v63 =	vor.u32 v34, v37;
	v47 =	vld.idx.msk [tilespmem:v58+s13+$0x0], $0xffff  }
0x2d2: {  	v37 =	vor.u32 v35, v37;
	v48 =	vld.idx.msk [tilespmem:v59+s13+$0x0], $0xffff  }
0x2d3: {  	v49 =	vld.idx.msk [tilespmem:v60+s13+$0x0], $0xffff  }
0x2d4: {  	v50 =	vld.idx.msk [tilespmem:v61+s13+$0x0], $0xffff  }
0x2d5: {  	v51 =	vld.idx.msk [tilespmem:v62+s13+$0x0], $0xffff  }
0x2d6: {  	v52 =	vld.idx.msk [tilespmem:v63+s13+$0x0], $0xffff  }
0x2d7: {  	v37 =	vld.idx.msk [tilespmem:v37+s13+$0x0], $0xffff;
	[tilespmem:s25+$0x18F00] =	vst v39  }
0x2d8: {  	[tilespmem:s25+$0x18F10] =	vst v40  }
0x2d9: {  	[tilespmem:s25+$0x18F20] =	vst v41  }
0x2da: {  	[tilespmem:s25+$0x18F30] =	vst v42  }
0x2db: {  	[tilespmem:s25+$0x18F40] =	vst v38  }
0x2dc: {  	[tilespmem:s25+$0x18F50] =	vst v43  }
0x2dd: {  	v36 =	vperm.xlane v36, v28;
	[tilespmem:s25+$0x18F60] =	vst v44  }
0x2de: {  	[tilespmem:s25+$0x18F70] =	vst v45  }
0x2df: {  	[tilespmem:s25+$0x19300] =	vst v46;
	v46 =	vshll.u32 v36, $0x8;
	v36 =	vshll.u32 v36, $0x7  }
0x2e0: {  	[tilespmem:s25+$0x19310] =	vst v47;
	v38 =	vand.u32 $0xFFFFF800, v46;
	v36 =	vand.u32 $0x380, v36  }
0x2e1: {  	[tilespmem:s25+$0x19320] =	vst v48;
	v38 =	vor.u32 v36, v38  }
0x2e2: {  	[tilespmem:s25+$0x19330] =	vst v49;
	v36 =	vor.u32 v0, v38  }
0x2e3: {  	[tilespmem:s25+$0x19340] =	vst v50;
	v47 =	vor.u32 v7, v38  }
0x2e4: {  	[tilespmem:s25+$0x19350] =	vst v51;
	v48 =	vor.u32 v8, v38  }
0x2e5: {  	[tilespmem:s25+$0x19360] =	vst v52;
	v49 =	vor.u32 v9, v38  }
0x2e6: {  	[tilespmem:s25+$0x19370] =	vst v37;
	v50 =	vor.u32 v10, v38  }
0x2e7: {  	v42 =	vld.idx.msk [tilespmem:v36+s13+$0x0], $0xffff  }
0x2e8: {  	v51 =	vor.u32 v11, v38;
	v39 =	vld.idx.msk [tilespmem:v47+s13+$0x0], $0xffff  }
0x2e9: {  	v52 =	vor.u32 v12, v38;
	v40 =	vld.idx.msk [tilespmem:v48+s13+$0x0], $0xffff  }
0x2ea: {  	v53 =	vor.u32 v13, v38;
	v41 =	vld.idx.msk [tilespmem:v49+s13+$0x0], $0xffff  }
0x2eb: {  	s26 =	sor.u32 $0x10, s26;
	v54 =	vor.u32 v14, v38;
	v37 =	vld.idx.msk [tilespmem:v50+s13+$0x0], $0xffff  }
0x2ec: {  	v55 =	vor.u32 v15, v38;
	v36 =	vld.idx.msk [tilespmem:v29+s26+$0x0 ss:$0x1], $0xffff  }
0x2ed: {  	v56 =	vor.u32 v30, v38;
	v46 =	vld.idx.msk [tilespmem:v51+s13+$0x0], $0xffff  }
0x2ee: {  	v57 =	vor.u32 v31, v38;
	v43 =	vld.idx.msk [tilespmem:v52+s13+$0x0], $0xffff  }
0x2ef: {  	v58 =	vor.u32 v32, v38;
	v44 =	vld.idx.msk [tilespmem:v53+s13+$0x0], $0xffff  }
0x2f0: {  	v59 =	vor.u32 v33, v38;
	v45 =	vld.idx.msk [tilespmem:v54+s13+$0x0], $0xffff  }
0x2f1: {  	v60 =	vor.u32 v34, v38;
	v47 =	vld.idx.msk [tilespmem:v55+s13+$0x0], $0xffff;
	v53 =	vperm.xlane v36, v4  }
0x2f2: {  	v38 =	vor.u32 v35, v38;
	v48 =	vld.idx.msk [tilespmem:v56+s13+$0x0], $0xffff  }
0x2f3: {  	v49 =	vld.idx.msk [tilespmem:v57+s13+$0x0], $0xffff;
	v54 =	vshll.u32 v53, $0x8;
	v53 =	vshll.u32 v53, $0x7  }
0x2f4: {  	v50 =	vld.idx.msk [tilespmem:v58+s13+$0x0], $0xffff;
	v54 =	vand.u32 $0xFFFFF800, v54;
	v53 =	vand.u32 $0x380, v53  }
0x2f5: {  	v51 =	vld.idx.msk [tilespmem:v59+s13+$0x0], $0xffff;
	v53 =	vor.u32 v53, v54  }
0x2f6: {  	v52 =	vld.idx.msk [tilespmem:v60+s13+$0x0], $0xffff;
	v54 =	vor.u32 v0, v53  }
0x2f7: {  	v38 =	vld.idx.msk [tilespmem:v38+s13+$0x0], $0xffff;
	[tilespmem:s25+$0x18F80] =	vst v42;
	v61 =	vor.u32 v7, v53  }
0x2f8: {  	[tilespmem:s25+$0x18F90] =	vst v39;
	v62 =	vor.u32 v8, v53  }
0x2f9: {  	[tilespmem:s25+$0x18FA0] =	vst v40;
	v63 =	vor.u32 v9, v53  }
0x2fa: {  	[tilespmem:s25+$0x18FB0] =	vst v41;
	v57 =	vor.u32 v10, v53  }
0x2fb: {  	[tilespmem:s25+$0x18FC0] =	vst v37;
	v58 =	vor.u32 v11, v53;
	v37 =	vld.idx.msk [tilespmem:v54+s13+$0x0], $0xffff  }
0x2fc: {  	[tilespmem:s25+$0x18FD0] =	vst v46;
	v59 =	vor.u32 v12, v53;
	v42 =	vld.idx.msk [tilespmem:v61+s13+$0x0], $0xffff  }
0x2fd: {  	[tilespmem:s25+$0x18FE0] =	vst v43;
	v60 =	vor.u32 v13, v53;
	v39 =	vld.idx.msk [tilespmem:v62+s13+$0x0], $0xffff  }
0x2fe: {  	[tilespmem:s25+$0x18FF0] =	vst v44;
	v40 =	vld.idx.msk [tilespmem:v63+s13+$0x0], $0xffff;
	v61 =	vor.u32 v14, v53  }
0x2ff: {  	[tilespmem:s25+$0x19380] =	vst v45;
	v41 =	vld.idx.msk [tilespmem:v57+s13+$0x0], $0xffff;
	v62 =	vor.u32 v15, v53  }
0x300: {  	[tilespmem:s25+$0x19390] =	vst v47;
	v47 =	vld.idx.msk [tilespmem:v58+s13+$0x0], $0xffff;
	v63 =	vor.u32 v30, v53  }
0x301: {  	[tilespmem:s25+$0x193A0] =	vst v48;
	v56 =	vor.u32 v31, v53;
	v46 =	vld.idx.msk [tilespmem:v59+s13+$0x0], $0xffff  }
0x302: {  	[tilespmem:s25+$0x193B0] =	vst v49;
	v43 =	vld.idx.msk [tilespmem:v60+s13+$0x0], $0xffff;
	v57 =	vor.u32 v32, v53  }
0x303: {  	[tilespmem:s25+$0x193C0] =	vst v50;
	v58 =	vor.u32 v33, v53;
	v44 =	vld.idx.msk [tilespmem:v61+s13+$0x0], $0xffff  }
0x304: {  	[tilespmem:s25+$0x193D0] =	vst v51;
	v59 =	vor.u32 v34, v53;
	v45 =	vld.idx.msk [tilespmem:v62+s13+$0x0], $0xffff  }
0x305: {  	[tilespmem:s25+$0x193E0] =	vst v52;
	v53 =	vor.u32 v35, v53;
	v60 =	vld.idx.msk [tilespmem:v63+s13+$0x0], $0xffff  }
0x306: {  	[tilespmem:s25+$0x193F0] =	vst v38;
	v61 =	vld.idx.msk [tilespmem:v56+s13+$0x0], $0xffff  }
0x307: {  	v48 =	vld.idx.msk [tilespmem:v57+s13+$0x0], $0xffff  }
0x308: {  	s26 =	sshll.u32 s26, $0x8;
	v49 =	vld.idx.msk [tilespmem:v58+s13+$0x0], $0xffff  }
0x309: {  	s26 =	sand.u32 $0x3FFFF000, s26;
	v62 =	vld.idx.msk [tilespmem:v59+s13+$0x0], $0xffff  }
0x30a: {  	v63 =	vld.idx.msk [tilespmem:v53+s13+$0x0], $0xffff;
	[tilespmem:s26+$0x18400] =	vst v37  }
0x30b: {  	[tilespmem:s26+$0x18410] =	vst v42  }
0x30c: {  	[tilespmem:s26+$0x18420] =	vst v39  }
0x30d: {  	[tilespmem:s26+$0x18430] =	vst v40  }
0x30e: {  	[tilespmem:s26+$0x18440] =	vst v41  }
0x30f: {  	[tilespmem:s26+$0x18450] =	vst v47  }
0x310: {  	[tilespmem:s26+$0x18460] =	vst v46;
	v42 =	vperm.xlane v36, v16  }
0x311: {  	[tilespmem:s26+$0x18470] =	vst v43  }
0x312: {  	v46 =	vshll.u32 v42, $0x8;
	v37 =	vshll.u32 v42, $0x7;
	[tilespmem:s26+$0x18800] =	vst v44  }
0x313: {  	v39 =	vand.u32 $0xFFFFF800, v46;
	v37 =	vand.u32 $0x380, v37;
	[tilespmem:s26+$0x18810] =	vst v45  }
0x314: {  	v37 =	vor.u32 v37, v39;
	[tilespmem:s26+$0x18820] =	vst v60  }
0x315: {  	[tilespmem:s26+$0x18830] =	vst v61;
	v47 =	vor.u32 v0, v37  }
0x316: {  	[tilespmem:s26+$0x18840] =	vst v48;
	v39 =	vor.u32 v7, v37  }
0x317: {  	[tilespmem:s26+$0x18850] =	vst v49;
	v49 =	vor.u32 v8, v37  }
0x318: {  	[tilespmem:s26+$0x18860] =	vst v62;
	v52 =	vor.u32 v9, v37  }
0x319: {  	[tilespmem:s26+$0x18870] =	vst v63;
	v53 =	vor.u32 v10, v37  }
0x31a: {  	v54 =	vor.u32 v11, v37;
	v38 =	vld.idx.msk [tilespmem:v47+s13+$0x0], $0xffff  }
0x31b: {  	v55 =	vor.u32 v12, v37;
	v39 =	vld.idx.msk [tilespmem:v39+s13+$0x0], $0xffff  }
0x31c: {  	v56 =	vor.u32 v13, v37;
	v40 =	vld.idx.msk [tilespmem:v49+s13+$0x0], $0xffff  }
0x31d: {  	v57 =	vor.u32 v14, v37;
	v41 =	vld.idx.msk [tilespmem:v52+s13+$0x0], $0xffff  }
0x31e: {  	v58 =	vor.u32 v15, v37;
	v42 =	vld.idx.msk [tilespmem:v53+s13+$0x0], $0xffff  }
0x31f: {  	v59 =	vor.u32 v30, v37;
	v43 =	vld.idx.msk [tilespmem:v54+s13+$0x0], $0xffff  }
0x320: {  	v60 =	vor.u32 v31, v37;
	v44 =	vld.idx.msk [tilespmem:v55+s13+$0x0], $0xffff  }
0x321: {  	v61 =	vor.u32 v32, v37;
	v45 =	vld.idx.msk [tilespmem:v56+s13+$0x0], $0xffff  }
0x322: {  	v62 =	vor.u32 v33, v37;
	v46 =	vld.idx.msk [tilespmem:v57+s13+$0x0], $0xffff  }
0x323: {  	v63 =	vor.u32 v34, v37;
	v47 =	vld.idx.msk [tilespmem:v58+s13+$0x0], $0xffff  }
0x324: {  	v37 =	vor.u32 v35, v37;
	v48 =	vld.idx.msk [tilespmem:v59+s13+$0x0], $0xffff  }
0x325: {  	v49 =	vld.idx.msk [tilespmem:v60+s13+$0x0], $0xffff  }
0x326: {  	v50 =	vld.idx.msk [tilespmem:v61+s13+$0x0], $0xffff  }
0x327: {  	v51 =	vld.idx.msk [tilespmem:v62+s13+$0x0], $0xffff  }
0x328: {  	v52 =	vld.idx.msk [tilespmem:v63+s13+$0x0], $0xffff  }
0x329: {  	v37 =	vld.idx.msk [tilespmem:v37+s13+$0x0], $0xffff;
	[tilespmem:s25+$0x19480] =	vst v38  }
0x32a: {  	[tilespmem:s25+$0x19490] =	vst v39  }
0x32b: {  	[tilespmem:s25+$0x194A0] =	vst v40  }
0x32c: {  	[tilespmem:s25+$0x194B0] =	vst v41  }
0x32d: {  	[tilespmem:s25+$0x194C0] =	vst v42  }
0x32e: {  	[tilespmem:s25+$0x194D0] =	vst v43  }
0x32f: {  	[tilespmem:s25+$0x194E0] =	vst v44;
	v44 =	vperm.xlane v36, v17  }
0x330: {  	[tilespmem:s25+$0x194F0] =	vst v45  }
0x331: {  	[tilespmem:s25+$0x19880] =	vst v46;
	v46 =	vshll.u32 v44, $0x8;
	v38 =	vshll.u32 v44, $0x7  }
0x332: {  	[tilespmem:s25+$0x19890] =	vst v47;
	v39 =	vand.u32 $0xFFFFF800, v46;
	v38 =	vand.u32 $0x380, v38  }
0x333: {  	[tilespmem:s25+$0x198A0] =	vst v48;
	v38 =	vor.u32 v38, v39  }
0x334: {  	[tilespmem:s25+$0x198B0] =	vst v49;
	v39 =	vor.u32 v0, v38  }
0x335: {  	[tilespmem:s25+$0x198C0] =	vst v50;
	v50 =	vor.u32 v7, v38  }
0x336: {  	[tilespmem:s25+$0x198D0] =	vst v51;
	v51 =	vor.u32 v8, v38  }
0x337: {  	[tilespmem:s25+$0x198E0] =	vst v52;
	v52 =	vor.u32 v9, v38  }
0x338: {  	[tilespmem:s25+$0x198F0] =	vst v37;
	v53 =	vor.u32 v10, v38  }
0x339: {  	v54 =	vor.u32 v11, v38;
	v39 =	vld.idx.msk [tilespmem:v39+s13+$0x0], $0xffff  }
0x33a: {  	v55 =	vor.u32 v12, v38;
	v40 =	vld.idx.msk [tilespmem:v50+s13+$0x0], $0xffff  }
0x33b: {  	v56 =	vor.u32 v13, v38;
	v41 =	vld.idx.msk [tilespmem:v51+s13+$0x0], $0xffff  }
0x33c: {  	v57 =	vor.u32 v14, v38;
	v42 =	vld.idx.msk [tilespmem:v52+s13+$0x0], $0xffff  }
0x33d: {  	v58 =	vor.u32 v15, v38;
	v37 =	vld.idx.msk [tilespmem:v53+s13+$0x0], $0xffff  }
0x33e: {  	v59 =	vor.u32 v30, v38;
	v43 =	vld.idx.msk [tilespmem:v54+s13+$0x0], $0xffff  }
0x33f: {  	v60 =	vor.u32 v31, v38;
	v44 =	vld.idx.msk [tilespmem:v55+s13+$0x0], $0xffff  }
0x340: {  	v61 =	vor.u32 v32, v38;
	v45 =	vld.idx.msk [tilespmem:v56+s13+$0x0], $0xffff  }
0x341: {  	v62 =	vor.u32 v33, v38;
	v46 =	vld.idx.msk [tilespmem:v57+s13+$0x0], $0xffff  }
0x342: {  	v63 =	vor.u32 v34, v38;
	v47 =	vld.idx.msk [tilespmem:v58+s13+$0x0], $0xffff  }
0x343: {  	v38 =	vor.u32 v35, v38;
	v48 =	vld.idx.msk [tilespmem:v59+s13+$0x0], $0xffff  }
0x344: {  	v49 =	vld.idx.msk [tilespmem:v60+s13+$0x0], $0xffff  }
0x345: {  	v50 =	vld.idx.msk [tilespmem:v61+s13+$0x0], $0xffff  }
0x346: {  	v51 =	vld.idx.msk [tilespmem:v62+s13+$0x0], $0xffff  }
0x347: {  	v52 =	vld.idx.msk [tilespmem:v63+s13+$0x0], $0xffff  }
0x348: {  	v38 =	vld.idx.msk [tilespmem:v38+s13+$0x0], $0xffff;
	[tilespmem:s25+$0x19500] =	vst v39  }
0x349: {  	[tilespmem:s25+$0x19510] =	vst v40  }
0x34a: {  	[tilespmem:s25+$0x19520] =	vst v41  }
0x34b: {  	[tilespmem:s25+$0x19530] =	vst v42  }
0x34c: {  	[tilespmem:s25+$0x19540] =	vst v37  }
0x34d: {  	[tilespmem:s25+$0x19550] =	vst v43  }
0x34e: {  	[tilespmem:s25+$0x19560] =	vst v44;
	v44 =	vperm.xlane v36, v18  }
0x34f: {  	[tilespmem:s25+$0x19570] =	vst v45  }
0x350: {  	[tilespmem:s25+$0x19900] =	vst v46;
	v46 =	vshll.u32 v44, $0x8;
	v37 =	vshll.u32 v44, $0x7  }
0x351: {  	[tilespmem:s25+$0x19910] =	vst v47;
	v39 =	vand.u32 $0xFFFFF800, v46;
	v37 =	vand.u32 $0x380, v37  }
0x352: {  	[tilespmem:s25+$0x19920] =	vst v48;
	v37 =	vor.u32 v37, v39  }
0x353: {  	[tilespmem:s25+$0x19930] =	vst v49;
	v39 =	vor.u32 v0, v37  }
0x354: {  	[tilespmem:s25+$0x19940] =	vst v50;
	v50 =	vor.u32 v7, v37  }
0x355: {  	[tilespmem:s25+$0x19950] =	vst v51;
	v51 =	vor.u32 v8, v37  }
0x356: {  	[tilespmem:s25+$0x19960] =	vst v52;
	v52 =	vor.u32 v9, v37  }
0x357: {  	[tilespmem:s25+$0x19970] =	vst v38;
	v53 =	vor.u32 v10, v37  }
0x358: {  	v54 =	vor.u32 v11, v37;
	v39 =	vld.idx.msk [tilespmem:v39+s13+$0x0], $0xffff  }
0x359: {  	v55 =	vor.u32 v12, v37;
	v40 =	vld.idx.msk [tilespmem:v50+s13+$0x0], $0xffff  }
0x35a: {  	v56 =	vor.u32 v13, v37;
	v41 =	vld.idx.msk [tilespmem:v51+s13+$0x0], $0xffff  }
0x35b: {  	v57 =	vor.u32 v14, v37;
	v42 =	vld.idx.msk [tilespmem:v52+s13+$0x0], $0xffff  }
0x35c: {  	v58 =	vor.u32 v15, v37;
	v38 =	vld.idx.msk [tilespmem:v53+s13+$0x0], $0xffff  }
0x35d: {  	v59 =	vor.u32 v30, v37;
	v43 =	vld.idx.msk [tilespmem:v54+s13+$0x0], $0xffff  }
0x35e: {  	v60 =	vor.u32 v31, v37;
	v44 =	vld.idx.msk [tilespmem:v55+s13+$0x0], $0xffff  }
0x35f: {  	v61 =	vor.u32 v32, v37;
	v45 =	vld.idx.msk [tilespmem:v56+s13+$0x0], $0xffff  }
0x360: {  	v62 =	vor.u32 v33, v37;
	v46 =	vld.idx.msk [tilespmem:v57+s13+$0x0], $0xffff  }
0x361: {  	v63 =	vor.u32 v34, v37;
	v47 =	vld.idx.msk [tilespmem:v58+s13+$0x0], $0xffff  }
0x362: {  	v37 =	vor.u32 v35, v37;
	v48 =	vld.idx.msk [tilespmem:v59+s13+$0x0], $0xffff  }
0x363: {  	v49 =	vld.idx.msk [tilespmem:v60+s13+$0x0], $0xffff  }
0x364: {  	v50 =	vld.idx.msk [tilespmem:v61+s13+$0x0], $0xffff  }
0x365: {  	v51 =	vld.idx.msk [tilespmem:v62+s13+$0x0], $0xffff  }
0x366: {  	v52 =	vld.idx.msk [tilespmem:v63+s13+$0x0], $0xffff  }
0x367: {  	v37 =	vld.idx.msk [tilespmem:v37+s13+$0x0], $0xffff;
	[tilespmem:s25+$0x19580] =	vst v39  }
0x368: {  	[tilespmem:s25+$0x19590] =	vst v40  }
0x369: {  	[tilespmem:s25+$0x195A0] =	vst v41  }
0x36a: {  	[tilespmem:s25+$0x195B0] =	vst v42  }
0x36b: {  	[tilespmem:s25+$0x195C0] =	vst v38  }
0x36c: {  	[tilespmem:s25+$0x195D0] =	vst v43  }
0x36d: {  	[tilespmem:s25+$0x195E0] =	vst v44;
	v44 =	vperm.xlane v36, v19  }
0x36e: {  	[tilespmem:s25+$0x195F0] =	vst v45  }
0x36f: {  	[tilespmem:s25+$0x19980] =	vst v46;
	v46 =	vshll.u32 v44, $0x8;
	v38 =	vshll.u32 v44, $0x7  }
0x370: {  	[tilespmem:s25+$0x19990] =	vst v47;
	v39 =	vand.u32 $0xFFFFF800, v46;
	v38 =	vand.u32 $0x380, v38  }
0x371: {  	[tilespmem:s25+$0x199A0] =	vst v48;
	v38 =	vor.u32 v38, v39  }
0x372: {  	[tilespmem:s25+$0x199B0] =	vst v49;
	v39 =	vor.u32 v0, v38  }
0x373: {  	[tilespmem:s25+$0x199C0] =	vst v50;
	v50 =	vor.u32 v7, v38  }
0x374: {  	[tilespmem:s25+$0x199D0] =	vst v51;
	v51 =	vor.u32 v8, v38  }
0x375: {  	[tilespmem:s25+$0x199E0] =	vst v52;
	v52 =	vor.u32 v9, v38  }
0x376: {  	[tilespmem:s25+$0x199F0] =	vst v37;
	v53 =	vor.u32 v10, v38  }
0x377: {  	v54 =	vor.u32 v11, v38;
	v39 =	vld.idx.msk [tilespmem:v39+s13+$0x0], $0xffff  }
0x378: {  	v55 =	vor.u32 v12, v38;
	v40 =	vld.idx.msk [tilespmem:v50+s13+$0x0], $0xffff  }
0x379: {  	v56 =	vor.u32 v13, v38;
	v41 =	vld.idx.msk [tilespmem:v51+s13+$0x0], $0xffff  }
0x37a: {  	v57 =	vor.u32 v14, v38;
	v42 =	vld.idx.msk [tilespmem:v52+s13+$0x0], $0xffff  }
0x37b: {  	v58 =	vor.u32 v15, v38;
	v37 =	vld.idx.msk [tilespmem:v53+s13+$0x0], $0xffff  }
0x37c: {  	v59 =	vor.u32 v30, v38;
	v43 =	vld.idx.msk [tilespmem:v54+s13+$0x0], $0xffff  }
0x37d: {  	v60 =	vor.u32 v31, v38;
	v44 =	vld.idx.msk [tilespmem:v55+s13+$0x0], $0xffff  }
0x37e: {  	v61 =	vor.u32 v32, v38;
	v45 =	vld.idx.msk [tilespmem:v56+s13+$0x0], $0xffff  }
0x37f: {  	v62 =	vor.u32 v33, v38;
	v46 =	vld.idx.msk [tilespmem:v57+s13+$0x0], $0xffff  }
0x380: {  	v63 =	vor.u32 v34, v38;
	v47 =	vld.idx.msk [tilespmem:v58+s13+$0x0], $0xffff  }
0x381: {  	v38 =	vor.u32 v35, v38;
	v48 =	vld.idx.msk [tilespmem:v59+s13+$0x0], $0xffff  }
0x382: {  	v49 =	vld.idx.msk [tilespmem:v60+s13+$0x0], $0xffff  }
0x383: {  	v50 =	vld.idx.msk [tilespmem:v61+s13+$0x0], $0xffff  }
0x384: {  	v51 =	vld.idx.msk [tilespmem:v62+s13+$0x0], $0xffff  }
0x385: {  	v52 =	vld.idx.msk [tilespmem:v63+s13+$0x0], $0xffff  }
0x386: {  	v38 =	vld.idx.msk [tilespmem:v38+s13+$0x0], $0xffff;
	[tilespmem:s25+$0x19600] =	vst v39  }
0x387: {  	[tilespmem:s25+$0x19610] =	vst v40  }
0x388: {  	[tilespmem:s25+$0x19620] =	vst v41  }
0x389: {  	[tilespmem:s25+$0x19630] =	vst v42  }
0x38a: {  	[tilespmem:s25+$0x19640] =	vst v37  }
0x38b: {  	[tilespmem:s25+$0x19650] =	vst v43  }
0x38c: {  	[tilespmem:s25+$0x19660] =	vst v44;
	v44 =	vperm.xlane v36, v20  }
0x38d: {  	[tilespmem:s25+$0x19670] =	vst v45  }
0x38e: {  	[tilespmem:s25+$0x19A00] =	vst v46;
	v46 =	vshll.u32 v44, $0x8;
	v37 =	vshll.u32 v44, $0x7  }
0x38f: {  	[tilespmem:s25+$0x19A10] =	vst v47;
	v39 =	vand.u32 $0xFFFFF800, v46;
	v37 =	vand.u32 $0x380, v37  }
0x390: {  	[tilespmem:s25+$0x19A20] =	vst v48;
	v37 =	vor.u32 v37, v39  }
0x391: {  	[tilespmem:s25+$0x19A30] =	vst v49;
	v39 =	vor.u32 v0, v37  }
0x392: {  	[tilespmem:s25+$0x19A40] =	vst v50;
	v50 =	vor.u32 v7, v37  }
0x393: {  	[tilespmem:s25+$0x19A50] =	vst v51;
	v51 =	vor.u32 v8, v37  }
0x394: {  	[tilespmem:s25+$0x19A60] =	vst v52;
	v52 =	vor.u32 v9, v37  }
0x395: {  	[tilespmem:s25+$0x19A70] =	vst v38;
	v53 =	vor.u32 v10, v37  }
0x396: {  	v54 =	vor.u32 v11, v37;
	v39 =	vld.idx.msk [tilespmem:v39+s13+$0x0], $0xffff  }
0x397: {  	v55 =	vor.u32 v12, v37;
	v40 =	vld.idx.msk [tilespmem:v50+s13+$0x0], $0xffff  }
0x398: {  	v56 =	vor.u32 v13, v37;
	v41 =	vld.idx.msk [tilespmem:v51+s13+$0x0], $0xffff  }
0x399: {  	v57 =	vor.u32 v14, v37;
	v42 =	vld.idx.msk [tilespmem:v52+s13+$0x0], $0xffff  }
0x39a: {  	v58 =	vor.u32 v15, v37;
	v38 =	vld.idx.msk [tilespmem:v53+s13+$0x0], $0xffff  }
0x39b: {  	v59 =	vor.u32 v30, v37;
	v43 =	vld.idx.msk [tilespmem:v54+s13+$0x0], $0xffff  }
0x39c: {  	v60 =	vor.u32 v31, v37;
	v44 =	vld.idx.msk [tilespmem:v55+s13+$0x0], $0xffff  }
0x39d: {  	v61 =	vor.u32 v32, v37;
	v45 =	vld.idx.msk [tilespmem:v56+s13+$0x0], $0xffff  }
0x39e: {  	v62 =	vor.u32 v33, v37;
	v46 =	vld.idx.msk [tilespmem:v57+s13+$0x0], $0xffff  }
0x39f: {  	v63 =	vor.u32 v34, v37;
	v47 =	vld.idx.msk [tilespmem:v58+s13+$0x0], $0xffff  }
0x3a0: {  	v37 =	vor.u32 v35, v37;
	v48 =	vld.idx.msk [tilespmem:v59+s13+$0x0], $0xffff  }
0x3a1: {  	v49 =	vld.idx.msk [tilespmem:v60+s13+$0x0], $0xffff  }
0x3a2: {  	v50 =	vld.idx.msk [tilespmem:v61+s13+$0x0], $0xffff  }
0x3a3: {  	v51 =	vld.idx.msk [tilespmem:v62+s13+$0x0], $0xffff  }
0x3a4: {  	v52 =	vld.idx.msk [tilespmem:v63+s13+$0x0], $0xffff  }
0x3a5: {  	v37 =	vld.idx.msk [tilespmem:v37+s13+$0x0], $0xffff;
	[tilespmem:s25+$0x19680] =	vst v39  }
0x3a6: {  	[tilespmem:s25+$0x19690] =	vst v40  }
0x3a7: {  	[tilespmem:s25+$0x196A0] =	vst v41  }
0x3a8: {  	[tilespmem:s25+$0x196B0] =	vst v42  }
0x3a9: {  	[tilespmem:s25+$0x196C0] =	vst v38  }
0x3aa: {  	[tilespmem:s25+$0x196D0] =	vst v43  }
0x3ab: {  	[tilespmem:s25+$0x196E0] =	vst v44;
	v44 =	vperm.xlane v36, v21  }
0x3ac: {  	[tilespmem:s25+$0x196F0] =	vst v45  }
0x3ad: {  	[tilespmem:s25+$0x19A80] =	vst v46;
	v46 =	vshll.u32 v44, $0x8;
	v38 =	vshll.u32 v44, $0x7  }
0x3ae: {  	[tilespmem:s25+$0x19A90] =	vst v47;
	v39 =	vand.u32 $0xFFFFF800, v46;
	v38 =	vand.u32 $0x380, v38  }
0x3af: {  	[tilespmem:s25+$0x19AA0] =	vst v48;
	v38 =	vor.u32 v38, v39  }
0x3b0: {  	[tilespmem:s25+$0x19AB0] =	vst v49;
	v39 =	vor.u32 v0, v38  }
0x3b1: {  	[tilespmem:s25+$0x19AC0] =	vst v50;
	v50 =	vor.u32 v7, v38  }
0x3b2: {  	[tilespmem:s25+$0x19AD0] =	vst v51;
	v51 =	vor.u32 v8, v38  }
0x3b3: {  	[tilespmem:s25+$0x19AE0] =	vst v52;
	v52 =	vor.u32 v9, v38  }
0x3b4: {  	[tilespmem:s25+$0x19AF0] =	vst v37;
	v53 =	vor.u32 v10, v38  }
0x3b5: {  	v54 =	vor.u32 v11, v38;
	v39 =	vld.idx.msk [tilespmem:v39+s13+$0x0], $0xffff  }
0x3b6: {  	v55 =	vor.u32 v12, v38;
	v40 =	vld.idx.msk [tilespmem:v50+s13+$0x0], $0xffff  }
0x3b7: {  	v56 =	vor.u32 v13, v38;
	v41 =	vld.idx.msk [tilespmem:v51+s13+$0x0], $0xffff  }
0x3b8: {  	v57 =	vor.u32 v14, v38;
	v42 =	vld.idx.msk [tilespmem:v52+s13+$0x0], $0xffff  }
0x3b9: {  	v58 =	vor.u32 v15, v38;
	v37 =	vld.idx.msk [tilespmem:v53+s13+$0x0], $0xffff  }
0x3ba: {  	v59 =	vor.u32 v30, v38;
	v43 =	vld.idx.msk [tilespmem:v54+s13+$0x0], $0xffff  }
0x3bb: {  	v60 =	vor.u32 v31, v38;
	v44 =	vld.idx.msk [tilespmem:v55+s13+$0x0], $0xffff  }
0x3bc: {  	v61 =	vor.u32 v32, v38;
	v45 =	vld.idx.msk [tilespmem:v56+s13+$0x0], $0xffff  }
0x3bd: {  	v62 =	vor.u32 v33, v38;
	v46 =	vld.idx.msk [tilespmem:v57+s13+$0x0], $0xffff  }
0x3be: {  	v63 =	vor.u32 v34, v38;
	v47 =	vld.idx.msk [tilespmem:v58+s13+$0x0], $0xffff  }
0x3bf: {  	v38 =	vor.u32 v35, v38;
	v48 =	vld.idx.msk [tilespmem:v59+s13+$0x0], $0xffff  }
0x3c0: {  	v49 =	vld.idx.msk [tilespmem:v60+s13+$0x0], $0xffff  }
0x3c1: {  	v50 =	vld.idx.msk [tilespmem:v61+s13+$0x0], $0xffff  }
0x3c2: {  	v51 =	vld.idx.msk [tilespmem:v62+s13+$0x0], $0xffff  }
0x3c3: {  	v52 =	vld.idx.msk [tilespmem:v63+s13+$0x0], $0xffff  }
0x3c4: {  	v38 =	vld.idx.msk [tilespmem:v38+s13+$0x0], $0xffff;
	[tilespmem:s25+$0x19700] =	vst v39  }
0x3c5: {  	[tilespmem:s25+$0x19710] =	vst v40  }
0x3c6: {  	[tilespmem:s25+$0x19720] =	vst v41  }
0x3c7: {  	[tilespmem:s25+$0x19730] =	vst v42  }
0x3c8: {  	[tilespmem:s25+$0x19740] =	vst v37  }
0x3c9: {  	[tilespmem:s25+$0x19750] =	vst v43  }
0x3ca: {  	[tilespmem:s25+$0x19760] =	vst v44;
	v44 =	vperm.xlane v36, v6  }
0x3cb: {  	[tilespmem:s25+$0x19770] =	vst v45  }
0x3cc: {  	[tilespmem:s25+$0x19B00] =	vst v46;
	v46 =	vshll.u32 v44, $0x8;
	v37 =	vshll.u32 v44, $0x7  }
0x3cd: {  	[tilespmem:s25+$0x19B10] =	vst v47;
	v39 =	vand.u32 $0xFFFFF800, v46;
	v37 =	vand.u32 $0x380, v37  }
0x3ce: {  	[tilespmem:s25+$0x19B20] =	vst v48;
	v37 =	vor.u32 v37, v39  }
0x3cf: {  	[tilespmem:s25+$0x19B30] =	vst v49;
	v39 =	vor.u32 v0, v37  }
0x3d0: {  	[tilespmem:s25+$0x19B40] =	vst v50;
	v50 =	vor.u32 v7, v37  }
0x3d1: {  	[tilespmem:s25+$0x19B50] =	vst v51;
	v51 =	vor.u32 v8, v37  }
0x3d2: {  	[tilespmem:s25+$0x19B60] =	vst v52;
	v52 =	vor.u32 v9, v37  }
0x3d3: {  	[tilespmem:s25+$0x19B70] =	vst v38;
	v53 =	vor.u32 v10, v37  }
0x3d4: {  	v54 =	vor.u32 v11, v37;
	v39 =	vld.idx.msk [tilespmem:v39+s13+$0x0], $0xffff  }
0x3d5: {  	v55 =	vor.u32 v12, v37;
	v40 =	vld.idx.msk [tilespmem:v50+s13+$0x0], $0xffff  }
0x3d6: {  	v56 =	vor.u32 v13, v37;
	v41 =	vld.idx.msk [tilespmem:v51+s13+$0x0], $0xffff  }
0x3d7: {  	v57 =	vor.u32 v14, v37;
	v42 =	vld.idx.msk [tilespmem:v52+s13+$0x0], $0xffff  }
0x3d8: {  	v58 =	vor.u32 v15, v37;
	v38 =	vld.idx.msk [tilespmem:v53+s13+$0x0], $0xffff  }
0x3d9: {  	v59 =	vor.u32 v30, v37;
	v43 =	vld.idx.msk [tilespmem:v54+s13+$0x0], $0xffff  }
0x3da: {  	v60 =	vor.u32 v31, v37;
	v44 =	vld.idx.msk [tilespmem:v55+s13+$0x0], $0xffff  }
0x3db: {  	v61 =	vor.u32 v32, v37;
	v45 =	vld.idx.msk [tilespmem:v56+s13+$0x0], $0xffff  }
0x3dc: {  	v62 =	vor.u32 v33, v37;
	v46 =	vld.idx.msk [tilespmem:v57+s13+$0x0], $0xffff  }
0x3dd: {  	v63 =	vor.u32 v34, v37;
	v47 =	vld.idx.msk [tilespmem:v58+s13+$0x0], $0xffff  }
0x3de: {  	v37 =	vor.u32 v35, v37;
	v48 =	vld.idx.msk [tilespmem:v59+s13+$0x0], $0xffff  }
0x3df: {  	v49 =	vld.idx.msk [tilespmem:v60+s13+$0x0], $0xffff  }
0x3e0: {  	v50 =	vld.idx.msk [tilespmem:v61+s13+$0x0], $0xffff  }
0x3e1: {  	v51 =	vld.idx.msk [tilespmem:v62+s13+$0x0], $0xffff  }
0x3e2: {  	v52 =	vld.idx.msk [tilespmem:v63+s13+$0x0], $0xffff  }
0x3e3: {  	v37 =	vld.idx.msk [tilespmem:v37+s13+$0x0], $0xffff;
	[tilespmem:s25+$0x19780] =	vst v39  }
0x3e4: {  	[tilespmem:s25+$0x19790] =	vst v40  }
0x3e5: {  	[tilespmem:s25+$0x197A0] =	vst v41  }
0x3e6: {  	[tilespmem:s25+$0x197B0] =	vst v42  }
0x3e7: {  	[tilespmem:s25+$0x197C0] =	vst v38  }
0x3e8: {  	[tilespmem:s25+$0x197D0] =	vst v43  }
0x3e9: {  	[tilespmem:s25+$0x197E0] =	vst v44;
	v44 =	vperm.xlane v36, v5  }
0x3ea: {  	[tilespmem:s25+$0x197F0] =	vst v45  }
0x3eb: {  	[tilespmem:s25+$0x19B80] =	vst v46;
	v46 =	vshll.u32 v44, $0x8;
	v38 =	vshll.u32 v44, $0x7  }
0x3ec: {  	[tilespmem:s25+$0x19B90] =	vst v47;
	v39 =	vand.u32 $0xFFFFF800, v46;
	v38 =	vand.u32 $0x380, v38  }
0x3ed: {  	[tilespmem:s25+$0x19BA0] =	vst v48;
	v38 =	vor.u32 v38, v39  }
0x3ee: {  	[tilespmem:s25+$0x19BB0] =	vst v49;
	v39 =	vor.u32 v0, v38  }
0x3ef: {  	[tilespmem:s25+$0x19BC0] =	vst v50;
	v50 =	vor.u32 v7, v38  }
0x3f0: {  	[tilespmem:s25+$0x19BD0] =	vst v51;
	v51 =	vor.u32 v8, v38  }
0x3f1: {  	[tilespmem:s25+$0x19BE0] =	vst v52;
	v52 =	vor.u32 v9, v38  }
0x3f2: {  	[tilespmem:s25+$0x19BF0] =	vst v37;
	v53 =	vor.u32 v10, v38  }
0x3f3: {  	v54 =	vor.u32 v11, v38;
	v39 =	vld.idx.msk [tilespmem:v39+s13+$0x0], $0xffff  }
0x3f4: {  	v55 =	vor.u32 v12, v38;
	v40 =	vld.idx.msk [tilespmem:v50+s13+$0x0], $0xffff  }
0x3f5: {  	v56 =	vor.u32 v13, v38;
	v41 =	vld.idx.msk [tilespmem:v51+s13+$0x0], $0xffff  }
0x3f6: {  	v57 =	vor.u32 v14, v38;
	v42 =	vld.idx.msk [tilespmem:v52+s13+$0x0], $0xffff  }
0x3f7: {  	v58 =	vor.u32 v15, v38;
	v37 =	vld.idx.msk [tilespmem:v53+s13+$0x0], $0xffff  }
0x3f8: {  	v59 =	vor.u32 v30, v38;
	v43 =	vld.idx.msk [tilespmem:v54+s13+$0x0], $0xffff  }
0x3f9: {  	v60 =	vor.u32 v31, v38;
	v44 =	vld.idx.msk [tilespmem:v55+s13+$0x0], $0xffff  }
0x3fa: {  	v61 =	vor.u32 v32, v38;
	v45 =	vld.idx.msk [tilespmem:v56+s13+$0x0], $0xffff  }
0x3fb: {  	v62 =	vor.u32 v33, v38;
	v46 =	vld.idx.msk [tilespmem:v57+s13+$0x0], $0xffff  }
0x3fc: {  	v63 =	vor.u32 v34, v38;
	v47 =	vld.idx.msk [tilespmem:v58+s13+$0x0], $0xffff  }
0x3fd: {  	v38 =	vor.u32 v35, v38;
	v48 =	vld.idx.msk [tilespmem:v59+s13+$0x0], $0xffff  }
0x3fe: {  	v49 =	vld.idx.msk [tilespmem:v60+s13+$0x0], $0xffff  }
0x3ff: {  	v50 =	vld.idx.msk [tilespmem:v61+s13+$0x0], $0xffff  }
0x400: {  	v51 =	vld.idx.msk [tilespmem:v62+s13+$0x0], $0xffff  }
0x401: {  	v52 =	vld.idx.msk [tilespmem:v63+s13+$0x0], $0xffff  }
0x402: {  	v38 =	vld.idx.msk [tilespmem:v38+s13+$0x0], $0xffff;
	[tilespmem:s25+$0x19C00] =	vst v39  }
0x403: {  	[tilespmem:s25+$0x19C10] =	vst v40  }
0x404: {  	[tilespmem:s25+$0x19C20] =	vst v41  }
0x405: {  	[tilespmem:s25+$0x19C30] =	vst v42  }
0x406: {  	[tilespmem:s25+$0x19C40] =	vst v37  }
0x407: {  	[tilespmem:s25+$0x19C50] =	vst v43  }
0x408: {  	[tilespmem:s25+$0x19C60] =	vst v44;
	v44 =	vperm.xlane v36, v22  }
0x409: {  	[tilespmem:s25+$0x19C70] =	vst v45  }
0x40a: {  	[tilespmem:s25+$0x1A000] =	vst v46;
	v46 =	vshll.u32 v44, $0x8;
	v37 =	vshll.u32 v44, $0x7  }
0x40b: {  	[tilespmem:s25+$0x1A010] =	vst v47;
	v39 =	vand.u32 $0xFFFFF800, v46;
	v37 =	vand.u32 $0x380, v37  }
0x40c: {  	[tilespmem:s25+$0x1A020] =	vst v48;
	v37 =	vor.u32 v37, v39  }
0x40d: {  	[tilespmem:s25+$0x1A030] =	vst v49;
	v39 =	vor.u32 v0, v37  }
0x40e: {  	[tilespmem:s25+$0x1A040] =	vst v50;
	v50 =	vor.u32 v7, v37  }
0x40f: {  	[tilespmem:s25+$0x1A050] =	vst v51;
	v51 =	vor.u32 v8, v37  }
0x410: {  	[tilespmem:s25+$0x1A060] =	vst v52;
	v52 =	vor.u32 v9, v37  }
0x411: {  	[tilespmem:s25+$0x1A070] =	vst v38;
	v53 =	vor.u32 v10, v37  }
0x412: {  	v54 =	vor.u32 v11, v37;
	v39 =	vld.idx.msk [tilespmem:v39+s13+$0x0], $0xffff  }
0x413: {  	v55 =	vor.u32 v12, v37;
	v40 =	vld.idx.msk [tilespmem:v50+s13+$0x0], $0xffff  }
0x414: {  	v56 =	vor.u32 v13, v37;
	v41 =	vld.idx.msk [tilespmem:v51+s13+$0x0], $0xffff  }
0x415: {  	v57 =	vor.u32 v14, v37;
	v42 =	vld.idx.msk [tilespmem:v52+s13+$0x0], $0xffff  }
0x416: {  	v58 =	vor.u32 v15, v37;
	v38 =	vld.idx.msk [tilespmem:v53+s13+$0x0], $0xffff  }
0x417: {  	v59 =	vor.u32 v30, v37;
	v43 =	vld.idx.msk [tilespmem:v54+s13+$0x0], $0xffff  }
0x418: {  	v60 =	vor.u32 v31, v37;
	v44 =	vld.idx.msk [tilespmem:v55+s13+$0x0], $0xffff  }
0x419: {  	v61 =	vor.u32 v32, v37;
	v45 =	vld.idx.msk [tilespmem:v56+s13+$0x0], $0xffff  }
0x41a: {  	v62 =	vor.u32 v33, v37;
	v46 =	vld.idx.msk [tilespmem:v57+s13+$0x0], $0xffff  }
0x41b: {  	v63 =	vor.u32 v34, v37;
	v47 =	vld.idx.msk [tilespmem:v58+s13+$0x0], $0xffff  }
0x41c: {  	v37 =	vor.u32 v35, v37;
	v48 =	vld.idx.msk [tilespmem:v59+s13+$0x0], $0xffff  }
0x41d: {  	v49 =	vld.idx.msk [tilespmem:v60+s13+$0x0], $0xffff  }
0x41e: {  	v50 =	vld.idx.msk [tilespmem:v61+s13+$0x0], $0xffff  }
0x41f: {  	v51 =	vld.idx.msk [tilespmem:v62+s13+$0x0], $0xffff  }
0x420: {  	v52 =	vld.idx.msk [tilespmem:v63+s13+$0x0], $0xffff  }
0x421: {  	v37 =	vld.idx.msk [tilespmem:v37+s13+$0x0], $0xffff;
	[tilespmem:s25+$0x19C80] =	vst v39  }
0x422: {  	[tilespmem:s25+$0x19C90] =	vst v40  }
0x423: {  	[tilespmem:s25+$0x19CA0] =	vst v41  }
0x424: {  	[tilespmem:s25+$0x19CB0] =	vst v42  }
0x425: {  	[tilespmem:s25+$0x19CC0] =	vst v38  }
0x426: {  	[tilespmem:s25+$0x19CD0] =	vst v43  }
0x427: {  	[tilespmem:s25+$0x19CE0] =	vst v44;
	v44 =	vperm.xlane v36, v23  }
0x428: {  	[tilespmem:s25+$0x19CF0] =	vst v45  }
0x429: {  	[tilespmem:s25+$0x1A080] =	vst v46;
	v46 =	vshll.u32 v44, $0x8;
	v38 =	vshll.u32 v44, $0x7  }
0x42a: {  	[tilespmem:s25+$0x1A090] =	vst v47;
	v39 =	vand.u32 $0xFFFFF800, v46;
	v38 =	vand.u32 $0x380, v38  }
0x42b: {  	[tilespmem:s25+$0x1A0A0] =	vst v48;
	v38 =	vor.u32 v38, v39  }
0x42c: {  	[tilespmem:s25+$0x1A0B0] =	vst v49;
	v39 =	vor.u32 v0, v38  }
0x42d: {  	[tilespmem:s25+$0x1A0C0] =	vst v50;
	v50 =	vor.u32 v7, v38  }
0x42e: {  	[tilespmem:s25+$0x1A0D0] =	vst v51;
	v51 =	vor.u32 v8, v38  }
0x42f: {  	[tilespmem:s25+$0x1A0E0] =	vst v52;
	v52 =	vor.u32 v9, v38  }
0x430: {  	[tilespmem:s25+$0x1A0F0] =	vst v37;
	v53 =	vor.u32 v10, v38  }
0x431: {  	v54 =	vor.u32 v11, v38;
	v39 =	vld.idx.msk [tilespmem:v39+s13+$0x0], $0xffff  }
0x432: {  	v55 =	vor.u32 v12, v38;
	v40 =	vld.idx.msk [tilespmem:v50+s13+$0x0], $0xffff  }
0x433: {  	v56 =	vor.u32 v13, v38;
	v41 =	vld.idx.msk [tilespmem:v51+s13+$0x0], $0xffff  }
0x434: {  	v57 =	vor.u32 v14, v38;
	v42 =	vld.idx.msk [tilespmem:v52+s13+$0x0], $0xffff  }
0x435: {  	v58 =	vor.u32 v15, v38;
	v37 =	vld.idx.msk [tilespmem:v53+s13+$0x0], $0xffff  }
0x436: {  	v59 =	vor.u32 v30, v38;
	v43 =	vld.idx.msk [tilespmem:v54+s13+$0x0], $0xffff  }
0x437: {  	v60 =	vor.u32 v31, v38;
	v44 =	vld.idx.msk [tilespmem:v55+s13+$0x0], $0xffff  }
0x438: {  	v61 =	vor.u32 v32, v38;
	v45 =	vld.idx.msk [tilespmem:v56+s13+$0x0], $0xffff  }
0x439: {  	v62 =	vor.u32 v33, v38;
	v46 =	vld.idx.msk [tilespmem:v57+s13+$0x0], $0xffff  }
0x43a: {  	v63 =	vor.u32 v34, v38;
	v47 =	vld.idx.msk [tilespmem:v58+s13+$0x0], $0xffff  }
0x43b: {  	v38 =	vor.u32 v35, v38;
	v48 =	vld.idx.msk [tilespmem:v59+s13+$0x0], $0xffff  }
0x43c: {  	v49 =	vld.idx.msk [tilespmem:v60+s13+$0x0], $0xffff  }
0x43d: {  	v50 =	vld.idx.msk [tilespmem:v61+s13+$0x0], $0xffff  }
0x43e: {  	v51 =	vld.idx.msk [tilespmem:v62+s13+$0x0], $0xffff  }
0x43f: {  	v52 =	vld.idx.msk [tilespmem:v63+s13+$0x0], $0xffff  }
0x440: {  	v38 =	vld.idx.msk [tilespmem:v38+s13+$0x0], $0xffff;
	[tilespmem:s25+$0x19D00] =	vst v39  }
0x441: {  	[tilespmem:s25+$0x19D10] =	vst v40  }
0x442: {  	[tilespmem:s25+$0x19D20] =	vst v41  }
0x443: {  	[tilespmem:s25+$0x19D30] =	vst v42  }
0x444: {  	[tilespmem:s25+$0x19D40] =	vst v37  }
0x445: {  	[tilespmem:s25+$0x19D50] =	vst v43  }
0x446: {  	[tilespmem:s25+$0x19D60] =	vst v44;
	v44 =	vperm.xlane v36, v24  }
0x447: {  	[tilespmem:s25+$0x19D70] =	vst v45  }
0x448: {  	[tilespmem:s25+$0x1A100] =	vst v46;
	v46 =	vshll.u32 v44, $0x8;
	v37 =	vshll.u32 v44, $0x7  }
0x449: {  	[tilespmem:s25+$0x1A110] =	vst v47;
	v39 =	vand.u32 $0xFFFFF800, v46;
	v37 =	vand.u32 $0x380, v37  }
0x44a: {  	[tilespmem:s25+$0x1A120] =	vst v48;
	v37 =	vor.u32 v37, v39  }
0x44b: {  	[tilespmem:s25+$0x1A130] =	vst v49;
	v39 =	vor.u32 v0, v37  }
0x44c: {  	[tilespmem:s25+$0x1A140] =	vst v50;
	v50 =	vor.u32 v7, v37  }
0x44d: {  	[tilespmem:s25+$0x1A150] =	vst v51;
	v51 =	vor.u32 v8, v37  }
0x44e: {  	[tilespmem:s25+$0x1A160] =	vst v52;
	v52 =	vor.u32 v9, v37  }
0x44f: {  	[tilespmem:s25+$0x1A170] =	vst v38;
	v53 =	vor.u32 v10, v37  }
0x450: {  	v54 =	vor.u32 v11, v37;
	v39 =	vld.idx.msk [tilespmem:v39+s13+$0x0], $0xffff  }
0x451: {  	v55 =	vor.u32 v12, v37;
	v40 =	vld.idx.msk [tilespmem:v50+s13+$0x0], $0xffff  }
0x452: {  	v56 =	vor.u32 v13, v37;
	v41 =	vld.idx.msk [tilespmem:v51+s13+$0x0], $0xffff  }
0x453: {  	v57 =	vor.u32 v14, v37;
	v42 =	vld.idx.msk [tilespmem:v52+s13+$0x0], $0xffff  }
0x454: {  	v58 =	vor.u32 v15, v37;
	v38 =	vld.idx.msk [tilespmem:v53+s13+$0x0], $0xffff  }
0x455: {  	v59 =	vor.u32 v30, v37;
	v43 =	vld.idx.msk [tilespmem:v54+s13+$0x0], $0xffff  }
0x456: {  	v60 =	vor.u32 v31, v37;
	v44 =	vld.idx.msk [tilespmem:v55+s13+$0x0], $0xffff  }
0x457: {  	v61 =	vor.u32 v32, v37;
	v45 =	vld.idx.msk [tilespmem:v56+s13+$0x0], $0xffff  }
0x458: {  	v62 =	vor.u32 v33, v37;
	v46 =	vld.idx.msk [tilespmem:v57+s13+$0x0], $0xffff  }
0x459: {  	v63 =	vor.u32 v34, v37;
	v47 =	vld.idx.msk [tilespmem:v58+s13+$0x0], $0xffff  }
0x45a: {  	v37 =	vor.u32 v35, v37;
	v48 =	vld.idx.msk [tilespmem:v59+s13+$0x0], $0xffff  }
0x45b: {  	v49 =	vld.idx.msk [tilespmem:v60+s13+$0x0], $0xffff  }
0x45c: {  	v50 =	vld.idx.msk [tilespmem:v61+s13+$0x0], $0xffff  }
0x45d: {  	v51 =	vld.idx.msk [tilespmem:v62+s13+$0x0], $0xffff  }
0x45e: {  	v52 =	vld.idx.msk [tilespmem:v63+s13+$0x0], $0xffff  }
0x45f: {  	v37 =	vld.idx.msk [tilespmem:v37+s13+$0x0], $0xffff;
	[tilespmem:s25+$0x19D80] =	vst v39  }
0x460: {  	[tilespmem:s25+$0x19D90] =	vst v40  }
0x461: {  	[tilespmem:s25+$0x19DA0] =	vst v41  }
0x462: {  	[tilespmem:s25+$0x19DB0] =	vst v42  }
0x463: {  	[tilespmem:s25+$0x19DC0] =	vst v38  }
0x464: {  	[tilespmem:s25+$0x19DD0] =	vst v43  }
0x465: {  	[tilespmem:s25+$0x19DE0] =	vst v44;
	v44 =	vperm.xlane v36, v25  }
0x466: {  	[tilespmem:s25+$0x19DF0] =	vst v45  }
0x467: {  	[tilespmem:s25+$0x1A180] =	vst v46;
	v46 =	vshll.u32 v44, $0x8;
	v38 =	vshll.u32 v44, $0x7  }
0x468: {  	[tilespmem:s25+$0x1A190] =	vst v47;
	v39 =	vand.u32 $0xFFFFF800, v46;
	v38 =	vand.u32 $0x380, v38  }
0x469: {  	[tilespmem:s25+$0x1A1A0] =	vst v48;
	v38 =	vor.u32 v38, v39  }
0x46a: {  	[tilespmem:s25+$0x1A1B0] =	vst v49;
	v39 =	vor.u32 v0, v38  }
0x46b: {  	[tilespmem:s25+$0x1A1C0] =	vst v50;
	v50 =	vor.u32 v7, v38  }
0x46c: {  	[tilespmem:s25+$0x1A1D0] =	vst v51;
	v51 =	vor.u32 v8, v38  }
0x46d: {  	[tilespmem:s25+$0x1A1E0] =	vst v52;
	v52 =	vor.u32 v9, v38  }
0x46e: {  	[tilespmem:s25+$0x1A1F0] =	vst v37;
	v53 =	vor.u32 v10, v38  }
0x46f: {  	v54 =	vor.u32 v11, v38;
	v39 =	vld.idx.msk [tilespmem:v39+s13+$0x0], $0xffff  }
0x470: {  	v55 =	vor.u32 v12, v38;
	v40 =	vld.idx.msk [tilespmem:v50+s13+$0x0], $0xffff  }
0x471: {  	v56 =	vor.u32 v13, v38;
	v41 =	vld.idx.msk [tilespmem:v51+s13+$0x0], $0xffff  }
0x472: {  	v57 =	vor.u32 v14, v38;
	v42 =	vld.idx.msk [tilespmem:v52+s13+$0x0], $0xffff  }
0x473: {  	v58 =	vor.u32 v15, v38;
	v37 =	vld.idx.msk [tilespmem:v53+s13+$0x0], $0xffff  }
0x474: {  	v59 =	vor.u32 v30, v38;
	v43 =	vld.idx.msk [tilespmem:v54+s13+$0x0], $0xffff  }
0x475: {  	v60 =	vor.u32 v31, v38;
	v44 =	vld.idx.msk [tilespmem:v55+s13+$0x0], $0xffff  }
0x476: {  	v61 =	vor.u32 v32, v38;
	v45 =	vld.idx.msk [tilespmem:v56+s13+$0x0], $0xffff  }
0x477: {  	v62 =	vor.u32 v33, v38;
	v46 =	vld.idx.msk [tilespmem:v57+s13+$0x0], $0xffff  }
0x478: {  	v63 =	vor.u32 v34, v38;
	v47 =	vld.idx.msk [tilespmem:v58+s13+$0x0], $0xffff  }
0x479: {  	v38 =	vor.u32 v35, v38;
	v48 =	vld.idx.msk [tilespmem:v59+s13+$0x0], $0xffff  }
0x47a: {  	v49 =	vld.idx.msk [tilespmem:v60+s13+$0x0], $0xffff  }
0x47b: {  	v50 =	vld.idx.msk [tilespmem:v61+s13+$0x0], $0xffff  }
0x47c: {  	v51 =	vld.idx.msk [tilespmem:v62+s13+$0x0], $0xffff  }
0x47d: {  	v52 =	vld.idx.msk [tilespmem:v63+s13+$0x0], $0xffff  }
0x47e: {  	v38 =	vld.idx.msk [tilespmem:v38+s13+$0x0], $0xffff;
	[tilespmem:s25+$0x19E00] =	vst v39  }
0x47f: {  	[tilespmem:s25+$0x19E10] =	vst v40  }
0x480: {  	[tilespmem:s25+$0x19E20] =	vst v41  }
0x481: {  	[tilespmem:s25+$0x19E30] =	vst v42  }
0x482: {  	[tilespmem:s25+$0x19E40] =	vst v37  }
0x483: {  	[tilespmem:s25+$0x19E50] =	vst v43  }
0x484: {  	[tilespmem:s25+$0x19E60] =	vst v44;
	v44 =	vperm.xlane v36, v26  }
0x485: {  	[tilespmem:s25+$0x19E70] =	vst v45  }
0x486: {  	[tilespmem:s25+$0x1A200] =	vst v46;
	v46 =	vshll.u32 v44, $0x8;
	v37 =	vshll.u32 v44, $0x7  }
0x487: {  	[tilespmem:s25+$0x1A210] =	vst v47;
	v39 =	vand.u32 $0xFFFFF800, v46;
	v37 =	vand.u32 $0x380, v37  }
0x488: {  	[tilespmem:s25+$0x1A220] =	vst v48;
	v37 =	vor.u32 v37, v39  }
0x489: {  	[tilespmem:s25+$0x1A230] =	vst v49;
	v39 =	vor.u32 v0, v37  }
0x48a: {  	[tilespmem:s25+$0x1A240] =	vst v50;
	v50 =	vor.u32 v7, v37  }
0x48b: {  	[tilespmem:s25+$0x1A250] =	vst v51;
	v51 =	vor.u32 v8, v37  }
0x48c: {  	[tilespmem:s25+$0x1A260] =	vst v52;
	v52 =	vor.u32 v9, v37  }
0x48d: {  	[tilespmem:s25+$0x1A270] =	vst v38;
	v53 =	vor.u32 v10, v37  }
0x48e: {  	v54 =	vor.u32 v11, v37;
	v39 =	vld.idx.msk [tilespmem:v39+s13+$0x0], $0xffff  }
0x48f: {  	v55 =	vor.u32 v12, v37;
	v40 =	vld.idx.msk [tilespmem:v50+s13+$0x0], $0xffff  }
0x490: {  	v56 =	vor.u32 v13, v37;
	v41 =	vld.idx.msk [tilespmem:v51+s13+$0x0], $0xffff  }
0x491: {  	v57 =	vor.u32 v14, v37;
	v42 =	vld.idx.msk [tilespmem:v52+s13+$0x0], $0xffff  }
0x492: {  	v58 =	vor.u32 v15, v37;
	v38 =	vld.idx.msk [tilespmem:v53+s13+$0x0], $0xffff  }
0x493: {  	v59 =	vor.u32 v30, v37;
	v43 =	vld.idx.msk [tilespmem:v54+s13+$0x0], $0xffff  }
0x494: {  	v60 =	vor.u32 v31, v37;
	v44 =	vld.idx.msk [tilespmem:v55+s13+$0x0], $0xffff  }
0x495: {  	v61 =	vor.u32 v32, v37;
	v45 =	vld.idx.msk [tilespmem:v56+s13+$0x0], $0xffff  }
0x496: {  	v62 =	vor.u32 v33, v37;
	v46 =	vld.idx.msk [tilespmem:v57+s13+$0x0], $0xffff  }
0x497: {  	v63 =	vor.u32 v34, v37;
	v47 =	vld.idx.msk [tilespmem:v58+s13+$0x0], $0xffff  }
0x498: {  	v37 =	vor.u32 v35, v37;
	v48 =	vld.idx.msk [tilespmem:v59+s13+$0x0], $0xffff  }
0x499: {  	v49 =	vld.idx.msk [tilespmem:v60+s13+$0x0], $0xffff  }
0x49a: {  	v50 =	vld.idx.msk [tilespmem:v61+s13+$0x0], $0xffff  }
0x49b: {  	v51 =	vld.idx.msk [tilespmem:v62+s13+$0x0], $0xffff  }
0x49c: {  	v52 =	vld.idx.msk [tilespmem:v63+s13+$0x0], $0xffff  }
0x49d: {  	v37 =	vld.idx.msk [tilespmem:v37+s13+$0x0], $0xffff;
	[tilespmem:s25+$0x19E80] =	vst v39  }
0x49e: {  	[tilespmem:s25+$0x19E90] =	vst v40  }
0x49f: {  	[tilespmem:s25+$0x19EA0] =	vst v41  }
0x4a0: {  	[tilespmem:s25+$0x19EB0] =	vst v42  }
0x4a1: {  	[tilespmem:s25+$0x19EC0] =	vst v38  }
0x4a2: {  	[tilespmem:s25+$0x19ED0] =	vst v43  }
0x4a3: {  	[tilespmem:s25+$0x19EE0] =	vst v44;
	v44 =	vperm.xlane v36, v27  }
0x4a4: {  	[tilespmem:s25+$0x19EF0] =	vst v45  }
0x4a5: {  	[tilespmem:s25+$0x1A280] =	vst v46;
	v46 =	vshll.u32 v44, $0x8;
	v38 =	vshll.u32 v44, $0x7  }
0x4a6: {  	[tilespmem:s25+$0x1A290] =	vst v47;
	v39 =	vand.u32 $0xFFFFF800, v46;
	v38 =	vand.u32 $0x380, v38  }
0x4a7: {  	[tilespmem:s25+$0x1A2A0] =	vst v48;
	v38 =	vor.u32 v38, v39  }
0x4a8: {  	[tilespmem:s25+$0x1A2B0] =	vst v49;
	v39 =	vor.u32 v0, v38  }
0x4a9: {  	[tilespmem:s25+$0x1A2C0] =	vst v50;
	v50 =	vor.u32 v7, v38  }
0x4aa: {  	[tilespmem:s25+$0x1A2D0] =	vst v51;
	v51 =	vor.u32 v8, v38  }
0x4ab: {  	[tilespmem:s25+$0x1A2E0] =	vst v52;
	v52 =	vor.u32 v9, v38  }
0x4ac: {  	[tilespmem:s25+$0x1A2F0] =	vst v37;
	v53 =	vor.u32 v10, v38  }
0x4ad: {  	v54 =	vor.u32 v11, v38;
	v39 =	vld.idx.msk [tilespmem:v39+s13+$0x0], $0xffff  }
0x4ae: {  	v55 =	vor.u32 v12, v38;
	v40 =	vld.idx.msk [tilespmem:v50+s13+$0x0], $0xffff  }
0x4af: {  	v56 =	vor.u32 v13, v38;
	v41 =	vld.idx.msk [tilespmem:v51+s13+$0x0], $0xffff  }
0x4b0: {  	v57 =	vor.u32 v14, v38;
	v42 =	vld.idx.msk [tilespmem:v52+s13+$0x0], $0xffff  }
0x4b1: {  	v58 =	vor.u32 v15, v38;
	v37 =	vld.idx.msk [tilespmem:v53+s13+$0x0], $0xffff  }
0x4b2: {  	v59 =	vor.u32 v30, v38;
	v43 =	vld.idx.msk [tilespmem:v54+s13+$0x0], $0xffff  }
0x4b3: {  	v60 =	vor.u32 v31, v38;
	v44 =	vld.idx.msk [tilespmem:v55+s13+$0x0], $0xffff  }
0x4b4: {  	v61 =	vor.u32 v32, v38;
	v45 =	vld.idx.msk [tilespmem:v56+s13+$0x0], $0xffff  }
0x4b5: {  	v62 =	vor.u32 v33, v38;
	v46 =	vld.idx.msk [tilespmem:v57+s13+$0x0], $0xffff  }
0x4b6: {  	v63 =	vor.u32 v34, v38;
	v47 =	vld.idx.msk [tilespmem:v58+s13+$0x0], $0xffff  }
0x4b7: {  	v38 =	vor.u32 v35, v38;
	v48 =	vld.idx.msk [tilespmem:v59+s13+$0x0], $0xffff  }
0x4b8: {  	v49 =	vld.idx.msk [tilespmem:v60+s13+$0x0], $0xffff  }
0x4b9: {  	v50 =	vld.idx.msk [tilespmem:v61+s13+$0x0], $0xffff  }
0x4ba: {  	v51 =	vld.idx.msk [tilespmem:v62+s13+$0x0], $0xffff  }
0x4bb: {  	v52 =	vld.idx.msk [tilespmem:v63+s13+$0x0], $0xffff  }
0x4bc: {  	v38 =	vld.idx.msk [tilespmem:v38+s13+$0x0], $0xffff;
	[tilespmem:s25+$0x19F00] =	vst v39  }
0x4bd: {  	[tilespmem:s25+$0x19F10] =	vst v40  }
0x4be: {  	[tilespmem:s25+$0x19F20] =	vst v41  }
0x4bf: {  	[tilespmem:s25+$0x19F30] =	vst v42  }
0x4c0: {  	[tilespmem:s25+$0x19F40] =	vst v37  }
0x4c1: {  	[tilespmem:s25+$0x19F50] =	vst v43  }
0x4c2: {  	v36 =	vperm.xlane v36, v28;
	[tilespmem:s25+$0x19F60] =	vst v44  }
0x4c3: {  	[tilespmem:s25+$0x19F70] =	vst v45  }
0x4c4: {  	v54 =	vshll.u32 v36, $0x8;
	v36 =	vshll.u32 v36, $0x7;
	[tilespmem:s25+$0x1A300] =	vst v46  }
0x4c5: {  	v36 =	vand.u32 $0x380, v36;
	[tilespmem:s25+$0x1A310] =	vst v47;
	v37 =	vand.u32 $0xFFFFF800, v54  }
0x4c6: {  	[tilespmem:s25+$0x1A320] =	vst v48;
	v36 =	vor.u32 v36, v37  }
0x4c7: {  	[tilespmem:s25+$0x1A330] =	vst v49;
	v37 =	vor.u32 v0, v36  }
0x4c8: {  	[tilespmem:s25+$0x1A340] =	vst v50;
	v55 =	vor.u32 v7, v36  }
0x4c9: {  	[tilespmem:s25+$0x1A350] =	vst v51;
	v56 =	vor.u32 v8, v36  }
0x4ca: {  	[tilespmem:s25+$0x1A360] =	vst v52;
	v57 =	vor.u32 v9, v36  }
0x4cb: {  	[tilespmem:s25+$0x1A370] =	vst v38;
	v58 =	vor.u32 v10, v36  }
0x4cc: {  	v59 =	vor.u32 v11, v36;
	v37 =	vld.idx.msk [tilespmem:v37+s13+$0x0], $0xffff  }
0x4cd: {  	v60 =	vor.u32 v12, v36;
	v39 =	vld.idx.msk [tilespmem:v55+s13+$0x0], $0xffff  }
0x4ce: {  	v61 =	vor.u32 v13, v36;
	v40 =	vld.idx.msk [tilespmem:v56+s13+$0x0], $0xffff  }
0x4cf: {  	v62 =	vor.u32 v14, v36;
	v41 =	vld.idx.msk [tilespmem:v57+s13+$0x0], $0xffff  }
0x4d0: {  	v63 =	vor.u32 v15, v36;
	v38 =	vld.idx.msk [tilespmem:v58+s13+$0x0], $0xffff  }
0x4d1: {  	v30 =	vor.u32 v30, v36;
	v42 =	vld.idx.msk [tilespmem:v59+s13+$0x0], $0xffff  }
0x4d2: {  	v31 =	vor.u32 v31, v36;
	v43 =	vld.idx.msk [tilespmem:v60+s13+$0x0], $0xffff  }
0x4d3: {  	v32 =	vor.u32 v32, v36;
	v44 =	vld.idx.msk [tilespmem:v61+s13+$0x0], $0xffff  }
0x4d4: {  	v33 =	vor.u32 v33, v36;
	v45 =	vld.idx.msk [tilespmem:v62+s13+$0x0], $0xffff  }
0x4d5: {  	v34 =	vor.u32 v34, v36;
	v46 =	vld.idx.msk [tilespmem:v63+s13+$0x0], $0xffff  }
0x4d6: {  	v35 =	vor.u32 v35, v36;
	v30 =	vld.idx.msk [tilespmem:v30+s13+$0x0], $0xffff  }
0x4d7: {  	v31 =	vld.idx.msk [tilespmem:v31+s13+$0x0], $0xffff  }
0x4d8: {  	v32 =	vld.idx.msk [tilespmem:v32+s13+$0x0], $0xffff  }
0x4d9: {  	v33 =	vld.idx.msk [tilespmem:v33+s13+$0x0], $0xffff  }
0x4da: {  	v34 =	vld.idx.msk [tilespmem:v34+s13+$0x0], $0xffff  }
0x4db: {  	v35 =	vld.idx.msk [tilespmem:v35+s13+$0x0], $0xffff;
	[tilespmem:s25+$0x19F80] =	vst v37  }
0x4dc: {  	[tilespmem:s25+$0x19F90] =	vst v39  }
0x4dd: {  	[tilespmem:s25+$0x19FA0] =	vst v40  }
0x4de: {  	[tilespmem:s25+$0x19FB0] =	vst v41  }
0x4df: {  	[tilespmem:s25+$0x19FC0] =	vst v38  }
0x4e0: {  	[tilespmem:s25+$0x19FD0] =	vst v42  }
0x4e1: {  	[tilespmem:s25+$0x19FE0] =	vst v43  }
0x4e2: {  	[tilespmem:s25+$0x19FF0] =	vst v44  }
0x4e3: {  	[tilespmem:s25+$0x1A380] =	vst v45  }
0x4e4: {  	[tilespmem:s25+$0x1A390] =	vst v46  }
0x4e5: {  	p1 =	por p0, p0;
	[tilespmem:s25+$0x1A3A0] =	vst v30  }
.Ltmp0:
0x4e6: {  	[tilespmem:s25+$0x1A3B0] =	vst v31;
	(pc) =	sbr.rel @p1 .LBB2_3-.Ltmp0, $4  }
0x4e7: {  	[tilespmem:s25+$0x1A3C0] =	vst v32  }
0x4e8: {  	[tilespmem:s25+$0x1A3D0] =	vst v33  }
0x4e9: {  	[tilespmem:s25+$0x1A3E0] =	vst v34  }
0x4ea: {  	p0 =	por $0x0, $0x0;
	[tilespmem:s25+$0x1A3F0] =	vst v35;
	s25 =	simm.s32 $0x2  }
0x4eb: {  	s23 =	sadd.s32 $0x1, s23  }
0x4ec: {  	p0 =	sne.s32 s23, $0x5  }
.Ltmp1:
0x4ed: {  	_ = 	snop;
	(pc) =	sbr.rel @p0 .LBB2_2-.Ltmp1, $4  }
0x4ee: {  	_ = 	snop  }
0x4ef: {  	s24 =	sshll.u32 s24, $0xB  }
0x4f0: {  	s24 =	sadd.s32 s24, s7  }
0x4f1: {  	[hbm4b:s24+s3] =	stream.linear.scatter [tilespmem:s2], [sflag:$0x3], $0x4000, $0x38;
	[tilespmem:$0x1C400] =	vst v63  }
0x4f2: {  	s11 =	sadd.s32 $0x1, s11  }
0x4f3: {  	p0 =	sne.s32 s11, s9  }
.Ltmp2:
0x4f4: {  	_ = 	snop;
	(pc) =	sbr.rel @p0 .LBB2_1-.Ltmp2, $4  }
0x4f5: {  	_ = 	snop  }
0x4f6: {  	_ =	swait.ge [sflag:s10], $0x4000  }
0x4f7: {  	[sflag:s10] =	ssyncset.done $0x0  }
0x4f8: {  	[sflag:s10] =	ssyncadd.s32 $0xFFFFC000  }
0x4f9: {  	_ =	sfence.sel $0x180000  }
0x4fa: {  	[bflag:$0x0] =	sbarrier.arrive $0xFFFF  }
0x4fb: {  	_ =	strace $0x90000047  }
0x4fc: {  	s0 =	stileid.u32;
	[bflag:$0x2] =	sbarrier.arrive $0xFFFF  }
0x4fd: {  	p0 =	sne.s32 s0, $0x0;
	s0 =	rddreg [dreg:$0x3]  }
0x4fe: {  	s0 =	sadd.s32 @!p0 $0x100000, s0  }
0x4ff: {  	[sflag:s0] =	ssyncadd.tile.s32 @!p0 $0x1;
	_ =	shalt  }
.Lfunc_end2:
_tile_overlayer_lowered:
.L_overlay_start_2:
0x500: {  	(tag) =	ssettag $0x2  }
0x501: {  	s0 =	rddreg [dreg:$0x0];
	s2 =	stileid.u32  }
0x502: {  	s1 =	rddreg [dreg:$0x1];
	p0 =	sne.s32 s2, $0x0  }
0x503: {  	s3 =	rddreg [dreg:$0x2];
	[bflag:$0x3] =	sbarrier.arrive $0xFFFF;
	s2 =	simm.s32 @!p0 $0x1C04  }
0x504: {  	[timem:s3], [sflag:s2] =	dma.local @!p0 [hbm:s0], s1  }
0x505: {  	s0 =	simm.s32 @!p0 $0x4  }
0x506: {  	_ =	swait.ge @!p0 [sflag:s0], s1  }
0x507: {  	s1 =	ssub.s32 @!p0 $0x0, s1;
	[sflag:s0] =	ssyncset.done @!p0 $0x0  }
0x508: {  	[sflag:s0] =	ssyncadd.s32 @!p0 s1  }
0x509: {  	[bflag:$0x3] =	sbarrier.arrive $0xFFFF  }
0x50a: {  	_ =	shalt  }

</sc_bundles>
